<compile_context>
chip_gen: v7x
topology: tpu7x:2x2x1
jax: 0.10.2.dev20260603
libtpu: 0.0.44.dev20260713+nightly
codegen_flags: <defaults>
</compile_context>

<pallas_src>
import functools

import jax
import jax.numpy as jnp
from jax import lax
from jax.experimental import pallas as pl
from jax.experimental.pallas import tpu as pltpu
from jax.experimental.pallas import tpu_sc as plsc

_N = 10000
_E = 320000
_D = 128
_L = 5
_G = 128
_OUT = 16

_NC = 2
_NS = 16
_NW = _NC * _NS
_CH = 128
_SUP = _CH
_TCH = _E // _CH
_NSUP = _TCH // _NW
_NEXTRA = _TCH - _NSUP * _NW
_NPAD = 10240
_RPT = _NPAD // _NS
_ZR = 80

_mesh = plsc.VectorSubcoreMesh(core_axis_name="c", subcore_axis_name="s")


@functools.partial(
    pl.kernel,
    mesh=_mesh,
    out_type=jax.ShapeDtypeStruct((_NC, _NPAD, _D), jnp.float32),
    scratch_types=[
        pltpu.VMEM((3, 2, _CH), jnp.int32),
        pltpu.VMEM((2, _SUP, _D), jnp.float32),
        pltpu.VMEM((_ZR, _D), jnp.float32),
        pltpu.VMEM_SHARED((_NPAD, _D), jnp.float32),
        pltpu.SemaphoreType.DMA,
        pltpu.SemaphoreType.DMA,
        pltpu.SemaphoreType.DMA,
    ],
)
def _seg_sum_sc(h_hbm, e_hbm, out_hbm,
                eidx, rows, zbuf, acc,
                sem_i, sem_g, sem_s):
    cid = lax.axis_index("c")
    sid = lax.axis_index("s")
    wid = sid * _NC + cid
    nsup = _NSUP + jnp.where(wid < _NEXTRA, 1, 0)

    def _fire_idx(s):
        off = (wid + s * _NW) * _CH
        pltpu.async_copy(e_hbm.at[:, pl.ds(off, _CH)], eidx.at[s % 3], sem_i)

    def _wait_idx(s):
        off = (wid + s * _NW) * _CH
        pltpu.make_async_copy(e_hbm.at[:, pl.ds(off, _CH)], eidx.at[s % 3],
                              sem_i).wait()

    def _fire_gather(s):
        b3, b2 = s % 3, s % 2
        pltpu.async_copy(h_hbm.at[eidx.at[b3, 0]],
                         rows.at[b2, pl.ds(0, _CH)], sem_g)

    def _wait_gather(s):
        b3, b2 = s % 3, s % 2
        pltpu.make_async_copy(h_hbm.at[eidx.at[b3, 0]],
                              rows.at[b2, pl.ds(0, _CH)], sem_g).wait()

    def _fire_scatter(s):
        b3, b2 = s % 3, s % 2
        pltpu.async_copy(rows.at[b2, pl.ds(0, _CH)],
                         acc.at[eidx.at[b3, 1]], sem_s, add=True)

    def _wait_scatter(s):
        b3, b2 = s % 3, s % 2
        pltpu.make_async_copy(rows.at[b2, pl.ds(0, _CH)],
                              acc.at[eidx.at[b3, 1]], sem_s).wait()

    _fire_idx(0)
    _fire_idx(1)

    zero = jnp.zeros((16,), jnp.float32)

    def _zrow(r, carry):
        for c in range(_D // 16):
            zbuf[r, pl.ds(c * 16, 16)] = zero
        return carry

    lax.fori_loop(0, _ZR, _zrow, 0)
    for k in range(_RPT // _ZR):
        pltpu.async_copy(zbuf, acc.at[pl.ds(sid * _RPT + k * _ZR, _ZR)], sem_s)

    _wait_idx(0)
    _fire_gather(0)
    for k in range(_RPT // _ZR):
        pltpu.make_async_copy(zbuf, acc.at[pl.ds(sid * _RPT + k * _ZR, _ZR)],
                              sem_s).wait()
    plsc.subcore_barrier()

    def _body(s, carry):
        @pl.when(s >= 1)
        def _():
            _wait_scatter(s - 1)

        @pl.when(s + 2 <= nsup - 1)
        def _():
            _fire_idx(s + 2)

        @pl.when(s + 1 <= nsup - 1)
        def _():
            _wait_idx(s + 1)
            _fire_gather(s + 1)

        _wait_gather(s)
        _fire_scatter(s)
        return carry

    lax.fori_loop(0, nsup, _body, 0)
    _wait_scatter(nsup - 1)

    plsc.subcore_barrier()
    pltpu.sync_copy(acc.at[pl.ds(sid * _RPT, _RPT)],
                    out_hbm.at[cid, pl.ds(sid * _RPT, _RPT)])


_MB = 2000
_NMB = _N // _MB


def _mlp_body(h_ref, a0_ref, a1_ref, w1_ref, b1_ref, w2_ref, b2_ref, o_ref):
    z = h_ref[...] + a0_ref[0] + a1_ref[0]
    z = jnp.dot(z, w1_ref[...], preferred_element_type=jnp.float32) + b1_ref[...]
    z = jnp.maximum(z, 0.0)
    z = jnp.dot(z, w2_ref[...], preferred_element_type=jnp.float32) + b2_ref[...]
    o_ref[...] = jnp.maximum(z, 0.0)


def _mlp(h, agg2, w1, b1, w2, b2):
    return pl.pallas_call(
        _mlp_body,
        grid=(_NMB,),
        in_specs=[
            pl.BlockSpec((_MB, _D), lambda i: (i, 0)),
            pl.BlockSpec((1, _MB, _D), lambda i: (0, i, 0)),
            pl.BlockSpec((1, _MB, _D), lambda i: (1, i, 0)),
            pl.BlockSpec((_D, _D), lambda i: (0, 0)),
            pl.BlockSpec((1, _D), lambda i: (0, 0)),
            pl.BlockSpec((_D, _D), lambda i: (0, 0)),
            pl.BlockSpec((1, _D), lambda i: (0, 0)),
        ],
        out_specs=pl.BlockSpec((_MB, _D), lambda i: (i, 0)),
        out_shape=jax.ShapeDtypeStruct((_N, _D), jnp.float32),
    )(h, agg2, agg2, w1, b1.reshape(1, _D), w2, b2.reshape(1, _D))


_PB = 2000
_NPB = _N // _PB
_SCALE = 1.0 / (1.0 + 1e-5) ** 0.5


def _final_body(h_ref, a0_ref, a1_ref, w1_ref, b1_ref, w2_ref, b2_ref,
                h0_ref, h1_ref, h2_ref, h3_ref, b_ref, jkW_ref,
                jkb_ref, c1W_ref, c1b_ref, c2W_ref, c2b_ref, o_ref, pooled):
    i = pl.program_id(0)

    @pl.when(i == 0)
    def _init():
        pooled[...] = jnp.zeros_like(pooled)

    z = h_ref[...] + a0_ref[0] + a1_ref[0]
    z = jnp.dot(z, w1_ref[...], preferred_element_type=jnp.float32) + b1_ref[...]
    z = jnp.maximum(z, 0.0)
    z = jnp.dot(z, w2_ref[...], preferred_element_type=jnp.float32) + b2_ref[...]
    h4 = jnp.maximum(z, 0.0)

    hs = (h0_ref, h1_ref, h2_ref, h3_ref)
    hlin = jnp.dot(h4, jkW_ref[_L - 1], preferred_element_type=jnp.float32)
    for l in range(_L - 1):
        hlin += jnp.dot(hs[l][...], jkW_ref[l], preferred_element_type=jnp.float32)
    hlin += jkb_ref[...]

    bvec = b_ref[0, 0, :]
    mask = (bvec[None, :] == lax.broadcasted_iota(jnp.int32, (_G, _PB), 0))
    pooled[...] += jnp.dot(mask.astype(jnp.float32), hlin,
                           preferred_element_type=jnp.float32)

    p = pooled[...]
    c = jnp.maximum((jnp.dot(p, c1W_ref[...], preferred_element_type=jnp.float32)
                     + c1b_ref[...]) * _SCALE, 0.0)
    o_ref[...] = jnp.dot(c, c2W_ref[...], preferred_element_type=jnp.float32) + c2b_ref[...]


def _final(h, agg2, w1, b1, w2, b2, hs, batch3, jkWs, jk_b,
           c1_W, c1_b, c2_W, c2_b):
    hspec = pl.BlockSpec((_PB, _D), lambda i: (i, 0))
    wspec = pl.BlockSpec((_D, _D), lambda i: (0, 0))
    bspec = pl.BlockSpec((1, _D), lambda i: (0, 0))
    return pl.pallas_call(
        _final_body,
        grid=(_NPB,),
        in_specs=[
            hspec,
            pl.BlockSpec((1, _PB, _D), lambda i: (0, i, 0)),
            pl.BlockSpec((1, _PB, _D), lambda i: (1, i, 0)),
            wspec, bspec, wspec, bspec,
            hspec, hspec, hspec, hspec,
            pl.BlockSpec((1, 1, _PB), lambda i: (i, 0, 0)),
            pl.BlockSpec((_L, _D, _D), lambda i: (0, 0, 0)),
            bspec, wspec, bspec,
            pl.BlockSpec((_D, _OUT), lambda i: (0, 0)),
            pl.BlockSpec((1, _OUT), lambda i: (0, 0)),
        ],
        out_specs=pl.BlockSpec((_G, _OUT), lambda i: (0, 0)),
        out_shape=jax.ShapeDtypeStruct((_G, _OUT), jnp.float32),
        scratch_shapes=[pltpu.VMEM((_G, _D), jnp.float32)],
    )(h, agg2, agg2, w1, b1.reshape(1, _D), w2, b2.reshape(1, _D),
      *hs, batch3, jkWs, jk_b.reshape(1, _D), c1_W, c1_b.reshape(1, _D),
      c2_W, c2_b.reshape(1, _OUT))


def kernel(x, edge_index, batch, Ws1, bs1, Ws2, bs2, jk_W, jk_b,
           c1_W, c1_b, c2_W, c2_b):
    h = x
    hs = []
    for i in range(_L - 1):
        agg2 = _seg_sum_sc(h, edge_index)
        h = _mlp(h, agg2, Ws1[i], bs1[i], Ws2[i], bs2[i])
        hs.append(h)
    agg2 = _seg_sum_sc(h, edge_index)
    jkWs = jk_W.reshape(_L, _D, _D)
    batch3 = batch.reshape(_NPB, 1, _PB)
    return _final(h, agg2, Ws1[_L - 1], bs1[_L - 1], Ws2[_L - 1], bs2[_L - 1],
                  hs, batch3, jkWs, jk_b, c1_W, c1_b, c2_W, c2_b)

# --- scband reference (transcript-rebuilt; emitter-appended) ---
"""Pipeline reference for scband-ginmodel-53901839564968 (READ-ONLY COPY).

The authoritative reference and input builder live on the scoring server;
editing this copy changes nothing except your own understanding.
"""

import jax, jax.numpy as jnp
import numpy as np

N = 10000
E = 320000
D_IN = 128
HID = 128
OUT = 16
L = 5
G = 128


def setup_inputs(seed: int = 0) -> dict:
    key = jax.random.key(seed)
    ks = jax.random.split(key, 16)
    x = jax.random.normal(ks[0], (N, D_IN), dtype=jnp.float32)
    edge_index = jax.random.randint(ks[1], (2, E), 0, N, dtype=jnp.int32)
    batch = jnp.sort(jax.random.randint(ks[2], (N,), 0, G, dtype=jnp.int32))
    s = 1.0 / np.sqrt(HID)
    Ws1 = jax.random.normal(ks[3], (L, HID, HID), dtype=jnp.float32) * s
    bs1 = jax.random.normal(ks[4], (L, HID), dtype=jnp.float32) * s
    Ws2 = jax.random.normal(ks[5], (L, HID, HID), dtype=jnp.float32) * s
    bs2 = jax.random.normal(ks[6], (L, HID), dtype=jnp.float32) * s
    jk_W = jax.random.normal(ks[7], (L * HID, HID), dtype=jnp.float32) * (1.0 / np.sqrt(L * HID))
    jk_b = jax.random.normal(ks[8], (HID,), dtype=jnp.float32) * (1.0 / np.sqrt(L * HID))
    c1_W = jax.random.normal(ks[9], (HID, HID), dtype=jnp.float32) * s
    c1_b = jax.random.normal(ks[10], (HID,), dtype=jnp.float32) * s
    c2_W = jax.random.normal(ks[11], (HID, OUT), dtype=jnp.float32) * s
    c2_b = jax.random.normal(ks[12], (OUT,), dtype=jnp.float32) * s
    return {"x": x, "edge_index": edge_index, "batch": batch, "Ws1": Ws1, "bs1": bs1, "Ws2": Ws2, "bs2": bs2, "jk_W": jk_W, "jk_b": jk_b, "c1_W": c1_W, "c1_b": c1_b, "c2_W": c2_W, "c2_b": c2_b}


def reference(x, edge_index, batch, Ws1, bs1, Ws2, bs2, jk_W, jk_b, c1_W, c1_b, c2_W, c2_b):
    # PyG GIN (BasicGNN, jk='cat', eval mode: dropout no-op, eps=0)
    src = edge_index[0]
    dst = edge_index[1]
    xs = []
    h = x
    for i in range(L):
        # GINConv: mlp((1+eps)*x + sum_{j->i} x_j), eps=0
        agg = jax.ops.segment_sum(h[src], dst, num_segments=N)
        z = h + agg
        z = jnp.dot(z, Ws1[i]) + bs1[i]
        z = jax.nn.relu(z)
        z = jnp.dot(z, Ws2[i]) + bs2[i]
        # BasicGNN applies act after every conv when jk is set
        h = jax.nn.relu(z)
        xs.append(h)
    hcat = jnp.concatenate(xs, axis=1)  # JumpingKnowledge 'cat'
    hlin = jnp.dot(hcat, jk_W) + jk_b  # final projection back to hidden
    # global_add_pool
    pooled = jax.ops.segment_sum(hlin, batch, num_segments=G)
    # classifier MLP([hid, hid, out]) with batch_norm (eval: running mean 0, var 1)
    c = jnp.dot(pooled, c1_W) + c1_b
    c = c * jax.lax.rsqrt(jnp.float32(1.0 + 1e-5))
    c = jax.nn.relu(c)
    out = jnp.dot(c, c2_W) + c2_b
    return out

if __name__ == "__main__":
    import jax
    _d = setup_inputs()
    print(jax.jit(kernel)(*tuple(_d.values())))

</pallas_src>

<mosaic_0001>
#map = affine_map<(d0, d1) -> (0, 0)>
#map1 = affine_map<(d0, d1) -> (0, 0, 0)>
module attributes {stable_mosaic.version = 14 : i64} {
  func.func @_seg_sum_sc(%arg0: i32, %arg1: i32, %arg2: memref<10000x128xf32, #tpu.memory_space<hbm>>, %arg3: memref<2x320000xi32, #tpu.memory_space<hbm>>, %arg4: memref<2x10240x128xf32, #tpu.memory_space<hbm>>, %arg5: memref<3x2x128xi32, #tpu.memory_space<vmem>>, %arg6: memref<2x128x128xf32, #tpu.memory_space<vmem>>, %arg7: memref<80x128xf32, #tpu.memory_space<vmem>>, %arg8: memref<10240x128xf32, #tpu.memory_space<vmem_shared>>, %arg9: memref<!tpu.dma_semaphore, #tpu.memory_space<semaphore_mem>>, %arg10: memref<!tpu.dma_semaphore, #tpu.memory_space<semaphore_mem>>, %arg11: memref<!tpu.dma_semaphore, #tpu.memory_space<semaphore_mem>>) attributes {dimension_semantics = [#tpu.dimension_semantics<core_parallel>, #tpu.dimension_semantics<subcore_parallel>], iteration_bounds = array<i64: 2, 16>, scalar_prefetch = 0 : i64, scratch_operands = 7 : i64, tpu.core_type = #tpu.core_type<sc_vector_subcore>, window_params = [{transform_indices = #map}, {transform_indices = #map}, {transform_indices = #map1}]} {
    %mul3A = arith.constant 2 : i32
    %mul3A_0 = arith.muli %arg1, %mul3A : i32
    %add3A = arith.addi %mul3A_0, %arg0 : i32
    %lt3A = arith.constant 4 : i32
    %lt3A_1 = arith.cmpi slt, %add3A, %lt3A : i32
    %jit3A = arith.constant 1 : i32
    %jit3A_2 = arith.constant 0 : i32
    %select_n3A = arith.select %lt3A_1, %jit3A, %jit3A_2 : i32
    %add3A_3 = arith.constant 78 : i32
    %add3A_4 = arith.addi %add3A_3, %select_n3A : i32
    %add3A_5 = arith.constant 0 : i32
    %add3A_6 = arith.addi %add3A, %add3A_5 : i32
    %mul3A_7 = arith.constant 128 : i32
    %mul3A_8 = arith.muli %add3A_6, %mul3A_7 : i32
    %dma_start3A = arith.constant 0 : i32
    %dma_start3A_9 = arith.constant 0 : i32
    %dma_start3A_10 = arith.constant 0 : i32
    %dma_start3A_11 = tpu.memref_slice %arg5[%dma_start3A, %dma_start3A_9, %dma_start3A_10] : memref<3x2x128xi32, #tpu.memory_space<vmem>> -> memref<1x2x128xi32, #tpu.memory_space<vmem>>
    %dma_start3A_12 = tpu.memref_squeeze %dma_start3A_11 : memref<1x2x128xi32, #tpu.memory_space<vmem>> -> memref<2x128xi32, #tpu.memory_space<vmem>>
    %dma_start3A_13 = arith.constant 0 : i32
    %dma_start3A_14 = tpu.memref_slice %arg3[%dma_start3A_13, %mul3A_8] : memref<2x320000xi32, #tpu.memory_space<hbm>> -> memref<2x128xi32, #tpu.memory_space<hbm>>
    %dma_start3A_15 = arith.constant 0 : i32
    %dma_start3A_16 = arith.constant 0 : i32
    %dma_start3A_17 = tpu.memref_slice %arg5[%dma_start3A, %dma_start3A_15, %dma_start3A_16] : memref<3x2x128xi32, #tpu.memory_space<vmem>> -> memref<1x2x128xi32, #tpu.memory_space<vmem>>
    %dma_start3A_18 = tpu.memref_squeeze %dma_start3A_17 : memref<1x2x128xi32, #tpu.memory_space<vmem>> -> memref<2x128xi32, #tpu.memory_space<vmem>>
    %dma_start3A_19 = arith.constant 0 : i32
    %dma_start3A_20 = tpu.memref_slice %arg3[%dma_start3A_19, %mul3A_8] : memref<2x320000xi32, #tpu.memory_space<hbm>> -> memref<2x128xi32, #tpu.memory_space<hbm>>
    tpu.enqueue_dma source(%dma_start3A_20 : memref<2x128xi32, #tpu.memory_space<hbm>>) target(%dma_start3A_18 : memref<2x128xi32, #tpu.memory_space<vmem>>) target_semaphore(%arg9 : memref<!tpu.dma_semaphore, #tpu.memory_space<semaphore_mem>>)
    %add3A_21 = arith.constant 32 : i32
    %add3A_22 = arith.addi %add3A, %add3A_21 : i32
    %mul3A_23 = arith.constant 128 : i32
    %mul3A_24 = arith.muli %add3A_22, %mul3A_23 : i32
    %dma_start3A_25 = arith.constant 1 : i32
    %dma_start3A_26 = arith.constant 0 : i32
    %dma_start3A_27 = arith.constant 0 : i32
    %dma_start3A_28 = tpu.memref_slice %arg5[%dma_start3A_25, %dma_start3A_26, %dma_start3A_27] : memref<3x2x128xi32, #tpu.memory_space<vmem>> -> memref<1x2x128xi32, #tpu.memory_space<vmem>>
    %dma_start3A_29 = tpu.memref_squeeze %dma_start3A_28 : memref<1x2x128xi32, #tpu.memory_space<vmem>> -> memref<2x128xi32, #tpu.memory_space<vmem>>
    %dma_start3A_30 = arith.constant 0 : i32
    %dma_start3A_31 = tpu.memref_slice %arg3[%dma_start3A_30, %mul3A_24] : memref<2x320000xi32, #tpu.memory_space<hbm>> -> memref<2x128xi32, #tpu.memory_space<hbm>>
    %dma_start3A_32 = arith.constant 0 : i32
    %dma_start3A_33 = arith.constant 0 : i32
    %dma_start3A_34 = tpu.memref_slice %arg5[%dma_start3A_25, %dma_start3A_32, %dma_start3A_33] : memref<3x2x128xi32, #tpu.memory_space<vmem>> -> memref<1x2x128xi32, #tpu.memory_space<vmem>>
    %dma_start3A_35 = tpu.memref_squeeze %dma_start3A_34 : memref<1x2x128xi32, #tpu.memory_space<vmem>> -> memref<2x128xi32, #tpu.memory_space<vmem>>
    %dma_start3A_36 = arith.constant 0 : i32
    %dma_start3A_37 = tpu.memref_slice %arg3[%dma_start3A_36, %mul3A_24] : memref<2x320000xi32, #tpu.memory_space<hbm>> -> memref<2x128xi32, #tpu.memory_space<hbm>>
    tpu.enqueue_dma source(%dma_start3A_37 : memref<2x128xi32, #tpu.memory_space<hbm>>) target(%dma_start3A_35 : memref<2x128xi32, #tpu.memory_space<vmem>>) target_semaphore(%arg9 : memref<!tpu.dma_semaphore, #tpu.memory_space<semaphore_mem>>)
    %broadcast_in_dim3A = arith.constant 0.000000e+00 : f32
    %broadcast_in_dim3A_38 = vector.broadcast %broadcast_in_dim3A : f32 to vector<16xf32>
    %scan3A = arith.constant 0 : i32
    %scan3A_39 = arith.constant 0 : i32
    %scan3A_40 = arith.constant 80 : i32
    %scan3A_41 = arith.addi %scan3A_39, %scan3A_40 : i32
    %scan3A_42 = arith.constant 1 : i32
    scf.for %scan3A_255 = %scan3A_39 to %scan3A_41 step %scan3A_42  : i32 {
      %swap3A = arith.index_cast %scan3A_255 : i32 to index
      %swap3A_256 = arith.constant 0 : index
      %swap3A_257 = tpu.vector_load %arg7[%swap3A, %swap3A_256] {strides = array<i32>} : memref<80x128xf32, #tpu.memory_space<vmem>>, vector<1x16xf32>,
      %swap3A_258 = vector.shape_cast %swap3A_257 : vector<1x16xf32> to vector<16xf32>
      %swap3A_259 = vector.shape_cast %broadcast_in_dim3A_38 : vector<16xf32> to vector<1x16xf32>
      tpu.vector_store %arg7[%swap3A, %swap3A_256], %swap3A_259 {strides = array<i32>} : memref<80x128xf32, #tpu.memory_space<vmem>>, vector<1x16xf32>,
      %swap3A_260 = arith.index_cast %scan3A_255 : i32 to index
      %swap3A_261 = arith.constant 16 : index
      %swap3A_262 = tpu.vector_load %arg7[%swap3A_260, %swap3A_261] {strides = array<i32>} : memref<80x128xf32, #tpu.memory_space<vmem>>, vector<1x16xf32>,
      %swap3A_263 = vector.shape_cast %swap3A_262 : vector<1x16xf32> to vector<16xf32>
      %swap3A_264 = vector.shape_cast %broadcast_in_dim3A_38 : vector<16xf32> to vector<1x16xf32>
      tpu.vector_store %arg7[%swap3A_260, %swap3A_261], %swap3A_264 {strides = array<i32>} : memref<80x128xf32, #tpu.memory_space<vmem>>, vector<1x16xf32>,
      %swap3A_265 = arith.index_cast %scan3A_255 : i32 to index
      %swap3A_266 = arith.constant 32 : index
      %swap3A_267 = tpu.vector_load %arg7[%swap3A_265, %swap3A_266] {strides = array<i32>} : memref<80x128xf32, #tpu.memory_space<vmem>>, vector<1x16xf32>,
      %swap3A_268 = vector.shape_cast %swap3A_267 : vector<1x16xf32> to vector<16xf32>
      %swap3A_269 = vector.shape_cast %broadcast_in_dim3A_38 : vector<16xf32> to vector<1x16xf32>
      tpu.vector_store %arg7[%swap3A_265, %swap3A_266], %swap3A_269 {strides = array<i32>} : memref<80x128xf32, #tpu.memory_space<vmem>>, vector<1x16xf32>,
      %swap3A_270 = arith.index_cast %scan3A_255 : i32 to index
      %swap3A_271 = arith.constant 48 : index
      %swap3A_272 = tpu.vector_load %arg7[%swap3A_270, %swap3A_271] {strides = array<i32>} : memref<80x128xf32, #tpu.memory_space<vmem>>, vector<1x16xf32>,
      %swap3A_273 = vector.shape_cast %swap3A_272 : vector<1x16xf32> to vector<16xf32>
      %swap3A_274 = vector.shape_cast %broadcast_in_dim3A_38 : vector<16xf32> to vector<1x16xf32>
      tpu.vector_store %arg7[%swap3A_270, %swap3A_271], %swap3A_274 {strides = array<i32>} : memref<80x128xf32, #tpu.memory_space<vmem>>, vector<1x16xf32>,
      %swap3A_275 = arith.index_cast %scan3A_255 : i32 to index
      %swap3A_276 = arith.constant 64 : index
      %swap3A_277 = tpu.vector_load %arg7[%swap3A_275, %swap3A_276] {strides = array<i32>} : memref<80x128xf32, #tpu.memory_space<vmem>>, vector<1x16xf32>,
      %swap3A_278 = vector.shape_cast %swap3A_277 : vector<1x16xf32> to vector<16xf32>
      %swap3A_279 = vector.shape_cast %broadcast_in_dim3A_38 : vector<16xf32> to vector<1x16xf32>
      tpu.vector_store %arg7[%swap3A_275, %swap3A_276], %swap3A_279 {strides = array<i32>} : memref<80x128xf32, #tpu.memory_space<vmem>>, vector<1x16xf32>,
      %swap3A_280 = arith.index_cast %scan3A_255 : i32 to index
      %swap3A_281 = arith.constant 80 : index
      %swap3A_282 = tpu.vector_load %arg7[%swap3A_280, %swap3A_281] {strides = array<i32>} : memref<80x128xf32, #tpu.memory_space<vmem>>, vector<1x16xf32>,
      %swap3A_283 = vector.shape_cast %swap3A_282 : vector<1x16xf32> to vector<16xf32>
      %swap3A_284 = vector.shape_cast %broadcast_in_dim3A_38 : vector<16xf32> to vector<1x16xf32>
      tpu.vector_store %arg7[%swap3A_280, %swap3A_281], %swap3A_284 {strides = array<i32>} : memref<80x128xf32, #tpu.memory_space<vmem>>, vector<1x16xf32>,
      %swap3A_285 = arith.index_cast %scan3A_255 : i32 to index
      %swap3A_286 = arith.constant 96 : index
      %swap3A_287 = tpu.vector_load %arg7[%swap3A_285, %swap3A_286] {strides = array<i32>} : memref<80x128xf32, #tpu.memory_space<vmem>>, vector<1x16xf32>,
      %swap3A_288 = vector.shape_cast %swap3A_287 : vector<1x16xf32> to vector<16xf32>
      %swap3A_289 = vector.shape_cast %broadcast_in_dim3A_38 : vector<16xf32> to vector<1x16xf32>
      tpu.vector_store %arg7[%swap3A_285, %swap3A_286], %swap3A_289 {strides = array<i32>} : memref<80x128xf32, #tpu.memory_space<vmem>>, vector<1x16xf32>,
      %swap3A_290 = arith.index_cast %scan3A_255 : i32 to index
      %swap3A_291 = arith.constant 112 : index
      %swap3A_292 = tpu.vector_load %arg7[%swap3A_290, %swap3A_291] {strides = array<i32>} : memref<80x128xf32, #tpu.memory_space<vmem>>, vector<1x16xf32>,
      %swap3A_293 = vector.shape_cast %swap3A_292 : vector<1x16xf32> to vector<16xf32>
      %swap3A_294 = vector.shape_cast %broadcast_in_dim3A_38 : vector<16xf32> to vector<1x16xf32>
      tpu.vector_store %arg7[%swap3A_290, %swap3A_291], %swap3A_294 {strides = array<i32>} : memref<80x128xf32, #tpu.memory_space<vmem>>, vector<1x16xf32>,
    }
    %scan3A_43 = arith.constant 80 : i32
    %mul3A_44 = arith.constant 640 : i32
    %mul3A_45 = arith.muli %arg1, %mul3A_44 : i32
    %add3A_46 = arith.constant 0 : i32
    %add3A_47 = arith.addi %mul3A_45, %add3A_46 : i32
    %dma_start3A_48 = arith.constant 0 : i32
    %dma_start3A_49 = tpu.memref_slice %arg8[%add3A_47, %dma_start3A_48] : memref<10240x128xf32, #tpu.memory_space<vmem_shared>> -> memref<80x128xf32, #tpu.memory_space<vmem_shared>>
    %dma_start3A_50 = arith.constant 0 : i32
    %dma_start3A_51 = tpu.memref_slice %arg8[%add3A_47, %dma_start3A_50] : memref<10240x128xf32, #tpu.memory_space<vmem_shared>> -> memref<80x128xf32, #tpu.memory_space<vmem_shared>>
    tpu.enqueue_dma source(%arg7 : memref<80x128xf32, #tpu.memory_space<vmem>>) target(%dma_start3A_51 : memref<80x128xf32, #tpu.memory_space<vmem_shared>>) target_semaphore(%arg11 : memref<!tpu.dma_semaphore, #tpu.memory_space<semaphore_mem>>)
    %mul3A_52 = arith.constant 640 : i32
    %mul3A_53 = arith.muli %arg1, %mul3A_52 : i32
    %add3A_54 = arith.constant 80 : i32
    %add3A_55 = arith.addi %mul3A_53, %add3A_54 : i32
    %dma_start3A_56 = arith.constant 0 : i32
    %dma_start3A_57 = tpu.memref_slice %arg8[%add3A_55, %dma_start3A_56] : memref<10240x128xf32, #tpu.memory_space<vmem_shared>> -> memref<80x128xf32, #tpu.memory_space<vmem_shared>>
    %dma_start3A_58 = arith.constant 0 : i32
    %dma_start3A_59 = tpu.memref_slice %arg8[%add3A_55, %dma_start3A_58] : memref<10240x128xf32, #tpu.memory_space<vmem_shared>> -> memref<80x128xf32, #tpu.memory_space<vmem_shared>>
    tpu.enqueue_dma source(%arg7 : memref<80x128xf32, #tpu.memory_space<vmem>>) target(%dma_start3A_59 : memref<80x128xf32, #tpu.memory_space<vmem_shared>>) target_semaphore(%arg11 : memref<!tpu.dma_semaphore, #tpu.memory_space<semaphore_mem>>)
    %mul3A_60 = arith.constant 640 : i32
    %mul3A_61 = arith.muli %arg1, %mul3A_60 : i32
    %add3A_62 = arith.constant 160 : i32
    %add3A_63 = arith.addi %mul3A_61, %add3A_62 : i32
    %dma_start3A_64 = arith.constant 0 : i32
    %dma_start3A_65 = tpu.memref_slice %arg8[%add3A_63, %dma_start3A_64] : memref<10240x128xf32, #tpu.memory_space<vmem_shared>> -> memref<80x128xf32, #tpu.memory_space<vmem_shared>>
    %dma_start3A_66 = arith.constant 0 : i32
    %dma_start3A_67 = tpu.memref_slice %arg8[%add3A_63, %dma_start3A_66] : memref<10240x128xf32, #tpu.memory_space<vmem_shared>> -> memref<80x128xf32, #tpu.memory_space<vmem_shared>>
    tpu.enqueue_dma source(%arg7 : memref<80x128xf32, #tpu.memory_space<vmem>>) target(%dma_start3A_67 : memref<80x128xf32, #tpu.memory_space<vmem_shared>>) target_semaphore(%arg11 : memref<!tpu.dma_semaphore, #tpu.memory_space<semaphore_mem>>)
    %mul3A_68 = arith.constant 640 : i32
    %mul3A_69 = arith.muli %arg1, %mul3A_68 : i32
    %add3A_70 = arith.constant 240 : i32
    %add3A_71 = arith.addi %mul3A_69, %add3A_70 : i32
    %dma_start3A_72 = arith.constant 0 : i32
    %dma_start3A_73 = tpu.memref_slice %arg8[%add3A_71, %dma_start3A_72] : memref<10240x128xf32, #tpu.memory_space<vmem_shared>> -> memref<80x128xf32, #tpu.memory_space<vmem_shared>>
    %dma_start3A_74 = arith.constant 0 : i32
    %dma_start3A_75 = tpu.memref_slice %arg8[%add3A_71, %dma_start3A_74] : memref<10240x128xf32, #tpu.memory_space<vmem_shared>> -> memref<80x128xf32, #tpu.memory_space<vmem_shared>>
    tpu.enqueue_dma source(%arg7 : memref<80x128xf32, #tpu.memory_space<vmem>>) target(%dma_start3A_75 : memref<80x128xf32, #tpu.memory_space<vmem_shared>>) target_semaphore(%arg11 : memref<!tpu.dma_semaphore, #tpu.memory_space<semaphore_mem>>)
    %mul3A_76 = arith.constant 640 : i32
    %mul3A_77 = arith.muli %arg1, %mul3A_76 : i32
    %add3A_78 = arith.constant 320 : i32
    %add3A_79 = arith.addi %mul3A_77, %add3A_78 : i32
    %dma_start3A_80 = arith.constant 0 : i32
    %dma_start3A_81 = tpu.memref_slice %arg8[%add3A_79, %dma_start3A_80] : memref<10240x128xf32, #tpu.memory_space<vmem_shared>> -> memref<80x128xf32, #tpu.memory_space<vmem_shared>>
    %dma_start3A_82 = arith.constant 0 : i32
    %dma_start3A_83 = tpu.memref_slice %arg8[%add3A_79, %dma_start3A_82] : memref<10240x128xf32, #tpu.memory_space<vmem_shared>> -> memref<80x128xf32, #tpu.memory_space<vmem_shared>>
    tpu.enqueue_dma source(%arg7 : memref<80x128xf32, #tpu.memory_space<vmem>>) target(%dma_start3A_83 : memref<80x128xf32, #tpu.memory_space<vmem_shared>>) target_semaphore(%arg11 : memref<!tpu.dma_semaphore, #tpu.memory_space<semaphore_mem>>)
    %mul3A_84 = arith.constant 640 : i32
    %mul3A_85 = arith.muli %arg1, %mul3A_84 : i32
    %add3A_86 = arith.constant 400 : i32
    %add3A_87 = arith.addi %mul3A_85, %add3A_86 : i32
    %dma_start3A_88 = arith.constant 0 : i32
    %dma_start3A_89 = tpu.memref_slice %arg8[%add3A_87, %dma_start3A_88] : memref<10240x128xf32, #tpu.memory_space<vmem_shared>> -> memref<80x128xf32, #tpu.memory_space<vmem_shared>>
    %dma_start3A_90 = arith.constant 0 : i32
    %dma_start3A_91 = tpu.memref_slice %arg8[%add3A_87, %dma_start3A_90] : memref<10240x128xf32, #tpu.memory_space<vmem_shared>> -> memref<80x128xf32, #tpu.memory_space<vmem_shared>>
    tpu.enqueue_dma source(%arg7 : memref<80x128xf32, #tpu.memory_space<vmem>>) target(%dma_start3A_91 : memref<80x128xf32, #tpu.memory_space<vmem_shared>>) target_semaphore(%arg11 : memref<!tpu.dma_semaphore, #tpu.memory_space<semaphore_mem>>)
    %mul3A_92 = arith.constant 640 : i32
    %mul3A_93 = arith.muli %arg1, %mul3A_92 : i32
    %add3A_94 = arith.constant 480 : i32
    %add3A_95 = arith.addi %mul3A_93, %add3A_94 : i32
    %dma_start3A_96 = arith.constant 0 : i32
    %dma_start3A_97 = tpu.memref_slice %arg8[%add3A_95, %dma_start3A_96] : memref<10240x128xf32, #tpu.memory_space<vmem_shared>> -> memref<80x128xf32, #tpu.memory_space<vmem_shared>>
    %dma_start3A_98 = arith.constant 0 : i32
    %dma_start3A_99 = tpu.memref_slice %arg8[%add3A_95, %dma_start3A_98] : memref<10240x128xf32, #tpu.memory_space<vmem_shared>> -> memref<80x128xf32, #tpu.memory_space<vmem_shared>>
    tpu.enqueue_dma source(%arg7 : memref<80x128xf32, #tpu.memory_space<vmem>>) target(%dma_start3A_99 : memref<80x128xf32, #tpu.memory_space<vmem_shared>>) target_semaphore(%arg11 : memref<!tpu.dma_semaphore, #tpu.memory_space<semaphore_mem>>)
    %mul3A_100 = arith.constant 640 : i32
    %mul3A_101 = arith.muli %arg1, %mul3A_100 : i32
    %add3A_102 = arith.constant 560 : i32
    %add3A_103 = arith.addi %mul3A_101, %add3A_102 : i32
    %dma_start3A_104 = arith.constant 0 : i32
    %dma_start3A_105 = tpu.memref_slice %arg8[%add3A_103, %dma_start3A_104] : memref<10240x128xf32, #tpu.memory_space<vmem_shared>> -> memref<80x128xf32, #tpu.memory_space<vmem_shared>>
    %dma_start3A_106 = arith.constant 0 : i32
    %dma_start3A_107 = tpu.memref_slice %arg8[%add3A_103, %dma_start3A_106] : memref<10240x128xf32, #tpu.memory_space<vmem_shared>> -> memref<80x128xf32, #tpu.memory_space<vmem_shared>>
    tpu.enqueue_dma source(%arg7 : memref<80x128xf32, #tpu.memory_space<vmem>>) target(%dma_start3A_107 : memref<80x128xf32, #tpu.memory_space<vmem_shared>>) target_semaphore(%arg11 : memref<!tpu.dma_semaphore, #tpu.memory_space<semaphore_mem>>)
    %add3A_108 = arith.constant 0 : i32
    %add3A_109 = arith.addi %add3A, %add3A_108 : i32
    %mul3A_110 = arith.constant 128 : i32
    %mul3A_111 = arith.muli %add3A_109, %mul3A_110 : i32
    %dma_wait3A = arith.constant 0 : i32
    %dma_wait3A_112 = arith.constant 0 : i32
    %dma_wait3A_113 = arith.constant 0 : i32
    %dma_wait3A_114 = tpu.memref_slice %arg5[%dma_wait3A, %dma_wait3A_112, %dma_wait3A_113] : memref<3x2x128xi32, #tpu.memory_space<vmem>> -> memref<1x2x128xi32, #tpu.memory_space<vmem>>
    %dma_wait3A_115 = tpu.memref_squeeze %dma_wait3A_114 : memref<1x2x128xi32, #tpu.memory_space<vmem>> -> memref<2x128xi32, #tpu.memory_space<vmem>>
    %dma_wait3A_116 = arith.constant 0 : i32
    %dma_wait3A_117 = tpu.memref_slice %arg3[%dma_wait3A_116, %mul3A_111] : memref<2x320000xi32, #tpu.memory_space<hbm>> -> memref<2x128xi32, #tpu.memory_space<hbm>>
    %dma_wait3A_118 = arith.constant 0 : i32
    %dma_wait3A_119 = arith.constant 0 : i32
    %dma_wait3A_120 = tpu.memref_slice %arg5[%dma_wait3A, %dma_wait3A_118, %dma_wait3A_119] : memref<3x2x128xi32, #tpu.memory_space<vmem>> -> memref<1x2x128xi32, #tpu.memory_space<vmem>>
    %dma_wait3A_121 = tpu.memref_squeeze %dma_wait3A_120 : memref<1x2x128xi32, #tpu.memory_space<vmem>> -> memref<2x128xi32, #tpu.memory_space<vmem>>
    %dma_wait3A_122 = arith.constant 0 : i32
    %dma_wait3A_123 = tpu.memref_slice %arg3[%dma_wait3A_122, %mul3A_111] : memref<2x320000xi32, #tpu.memory_space<hbm>> -> memref<2x128xi32, #tpu.memory_space<hbm>>
    tpu.wait_dma2 semaphore(%arg9 : memref<!tpu.dma_semaphore, #tpu.memory_space<semaphore_mem>>) src(%dma_wait3A_123 : memref<2x128xi32, #tpu.memory_space<hbm>>) dst(%dma_wait3A_121 : memref<2x128xi32, #tpu.memory_space<vmem>>)
    %dma_start3A_124 = arith.constant 0 : i32
    %dma_start3A_125 = arith.constant 0 : i32
    %dma_start3A_126 = arith.constant 0 : i32
    %dma_start3A_127 = arith.constant 0 : i32
    %dma_start3A_128 = arith.constant 0 : i32
    %dma_start3A_129 = tpu.memref_slice %arg6[%dma_start3A_126, %dma_start3A_127, %dma_start3A_128] : memref<2x128x128xf32, #tpu.memory_space<vmem>> -> memref<1x128x128xf32, #tpu.memory_space<vmem>>
    %dma_start3A_130 = tpu.memref_squeeze %dma_start3A_129 : memref<1x128x128xf32, #tpu.memory_space<vmem>> -> memref<128x128xf32, #tpu.memory_space<vmem>>
    %dma_start3A_131 = arith.constant 0 : i32
    %dma_start3A_132 = tpu.memref_slice %arg5[%dma_start3A_124, %dma_start3A_125, %dma_start3A_131] : memref<3x2x128xi32, #tpu.memory_space<vmem>> -> memref<1x1x128xi32, #tpu.memory_space<vmem>>
    %dma_start3A_133 = tpu.memref_squeeze %dma_start3A_132 : memref<1x1x128xi32, #tpu.memory_space<vmem>> -> memref<128xi32, #tpu.memory_space<vmem>>
    %dma_start3A_134 = arith.constant 0 : i32
    %dma_start3A_135 = arith.constant 0 : i32
    %dma_start3A_136 = tpu.memref_slice %arg2[%dma_start3A_134, %dma_start3A_135] : memref<10000x128xf32, #tpu.memory_space<hbm>> -> memref<10000x128xf32, #tpu.memory_space<hbm>>
    tpu.enqueue_indirect_dma source(%dma_start3A_136 : memref<10000x128xf32, #tpu.memory_space<hbm>>) target(%dma_start3A_130 : memref<128x128xf32, #tpu.memory_space<vmem>>) offsets(%dma_start3A_133 : memref<128xi32, #tpu.memory_space<vmem>>) semaphore(%arg10 : memref<!tpu.dma_semaphore, #tpu.memory_space<semaphore_mem>>)
    %mul3A_137 = arith.constant 640 : i32
    %mul3A_138 = arith.muli %arg1, %mul3A_137 : i32
    %add3A_139 = arith.constant 0 : i32
    %add3A_140 = arith.addi %mul3A_138, %add3A_139 : i32
    %dma_wait3A_141 = arith.constant 0 : i32
    %dma_wait3A_142 = tpu.memref_slice %arg8[%add3A_140, %dma_wait3A_141] : memref<10240x128xf32, #tpu.memory_space<vmem_shared>> -> memref<80x128xf32, #tpu.memory_space<vmem_shared>>
    %dma_wait3A_143 = arith.constant 0 : i32
    %dma_wait3A_144 = tpu.memref_slice %arg8[%add3A_140, %dma_wait3A_143] : memref<10240x128xf32, #tpu.memory_space<vmem_shared>> -> memref<80x128xf32, #tpu.memory_space<vmem_shared>>
    tpu.wait_dma2 semaphore(%arg11 : memref<!tpu.dma_semaphore, #tpu.memory_space<semaphore_mem>>) src(%arg7 : memref<80x128xf32, #tpu.memory_space<vmem>>) dst(%dma_wait3A_144 : memref<80x128xf32, #tpu.memory_space<vmem_shared>>)
    %mul3A_145 = arith.constant 640 : i32
    %mul3A_146 = arith.muli %arg1, %mul3A_145 : i32
    %add3A_147 = arith.constant 80 : i32
    %add3A_148 = arith.addi %mul3A_146, %add3A_147 : i32
    %dma_wait3A_149 = arith.constant 0 : i32
    %dma_wait3A_150 = tpu.memref_slice %arg8[%add3A_148, %dma_wait3A_149] : memref<10240x128xf32, #tpu.memory_space<vmem_shared>> -> memref<80x128xf32, #tpu.memory_space<vmem_shared>>
    %dma_wait3A_151 = arith.constant 0 : i32
    %dma_wait3A_152 = tpu.memref_slice %arg8[%add3A_148, %dma_wait3A_151] : memref<10240x128xf32, #tpu.memory_space<vmem_shared>> -> memref<80x128xf32, #tpu.memory_space<vmem_shared>>
    tpu.wait_dma2 semaphore(%arg11 : memref<!tpu.dma_semaphore, #tpu.memory_space<semaphore_mem>>) src(%arg7 : memref<80x128xf32, #tpu.memory_space<vmem>>) dst(%dma_wait3A_152 : memref<80x128xf32, #tpu.memory_space<vmem_shared>>)
    %mul3A_153 = arith.constant 640 : i32
    %mul3A_154 = arith.muli %arg1, %mul3A_153 : i32
    %add3A_155 = arith.constant 160 : i32
    %add3A_156 = arith.addi %mul3A_154, %add3A_155 : i32
    %dma_wait3A_157 = arith.constant 0 : i32
    %dma_wait3A_158 = tpu.memref_slice %arg8[%add3A_156, %dma_wait3A_157] : memref<10240x128xf32, #tpu.memory_space<vmem_shared>> -> memref<80x128xf32, #tpu.memory_space<vmem_shared>>
    %dma_wait3A_159 = arith.constant 0 : i32
    %dma_wait3A_160 = tpu.memref_slice %arg8[%add3A_156, %dma_wait3A_159] : memref<10240x128xf32, #tpu.memory_space<vmem_shared>> -> memref<80x128xf32, #tpu.memory_space<vmem_shared>>
    tpu.wait_dma2 semaphore(%arg11 : memref<!tpu.dma_semaphore, #tpu.memory_space<semaphore_mem>>) src(%arg7 : memref<80x128xf32, #tpu.memory_space<vmem>>) dst(%dma_wait3A_160 : memref<80x128xf32, #tpu.memory_space<vmem_shared>>)
    %mul3A_161 = arith.constant 640 : i32
    %mul3A_162 = arith.muli %arg1, %mul3A_161 : i32
    %add3A_163 = arith.constant 240 : i32
    %add3A_164 = arith.addi %mul3A_162, %add3A_163 : i32
    %dma_wait3A_165 = arith.constant 0 : i32
    %dma_wait3A_166 = tpu.memref_slice %arg8[%add3A_164, %dma_wait3A_165] : memref<10240x128xf32, #tpu.memory_space<vmem_shared>> -> memref<80x128xf32, #tpu.memory_space<vmem_shared>>
    %dma_wait3A_167 = arith.constant 0 : i32
    %dma_wait3A_168 = tpu.memref_slice %arg8[%add3A_164, %dma_wait3A_167] : memref<10240x128xf32, #tpu.memory_space<vmem_shared>> -> memref<80x128xf32, #tpu.memory_space<vmem_shared>>
    tpu.wait_dma2 semaphore(%arg11 : memref<!tpu.dma_semaphore, #tpu.memory_space<semaphore_mem>>) src(%arg7 : memref<80x128xf32, #tpu.memory_space<vmem>>) dst(%dma_wait3A_168 : memref<80x128xf32, #tpu.memory_space<vmem_shared>>)
    %mul3A_169 = arith.constant 640 : i32
    %mul3A_170 = arith.muli %arg1, %mul3A_169 : i32
    %add3A_171 = arith.constant 320 : i32
    %add3A_172 = arith.addi %mul3A_170, %add3A_171 : i32
    %dma_wait3A_173 = arith.constant 0 : i32
    %dma_wait3A_174 = tpu.memref_slice %arg8[%add3A_172, %dma_wait3A_173] : memref<10240x128xf32, #tpu.memory_space<vmem_shared>> -> memref<80x128xf32, #tpu.memory_space<vmem_shared>>
    %dma_wait3A_175 = arith.constant 0 : i32
    %dma_wait3A_176 = tpu.memref_slice %arg8[%add3A_172, %dma_wait3A_175] : memref<10240x128xf32, #tpu.memory_space<vmem_shared>> -> memref<80x128xf32, #tpu.memory_space<vmem_shared>>
    tpu.wait_dma2 semaphore(%arg11 : memref<!tpu.dma_semaphore, #tpu.memory_space<semaphore_mem>>) src(%arg7 : memref<80x128xf32, #tpu.memory_space<vmem>>) dst(%dma_wait3A_176 : memref<80x128xf32, #tpu.memory_space<vmem_shared>>)
    %mul3A_177 = arith.constant 640 : i32
    %mul3A_178 = arith.muli %arg1, %mul3A_177 : i32
    %add3A_179 = arith.constant 400 : i32
    %add3A_180 = arith.addi %mul3A_178, %add3A_179 : i32
    %dma_wait3A_181 = arith.constant 0 : i32
    %dma_wait3A_182 = tpu.memref_slice %arg8[%add3A_180, %dma_wait3A_181] : memref<10240x128xf32, #tpu.memory_space<vmem_shared>> -> memref<80x128xf32, #tpu.memory_space<vmem_shared>>
    %dma_wait3A_183 = arith.constant 0 : i32
    %dma_wait3A_184 = tpu.memref_slice %arg8[%add3A_180, %dma_wait3A_183] : memref<10240x128xf32, #tpu.memory_space<vmem_shared>> -> memref<80x128xf32, #tpu.memory_space<vmem_shared>>
    tpu.wait_dma2 semaphore(%arg11 : memref<!tpu.dma_semaphore, #tpu.memory_space<semaphore_mem>>) src(%arg7 : memref<80x128xf32, #tpu.memory_space<vmem>>) dst(%dma_wait3A_184 : memref<80x128xf32, #tpu.memory_space<vmem_shared>>)
    %mul3A_185 = arith.constant 640 : i32
    %mul3A_186 = arith.muli %arg1, %mul3A_185 : i32
    %add3A_187 = arith.constant 480 : i32
    %add3A_188 = arith.addi %mul3A_186, %add3A_187 : i32
    %dma_wait3A_189 = arith.constant 0 : i32
    %dma_wait3A_190 = tpu.memref_slice %arg8[%add3A_188, %dma_wait3A_189] : memref<10240x128xf32, #tpu.memory_space<vmem_shared>> -> memref<80x128xf32, #tpu.memory_space<vmem_shared>>
    %dma_wait3A_191 = arith.constant 0 : i32
    %dma_wait3A_192 = tpu.memref_slice %arg8[%add3A_188, %dma_wait3A_191] : memref<10240x128xf32, #tpu.memory_space<vmem_shared>> -> memref<80x128xf32, #tpu.memory_space<vmem_shared>>
    tpu.wait_dma2 semaphore(%arg11 : memref<!tpu.dma_semaphore, #tpu.memory_space<semaphore_mem>>) src(%arg7 : memref<80x128xf32, #tpu.memory_space<vmem>>) dst(%dma_wait3A_192 : memref<80x128xf32, #tpu.memory_space<vmem_shared>>)
    %mul3A_193 = arith.constant 640 : i32
    %mul3A_194 = arith.muli %arg1, %mul3A_193 : i32
    %add3A_195 = arith.constant 560 : i32
    %add3A_196 = arith.addi %mul3A_194, %add3A_195 : i32
    %dma_wait3A_197 = arith.constant 0 : i32
    %dma_wait3A_198 = tpu.memref_slice %arg8[%add3A_196, %dma_wait3A_197] : memref<10240x128xf32, #tpu.memory_space<vmem_shared>> -> memref<80x128xf32, #tpu.memory_space<vmem_shared>>
    %dma_wait3A_199 = arith.constant 0 : i32
    %dma_wait3A_200 = tpu.memref_slice %arg8[%add3A_196, %dma_wait3A_199] : memref<10240x128xf32, #tpu.memory_space<vmem_shared>> -> memref<80x128xf32, #tpu.memory_space<vmem_shared>>
    tpu.wait_dma2 semaphore(%arg11 : memref<!tpu.dma_semaphore, #tpu.memory_space<semaphore_mem>>) src(%arg7 : memref<80x128xf32, #tpu.memory_space<vmem>>) dst(%dma_wait3A_200 : memref<80x128xf32, #tpu.memory_space<vmem_shared>>)
    %barrier3A = arith.constant 0 : index
    tpu.barrier barrier_id(%barrier3A)
    %while3A = arith.constant 0 : i32
    %while3A_201 = arith.constant 0 : i32
    %while3A_202 = arith.subi %add3A_4, %while3A_201 : i32
    %while3A_203 = arith.addi %while3A_201, %while3A_202 : i32
    %while3A_204 = arith.constant 1 : i32
    %while3A_205 = arith.divsi %while3A_202, %while3A_204 : i32
    %while3A_206 = arith.muli %while3A_205, %while3A_204 : i32
    %while3A_207 = arith.addi %while3A_201, %while3A_206 : i32
    %while3A_208 = arith.constant 1 : i32
    scf.for %while3A_255 = %while3A_201 to %while3A_207 step %while3A_208  : i32 {
      %ge3A = arith.constant 1 : i32
      %ge3A_256 = arith.cmpi sge, %while3A_255, %ge3A : i32
      %convert_element_type3A = arith.extui %ge3A_256 : i1 to i32
      %cond3A = arith.constant 0 : i32
      %cond3A_257 = arith.cmpi ne, %convert_element_type3A, %cond3A : i32
      scf.if %cond3A_257 {
        %sub3A_359 = arith.constant 1 : i32
        %sub3A_360 = arith.subi %while3A_255, %sub3A_359 : i32
        %jit3A_361 = arith.constant 3 : i32
        %eq3A_362 = arith.constant 0 : i32
        %eq3A_363 = arith.cmpi eq, %jit3A_361, %eq3A_362 : i32
        %jit3A_364 = arith.constant 1 : i32
        %select_n3A_365 = arith.select %eq3A_363, %jit3A_364, %jit3A_361 : i32
        %rem3A_366 = arith.remsi %sub3A_360, %select_n3A_365 : i32
        %ne3A_367 = arith.constant 0 : i32
        %ne3A_368 = arith.cmpi ne, %rem3A_366, %ne3A_367 : i32
        %lt3A_369 = arith.constant 0 : i32
        %lt3A_370 = arith.cmpi slt, %rem3A_366, %lt3A_369 : i32
        %lt3A_371 = arith.constant 0 : i32
        %lt3A_372 = arith.cmpi slt, %select_n3A_365, %lt3A_371 : i32
        %ne3A_373 = arith.xori %lt3A_370, %lt3A_372 : i1
        %and3A_374 = arith.andi %ne3A_373, %ne3A_368 : i1
        %add3A_375 = arith.addi %rem3A_366, %select_n3A_365 : i32
        %select_n3A_376 = arith.select %and3A_374, %add3A_375, %rem3A_366 : i32
        %jit3A_377 = arith.constant 2 : i32
        %eq3A_378 = arith.constant 0 : i32
        %eq3A_379 = arith.cmpi eq, %jit3A_377, %eq3A_378 : i32
        %jit3A_380 = arith.constant 1 : i32
        %select_n3A_381 = arith.select %eq3A_379, %jit3A_380, %jit3A_377 : i32
        %rem3A_382 = arith.remsi %sub3A_360, %select_n3A_381 : i32
        %ne3A_383 = arith.constant 0 : i32
        %ne3A_384 = arith.cmpi ne, %rem3A_382, %ne3A_383 : i32
        %lt3A_385 = arith.constant 0 : i32
        %lt3A_386 = arith.cmpi slt, %rem3A_382, %lt3A_385 : i32
        %lt3A_387 = arith.constant 0 : i32
        %lt3A_388 = arith.cmpi slt, %select_n3A_381, %lt3A_387 : i32
        %ne3A_389 = arith.xori %lt3A_386, %lt3A_388 : i1
        %and3A_390 = arith.andi %ne3A_389, %ne3A_384 : i1
        %add3A_391 = arith.addi %rem3A_382, %select_n3A_381 : i32
        %select_n3A_392 = arith.select %and3A_390, %add3A_391, %rem3A_382 : i32
        %dma_wait3A_393 = arith.constant 1 : i32
        %dma_wait3A_394 = arith.constant 0 : i32
        %dma_wait3A_395 = arith.constant 0 : i32
        %dma_wait3A_396 = tpu.memref_slice %arg6[%select_n3A_392, %dma_wait3A_394, %dma_wait3A_395] : memref<2x128x128xf32, #tpu.memory_space<vmem>> -> memref<1x128x128xf32, #tpu.memory_space<vmem>>
        %dma_wait3A_397 = tpu.memref_squeeze %dma_wait3A_396 : memref<1x128x128xf32, #tpu.memory_space<vmem>> -> memref<128x128xf32, #tpu.memory_space<vmem>>
        %dma_wait3A_398 = arith.constant 0 : i32
        %dma_wait3A_399 = tpu.memref_slice %arg5[%select_n3A_376, %dma_wait3A_393, %dma_wait3A_398] : memref<3x2x128xi32, #tpu.memory_space<vmem>> -> memref<1x1x128xi32, #tpu.memory_space<vmem>>
        %dma_wait3A_400 = tpu.memref_squeeze %dma_wait3A_399 : memref<1x1x128xi32, #tpu.memory_space<vmem>> -> memref<128xi32, #tpu.memory_space<vmem>>
        %dma_wait3A_401 = arith.constant 0 : i32
        %dma_wait3A_402 = arith.constant 0 : i32
        %dma_wait3A_403 = tpu.memref_slice %arg8[%dma_wait3A_401, %dma_wait3A_402] : memref<10240x128xf32, #tpu.memory_space<vmem_shared>> -> memref<10240x128xf32, #tpu.memory_space<vmem_shared>>
        tpu.wait_indirect_dma semaphore(%arg11 : memref<!tpu.dma_semaphore, #tpu.memory_space<semaphore_mem>>) src(%dma_wait3A_397 : memref<128x128xf32, #tpu.memory_space<vmem>>) dst(%dma_wait3A_403 : memref<10240x128xf32, #tpu.memory_space<vmem_shared>>)
      } else {
      }
      %add3A_258 = arith.constant 2 : i32
      %add3A_259 = arith.addi %while3A_255, %add3A_258 : i32
      %sub3A_260 = arith.constant 1 : i32
      %sub3A_261 = arith.subi %add3A_4, %sub3A_260 : i32
      %le3A = arith.cmpi sle, %add3A_259, %sub3A_261 : i32
      %convert_element_type3A_262 = arith.extui %le3A : i1 to i32
      %cond3A_263 = arith.constant 0 : i32
      %cond3A_264 = arith.cmpi ne, %convert_element_type3A_262, %cond3A_263 : i32
      scf.if %cond3A_264 {
        %add3A_359 = arith.constant 2 : i32
        %add3A_360 = arith.addi %while3A_255, %add3A_359 : i32
        %mul3A_361 = arith.constant 32 : i32
        %mul3A_362 = arith.muli %add3A_360, %mul3A_361 : i32
        %add3A_363 = arith.addi %add3A, %mul3A_362 : i32
        %mul3A_364 = arith.constant 128 : i32
        %mul3A_365 = arith.muli %add3A_363, %mul3A_364 : i32
        %jit3A_366 = arith.constant 3 : i32
        %eq3A_367 = arith.constant 0 : i32
        %eq3A_368 = arith.cmpi eq, %jit3A_366, %eq3A_367 : i32
        %jit3A_369 = arith.constant 1 : i32
        %select_n3A_370 = arith.select %eq3A_368, %jit3A_369, %jit3A_366 : i32
        %rem3A_371 = arith.remsi %add3A_360, %select_n3A_370 : i32
        %ne3A_372 = arith.constant 0 : i32
        %ne3A_373 = arith.cmpi ne, %rem3A_371, %ne3A_372 : i32
        %lt3A_374 = arith.constant 0 : i32
        %lt3A_375 = arith.cmpi slt, %rem3A_371, %lt3A_374 : i32
        %lt3A_376 = arith.constant 0 : i32
        %lt3A_377 = arith.cmpi slt, %select_n3A_370, %lt3A_376 : i32
        %ne3A_378 = arith.xori %lt3A_375, %lt3A_377 : i1
        %and3A_379 = arith.andi %ne3A_378, %ne3A_373 : i1
        %add3A_380 = arith.addi %rem3A_371, %select_n3A_370 : i32
        %select_n3A_381 = arith.select %and3A_379, %add3A_380, %rem3A_371 : i32
        %dma_start3A_382 = arith.constant 0 : i32
        %dma_start3A_383 = arith.constant 0 : i32
        %dma_start3A_384 = tpu.memref_slice %arg5[%select_n3A_381, %dma_start3A_382, %dma_start3A_383] : memref<3x2x128xi32, #tpu.memory_space<vmem>> -> memref<1x2x128xi32, #tpu.memory_space<vmem>>
        %dma_start3A_385 = tpu.memref_squeeze %dma_start3A_384 : memref<1x2x128xi32, #tpu.memory_space<vmem>> -> memref<2x128xi32, #tpu.memory_space<vmem>>
        %dma_start3A_386 = arith.constant 0 : i32
        %dma_start3A_387 = tpu.memref_slice %arg3[%dma_start3A_386, %mul3A_365] : memref<2x320000xi32, #tpu.memory_space<hbm>> -> memref<2x128xi32, #tpu.memory_space<hbm>>
        %dma_start3A_388 = arith.constant 0 : i32
        %dma_start3A_389 = arith.constant 0 : i32
        %dma_start3A_390 = tpu.memref_slice %arg5[%select_n3A_381, %dma_start3A_388, %dma_start3A_389] : memref<3x2x128xi32, #tpu.memory_space<vmem>> -> memref<1x2x128xi32, #tpu.memory_space<vmem>>
        %dma_start3A_391 = tpu.memref_squeeze %dma_start3A_390 : memref<1x2x128xi32, #tpu.memory_space<vmem>> -> memref<2x128xi32, #tpu.memory_space<vmem>>
        %dma_start3A_392 = arith.constant 0 : i32
        %dma_start3A_393 = tpu.memref_slice %arg3[%dma_start3A_392, %mul3A_365] : memref<2x320000xi32, #tpu.memory_space<hbm>> -> memref<2x128xi32, #tpu.memory_space<hbm>>
        tpu.enqueue_dma source(%dma_start3A_393 : memref<2x128xi32, #tpu.memory_space<hbm>>) target(%dma_start3A_391 : memref<2x128xi32, #tpu.memory_space<vmem>>) target_semaphore(%arg9 : memref<!tpu.dma_semaphore, #tpu.memory_space<semaphore_mem>>)
      } else {
      }
      %add3A_265 = arith.constant 1 : i32
      %add3A_266 = arith.addi %while3A_255, %add3A_265 : i32
      %sub3A_267 = arith.constant 1 : i32
      %sub3A_268 = arith.subi %add3A_4, %sub3A_267 : i32
      %le3A_269 = arith.cmpi sle, %add3A_266, %sub3A_268 : i32
      %convert_element_type3A_270 = arith.extui %le3A_269 : i1 to i32
      %cond3A_271 = arith.constant 0 : i32
      %cond3A_272 = arith.cmpi ne, %convert_element_type3A_270, %cond3A_271 : i32
      scf.if %cond3A_272 {
        %add3A_359 = arith.constant 1 : i32
        %add3A_360 = arith.addi %while3A_255, %add3A_359 : i32
        %mul3A_361 = arith.constant 32 : i32
        %mul3A_362 = arith.muli %add3A_360, %mul3A_361 : i32
        %add3A_363 = arith.addi %add3A, %mul3A_362 : i32
        %mul3A_364 = arith.constant 128 : i32
        %mul3A_365 = arith.muli %add3A_363, %mul3A_364 : i32
        %jit3A_366 = arith.constant 3 : i32
        %eq3A_367 = arith.constant 0 : i32
        %eq3A_368 = arith.cmpi eq, %jit3A_366, %eq3A_367 : i32
        %jit3A_369 = arith.constant 1 : i32
        %select_n3A_370 = arith.select %eq3A_368, %jit3A_369, %jit3A_366 : i32
        %rem3A_371 = arith.remsi %add3A_360, %select_n3A_370 : i32
        %ne3A_372 = arith.constant 0 : i32
        %ne3A_373 = arith.cmpi ne, %rem3A_371, %ne3A_372 : i32
        %lt3A_374 = arith.constant 0 : i32
        %lt3A_375 = arith.cmpi slt, %rem3A_371, %lt3A_374 : i32
        %lt3A_376 = arith.constant 0 : i32
        %lt3A_377 = arith.cmpi slt, %select_n3A_370, %lt3A_376 : i32
        %ne3A_378 = arith.xori %lt3A_375, %lt3A_377 : i1
        %and3A_379 = arith.andi %ne3A_378, %ne3A_373 : i1
        %add3A_380 = arith.addi %rem3A_371, %select_n3A_370 : i32
        %select_n3A_381 = arith.select %and3A_379, %add3A_380, %rem3A_371 : i32
        %dma_wait3A_382 = arith.constant 0 : i32
        %dma_wait3A_383 = arith.constant 0 : i32
        %dma_wait3A_384 = tpu.memref_slice %arg5[%select_n3A_381, %dma_wait3A_382, %dma_wait3A_383] : memref<3x2x128xi32, #tpu.memory_space<vmem>> -> memref<1x2x128xi32, #tpu.memory_space<vmem>>
        %dma_wait3A_385 = tpu.memref_squeeze %dma_wait3A_384 : memref<1x2x128xi32, #tpu.memory_space<vmem>> -> memref<2x128xi32, #tpu.memory_space<vmem>>
        %dma_wait3A_386 = arith.constant 0 : i32
        %dma_wait3A_387 = tpu.memref_slice %arg3[%dma_wait3A_386, %mul3A_365] : memref<2x320000xi32, #tpu.memory_space<hbm>> -> memref<2x128xi32, #tpu.memory_space<hbm>>
        %dma_wait3A_388 = arith.constant 0 : i32
        %dma_wait3A_389 = arith.constant 0 : i32
        %dma_wait3A_390 = tpu.memref_slice %arg5[%select_n3A_381, %dma_wait3A_388, %dma_wait3A_389] : memref<3x2x128xi32, #tpu.memory_space<vmem>> -> memref<1x2x128xi32, #tpu.memory_space<vmem>>
        %dma_wait3A_391 = tpu.memref_squeeze %dma_wait3A_390 : memref<1x2x128xi32, #tpu.memory_space<vmem>> -> memref<2x128xi32, #tpu.memory_space<vmem>>
        %dma_wait3A_392 = arith.constant 0 : i32
        %dma_wait3A_393 = tpu.memref_slice %arg3[%dma_wait3A_392, %mul3A_365] : memref<2x320000xi32, #tpu.memory_space<hbm>> -> memref<2x128xi32, #tpu.memory_space<hbm>>
        tpu.wait_dma2 semaphore(%arg9 : memref<!tpu.dma_semaphore, #tpu.memory_space<semaphore_mem>>) src(%dma_wait3A_393 : memref<2x128xi32, #tpu.memory_space<hbm>>) dst(%dma_wait3A_391 : memref<2x128xi32, #tpu.memory_space<vmem>>)
        %add3A_394 = arith.constant 1 : i32
        %add3A_395 = arith.addi %while3A_255, %add3A_394 : i32
        %jit3A_396 = arith.constant 3 : i32
        %eq3A_397 = arith.constant 0 : i32
        %eq3A_398 = arith.cmpi eq, %jit3A_396, %eq3A_397 : i32
        %jit3A_399 = arith.constant 1 : i32
        %select_n3A_400 = arith.select %eq3A_398, %jit3A_399, %jit3A_396 : i32
        %rem3A_401 = arith.remsi %add3A_395, %select_n3A_400 : i32
        %ne3A_402 = arith.constant 0 : i32
        %ne3A_403 = arith.cmpi ne, %rem3A_401, %ne3A_402 : i32
        %lt3A_404 = arith.constant 0 : i32
        %lt3A_405 = arith.cmpi slt, %rem3A_401, %lt3A_404 : i32
        %lt3A_406 = arith.constant 0 : i32
        %lt3A_407 = arith.cmpi slt, %select_n3A_400, %lt3A_406 : i32
        %ne3A_408 = arith.xori %lt3A_405, %lt3A_407 : i1
        %and3A_409 = arith.andi %ne3A_408, %ne3A_403 : i1
        %add3A_410 = arith.addi %rem3A_401, %select_n3A_400 : i32
        %select_n3A_411 = arith.select %and3A_409, %add3A_410, %rem3A_401 : i32
        %jit3A_412 = arith.constant 2 : i32
        %eq3A_413 = arith.constant 0 : i32
        %eq3A_414 = arith.cmpi eq, %jit3A_412, %eq3A_413 : i32
        %jit3A_415 = arith.constant 1 : i32
        %select_n3A_416 = arith.select %eq3A_414, %jit3A_415, %jit3A_412 : i32
        %rem3A_417 = arith.remsi %add3A_395, %select_n3A_416 : i32
        %ne3A_418 = arith.constant 0 : i32
        %ne3A_419 = arith.cmpi ne, %rem3A_417, %ne3A_418 : i32
        %lt3A_420 = arith.constant 0 : i32
        %lt3A_421 = arith.cmpi slt, %rem3A_417, %lt3A_420 : i32
        %lt3A_422 = arith.constant 0 : i32
        %lt3A_423 = arith.cmpi slt, %select_n3A_416, %lt3A_422 : i32
        %ne3A_424 = arith.xori %lt3A_421, %lt3A_423 : i1
        %and3A_425 = arith.andi %ne3A_424, %ne3A_419 : i1
        %add3A_426 = arith.addi %rem3A_417, %select_n3A_416 : i32
        %select_n3A_427 = arith.select %and3A_425, %add3A_426, %rem3A_417 : i32
        %dma_start3A_428 = arith.constant 0 : i32
        %dma_start3A_429 = arith.constant 0 : i32
        %dma_start3A_430 = arith.constant 0 : i32
        %dma_start3A_431 = tpu.memref_slice %arg6[%select_n3A_427, %dma_start3A_429, %dma_start3A_430] : memref<2x128x128xf32, #tpu.memory_space<vmem>> -> memref<1x128x128xf32, #tpu.memory_space<vmem>>
        %dma_start3A_432 = tpu.memref_squeeze %dma_start3A_431 : memref<1x128x128xf32, #tpu.memory_space<vmem>> -> memref<128x128xf32, #tpu.memory_space<vmem>>
        %dma_start3A_433 = arith.constant 0 : i32
        %dma_start3A_434 = tpu.memref_slice %arg5[%select_n3A_411, %dma_start3A_428, %dma_start3A_433] : memref<3x2x128xi32, #tpu.memory_space<vmem>> -> memref<1x1x128xi32, #tpu.memory_space<vmem>>
        %dma_start3A_435 = tpu.memref_squeeze %dma_start3A_434 : memref<1x1x128xi32, #tpu.memory_space<vmem>> -> memref<128xi32, #tpu.memory_space<vmem>>
        %dma_start3A_436 = arith.constant 0 : i32
        %dma_start3A_437 = arith.constant 0 : i32
        %dma_start3A_438 = tpu.memref_slice %arg2[%dma_start3A_436, %dma_start3A_437] : memref<10000x128xf32, #tpu.memory_space<hbm>> -> memref<10000x128xf32, #tpu.memory_space<hbm>>
        tpu.enqueue_indirect_dma source(%dma_start3A_438 : memref<10000x128xf32, #tpu.memory_space<hbm>>) target(%dma_start3A_432 : memref<128x128xf32, #tpu.memory_space<vmem>>) offsets(%dma_start3A_435 : memref<128xi32, #tpu.memory_space<vmem>>) semaphore(%arg10 : memref<!tpu.dma_semaphore, #tpu.memory_space<semaphore_mem>>)
      } else {
      }
      %jit3A_273 = arith.constant 3 : i32
      %eq3A_274 = arith.constant 0 : i32
      %eq3A_275 = arith.cmpi eq, %jit3A_273, %eq3A_274 : i32
      %jit3A_276 = arith.constant 1 : i32
      %select_n3A_277 = arith.select %eq3A_275, %jit3A_276, %jit3A_273 : i32
      %rem3A_278 = arith.remsi %while3A_255, %select_n3A_277 : i32
      %ne3A_279 = arith.constant 0 : i32
      %ne3A_280 = arith.cmpi ne, %rem3A_278, %ne3A_279 : i32
      %lt3A_281 = arith.constant 0 : i32
      %lt3A_282 = arith.cmpi slt, %rem3A_278, %lt3A_281 : i32
      %lt3A_283 = arith.constant 0 : i32
      %lt3A_284 = arith.cmpi slt, %select_n3A_277, %lt3A_283 : i32
      %ne3A_285 = arith.xori %lt3A_282, %lt3A_284 : i1
      %and3A_286 = arith.andi %ne3A_285, %ne3A_280 : i1
      %add3A_287 = arith.addi %rem3A_278, %select_n3A_277 : i32
      %select_n3A_288 = arith.select %and3A_286, %add3A_287, %rem3A_278 : i32
      %jit3A_289 = arith.constant 2 : i32
      %eq3A_290 = arith.constant 0 : i32
      %eq3A_291 = arith.cmpi eq, %jit3A_289, %eq3A_290 : i32
      %jit3A_292 = arith.constant 1 : i32
      %select_n3A_293 = arith.select %eq3A_291, %jit3A_292, %jit3A_289 : i32
      %rem3A_294 = arith.remsi %while3A_255, %select_n3A_293 : i32
      %ne3A_295 = arith.constant 0 : i32
      %ne3A_296 = arith.cmpi ne, %rem3A_294, %ne3A_295 : i32
      %lt3A_297 = arith.constant 0 : i32
      %lt3A_298 = arith.cmpi slt, %rem3A_294, %lt3A_297 : i32
      %lt3A_299 = arith.constant 0 : i32
      %lt3A_300 = arith.cmpi slt, %select_n3A_293, %lt3A_299 : i32
      %ne3A_301 = arith.xori %lt3A_298, %lt3A_300 : i1
      %and3A_302 = arith.andi %ne3A_301, %ne3A_296 : i1
      %add3A_303 = arith.addi %rem3A_294, %select_n3A_293 : i32
      %select_n3A_304 = arith.select %and3A_302, %add3A_303, %rem3A_294 : i32
      %dma_wait3A_305 = arith.constant 0 : i32
      %dma_wait3A_306 = arith.constant 0 : i32
      %dma_wait3A_307 = arith.constant 0 : i32
      %dma_wait3A_308 = tpu.memref_slice %arg6[%select_n3A_304, %dma_wait3A_306, %dma_wait3A_307] : memref<2x128x128xf32, #tpu.memory_space<vmem>> -> memref<1x128x128xf32, #tpu.memory_space<vmem>>
      %dma_wait3A_309 = tpu.memref_squeeze %dma_wait3A_308 : memref<1x128x128xf32, #tpu.memory_space<vmem>> -> memref<128x128xf32, #tpu.memory_space<vmem>>
      %dma_wait3A_310 = arith.constant 0 : i32
      %dma_wait3A_311 = tpu.memref_slice %arg5[%select_n3A_288, %dma_wait3A_305, %dma_wait3A_310] : memref<3x2x128xi32, #tpu.memory_space<vmem>> -> memref<1x1x128xi32, #tpu.memory_space<vmem>>
      %dma_wait3A_312 = tpu.memref_squeeze %dma_wait3A_311 : memref<1x1x128xi32, #tpu.memory_space<vmem>> -> memref<128xi32, #tpu.memory_space<vmem>>
      %dma_wait3A_313 = arith.constant 0 : i32
      %dma_wait3A_314 = arith.constant 0 : i32
      %dma_wait3A_315 = tpu.memref_slice %arg2[%dma_wait3A_313, %dma_wait3A_314] : memref<10000x128xf32, #tpu.memory_space<hbm>> -> memref<10000x128xf32, #tpu.memory_space<hbm>>
      tpu.wait_indirect_dma semaphore(%arg10 : memref<!tpu.dma_semaphore, #tpu.memory_space<semaphore_mem>>) src(%dma_wait3A_315 : memref<10000x128xf32, #tpu.memory_space<hbm>>) dst(%dma_wait3A_309 : memref<128x128xf32, #tpu.memory_space<vmem>>)
      %jit3A_316 = arith.constant 3 : i32
      %eq3A_317 = arith.constant 0 : i32
      %eq3A_318 = arith.cmpi eq, %jit3A_316, %eq3A_317 : i32
      %jit3A_319 = arith.constant 1 : i32
      %select_n3A_320 = arith.select %eq3A_318, %jit3A_319, %jit3A_316 : i32
      %rem3A_321 = arith.remsi %while3A_255, %select_n3A_320 : i32
      %ne3A_322 = arith.constant 0 : i32
      %ne3A_323 = arith.cmpi ne, %rem3A_321, %ne3A_322 : i32
      %lt3A_324 = arith.constant 0 : i32
      %lt3A_325 = arith.cmpi slt, %rem3A_321, %lt3A_324 : i32
      %lt3A_326 = arith.constant 0 : i32
      %lt3A_327 = arith.cmpi slt, %select_n3A_320, %lt3A_326 : i32
      %ne3A_328 = arith.xori %lt3A_325, %lt3A_327 : i1
      %and3A_329 = arith.andi %ne3A_328, %ne3A_323 : i1
      %add3A_330 = arith.addi %rem3A_321, %select_n3A_320 : i32
      %select_n3A_331 = arith.select %and3A_329, %add3A_330, %rem3A_321 : i32
      %jit3A_332 = arith.constant 2 : i32
      %eq3A_333 = arith.constant 0 : i32
      %eq3A_334 = arith.cmpi eq, %jit3A_332, %eq3A_333 : i32
      %jit3A_335 = arith.constant 1 : i32
      %select_n3A_336 = arith.select %eq3A_334, %jit3A_335, %jit3A_332 : i32
      %rem3A_337 = arith.remsi %while3A_255, %select_n3A_336 : i32
      %ne3A_338 = arith.constant 0 : i32
      %ne3A_339 = arith.cmpi ne, %rem3A_337, %ne3A_338 : i32
      %lt3A_340 = arith.constant 0 : i32
      %lt3A_341 = arith.cmpi slt, %rem3A_337, %lt3A_340 : i32
      %lt3A_342 = arith.constant 0 : i32
      %lt3A_343 = arith.cmpi slt, %select_n3A_336, %lt3A_342 : i32
      %ne3A_344 = arith.xori %lt3A_341, %lt3A_343 : i1
      %and3A_345 = arith.andi %ne3A_344, %ne3A_339 : i1
      %add3A_346 = arith.addi %rem3A_337, %select_n3A_336 : i32
      %select_n3A_347 = arith.select %and3A_345, %add3A_346, %rem3A_337 : i32
      %dma_start3A_348 = arith.constant 1 : i32
      %dma_start3A_349 = arith.constant 0 : i32
      %dma_start3A_350 = arith.constant 0 : i32
      %dma_start3A_351 = tpu.memref_slice %arg6[%select_n3A_347, %dma_start3A_349, %dma_start3A_350] : memref<2x128x128xf32, #tpu.memory_space<vmem>> -> memref<1x128x128xf32, #tpu.memory_space<vmem>>
      %dma_start3A_352 = tpu.memref_squeeze %dma_start3A_351 : memref<1x128x128xf32, #tpu.memory_space<vmem>> -> memref<128x128xf32, #tpu.memory_space<vmem>>
      %dma_start3A_353 = arith.constant 0 : i32
      %dma_start3A_354 = tpu.memref_slice %arg5[%select_n3A_331, %dma_start3A_348, %dma_start3A_353] : memref<3x2x128xi32, #tpu.memory_space<vmem>> -> memref<1x1x128xi32, #tpu.memory_space<vmem>>
      %dma_start3A_355 = tpu.memref_squeeze %dma_start3A_354 : memref<1x1x128xi32, #tpu.memory_space<vmem>> -> memref<128xi32, #tpu.memory_space<vmem>>
      %dma_start3A_356 = arith.constant 0 : i32
      %dma_start3A_357 = arith.constant 0 : i32
      %dma_start3A_358 = tpu.memref_slice %arg8[%dma_start3A_356, %dma_start3A_357] : memref<10240x128xf32, #tpu.memory_space<vmem_shared>> -> memref<10240x128xf32, #tpu.memory_space<vmem_shared>>
      tpu.enqueue_indirect_dma source(%dma_start3A_352 : memref<128x128xf32, #tpu.memory_space<vmem>>) target(%dma_start3A_358 : memref<10240x128xf32, #tpu.memory_space<vmem_shared>>) offsets(%dma_start3A_355 : memref<128xi32, #tpu.memory_space<vmem>>) semaphore(%arg11 : memref<!tpu.dma_semaphore, #tpu.memory_space<semaphore_mem>>) {add = true}
    }
    %while3A_209 = arith.constant 1 : i32
    scf.for %while3A_255 = %while3A_207 to %while3A_203 step %while3A_209  : i32 {
      %ge3A = arith.constant 1 : i32
      %ge3A_256 = arith.cmpi sge, %while3A_255, %ge3A : i32
      %convert_element_type3A = arith.extui %ge3A_256 : i1 to i32
      %cond3A = arith.constant 0 : i32
      %cond3A_257 = arith.cmpi ne, %convert_element_type3A, %cond3A : i32
      scf.if %cond3A_257 {
        %sub3A_359 = arith.constant 1 : i32
        %sub3A_360 = arith.subi %while3A_255, %sub3A_359 : i32
        %jit3A_361 = arith.constant 3 : i32
        %eq3A_362 = arith.constant 0 : i32
        %eq3A_363 = arith.cmpi eq, %jit3A_361, %eq3A_362 : i32
        %jit3A_364 = arith.constant 1 : i32
        %select_n3A_365 = arith.select %eq3A_363, %jit3A_364, %jit3A_361 : i32
        %rem3A_366 = arith.remsi %sub3A_360, %select_n3A_365 : i32
        %ne3A_367 = arith.constant 0 : i32
        %ne3A_368 = arith.cmpi ne, %rem3A_366, %ne3A_367 : i32
        %lt3A_369 = arith.constant 0 : i32
        %lt3A_370 = arith.cmpi slt, %rem3A_366, %lt3A_369 : i32
        %lt3A_371 = arith.constant 0 : i32
        %lt3A_372 = arith.cmpi slt, %select_n3A_365, %lt3A_371 : i32
        %ne3A_373 = arith.xori %lt3A_370, %lt3A_372 : i1
        %and3A_374 = arith.andi %ne3A_373, %ne3A_368 : i1
        %add3A_375 = arith.addi %rem3A_366, %select_n3A_365 : i32
        %select_n3A_376 = arith.select %and3A_374, %add3A_375, %rem3A_366 : i32
        %jit3A_377 = arith.constant 2 : i32
        %eq3A_378 = arith.constant 0 : i32
        %eq3A_379 = arith.cmpi eq, %jit3A_377, %eq3A_378 : i32
        %jit3A_380 = arith.constant 1 : i32
        %select_n3A_381 = arith.select %eq3A_379, %jit3A_380, %jit3A_377 : i32
        %rem3A_382 = arith.remsi %sub3A_360, %select_n3A_381 : i32
        %ne3A_383 = arith.constant 0 : i32
        %ne3A_384 = arith.cmpi ne, %rem3A_382, %ne3A_383 : i32
        %lt3A_385 = arith.constant 0 : i32
        %lt3A_386 = arith.cmpi slt, %rem3A_382, %lt3A_385 : i32
        %lt3A_387 = arith.constant 0 : i32
        %lt3A_388 = arith.cmpi slt, %select_n3A_381, %lt3A_387 : i32
        %ne3A_389 = arith.xori %lt3A_386, %lt3A_388 : i1
        %and3A_390 = arith.andi %ne3A_389, %ne3A_384 : i1
        %add3A_391 = arith.addi %rem3A_382, %select_n3A_381 : i32
        %select_n3A_392 = arith.select %and3A_390, %add3A_391, %rem3A_382 : i32
        %dma_wait3A_393 = arith.constant 1 : i32
        %dma_wait3A_394 = arith.constant 0 : i32
        %dma_wait3A_395 = arith.constant 0 : i32
        %dma_wait3A_396 = tpu.memref_slice %arg6[%select_n3A_392, %dma_wait3A_394, %dma_wait3A_395] : memref<2x128x128xf32, #tpu.memory_space<vmem>> -> memref<1x128x128xf32, #tpu.memory_space<vmem>>
        %dma_wait3A_397 = tpu.memref_squeeze %dma_wait3A_396 : memref<1x128x128xf32, #tpu.memory_space<vmem>> -> memref<128x128xf32, #tpu.memory_space<vmem>>
        %dma_wait3A_398 = arith.constant 0 : i32
        %dma_wait3A_399 = tpu.memref_slice %arg5[%select_n3A_376, %dma_wait3A_393, %dma_wait3A_398] : memref<3x2x128xi32, #tpu.memory_space<vmem>> -> memref<1x1x128xi32, #tpu.memory_space<vmem>>
        %dma_wait3A_400 = tpu.memref_squeeze %dma_wait3A_399 : memref<1x1x128xi32, #tpu.memory_space<vmem>> -> memref<128xi32, #tpu.memory_space<vmem>>
        %dma_wait3A_401 = arith.constant 0 : i32
        %dma_wait3A_402 = arith.constant 0 : i32
        %dma_wait3A_403 = tpu.memref_slice %arg8[%dma_wait3A_401, %dma_wait3A_402] : memref<10240x128xf32, #tpu.memory_space<vmem_shared>> -> memref<10240x128xf32, #tpu.memory_space<vmem_shared>>
        tpu.wait_indirect_dma semaphore(%arg11 : memref<!tpu.dma_semaphore, #tpu.memory_space<semaphore_mem>>) src(%dma_wait3A_397 : memref<128x128xf32, #tpu.memory_space<vmem>>) dst(%dma_wait3A_403 : memref<10240x128xf32, #tpu.memory_space<vmem_shared>>)
      } else {
      }
      %add3A_258 = arith.constant 2 : i32
      %add3A_259 = arith.addi %while3A_255, %add3A_258 : i32
      %sub3A_260 = arith.constant 1 : i32
      %sub3A_261 = arith.subi %add3A_4, %sub3A_260 : i32
      %le3A = arith.cmpi sle, %add3A_259, %sub3A_261 : i32
      %convert_element_type3A_262 = arith.extui %le3A : i1 to i32
      %cond3A_263 = arith.constant 0 : i32
      %cond3A_264 = arith.cmpi ne, %convert_element_type3A_262, %cond3A_263 : i32
      scf.if %cond3A_264 {
        %add3A_359 = arith.constant 2 : i32
        %add3A_360 = arith.addi %while3A_255, %add3A_359 : i32
        %mul3A_361 = arith.constant 32 : i32
        %mul3A_362 = arith.muli %add3A_360, %mul3A_361 : i32
        %add3A_363 = arith.addi %add3A, %mul3A_362 : i32
        %mul3A_364 = arith.constant 128 : i32
        %mul3A_365 = arith.muli %add3A_363, %mul3A_364 : i32
        %jit3A_366 = arith.constant 3 : i32
        %eq3A_367 = arith.constant 0 : i32
        %eq3A_368 = arith.cmpi eq, %jit3A_366, %eq3A_367 : i32
        %jit3A_369 = arith.constant 1 : i32
        %select_n3A_370 = arith.select %eq3A_368, %jit3A_369, %jit3A_366 : i32
        %rem3A_371 = arith.remsi %add3A_360, %select_n3A_370 : i32
        %ne3A_372 = arith.constant 0 : i32
        %ne3A_373 = arith.cmpi ne, %rem3A_371, %ne3A_372 : i32
        %lt3A_374 = arith.constant 0 : i32
        %lt3A_375 = arith.cmpi slt, %rem3A_371, %lt3A_374 : i32
        %lt3A_376 = arith.constant 0 : i32
        %lt3A_377 = arith.cmpi slt, %select_n3A_370, %lt3A_376 : i32
        %ne3A_378 = arith.xori %lt3A_375, %lt3A_377 : i1
        %and3A_379 = arith.andi %ne3A_378, %ne3A_373 : i1
        %add3A_380 = arith.addi %rem3A_371, %select_n3A_370 : i32
        %select_n3A_381 = arith.select %and3A_379, %add3A_380, %rem3A_371 : i32
        %dma_start3A_382 = arith.constant 0 : i32
        %dma_start3A_383 = arith.constant 0 : i32
        %dma_start3A_384 = tpu.memref_slice %arg5[%select_n3A_381, %dma_start3A_382, %dma_start3A_383] : memref<3x2x128xi32, #tpu.memory_space<vmem>> -> memref<1x2x128xi32, #tpu.memory_space<vmem>>
        %dma_start3A_385 = tpu.memref_squeeze %dma_start3A_384 : memref<1x2x128xi32, #tpu.memory_space<vmem>> -> memref<2x128xi32, #tpu.memory_space<vmem>>
        %dma_start3A_386 = arith.constant 0 : i32
        %dma_start3A_387 = tpu.memref_slice %arg3[%dma_start3A_386, %mul3A_365] : memref<2x320000xi32, #tpu.memory_space<hbm>> -> memref<2x128xi32, #tpu.memory_space<hbm>>
        %dma_start3A_388 = arith.constant 0 : i32
        %dma_start3A_389 = arith.constant 0 : i32
        %dma_start3A_390 = tpu.memref_slice %arg5[%select_n3A_381, %dma_start3A_388, %dma_start3A_389] : memref<3x2x128xi32, #tpu.memory_space<vmem>> -> memref<1x2x128xi32, #tpu.memory_space<vmem>>
        %dma_start3A_391 = tpu.memref_squeeze %dma_start3A_390 : memref<1x2x128xi32, #tpu.memory_space<vmem>> -> memref<2x128xi32, #tpu.memory_space<vmem>>
        %dma_start3A_392 = arith.constant 0 : i32
        %dma_start3A_393 = tpu.memref_slice %arg3[%dma_start3A_392, %mul3A_365] : memref<2x320000xi32, #tpu.memory_space<hbm>> -> memref<2x128xi32, #tpu.memory_space<hbm>>
        tpu.enqueue_dma source(%dma_start3A_393 : memref<2x128xi32, #tpu.memory_space<hbm>>) target(%dma_start3A_391 : memref<2x128xi32, #tpu.memory_space<vmem>>) target_semaphore(%arg9 : memref<!tpu.dma_semaphore, #tpu.memory_space<semaphore_mem>>)
      } else {
      }
      %add3A_265 = arith.constant 1 : i32
      %add3A_266 = arith.addi %while3A_255, %add3A_265 : i32
      %sub3A_267 = arith.constant 1 : i32
      %sub3A_268 = arith.subi %add3A_4, %sub3A_267 : i32
      %le3A_269 = arith.cmpi sle, %add3A_266, %sub3A_268 : i32
      %convert_element_type3A_270 = arith.extui %le3A_269 : i1 to i32
      %cond3A_271 = arith.constant 0 : i32
      %cond3A_272 = arith.cmpi ne, %convert_element_type3A_270, %cond3A_271 : i32
      scf.if %cond3A_272 {
        %add3A_359 = arith.constant 1 : i32
        %add3A_360 = arith.addi %while3A_255, %add3A_359 : i32
        %mul3A_361 = arith.constant 32 : i32
        %mul3A_362 = arith.muli %add3A_360, %mul3A_361 : i32
        %add3A_363 = arith.addi %add3A, %mul3A_362 : i32
        %mul3A_364 = arith.constant 128 : i32
        %mul3A_365 = arith.muli %add3A_363, %mul3A_364 : i32
        %jit3A_366 = arith.constant 3 : i32
        %eq3A_367 = arith.constant 0 : i32
        %eq3A_368 = arith.cmpi eq, %jit3A_366, %eq3A_367 : i32
        %jit3A_369 = arith.constant 1 : i32
        %select_n3A_370 = arith.select %eq3A_368, %jit3A_369, %jit3A_366 : i32
        %rem3A_371 = arith.remsi %add3A_360, %select_n3A_370 : i32
        %ne3A_372 = arith.constant 0 : i32
        %ne3A_373 = arith.cmpi ne, %rem3A_371, %ne3A_372 : i32
        %lt3A_374 = arith.constant 0 : i32
        %lt3A_375 = arith.cmpi slt, %rem3A_371, %lt3A_374 : i32
        %lt3A_376 = arith.constant 0 : i32
        %lt3A_377 = arith.cmpi slt, %select_n3A_370, %lt3A_376 : i32
        %ne3A_378 = arith.xori %lt3A_375, %lt3A_377 : i1
        %and3A_379 = arith.andi %ne3A_378, %ne3A_373 : i1
        %add3A_380 = arith.addi %rem3A_371, %select_n3A_370 : i32
        %select_n3A_381 = arith.select %and3A_379, %add3A_380, %rem3A_371 : i32
        %dma_wait3A_382 = arith.constant 0 : i32
        %dma_wait3A_383 = arith.constant 0 : i32
        %dma_wait3A_384 = tpu.memref_slice %arg5[%select_n3A_381, %dma_wait3A_382, %dma_wait3A_383] : memref<3x2x128xi32, #tpu.memory_space<vmem>> -> memref<1x2x128xi32, #tpu.memory_space<vmem>>
        %dma_wait3A_385 = tpu.memref_squeeze %dma_wait3A_384 : memref<1x2x128xi32, #tpu.memory_space<vmem>> -> memref<2x128xi32, #tpu.memory_space<vmem>>
        %dma_wait3A_386 = arith.constant 0 : i32
        %dma_wait3A_387 = tpu.memref_slice %arg3[%dma_wait3A_386, %mul3A_365] : memref<2x320000xi32, #tpu.memory_space<hbm>> -> memref<2x128xi32, #tpu.memory_space<hbm>>
        %dma_wait3A_388 = arith.constant 0 : i32
        %dma_wait3A_389 = arith.constant 0 : i32
        %dma_wait3A_390 = tpu.memref_slice %arg5[%select_n3A_381, %dma_wait3A_388, %dma_wait3A_389] : memref<3x2x128xi32, #tpu.memory_space<vmem>> -> memref<1x2x128xi32, #tpu.memory_space<vmem>>
        %dma_wait3A_391 = tpu.memref_squeeze %dma_wait3A_390 : memref<1x2x128xi32, #tpu.memory_space<vmem>> -> memref<2x128xi32, #tpu.memory_space<vmem>>
        %dma_wait3A_392 = arith.constant 0 : i32
        %dma_wait3A_393 = tpu.memref_slice %arg3[%dma_wait3A_392, %mul3A_365] : memref<2x320000xi32, #tpu.memory_space<hbm>> -> memref<2x128xi32, #tpu.memory_space<hbm>>
        tpu.wait_dma2 semaphore(%arg9 : memref<!tpu.dma_semaphore, #tpu.memory_space<semaphore_mem>>) src(%dma_wait3A_393 : memref<2x128xi32, #tpu.memory_space<hbm>>) dst(%dma_wait3A_391 : memref<2x128xi32, #tpu.memory_space<vmem>>)
        %add3A_394 = arith.constant 1 : i32
        %add3A_395 = arith.addi %while3A_255, %add3A_394 : i32
        %jit3A_396 = arith.constant 3 : i32
        %eq3A_397 = arith.constant 0 : i32
        %eq3A_398 = arith.cmpi eq, %jit3A_396, %eq3A_397 : i32
        %jit3A_399 = arith.constant 1 : i32
        %select_n3A_400 = arith.select %eq3A_398, %jit3A_399, %jit3A_396 : i32
        %rem3A_401 = arith.remsi %add3A_395, %select_n3A_400 : i32
        %ne3A_402 = arith.constant 0 : i32
        %ne3A_403 = arith.cmpi ne, %rem3A_401, %ne3A_402 : i32
        %lt3A_404 = arith.constant 0 : i32
        %lt3A_405 = arith.cmpi slt, %rem3A_401, %lt3A_404 : i32
        %lt3A_406 = arith.constant 0 : i32
        %lt3A_407 = arith.cmpi slt, %select_n3A_400, %lt3A_406 : i32
        %ne3A_408 = arith.xori %lt3A_405, %lt3A_407 : i1
        %and3A_409 = arith.andi %ne3A_408, %ne3A_403 : i1
        %add3A_410 = arith.addi %rem3A_401, %select_n3A_400 : i32
        %select_n3A_411 = arith.select %and3A_409, %add3A_410, %rem3A_401 : i32
        %jit3A_412 = arith.constant 2 : i32
        %eq3A_413 = arith.constant 0 : i32
        %eq3A_414 = arith.cmpi eq, %jit3A_412, %eq3A_413 : i32
        %jit3A_415 = arith.constant 1 : i32
        %select_n3A_416 = arith.select %eq3A_414, %jit3A_415, %jit3A_412 : i32
        %rem3A_417 = arith.remsi %add3A_395, %select_n3A_416 : i32
        %ne3A_418 = arith.constant 0 : i32
        %ne3A_419 = arith.cmpi ne, %rem3A_417, %ne3A_418 : i32
        %lt3A_420 = arith.constant 0 : i32
        %lt3A_421 = arith.cmpi slt, %rem3A_417, %lt3A_420 : i32
        %lt3A_422 = arith.constant 0 : i32
        %lt3A_423 = arith.cmpi slt, %select_n3A_416, %lt3A_422 : i32
        %ne3A_424 = arith.xori %lt3A_421, %lt3A_423 : i1
        %and3A_425 = arith.andi %ne3A_424, %ne3A_419 : i1
        %add3A_426 = arith.addi %rem3A_417, %select_n3A_416 : i32
        %select_n3A_427 = arith.select %and3A_425, %add3A_426, %rem3A_417 : i32
        %dma_start3A_428 = arith.constant 0 : i32
        %dma_start3A_429 = arith.constant 0 : i32
        %dma_start3A_430 = arith.constant 0 : i32
        %dma_start3A_431 = tpu.memref_slice %arg6[%select_n3A_427, %dma_start3A_429, %dma_start3A_430] : memref<2x128x128xf32, #tpu.memory_space<vmem>> -> memref<1x128x128xf32, #tpu.memory_space<vmem>>
        %dma_start3A_432 = tpu.memref_squeeze %dma_start3A_431 : memref<1x128x128xf32, #tpu.memory_space<vmem>> -> memref<128x128xf32, #tpu.memory_space<vmem>>
        %dma_start3A_433 = arith.constant 0 : i32
        %dma_start3A_434 = tpu.memref_slice %arg5[%select_n3A_411, %dma_start3A_428, %dma_start3A_433] : memref<3x2x128xi32, #tpu.memory_space<vmem>> -> memref<1x1x128xi32, #tpu.memory_space<vmem>>
        %dma_start3A_435 = tpu.memref_squeeze %dma_start3A_434 : memref<1x1x128xi32, #tpu.memory_space<vmem>> -> memref<128xi32, #tpu.memory_space<vmem>>
        %dma_start3A_436 = arith.constant 0 : i32
        %dma_start3A_437 = arith.constant 0 : i32
        %dma_start3A_438 = tpu.memref_slice %arg2[%dma_start3A_436, %dma_start3A_437] : memref<10000x128xf32, #tpu.memory_space<hbm>> -> memref<10000x128xf32, #tpu.memory_space<hbm>>
        tpu.enqueue_indirect_dma source(%dma_start3A_438 : memref<10000x128xf32, #tpu.memory_space<hbm>>) target(%dma_start3A_432 : memref<128x128xf32, #tpu.memory_space<vmem>>) offsets(%dma_start3A_435 : memref<128xi32, #tpu.memory_space<vmem>>) semaphore(%arg10 : memref<!tpu.dma_semaphore, #tpu.memory_space<semaphore_mem>>)
      } else {
      }
      %jit3A_273 = arith.constant 3 : i32
      %eq3A_274 = arith.constant 0 : i32
      %eq3A_275 = arith.cmpi eq, %jit3A_273, %eq3A_274 : i32
      %jit3A_276 = arith.constant 1 : i32
      %select_n3A_277 = arith.select %eq3A_275, %jit3A_276, %jit3A_273 : i32
      %rem3A_278 = arith.remsi %while3A_255, %select_n3A_277 : i32
      %ne3A_279 = arith.constant 0 : i32
      %ne3A_280 = arith.cmpi ne, %rem3A_278, %ne3A_279 : i32
      %lt3A_281 = arith.constant 0 : i32
      %lt3A_282 = arith.cmpi slt, %rem3A_278, %lt3A_281 : i32
      %lt3A_283 = arith.constant 0 : i32
      %lt3A_284 = arith.cmpi slt, %select_n3A_277, %lt3A_283 : i32
      %ne3A_285 = arith.xori %lt3A_282, %lt3A_284 : i1
      %and3A_286 = arith.andi %ne3A_285, %ne3A_280 : i1
      %add3A_287 = arith.addi %rem3A_278, %select_n3A_277 : i32
      %select_n3A_288 = arith.select %and3A_286, %add3A_287, %rem3A_278 : i32
      %jit3A_289 = arith.constant 2 : i32
      %eq3A_290 = arith.constant 0 : i32
      %eq3A_291 = arith.cmpi eq, %jit3A_289, %eq3A_290 : i32
      %jit3A_292 = arith.constant 1 : i32
      %select_n3A_293 = arith.select %eq3A_291, %jit3A_292, %jit3A_289 : i32
      %rem3A_294 = arith.remsi %while3A_255, %select_n3A_293 : i32
      %ne3A_295 = arith.constant 0 : i32
      %ne3A_296 = arith.cmpi ne, %rem3A_294, %ne3A_295 : i32
      %lt3A_297 = arith.constant 0 : i32
      %lt3A_298 = arith.cmpi slt, %rem3A_294, %lt3A_297 : i32
      %lt3A_299 = arith.constant 0 : i32
      %lt3A_300 = arith.cmpi slt, %select_n3A_293, %lt3A_299 : i32
      %ne3A_301 = arith.xori %lt3A_298, %lt3A_300 : i1
      %and3A_302 = arith.andi %ne3A_301, %ne3A_296 : i1
      %add3A_303 = arith.addi %rem3A_294, %select_n3A_293 : i32
      %select_n3A_304 = arith.select %and3A_302, %add3A_303, %rem3A_294 : i32
      %dma_wait3A_305 = arith.constant 0 : i32
      %dma_wait3A_306 = arith.constant 0 : i32
      %dma_wait3A_307 = arith.constant 0 : i32
      %dma_wait3A_308 = tpu.memref_slice %arg6[%select_n3A_304, %dma_wait3A_306, %dma_wait3A_307] : memref<2x128x128xf32, #tpu.memory_space<vmem>> -> memref<1x128x128xf32, #tpu.memory_space<vmem>>
      %dma_wait3A_309 = tpu.memref_squeeze %dma_wait3A_308 : memref<1x128x128xf32, #tpu.memory_space<vmem>> -> memref<128x128xf32, #tpu.memory_space<vmem>>
      %dma_wait3A_310 = arith.constant 0 : i32
      %dma_wait3A_311 = tpu.memref_slice %arg5[%select_n3A_288, %dma_wait3A_305, %dma_wait3A_310] : memref<3x2x128xi32, #tpu.memory_space<vmem>> -> memref<1x1x128xi32, #tpu.memory_space<vmem>>
      %dma_wait3A_312 = tpu.memref_squeeze %dma_wait3A_311 : memref<1x1x128xi32, #tpu.memory_space<vmem>> -> memref<128xi32, #tpu.memory_space<vmem>>
      %dma_wait3A_313 = arith.constant 0 : i32
      %dma_wait3A_314 = arith.constant 0 : i32
      %dma_wait3A_315 = tpu.memref_slice %arg2[%dma_wait3A_313, %dma_wait3A_314] : memref<10000x128xf32, #tpu.memory_space<hbm>> -> memref<10000x128xf32, #tpu.memory_space<hbm>>
      tpu.wait_indirect_dma semaphore(%arg10 : memref<!tpu.dma_semaphore, #tpu.memory_space<semaphore_mem>>) src(%dma_wait3A_315 : memref<10000x128xf32, #tpu.memory_space<hbm>>) dst(%dma_wait3A_309 : memref<128x128xf32, #tpu.memory_space<vmem>>)
      %jit3A_316 = arith.constant 3 : i32
      %eq3A_317 = arith.constant 0 : i32
      %eq3A_318 = arith.cmpi eq, %jit3A_316, %eq3A_317 : i32
      %jit3A_319 = arith.constant 1 : i32
      %select_n3A_320 = arith.select %eq3A_318, %jit3A_319, %jit3A_316 : i32
      %rem3A_321 = arith.remsi %while3A_255, %select_n3A_320 : i32
      %ne3A_322 = arith.constant 0 : i32
      %ne3A_323 = arith.cmpi ne, %rem3A_321, %ne3A_322 : i32
      %lt3A_324 = arith.constant 0 : i32
      %lt3A_325 = arith.cmpi slt, %rem3A_321, %lt3A_324 : i32
      %lt3A_326 = arith.constant 0 : i32
      %lt3A_327 = arith.cmpi slt, %select_n3A_320, %lt3A_326 : i32
      %ne3A_328 = arith.xori %lt3A_325, %lt3A_327 : i1
      %and3A_329 = arith.andi %ne3A_328, %ne3A_323 : i1
      %add3A_330 = arith.addi %rem3A_321, %select_n3A_320 : i32
      %select_n3A_331 = arith.select %and3A_329, %add3A_330, %rem3A_321 : i32
      %jit3A_332 = arith.constant 2 : i32
      %eq3A_333 = arith.constant 0 : i32
      %eq3A_334 = arith.cmpi eq, %jit3A_332, %eq3A_333 : i32
      %jit3A_335 = arith.constant 1 : i32
      %select_n3A_336 = arith.select %eq3A_334, %jit3A_335, %jit3A_332 : i32
      %rem3A_337 = arith.remsi %while3A_255, %select_n3A_336 : i32
      %ne3A_338 = arith.constant 0 : i32
      %ne3A_339 = arith.cmpi ne, %rem3A_337, %ne3A_338 : i32
      %lt3A_340 = arith.constant 0 : i32
      %lt3A_341 = arith.cmpi slt, %rem3A_337, %lt3A_340 : i32
      %lt3A_342 = arith.constant 0 : i32
      %lt3A_343 = arith.cmpi slt, %select_n3A_336, %lt3A_342 : i32
      %ne3A_344 = arith.xori %lt3A_341, %lt3A_343 : i1
      %and3A_345 = arith.andi %ne3A_344, %ne3A_339 : i1
      %add3A_346 = arith.addi %rem3A_337, %select_n3A_336 : i32
      %select_n3A_347 = arith.select %and3A_345, %add3A_346, %rem3A_337 : i32
      %dma_start3A_348 = arith.constant 1 : i32
      %dma_start3A_349 = arith.constant 0 : i32
      %dma_start3A_350 = arith.constant 0 : i32
      %dma_start3A_351 = tpu.memref_slice %arg6[%select_n3A_347, %dma_start3A_349, %dma_start3A_350] : memref<2x128x128xf32, #tpu.memory_space<vmem>> -> memref<1x128x128xf32, #tpu.memory_space<vmem>>
      %dma_start3A_352 = tpu.memref_squeeze %dma_start3A_351 : memref<1x128x128xf32, #tpu.memory_space<vmem>> -> memref<128x128xf32, #tpu.memory_space<vmem>>
      %dma_start3A_353 = arith.constant 0 : i32
      %dma_start3A_354 = tpu.memref_slice %arg5[%select_n3A_331, %dma_start3A_348, %dma_start3A_353] : memref<3x2x128xi32, #tpu.memory_space<vmem>> -> memref<1x1x128xi32, #tpu.memory_space<vmem>>
      %dma_start3A_355 = tpu.memref_squeeze %dma_start3A_354 : memref<1x1x128xi32, #tpu.memory_space<vmem>> -> memref<128xi32, #tpu.memory_space<vmem>>
      %dma_start3A_356 = arith.constant 0 : i32
      %dma_start3A_357 = arith.constant 0 : i32
      %dma_start3A_358 = tpu.memref_slice %arg8[%dma_start3A_356, %dma_start3A_357] : memref<10240x128xf32, #tpu.memory_space<vmem_shared>> -> memref<10240x128xf32, #tpu.memory_space<vmem_shared>>
      tpu.enqueue_indirect_dma source(%dma_start3A_352 : memref<128x128xf32, #tpu.memory_space<vmem>>) target(%dma_start3A_358 : memref<10240x128xf32, #tpu.memory_space<vmem_shared>>) offsets(%dma_start3A_355 : memref<128xi32, #tpu.memory_space<vmem>>) semaphore(%arg11 : memref<!tpu.dma_semaphore, #tpu.memory_space<semaphore_mem>>) {add = true}
    }
    %sub3A = arith.constant 1 : i32
    %sub3A_210 = arith.subi %add3A_4, %sub3A : i32
    %jit3A_211 = arith.constant 3 : i32
    %eq3A = arith.constant 0 : i32
    %eq3A_212 = arith.cmpi eq, %jit3A_211, %eq3A : i32
    %jit3A_213 = arith.constant 1 : i32
    %select_n3A_214 = arith.select %eq3A_212, %jit3A_213, %jit3A_211 : i32
    %rem3A = arith.remsi %sub3A_210, %select_n3A_214 : i32
    %ne3A = arith.constant 0 : i32
    %ne3A_215 = arith.cmpi ne, %rem3A, %ne3A : i32
    %lt3A_216 = arith.constant 0 : i32
    %lt3A_217 = arith.cmpi slt, %rem3A, %lt3A_216 : i32
    %lt3A_218 = arith.constant 0 : i32
    %lt3A_219 = arith.cmpi slt, %select_n3A_214, %lt3A_218 : i32
    %ne3A_220 = arith.xori %lt3A_217, %lt3A_219 : i1
    %and3A = arith.andi %ne3A_220, %ne3A_215 : i1
    %add3A_221 = arith.addi %rem3A, %select_n3A_214 : i32
    %select_n3A_222 = arith.select %and3A, %add3A_221, %rem3A : i32
    %jit3A_223 = arith.constant 2 : i32
    %eq3A_224 = arith.constant 0 : i32
    %eq3A_225 = arith.cmpi eq, %jit3A_223, %eq3A_224 : i32
    %jit3A_226 = arith.constant 1 : i32
    %select_n3A_227 = arith.select %eq3A_225, %jit3A_226, %jit3A_223 : i32
    %rem3A_228 = arith.remsi %sub3A_210, %select_n3A_227 : i32
    %ne3A_229 = arith.constant 0 : i32
    %ne3A_230 = arith.cmpi ne, %rem3A_228, %ne3A_229 : i32
    %lt3A_231 = arith.constant 0 : i32
    %lt3A_232 = arith.cmpi slt, %rem3A_228, %lt3A_231 : i32
    %lt3A_233 = arith.constant 0 : i32
    %lt3A_234 = arith.cmpi slt, %select_n3A_227, %lt3A_233 : i32
    %ne3A_235 = arith.xori %lt3A_232, %lt3A_234 : i1
    %and3A_236 = arith.andi %ne3A_235, %ne3A_230 : i1
    %add3A_237 = arith.addi %rem3A_228, %select_n3A_227 : i32
    %select_n3A_238 = arith.select %and3A_236, %add3A_237, %rem3A_228 : i32
    %dma_wait3A_239 = arith.constant 1 : i32
    %dma_wait3A_240 = arith.constant 0 : i32
    %dma_wait3A_241 = arith.constant 0 : i32
    %dma_wait3A_242 = tpu.memref_slice %arg6[%select_n3A_238, %dma_wait3A_240, %dma_wait3A_241] : memref<2x128x128xf32, #tpu.memory_space<vmem>> -> memref<1x128x128xf32, #tpu.memory_space<vmem>>
    %dma_wait3A_243 = tpu.memref_squeeze %dma_wait3A_242 : memref<1x128x128xf32, #tpu.memory_space<vmem>> -> memref<128x128xf32, #tpu.memory_space<vmem>>
    %dma_wait3A_244 = arith.constant 0 : i32
    %dma_wait3A_245 = tpu.memref_slice %arg5[%select_n3A_222, %dma_wait3A_239, %dma_wait3A_244] : memref<3x2x128xi32, #tpu.memory_space<vmem>> -> memref<1x1x128xi32, #tpu.memory_space<vmem>>
    %dma_wait3A_246 = tpu.memref_squeeze %dma_wait3A_245 : memref<1x1x128xi32, #tpu.memory_space<vmem>> -> memref<128xi32, #tpu.memory_space<vmem>>
    %dma_wait3A_247 = arith.constant 0 : i32
    %dma_wait3A_248 = arith.constant 0 : i32
    %dma_wait3A_249 = tpu.memref_slice %arg8[%dma_wait3A_247, %dma_wait3A_248] : memref<10240x128xf32, #tpu.memory_space<vmem_shared>> -> memref<10240x128xf32, #tpu.memory_space<vmem_shared>>
    tpu.wait_indirect_dma semaphore(%arg11 : memref<!tpu.dma_semaphore, #tpu.memory_space<semaphore_mem>>) src(%dma_wait3A_243 : memref<128x128xf32, #tpu.memory_space<vmem>>) dst(%dma_wait3A_249 : memref<10240x128xf32, #tpu.memory_space<vmem_shared>>)
    %barrier3A_250 = arith.constant 0 : index
    tpu.barrier barrier_id(%barrier3A_250)
    %mul3A_251 = arith.constant 640 : i32
    %mul3A_252 = arith.muli %arg1, %mul3A_251 : i32
    %mul3A_253 = arith.constant 640 : i32
    %mul3A_254 = arith.muli %arg1, %mul3A_253 : i32
    "tpu.region"() ({
      %run_scoped3A = tpu.sem_alloc : memref<!tpu.dma_semaphore, #tpu.memory_space<semaphore_mem>>
      %dma_start3A_255 = arith.constant 0 : i32
      %dma_start3A_256 = tpu.memref_slice %arg4[%arg0, %mul3A_254, %dma_start3A_255] : memref<2x10240x128xf32, #tpu.memory_space<hbm>> -> memref<1x640x128xf32, #tpu.memory_space<hbm>>
      %dma_start3A_257 = tpu.memref_squeeze %dma_start3A_256 : memref<1x640x128xf32, #tpu.memory_space<hbm>> -> memref<640x128xf32, #tpu.memory_space<hbm>>
      %dma_start3A_258 = arith.constant 0 : i32
      %dma_start3A_259 = tpu.memref_slice %arg8[%mul3A_252, %dma_start3A_258] : memref<10240x128xf32, #tpu.memory_space<vmem_shared>> -> memref<640x128xf32, #tpu.memory_space<vmem_shared>>
      tpu.enqueue_dma source(%dma_start3A_259 : memref<640x128xf32, #tpu.memory_space<vmem_shared>>) target(%dma_start3A_257 : memref<640x128xf32, #tpu.memory_space<hbm>>) target_semaphore(%run_scoped3A : memref<!tpu.dma_semaphore, #tpu.memory_space<semaphore_mem>>)
      %dma_wait3A_260 = arith.constant 0 : i32
      %dma_wait3A_261 = tpu.memref_slice %arg4[%arg0, %mul3A_254, %dma_wait3A_260] : memref<2x10240x128xf32, #tpu.memory_space<hbm>> -> memref<1x640x128xf32, #tpu.memory_space<hbm>>
      %dma_wait3A_262 = tpu.memref_squeeze %dma_wait3A_261 : memref<1x640x128xf32, #tpu.memory_space<hbm>> -> memref<640x128xf32, #tpu.memory_space<hbm>>
      %dma_wait3A_263 = arith.constant 0 : i32
      %dma_wait3A_264 = tpu.memref_slice %arg8[%mul3A_252, %dma_wait3A_263] : memref<10240x128xf32, #tpu.memory_space<vmem_shared>> -> memref<640x128xf32, #tpu.memory_space<vmem_shared>>
      tpu.wait_dma2 semaphore(%run_scoped3A : memref<!tpu.dma_semaphore, #tpu.memory_space<semaphore_mem>>) src(%dma_wait3A_264 : memref<640x128xf32, #tpu.memory_space<vmem_shared>>) dst(%dma_wait3A_262 : memref<640x128xf32, #tpu.memory_space<hbm>>)
      tpu.yield
    }) : () -> ()
    return
  }
}

#map = affine_map<(d0, d1) -> (0, 0)>
#map1 = affine_map<(d0, d1) -> (0, 0, 0)>
module attributes {stable_mosaic.version = 14 : i64} {
  func.func @_seg_sum_sc(%arg0: i32, %arg1: i32, %arg2: memref<10000x128xf32, #tpu.memory_space<hbm>>, %arg3: memref<2x320000xi32, #tpu.memory_space<hbm>>, %arg4: memref<2x10240x128xf32, #tpu.memory_space<hbm>>, %arg5: memref<3x2x128xi32, #tpu.memory_space<vmem>>, %arg6: memref<2x128x128xf32, #tpu.memory_space<vmem>>, %arg7: memref<80x128xf32, #tpu.memory_space<vmem>>, %arg8: memref<10240x128xf32, #tpu.memory_space<vmem_shared>>, %arg9: memref<!tpu.dma_semaphore, #tpu.memory_space<semaphore_mem>>, %arg10: memref<!tpu.dma_semaphore, #tpu.memory_space<semaphore_mem>>, %arg11: memref<!tpu.dma_semaphore, #tpu.memory_space<semaphore_mem>>) attributes {dimension_semantics = [#tpu.dimension_semantics<core_parallel>, #tpu.dimension_semantics<subcore_parallel>], iteration_bounds = array<i64: 2, 16>, scalar_prefetch = 0 : i64, scratch_operands = 7 : i64, tpu.core_type = #tpu.core_type<sc_vector_subcore>, window_params = [{transform_indices = #map}, {transform_indices = #map}, {transform_indices = #map1}]} {
    %mul3A = arith.constant 2 : i32
    %mul3A_0 = arith.muli %arg1, %mul3A : i32
    %add3A = arith.addi %mul3A_0, %arg0 : i32
    %lt3A = arith.constant 4 : i32
    %lt3A_1 = arith.cmpi slt, %add3A, %lt3A : i32
    %jit3A = arith.constant 1 : i32
    %jit3A_2 = arith.constant 0 : i32
    %select_n3A = arith.select %lt3A_1, %jit3A, %jit3A_2 : i32
    %add3A_3 = arith.constant 78 : i32
    %add3A_4 = arith.addi %add3A_3, %select_n3A : i32
    %add3A_5 = arith.constant 0 : i32
    %add3A_6 = arith.addi %add3A, %add3A_5 : i32
    %mul3A_7 = arith.constant 128 : i32
    %mul3A_8 = arith.muli %add3A_6, %mul3A_7 : i32
    %dma_start3A = arith.constant 0 : i32
    %dma_start3A_9 = arith.constant 0 : i32
    %dma_start3A_10 = arith.constant 0 : i32
    %dma_start3A_11 = tpu.memref_slice %arg5[%dma_start3A, %dma_start3A_9, %dma_start3A_10] : memref<3x2x128xi32, #tpu.memory_space<vmem>> -> memref<1x2x128xi32, #tpu.memory_space<vmem>>
    %dma_start3A_12 = tpu.memref_squeeze %dma_start3A_11 : memref<1x2x128xi32, #tpu.memory_space<vmem>> -> memref<2x128xi32, #tpu.memory_space<vmem>>
    %dma_start3A_13 = arith.constant 0 : i32
    %dma_start3A_14 = tpu.memref_slice %arg3[%dma_start3A_13, %mul3A_8] : memref<2x320000xi32, #tpu.memory_space<hbm>> -> memref<2x128xi32, #tpu.memory_space<hbm>>
    %dma_start3A_15 = arith.constant 0 : i32
    %dma_start3A_16 = arith.constant 0 : i32
    %dma_start3A_17 = tpu.memref_slice %arg5[%dma_start3A, %dma_start3A_15, %dma_start3A_16] : memref<3x2x128xi32, #tpu.memory_space<vmem>> -> memref<1x2x128xi32, #tpu.memory_space<vmem>>
    %dma_start3A_18 = tpu.memref_squeeze %dma_start3A_17 : memref<1x2x128xi32, #tpu.memory_space<vmem>> -> memref<2x128xi32, #tpu.memory_space<vmem>>
    %dma_start3A_19 = arith.constant 0 : i32
    %dma_start3A_20 = tpu.memref_slice %arg3[%dma_start3A_19, %mul3A_8] : memref<2x320000xi32, #tpu.memory_space<hbm>> -> memref<2x128xi32, #tpu.memory_space<hbm>>
    tpu.enqueue_dma source(%dma_start3A_20 : memref<2x128xi32, #tpu.memory_space<hbm>>) target(%dma_start3A_18 : memref<2x128xi32, #tpu.memory_space<vmem>>) target_semaphore(%arg9 : memref<!tpu.dma_semaphore, #tpu.memory_space<semaphore_mem>>)
    %add3A_21 = arith.constant 32 : i32
    %add3A_22 = arith.addi %add3A, %add3A_21 : i32
    %mul3A_23 = arith.constant 128 : i32
    %mul3A_24 = arith.muli %add3A_22, %mul3A_23 : i32
    %dma_start3A_25 = arith.constant 1 : i32
    %dma_start3A_26 = arith.constant 0 : i32
    %dma_start3A_27 = arith.constant 0 : i32
    %dma_start3A_28 = tpu.memref_slice %arg5[%dma_start3A_25, %dma_start3A_26, %dma_start3A_27] : memref<3x2x128xi32, #tpu.memory_space<vmem>> -> memref<1x2x128xi32, #tpu.memory_space<vmem>>
    %dma_start3A_29 = tpu.memref_squeeze %dma_start3A_28 : memref<1x2x128xi32, #tpu.memory_space<vmem>> -> memref<2x128xi32, #tpu.memory_space<vmem>>
    %dma_start3A_30 = arith.constant 0 : i32
    %dma_start3A_31 = tpu.memref_slice %arg3[%dma_start3A_30, %mul3A_24] : memref<2x320000xi32, #tpu.memory_space<hbm>> -> memref<2x128xi32, #tpu.memory_space<hbm>>
    %dma_start3A_32 = arith.constant 0 : i32
    %dma_start3A_33 = arith.constant 0 : i32
    %dma_start3A_34 = tpu.memref_slice %arg5[%dma_start3A_25, %dma_start3A_32, %dma_start3A_33] : memref<3x2x128xi32, #tpu.memory_space<vmem>> -> memref<1x2x128xi32, #tpu.memory_space<vmem>>
    %dma_start3A_35 = tpu.memref_squeeze %dma_start3A_34 : memref<1x2x128xi32, #tpu.memory_space<vmem>> -> memref<2x128xi32, #tpu.memory_space<vmem>>
    %dma_start3A_36 = arith.constant 0 : i32
    %dma_start3A_37 = tpu.memref_slice %arg3[%dma_start3A_36, %mul3A_24] : memref<2x320000xi32, #tpu.memory_space<hbm>> -> memref<2x128xi32, #tpu.memory_space<hbm>>
    tpu.enqueue_dma source(%dma_start3A_37 : memref<2x128xi32, #tpu.memory_space<hbm>>) target(%dma_start3A_35 : memref<2x128xi32, #tpu.memory_space<vmem>>) target_semaphore(%arg9 : memref<!tpu.dma_semaphore, #tpu.memory_space<semaphore_mem>>)
    %broadcast_in_dim3A = arith.constant 0.000000e+00 : f32
    %broadcast_in_dim3A_38 = vector.broadcast %broadcast_in_dim3A : f32 to vector<16xf32>
    %scan3A = arith.constant 0 : i32
    %scan3A_39 = arith.constant 0 : i32
    %scan3A_40 = arith.constant 80 : i32
    %scan3A_41 = arith.addi %scan3A_39, %scan3A_40 : i32
    %scan3A_42 = arith.constant 1 : i32
    scf.for %scan3A_255 = %scan3A_39 to %scan3A_41 step %scan3A_42  : i32 {
      %swap3A = arith.index_cast %scan3A_255 : i32 to index
      %swap3A_256 = arith.constant 0 : index
      %swap3A_257 = tpu.vector_load %arg7[%swap3A, %swap3A_256] {strides = array<i32>} : memref<80x128xf32, #tpu.memory_space<vmem>>, vector<1x16xf32>,
      %swap3A_258 = vector.shape_cast %swap3A_257 : vector<1x16xf32> to vector<16xf32>
      %swap3A_259 = vector.shape_cast %broadcast_in_dim3A_38 : vector<16xf32> to vector<1x16xf32>
      tpu.vector_store %arg7[%swap3A, %swap3A_256], %swap3A_259 {strides = array<i32>} : memref<80x128xf32, #tpu.memory_space<vmem>>, vector<1x16xf32>,
      %swap3A_260 = arith.index_cast %scan3A_255 : i32 to index
      %swap3A_261 = arith.constant 16 : index
      %swap3A_262 = tpu.vector_load %arg7[%swap3A_260, %swap3A_261] {strides = array<i32>} : memref<80x128xf32, #tpu.memory_space<vmem>>, vector<1x16xf32>,
      %swap3A_263 = vector.shape_cast %swap3A_262 : vector<1x16xf32> to vector<16xf32>
      %swap3A_264 = vector.shape_cast %broadcast_in_dim3A_38 : vector<16xf32> to vector<1x16xf32>
      tpu.vector_store %arg7[%swap3A_260, %swap3A_261], %swap3A_264 {strides = array<i32>} : memref<80x128xf32, #tpu.memory_space<vmem>>, vector<1x16xf32>,
      %swap3A_265 = arith.index_cast %scan3A_255 : i32 to index
      %swap3A_266 = arith.constant 32 : index
      %swap3A_267 = tpu.vector_load %arg7[%swap3A_265, %swap3A_266] {strides = array<i32>} : memref<80x128xf32, #tpu.memory_space<vmem>>, vector<1x16xf32>,
      %swap3A_268 = vector.shape_cast %swap3A_267 : vector<1x16xf32> to vector<16xf32>
      %swap3A_269 = vector.shape_cast %broadcast_in_dim3A_38 : vector<16xf32> to vector<1x16xf32>
      tpu.vector_store %arg7[%swap3A_265, %swap3A_266], %swap3A_269 {strides = array<i32>} : memref<80x128xf32, #tpu.memory_space<vmem>>, vector<1x16xf32>,
      %swap3A_270 = arith.index_cast %scan3A_255 : i32 to index
      %swap3A_271 = arith.constant 48 : index
      %swap3A_272 = tpu.vector_load %arg7[%swap3A_270, %swap3A_271] {strides = array<i32>} : memref<80x128xf32, #tpu.memory_space<vmem>>, vector<1x16xf32>,
      %swap3A_273 = vector.shape_cast %swap3A_272 : vector<1x16xf32> to vector<16xf32>
      %swap3A_274 = vector.shape_cast %broadcast_in_dim3A_38 : vector<16xf32> to vector<1x16xf32>
      tpu.vector_store %arg7[%swap3A_270, %swap3A_271], %swap3A_274 {strides = array<i32>} : memref<80x128xf32, #tpu.memory_space<vmem>>, vector<1x16xf32>,
      %swap3A_275 = arith.index_cast %scan3A_255 : i32 to index
      %swap3A_276 = arith.constant 64 : index
      %swap3A_277 = tpu.vector_load %arg7[%swap3A_275, %swap3A_276] {strides = array<i32>} : memref<80x128xf32, #tpu.memory_space<vmem>>, vector<1x16xf32>,
      %swap3A_278 = vector.shape_cast %swap3A_277 : vector<1x16xf32> to vector<16xf32>
      %swap3A_279 = vector.shape_cast %broadcast_in_dim3A_38 : vector<16xf32> to vector<1x16xf32>
      tpu.vector_store %arg7[%swap3A_275, %swap3A_276], %swap3A_279 {strides = array<i32>} : memref<80x128xf32, #tpu.memory_space<vmem>>, vector<1x16xf32>,
      %swap3A_280 = arith.index_cast %scan3A_255 : i32 to index
      %swap3A_281 = arith.constant 80 : index
      %swap3A_282 = tpu.vector_load %arg7[%swap3A_280, %swap3A_281] {strides = array<i32>} : memref<80x128xf32, #tpu.memory_space<vmem>>, vector<1x16xf32>,
      %swap3A_283 = vector.shape_cast %swap3A_282 : vector<1x16xf32> to vector<16xf32>
      %swap3A_284 = vector.shape_cast %broadcast_in_dim3A_38 : vector<16xf32> to vector<1x16xf32>
      tpu.vector_store %arg7[%swap3A_280, %swap3A_281], %swap3A_284 {strides = array<i32>} : memref<80x128xf32, #tpu.memory_space<vmem>>, vector<1x16xf32>,
      %swap3A_285 = arith.index_cast %scan3A_255 : i32 to index
      %swap3A_286 = arith.constant 96 : index
      %swap3A_287 = tpu.vector_load %arg7[%swap3A_285, %swap3A_286] {strides = array<i32>} : memref<80x128xf32, #tpu.memory_space<vmem>>, vector<1x16xf32>,
      %swap3A_288 = vector.shape_cast %swap3A_287 : vector<1x16xf32> to vector<16xf32>
      %swap3A_289 = vector.shape_cast %broadcast_in_dim3A_38 : vector<16xf32> to vector<1x16xf32>
      tpu.vector_store %arg7[%swap3A_285, %swap3A_286], %swap3A_289 {strides = array<i32>} : memref<80x128xf32, #tpu.memory_space<vmem>>, vector<1x16xf32>,
      %swap3A_290 = arith.index_cast %scan3A_255 : i32 to index
      %swap3A_291 = arith.constant 112 : index
      %swap3A_292 = tpu.vector_load %arg7[%swap3A_290, %swap3A_291] {strides = array<i32>} : memref<80x128xf32, #tpu.memory_space<vmem>>, vector<1x16xf32>,
      %swap3A_293 = vector.shape_cast %swap3A_292 : vector<1x16xf32> to vector<16xf32>
      %swap3A_294 = vector.shape_cast %broadcast_in_dim3A_38 : vector<16xf32> to vector<1x16xf32>
      tpu.vector_store %arg7[%swap3A_290, %swap3A_291], %swap3A_294 {strides = array<i32>} : memref<80x128xf32, #tpu.memory_space<vmem>>, vector<1x16xf32>,
    }
    %scan3A_43 = arith.constant 80 : i32
    %mul3A_44 = arith.constant 640 : i32
    %mul3A_45 = arith.muli %arg1, %mul3A_44 : i32
    %add3A_46 = arith.constant 0 : i32
    %add3A_47 = arith.addi %mul3A_45, %add3A_46 : i32
    %dma_start3A_48 = arith.constant 0 : i32
    %dma_start3A_49 = tpu.memref_slice %arg8[%add3A_47, %dma_start3A_48] : memref<10240x128xf32, #tpu.memory_space<vmem_shared>> -> memref<80x128xf32, #tpu.memory_space<vmem_shared>>
    %dma_start3A_50 = arith.constant 0 : i32
    %dma_start3A_51 = tpu.memref_slice %arg8[%add3A_47, %dma_start3A_50] : memref<10240x128xf32, #tpu.memory_space<vmem_shared>> -> memref<80x128xf32, #tpu.memory_space<vmem_shared>>
    tpu.enqueue_dma source(%arg7 : memref<80x128xf32, #tpu.memory_space<vmem>>) target(%dma_start3A_51 : memref<80x128xf32, #tpu.memory_space<vmem_shared>>) target_semaphore(%arg11 : memref<!tpu.dma_semaphore, #tpu.memory_space<semaphore_mem>>)
    %mul3A_52 = arith.constant 640 : i32
    %mul3A_53 = arith.muli %arg1, %mul3A_52 : i32
    %add3A_54 = arith.constant 80 : i32
    %add3A_55 = arith.addi %mul3A_53, %add3A_54 : i32
    %dma_start3A_56 = arith.constant 0 : i32
    %dma_start3A_57 = tpu.memref_slice %arg8[%add3A_55, %dma_start3A_56] : memref<10240x128xf32, #tpu.memory_space<vmem_shared>> -> memref<80x128xf32, #tpu.memory_space<vmem_shared>>
    %dma_start3A_58 = arith.constant 0 : i32
    %dma_start3A_59 = tpu.memref_slice %arg8[%add3A_55, %dma_start3A_58] : memref<10240x128xf32, #tpu.memory_space<vmem_shared>> -> memref<80x128xf32, #tpu.memory_space<vmem_shared>>
    tpu.enqueue_dma source(%arg7 : memref<80x128xf32, #tpu.memory_space<vmem>>) target(%dma_start3A_59 : memref<80x128xf32, #tpu.memory_space<vmem_shared>>) target_semaphore(%arg11 : memref<!tpu.dma_semaphore, #tpu.memory_space<semaphore_mem>>)
    %mul3A_60 = arith.constant 640 : i32
    %mul3A_61 = arith.muli %arg1, %mul3A_60 : i32
    %add3A_62 = arith.constant 160 : i32
    %add3A_63 = arith.addi %mul3A_61, %add3A_62 : i32
    %dma_start3A_64 = arith.constant 0 : i32
    %dma_start3A_65 = tpu.memref_slice %arg8[%add3A_63, %dma_start3A_64] : memref<10240x128xf32, #tpu.memory_space<vmem_shared>> -> memref<80x128xf32, #tpu.memory_space<vmem_shared>>
    %dma_start3A_66 = arith.constant 0 : i32
    %dma_start3A_67 = tpu.memref_slice %arg8[%add3A_63, %dma_start3A_66] : memref<10240x128xf32, #tpu.memory_space<vmem_shared>> -> memref<80x128xf32, #tpu.memory_space<vmem_shared>>
    tpu.enqueue_dma source(%arg7 : memref<80x128xf32, #tpu.memory_space<vmem>>) target(%dma_start3A_67 : memref<80x128xf32, #tpu.memory_space<vmem_shared>>) target_semaphore(%arg11 : memref<!tpu.dma_semaphore, #tpu.memory_space<semaphore_mem>>)
    %mul3A_68 = arith.constant 640 : i32
    %mul3A_69 = arith.muli %arg1, %mul3A_68 : i32
    %add3A_70 = arith.constant 240 : i32
    %add3A_71 = arith.addi %mul3A_69, %add3A_70 : i32
    %dma_start3A_72 = arith.constant 0 : i32
    %dma_start3A_73 = tpu.memref_slice %arg8[%add3A_71, %dma_start3A_72] : memref<10240x128xf32, #tpu.memory_space<vmem_shared>> -> memref<80x128xf32, #tpu.memory_space<vmem_shared>>
    %dma_start3A_74 = arith.constant 0 : i32
    %dma_start3A_75 = tpu.memref_slice %arg8[%add3A_71, %dma_start3A_74] : memref<10240x128xf32, #tpu.memory_space<vmem_shared>> -> memref<80x128xf32, #tpu.memory_space<vmem_shared>>
    tpu.enqueue_dma source(%arg7 : memref<80x128xf32, #tpu.memory_space<vmem>>) target(%dma_start3A_75 : memref<80x128xf32, #tpu.memory_space<vmem_shared>>) target_semaphore(%arg11 : memref<!tpu.dma_semaphore, #tpu.memory_space<semaphore_mem>>)
    %mul3A_76 = arith.constant 640 : i32
    %mul3A_77 = arith.muli %arg1, %mul3A_76 : i32
    %add3A_78 = arith.constant 320 : i32
    %add3A_79 = arith.addi %mul3A_77, %add3A_78 : i32
    %dma_start3A_80 = arith.constant 0 : i32
    %dma_start3A_81 = tpu.memref_slice %arg8[%add3A_79, %dma_start3A_80] : memref<10240x128xf32, #tpu.memory_space<vmem_shared>> -> memref<80x128xf32, #tpu.memory_space<vmem_shared>>
    %dma_start3A_82 = arith.constant 0 : i32
    %dma_start3A_83 = tpu.memref_slice %arg8[%add3A_79, %dma_start3A_82] : memref<10240x128xf32, #tpu.memory_space<vmem_shared>> -> memref<80x128xf32, #tpu.memory_space<vmem_shared>>
    tpu.enqueue_dma source(%arg7 : memref<80x128xf32, #tpu.memory_space<vmem>>) target(%dma_start3A_83 : memref<80x128xf32, #tpu.memory_space<vmem_shared>>) target_semaphore(%arg11 : memref<!tpu.dma_semaphore, #tpu.memory_space<semaphore_mem>>)
    %mul3A_84 = arith.constant 640 : i32
    %mul3A_85 = arith.muli %arg1, %mul3A_84 : i32
    %add3A_86 = arith.constant 400 : i32
    %add3A_87 = arith.addi %mul3A_85, %add3A_86 : i32
    %dma_start3A_88 = arith.constant 0 : i32
    %dma_start3A_89 = tpu.memref_slice %arg8[%add3A_87, %dma_start3A_88] : memref<10240x128xf32, #tpu.memory_space<vmem_shared>> -> memref<80x128xf32, #tpu.memory_space<vmem_shared>>
    %dma_start3A_90 = arith.constant 0 : i32
    %dma_start3A_91 = tpu.memref_slice %arg8[%add3A_87, %dma_start3A_90] : memref<10240x128xf32, #tpu.memory_space<vmem_shared>> -> memref<80x128xf32, #tpu.memory_space<vmem_shared>>
    tpu.enqueue_dma source(%arg7 : memref<80x128xf32, #tpu.memory_space<vmem>>) target(%dma_start3A_91 : memref<80x128xf32, #tpu.memory_space<vmem_shared>>) target_semaphore(%arg11 : memref<!tpu.dma_semaphore, #tpu.memory_space<semaphore_mem>>)
    %mul3A_92 = arith.constant 640 : i32
    %mul3A_93 = arith.muli %arg1, %mul3A_92 : i32
    %add3A_94 = arith.constant 480 : i32
    %add3A_95 = arith.addi %mul3A_93, %add3A_94 : i32
    %dma_start3A_96 = arith.constant 0 : i32
    %dma_start3A_97 = tpu.memref_slice %arg8[%add3A_95, %dma_start3A_96] : memref<10240x128xf32, #tpu.memory_space<vmem_shared>> -> memref<80x128xf32, #tpu.memory_space<vmem_shared>>
    %dma_start3A_98 = arith.constant 0 : i32
    %dma_start3A_99 = tpu.memref_slice %arg8[%add3A_95, %dma_start3A_98] : memref<10240x128xf32, #tpu.memory_space<vmem_shared>> -> memref<80x128xf32, #tpu.memory_space<vmem_shared>>
    tpu.enqueue_dma source(%arg7 : memref<80x128xf32, #tpu.memory_space<vmem>>) target(%dma_start3A_99 : memref<80x128xf32, #tpu.memory_space<vmem_shared>>) target_semaphore(%arg11 : memref<!tpu.dma_semaphore, #tpu.memory_space<semaphore_mem>>)
    %mul3A_100 = arith.constant 640 : i32
    %mul3A_101 = arith.muli %arg1, %mul3A_100 : i32
    %add3A_102 = arith.constant 560 : i32
    %add3A_103 = arith.addi %mul3A_101, %add3A_102 : i32
    %dma_start3A_104 = arith.constant 0 : i32
    %dma_start3A_105 = tpu.memref_slice %arg8[%add3A_103, %dma_start3A_104] : memref<10240x128xf32, #tpu.memory_space<vmem_shared>> -> memref<80x128xf32, #tpu.memory_space<vmem_shared>>
    %dma_start3A_106 = arith.constant 0 : i32
    %dma_start3A_107 = tpu.memref_slice %arg8[%add3A_103, %dma_start3A_106] : memref<10240x128xf32, #tpu.memory_space<vmem_shared>> -> memref<80x128xf32, #tpu.memory_space<vmem_shared>>
    tpu.enqueue_dma source(%arg7 : memref<80x128xf32, #tpu.memory_space<vmem>>) target(%dma_start3A_107 : memref<80x128xf32, #tpu.memory_space<vmem_shared>>) target_semaphore(%arg11 : memref<!tpu.dma_semaphore, #tpu.memory_space<semaphore_mem>>)
    %add3A_108 = arith.constant 0 : i32
    %add3A_109 = arith.addi %add3A, %add3A_108 : i32
    %mul3A_110 = arith.constant 128 : i32
    %mul3A_111 = arith.muli %add3A_109, %mul3A_110 : i32
    %dma_wait3A = arith.constant 0 : i32
    %dma_wait3A_112 = arith.constant 0 : i32
    %dma_wait3A_113 = arith.constant 0 : i32
    %dma_wait3A_114 = tpu.memref_slice %arg5[%dma_wait3A, %dma_wait3A_112, %dma_wait3A_113] : memref<3x2x128xi32, #tpu.memory_space<vmem>> -> memref<1x2x128xi32, #tpu.memory_space<vmem>>
    %dma_wait3A_115 = tpu.memref_squeeze %dma_wait3A_114 : memref<1x2x128xi32, #tpu.memory_space<vmem>> -> memref<2x128xi32, #tpu.memory_space<vmem>>
    %dma_wait3A_116 = arith.constant 0 : i32
    %dma_wait3A_117 = tpu.memref_slice %arg3[%dma_wait3A_116, %mul3A_111] : memref<2x320000xi32, #tpu.memory_space<hbm>> -> memref<2x128xi32, #tpu.memory_space<hbm>>
    %dma_wait3A_118 = arith.constant 0 : i32
    %dma_wait3A_119 = arith.constant 0 : i32
    %dma_wait3A_120 = tpu.memref_slice %arg5[%dma_wait3A, %dma_wait3A_118, %dma_wait3A_119] : memref<3x2x128xi32, #tpu.memory_space<vmem>> -> memref<1x2x128xi32, #tpu.memory_space<vmem>>
    %dma_wait3A_121 = tpu.memref_squeeze %dma_wait3A_120 : memref<1x2x128xi32, #tpu.memory_space<vmem>> -> memref<2x128xi32, #tpu.memory_space<vmem>>
    %dma_wait3A_122 = arith.constant 0 : i32
    %dma_wait3A_123 = tpu.memref_slice %arg3[%dma_wait3A_122, %mul3A_111] : memref<2x320000xi32, #tpu.memory_space<hbm>> -> memref<2x128xi32, #tpu.memory_space<hbm>>
    tpu.wait_dma2 semaphore(%arg9 : memref<!tpu.dma_semaphore, #tpu.memory_space<semaphore_mem>>) src(%dma_wait3A_123 : memref<2x128xi32, #tpu.memory_space<hbm>>) dst(%dma_wait3A_121 : memref<2x128xi32, #tpu.memory_space<vmem>>)
    %dma_start3A_124 = arith.constant 0 : i32
    %dma_start3A_125 = arith.constant 0 : i32
    %dma_start3A_126 = arith.constant 0 : i32
    %dma_start3A_127 = arith.constant 0 : i32
    %dma_start3A_128 = arith.constant 0 : i32
    %dma_start3A_129 = tpu.memref_slice %arg6[%dma_start3A_126, %dma_start3A_127, %dma_start3A_128] : memref<2x128x128xf32, #tpu.memory_space<vmem>> -> memref<1x128x128xf32, #tpu.memory_space<vmem>>
    %dma_start3A_130 = tpu.memref_squeeze %dma_start3A_129 : memref<1x128x128xf32, #tpu.memory_space<vmem>> -> memref<128x128xf32, #tpu.memory_space<vmem>>
    %dma_start3A_131 = arith.constant 0 : i32
    %dma_start3A_132 = tpu.memref_slice %arg5[%dma_start3A_124, %dma_start3A_125, %dma_start3A_131] : memref<3x2x128xi32, #tpu.memory_space<vmem>> -> memref<1x1x128xi32, #tpu.memory_space<vmem>>
    %dma_start3A_133 = tpu.memref_squeeze %dma_start3A_132 : memref<1x1x128xi32, #tpu.memory_space<vmem>> -> memref<128xi32, #tpu.memory_space<vmem>>
    %dma_start3A_134 = arith.constant 0 : i32
    %dma_start3A_135 = arith.constant 0 : i32
    %dma_start3A_136 = tpu.memref_slice %arg2[%dma_start3A_134, %dma_start3A_135] : memref<10000x128xf32, #tpu.memory_space<hbm>> -> memref<10000x128xf32, #tpu.memory_space<hbm>>
    tpu.enqueue_indirect_dma source(%dma_start3A_136 : memref<10000x128xf32, #tpu.memory_space<hbm>>) target(%dma_start3A_130 : memref<128x128xf32, #tpu.memory_space<vmem>>) offsets(%dma_start3A_133 : memref<128xi32, #tpu.memory_space<vmem>>) semaphore(%arg10 : memref<!tpu.dma_semaphore, #tpu.memory_space<semaphore_mem>>)
    %mul3A_137 = arith.constant 640 : i32
    %mul3A_138 = arith.muli %arg1, %mul3A_137 : i32
    %add3A_139 = arith.constant 0 : i32
    %add3A_140 = arith.addi %mul3A_138, %add3A_139 : i32
    %dma_wait3A_141 = arith.constant 0 : i32
    %dma_wait3A_142 = tpu.memref_slice %arg8[%add3A_140, %dma_wait3A_141] : memref<10240x128xf32, #tpu.memory_space<vmem_shared>> -> memref<80x128xf32, #tpu.memory_space<vmem_shared>>
    %dma_wait3A_143 = arith.constant 0 : i32
    %dma_wait3A_144 = tpu.memref_slice %arg8[%add3A_140, %dma_wait3A_143] : memref<10240x128xf32, #tpu.memory_space<vmem_shared>> -> memref<80x128xf32, #tpu.memory_space<vmem_shared>>
    tpu.wait_dma2 semaphore(%arg11 : memref<!tpu.dma_semaphore, #tpu.memory_space<semaphore_mem>>) src(%arg7 : memref<80x128xf32, #tpu.memory_space<vmem>>) dst(%dma_wait3A_144 : memref<80x128xf32, #tpu.memory_space<vmem_shared>>)
    %mul3A_145 = arith.constant 640 : i32
    %mul3A_146 = arith.muli %arg1, %mul3A_145 : i32
    %add3A_147 = arith.constant 80 : i32
    %add3A_148 = arith.addi %mul3A_146, %add3A_147 : i32
    %dma_wait3A_149 = arith.constant 0 : i32
    %dma_wait3A_150 = tpu.memref_slice %arg8[%add3A_148, %dma_wait3A_149] : memref<10240x128xf32, #tpu.memory_space<vmem_shared>> -> memref<80x128xf32, #tpu.memory_space<vmem_shared>>
    %dma_wait3A_151 = arith.constant 0 : i32
    %dma_wait3A_152 = tpu.memref_slice %arg8[%add3A_148, %dma_wait3A_151] : memref<10240x128xf32, #tpu.memory_space<vmem_shared>> -> memref<80x128xf32, #tpu.memory_space<vmem_shared>>
    tpu.wait_dma2 semaphore(%arg11 : memref<!tpu.dma_semaphore, #tpu.memory_space<semaphore_mem>>) src(%arg7 : memref<80x128xf32, #tpu.memory_space<vmem>>) dst(%dma_wait3A_152 : memref<80x128xf32, #tpu.memory_space<vmem_shared>>)
    %mul3A_153 = arith.constant 640 : i32
    %mul3A_154 = arith.muli %arg1, %mul3A_153 : i32
    %add3A_155 = arith.constant 160 : i32
    %add3A_156 = arith.addi %mul3A_154, %add3A_155 : i32
    %dma_wait3A_157 = arith.constant 0 : i32
    %dma_wait3A_158 = tpu.memref_slice %arg8[%add3A_156, %dma_wait3A_157] : memref<10240x128xf32, #tpu.memory_space<vmem_shared>> -> memref<80x128xf32, #tpu.memory_space<vmem_shared>>
    %dma_wait3A_159 = arith.constant 0 : i32
    %dma_wait3A_160 = tpu.memref_slice %arg8[%add3A_156, %dma_wait3A_159] : memref<10240x128xf32, #tpu.memory_space<vmem_shared>> -> memref<80x128xf32, #tpu.memory_space<vmem_shared>>
    tpu.wait_dma2 semaphore(%arg11 : memref<!tpu.dma_semaphore, #tpu.memory_space<semaphore_mem>>) src(%arg7 : memref<80x128xf32, #tpu.memory_space<vmem>>) dst(%dma_wait3A_160 : memref<80x128xf32, #tpu.memory_space<vmem_shared>>)
    %mul3A_161 = arith.constant 640 : i32
    %mul3A_162 = arith.muli %arg1, %mul3A_161 : i32
    %add3A_163 = arith.constant 240 : i32
    %add3A_164 = arith.addi %mul3A_162, %add3A_163 : i32
    %dma_wait3A_165 = arith.constant 0 : i32
    %dma_wait3A_166 = tpu.memref_slice %arg8[%add3A_164, %dma_wait3A_165] : memref<10240x128xf32, #tpu.memory_space<vmem_shared>> -> memref<80x128xf32, #tpu.memory_space<vmem_shared>>
    %dma_wait3A_167 = arith.constant 0 : i32
    %dma_wait3A_168 = tpu.memref_slice %arg8[%add3A_164, %dma_wait3A_167] : memref<10240x128xf32, #tpu.memory_space<vmem_shared>> -> memref<80x128xf32, #tpu.memory_space<vmem_shared>>
    tpu.wait_dma2 semaphore(%arg11 : memref<!tpu.dma_semaphore, #tpu.memory_space<semaphore_mem>>) src(%arg7 : memref<80x128xf32, #tpu.memory_space<vmem>>) dst(%dma_wait3A_168 : memref<80x128xf32, #tpu.memory_space<vmem_shared>>)
    %mul3A_169 = arith.constant 640 : i32
    %mul3A_170 = arith.muli %arg1, %mul3A_169 : i32
    %add3A_171 = arith.constant 320 : i32
    %add3A_172 = arith.addi %mul3A_170, %add3A_171 : i32
    %dma_wait3A_173 = arith.constant 0 : i32
    %dma_wait3A_174 = tpu.memref_slice %arg8[%add3A_172, %dma_wait3A_173] : memref<10240x128xf32, #tpu.memory_space<vmem_shared>> -> memref<80x128xf32, #tpu.memory_space<vmem_shared>>
    %dma_wait3A_175 = arith.constant 0 : i32
    %dma_wait3A_176 = tpu.memref_slice %arg8[%add3A_172, %dma_wait3A_175] : memref<10240x128xf32, #tpu.memory_space<vmem_shared>> -> memref<80x128xf32, #tpu.memory_space<vmem_shared>>
    tpu.wait_dma2 semaphore(%arg11 : memref<!tpu.dma_semaphore, #tpu.memory_space<semaphore_mem>>) src(%arg7 : memref<80x128xf32, #tpu.memory_space<vmem>>) dst(%dma_wait3A_176 : memref<80x128xf32, #tpu.memory_space<vmem_shared>>)
    %mul3A_177 = arith.constant 640 : i32
    %mul3A_178 = arith.muli %arg1, %mul3A_177 : i32
    %add3A_179 = arith.constant 400 : i32
    %add3A_180 = arith.addi %mul3A_178, %add3A_179 : i32
    %dma_wait3A_181 = arith.constant 0 : i32
    %dma_wait3A_182 = tpu.memref_slice %arg8[%add3A_180, %dma_wait3A_181] : memref<10240x128xf32, #tpu.memory_space<vmem_shared>> -> memref<80x128xf32, #tpu.memory_space<vmem_shared>>
    %dma_wait3A_183 = arith.constant 0 : i32
    %dma_wait3A_184 = tpu.memref_slice %arg8[%add3A_180, %dma_wait3A_183] : memref<10240x128xf32, #tpu.memory_space<vmem_shared>> -> memref<80x128xf32, #tpu.memory_space<vmem_shared>>
    tpu.wait_dma2 semaphore(%arg11 : memref<!tpu.dma_semaphore, #tpu.memory_space<semaphore_mem>>) src(%arg7 : memref<80x128xf32, #tpu.memory_space<vmem>>) dst(%dma_wait3A_184 : memref<80x128xf32, #tpu.memory_space<vmem_shared>>)
    %mul3A_185 = arith.constant 640 : i32
    %mul3A_186 = arith.muli %arg1, %mul3A_185 : i32
    %add3A_187 = arith.constant 480 : i32
    %add3A_188 = arith.addi %mul3A_186, %add3A_187 : i32
    %dma_wait3A_189 = arith.constant 0 : i32
    %dma_wait3A_190 = tpu.memref_slice %arg8[%add3A_188, %dma_wait3A_189] : memref<10240x128xf32, #tpu.memory_space<vmem_shared>> -> memref<80x128xf32, #tpu.memory_space<vmem_shared>>
    %dma_wait3A_191 = arith.constant 0 : i32
    %dma_wait3A_192 = tpu.memref_slice %arg8[%add3A_188, %dma_wait3A_191] : memref<10240x128xf32, #tpu.memory_space<vmem_shared>> -> memref<80x128xf32, #tpu.memory_space<vmem_shared>>
    tpu.wait_dma2 semaphore(%arg11 : memref<!tpu.dma_semaphore, #tpu.memory_space<semaphore_mem>>) src(%arg7 : memref<80x128xf32, #tpu.memory_space<vmem>>) dst(%dma_wait3A_192 : memref<80x128xf32, #tpu.memory_space<vmem_shared>>)
    %mul3A_193 = arith.constant 640 : i32
    %mul3A_194 = arith.muli %arg1, %mul3A_193 : i32
    %add3A_195 = arith.constant 560 : i32
    %add3A_196 = arith.addi %mul3A_194, %add3A_195 : i32
    %dma_wait3A_197 = arith.constant 0 : i32
    %dma_wait3A_198 = tpu.memref_slice %arg8[%add3A_196, %dma_wait3A_197] : memref<10240x128xf32, #tpu.memory_space<vmem_shared>> -> memref<80x128xf32, #tpu.memory_space<vmem_shared>>
    %dma_wait3A_199 = arith.constant 0 : i32
    %dma_wait3A_200 = tpu.memref_slice %arg8[%add3A_196, %dma_wait3A_199] : memref<10240x128xf32, #tpu.memory_space<vmem_shared>> -> memref<80x128xf32, #tpu.memory_space<vmem_shared>>
    tpu.wait_dma2 semaphore(%arg11 : memref<!tpu.dma_semaphore, #tpu.memory_space<semaphore_mem>>) src(%arg7 : memref<80x128xf32, #tpu.memory_space<vmem>>) dst(%dma_wait3A_200 : memref<80x128xf32, #tpu.memory_space<vmem_shared>>)
    %barrier3A = arith.constant 0 : index
    tpu.barrier barrier_id(%barrier3A)
    %while3A = arith.constant 0 : i32
    %while3A_201 = arith.constant 0 : i32
    %while3A_202 = arith.subi %add3A_4, %while3A_201 : i32
    %while3A_203 = arith.addi %while3A_201, %while3A_202 : i32
    %while3A_204 = arith.constant 1 : i32
    %while3A_205 = arith.divsi %while3A_202, %while3A_204 : i32
    %while3A_206 = arith.muli %while3A_205, %while3A_204 : i32
    %while3A_207 = arith.addi %while3A_201, %while3A_206 : i32
    %while3A_208 = arith.constant 1 : i32
    scf.for %while3A_255 = %while3A_201 to %while3A_207 step %while3A_208  : i32 {
      %ge3A = arith.constant 1 : i32
      %ge3A_256 = arith.cmpi sge, %while3A_255, %ge3A : i32
      %convert_element_type3A = arith.extui %ge3A_256 : i1 to i32
      %cond3A = arith.constant 0 : i32
      %cond3A_257 = arith.cmpi ne, %convert_element_type3A, %cond3A : i32
      scf.if %cond3A_257 {
        %sub3A_359 = arith.constant 1 : i32
        %sub3A_360 = arith.subi %while3A_255, %sub3A_359 : i32
        %jit3A_361 = arith.constant 3 : i32
        %eq3A_362 = arith.constant 0 : i32
        %eq3A_363 = arith.cmpi eq, %jit3A_361, %eq3A_362 : i32
        %jit3A_364 = arith.constant 1 : i32
        %select_n3A_365 = arith.select %eq3A_363, %jit3A_364, %jit3A_361 : i32
        %rem3A_366 = arith.remsi %sub3A_360, %select_n3A_365 : i32
        %ne3A_367 = arith.constant 0 : i32
        %ne3A_368 = arith.cmpi ne, %rem3A_366, %ne3A_367 : i32
        %lt3A_369 = arith.constant 0 : i32
        %lt3A_370 = arith.cmpi slt, %rem3A_366, %lt3A_369 : i32
        %lt3A_371 = arith.constant 0 : i32
        %lt3A_372 = arith.cmpi slt, %select_n3A_365, %lt3A_371 : i32
        %ne3A_373 = arith.xori %lt3A_370, %lt3A_372 : i1
        %and3A_374 = arith.andi %ne3A_373, %ne3A_368 : i1
        %add3A_375 = arith.addi %rem3A_366, %select_n3A_365 : i32
        %select_n3A_376 = arith.select %and3A_374, %add3A_375, %rem3A_366 : i32
        %jit3A_377 = arith.constant 2 : i32
        %eq3A_378 = arith.constant 0 : i32
        %eq3A_379 = arith.cmpi eq, %jit3A_377, %eq3A_378 : i32
        %jit3A_380 = arith.constant 1 : i32
        %select_n3A_381 = arith.select %eq3A_379, %jit3A_380, %jit3A_377 : i32
        %rem3A_382 = arith.remsi %sub3A_360, %select_n3A_381 : i32
        %ne3A_383 = arith.constant 0 : i32
        %ne3A_384 = arith.cmpi ne, %rem3A_382, %ne3A_383 : i32
        %lt3A_385 = arith.constant 0 : i32
        %lt3A_386 = arith.cmpi slt, %rem3A_382, %lt3A_385 : i32
        %lt3A_387 = arith.constant 0 : i32
        %lt3A_388 = arith.cmpi slt, %select_n3A_381, %lt3A_387 : i32
        %ne3A_389 = arith.xori %lt3A_386, %lt3A_388 : i1
        %and3A_390 = arith.andi %ne3A_389, %ne3A_384 : i1
        %add3A_391 = arith.addi %rem3A_382, %select_n3A_381 : i32
        %select_n3A_392 = arith.select %and3A_390, %add3A_391, %rem3A_382 : i32
        %dma_wait3A_393 = arith.constant 1 : i32
        %dma_wait3A_394 = arith.constant 0 : i32
        %dma_wait3A_395 = arith.constant 0 : i32
        %dma_wait3A_396 = tpu.memref_slice %arg6[%select_n3A_392, %dma_wait3A_394, %dma_wait3A_395] : memref<2x128x128xf32, #tpu.memory_space<vmem>> -> memref<1x128x128xf32, #tpu.memory_space<vmem>>
        %dma_wait3A_397 = tpu.memref_squeeze %dma_wait3A_396 : memref<1x128x128xf32, #tpu.memory_space<vmem>> -> memref<128x128xf32, #tpu.memory_space<vmem>>
        %dma_wait3A_398 = arith.constant 0 : i32
        %dma_wait3A_399 = tpu.memref_slice %arg5[%select_n3A_376, %dma_wait3A_393, %dma_wait3A_398] : memref<3x2x128xi32, #tpu.memory_space<vmem>> -> memref<1x1x128xi32, #tpu.memory_space<vmem>>
        %dma_wait3A_400 = tpu.memref_squeeze %dma_wait3A_399 : memref<1x1x128xi32, #tpu.memory_space<vmem>> -> memref<128xi32, #tpu.memory_space<vmem>>
        %dma_wait3A_401 = arith.constant 0 : i32
        %dma_wait3A_402 = arith.constant 0 : i32
        %dma_wait3A_403 = tpu.memref_slice %arg8[%dma_wait3A_401, %dma_wait3A_402] : memref<10240x128xf32, #tpu.memory_space<vmem_shared>> -> memref<10240x128xf32, #tpu.memory_space<vmem_shared>>
        tpu.wait_indirect_dma semaphore(%arg11 : memref<!tpu.dma_semaphore, #tpu.memory_space<semaphore_mem>>) src(%dma_wait3A_397 : memref<128x128xf32, #tpu.memory_space<vmem>>) dst(%dma_wait3A_403 : memref<10240x128xf32, #tpu.memory_space<vmem_shared>>)
      } else {
      }
      %add3A_258 = arith.constant 2 : i32
      %add3A_259 = arith.addi %while3A_255, %add3A_258 : i32
      %sub3A_260 = arith.constant 1 : i32
      %sub3A_261 = arith.subi %add3A_4, %sub3A_260 : i32
      %le3A = arith.cmpi sle, %add3A_259, %sub3A_261 : i32
      %convert_element_type3A_262 = arith.extui %le3A : i1 to i32
      %cond3A_263 = arith.constant 0 : i32
      %cond3A_264 = arith.cmpi ne, %convert_element_type3A_262, %cond3A_263 : i32
      scf.if %cond3A_264 {
        %add3A_359 = arith.constant 2 : i32
        %add3A_360 = arith.addi %while3A_255, %add3A_359 : i32
        %mul3A_361 = arith.constant 32 : i32
        %mul3A_362 = arith.muli %add3A_360, %mul3A_361 : i32
        %add3A_363 = arith.addi %add3A, %mul3A_362 : i32
        %mul3A_364 = arith.constant 128 : i32
        %mul3A_365 = arith.muli %add3A_363, %mul3A_364 : i32
        %jit3A_366 = arith.constant 3 : i32
        %eq3A_367 = arith.constant 0 : i32
        %eq3A_368 = arith.cmpi eq, %jit3A_366, %eq3A_367 : i32
        %jit3A_369 = arith.constant 1 : i32
        %select_n3A_370 = arith.select %eq3A_368, %jit3A_369, %jit3A_366 : i32
        %rem3A_371 = arith.remsi %add3A_360, %select_n3A_370 : i32
        %ne3A_372 = arith.constant 0 : i32
        %ne3A_373 = arith.cmpi ne, %rem3A_371, %ne3A_372 : i32
        %lt3A_374 = arith.constant 0 : i32
        %lt3A_375 = arith.cmpi slt, %rem3A_371, %lt3A_374 : i32
        %lt3A_376 = arith.constant 0 : i32
        %lt3A_377 = arith.cmpi slt, %select_n3A_370, %lt3A_376 : i32
        %ne3A_378 = arith.xori %lt3A_375, %lt3A_377 : i1
        %and3A_379 = arith.andi %ne3A_378, %ne3A_373 : i1
        %add3A_380 = arith.addi %rem3A_371, %select_n3A_370 : i32
        %select_n3A_381 = arith.select %and3A_379, %add3A_380, %rem3A_371 : i32
        %dma_start3A_382 = arith.constant 0 : i32
        %dma_start3A_383 = arith.constant 0 : i32
        %dma_start3A_384 = tpu.memref_slice %arg5[%select_n3A_381, %dma_start3A_382, %dma_start3A_383] : memref<3x2x128xi32, #tpu.memory_space<vmem>> -> memref<1x2x128xi32, #tpu.memory_space<vmem>>
        %dma_start3A_385 = tpu.memref_squeeze %dma_start3A_384 : memref<1x2x128xi32, #tpu.memory_space<vmem>> -> memref<2x128xi32, #tpu.memory_space<vmem>>
        %dma_start3A_386 = arith.constant 0 : i32
        %dma_start3A_387 = tpu.memref_slice %arg3[%dma_start3A_386, %mul3A_365] : memref<2x320000xi32, #tpu.memory_space<hbm>> -> memref<2x128xi32, #tpu.memory_space<hbm>>
        %dma_start3A_388 = arith.constant 0 : i32
        %dma_start3A_389 = arith.constant 0 : i32
        %dma_start3A_390 = tpu.memref_slice %arg5[%select_n3A_381, %dma_start3A_388, %dma_start3A_389] : memref<3x2x128xi32, #tpu.memory_space<vmem>> -> memref<1x2x128xi32, #tpu.memory_space<vmem>>
        %dma_start3A_391 = tpu.memref_squeeze %dma_start3A_390 : memref<1x2x128xi32, #tpu.memory_space<vmem>> -> memref<2x128xi32, #tpu.memory_space<vmem>>
        %dma_start3A_392 = arith.constant 0 : i32
        %dma_start3A_393 = tpu.memref_slice %arg3[%dma_start3A_392, %mul3A_365] : memref<2x320000xi32, #tpu.memory_space<hbm>> -> memref<2x128xi32, #tpu.memory_space<hbm>>
        tpu.enqueue_dma source(%dma_start3A_393 : memref<2x128xi32, #tpu.memory_space<hbm>>) target(%dma_start3A_391 : memref<2x128xi32, #tpu.memory_space<vmem>>) target_semaphore(%arg9 : memref<!tpu.dma_semaphore, #tpu.memory_space<semaphore_mem>>)
      } else {
      }
      %add3A_265 = arith.constant 1 : i32
      %add3A_266 = arith.addi %while3A_255, %add3A_265 : i32
      %sub3A_267 = arith.constant 1 : i32
      %sub3A_268 = arith.subi %add3A_4, %sub3A_267 : i32
      %le3A_269 = arith.cmpi sle, %add3A_266, %sub3A_268 : i32
      %convert_element_type3A_270 = arith.extui %le3A_269 : i1 to i32
      %cond3A_271 = arith.constant 0 : i32
      %cond3A_272 = arith.cmpi ne, %convert_element_type3A_270, %cond3A_271 : i32
      scf.if %cond3A_272 {
        %add3A_359 = arith.constant 1 : i32
        %add3A_360 = arith.addi %while3A_255, %add3A_359 : i32
        %mul3A_361 = arith.constant 32 : i32
        %mul3A_362 = arith.muli %add3A_360, %mul3A_361 : i32
        %add3A_363 = arith.addi %add3A, %mul3A_362 : i32
        %mul3A_364 = arith.constant 128 : i32
        %mul3A_365 = arith.muli %add3A_363, %mul3A_364 : i32
        %jit3A_366 = arith.constant 3 : i32
        %eq3A_367 = arith.constant 0 : i32
        %eq3A_368 = arith.cmpi eq, %jit3A_366, %eq3A_367 : i32
        %jit3A_369 = arith.constant 1 : i32
        %select_n3A_370 = arith.select %eq3A_368, %jit3A_369, %jit3A_366 : i32
        %rem3A_371 = arith.remsi %add3A_360, %select_n3A_370 : i32
        %ne3A_372 = arith.constant 0 : i32
        %ne3A_373 = arith.cmpi ne, %rem3A_371, %ne3A_372 : i32
        %lt3A_374 = arith.constant 0 : i32
        %lt3A_375 = arith.cmpi slt, %rem3A_371, %lt3A_374 : i32
        %lt3A_376 = arith.constant 0 : i32
        %lt3A_377 = arith.cmpi slt, %select_n3A_370, %lt3A_376 : i32
        %ne3A_378 = arith.xori %lt3A_375, %lt3A_377 : i1
        %and3A_379 = arith.andi %ne3A_378, %ne3A_373 : i1
        %add3A_380 = arith.addi %rem3A_371, %select_n3A_370 : i32
        %select_n3A_381 = arith.select %and3A_379, %add3A_380, %rem3A_371 : i32
        %dma_wait3A_382 = arith.constant 0 : i32
        %dma_wait3A_383 = arith.constant 0 : i32
        %dma_wait3A_384 = tpu.memref_slice %arg5[%select_n3A_381, %dma_wait3A_382, %dma_wait3A_383] : memref<3x2x128xi32, #tpu.memory_space<vmem>> -> memref<1x2x128xi32, #tpu.memory_space<vmem>>
        %dma_wait3A_385 = tpu.memref_squeeze %dma_wait3A_384 : memref<1x2x128xi32, #tpu.memory_space<vmem>> -> memref<2x128xi32, #tpu.memory_space<vmem>>
        %dma_wait3A_386 = arith.constant 0 : i32
        %dma_wait3A_387 = tpu.memref_slice %arg3[%dma_wait3A_386, %mul3A_365] : memref<2x320000xi32, #tpu.memory_space<hbm>> -> memref<2x128xi32, #tpu.memory_space<hbm>>
        %dma_wait3A_388 = arith.constant 0 : i32
        %dma_wait3A_389 = arith.constant 0 : i32
        %dma_wait3A_390 = tpu.memref_slice %arg5[%select_n3A_381, %dma_wait3A_388, %dma_wait3A_389] : memref<3x2x128xi32, #tpu.memory_space<vmem>> -> memref<1x2x128xi32, #tpu.memory_space<vmem>>
        %dma_wait3A_391 = tpu.memref_squeeze %dma_wait3A_390 : memref<1x2x128xi32, #tpu.memory_space<vmem>> -> memref<2x128xi32, #tpu.memory_space<vmem>>
        %dma_wait3A_392 = arith.constant 0 : i32
        %dma_wait3A_393 = tpu.memref_slice %arg3[%dma_wait3A_392, %mul3A_365] : memref<2x320000xi32, #tpu.memory_space<hbm>> -> memref<2x128xi32, #tpu.memory_space<hbm>>
        tpu.wait_dma2 semaphore(%arg9 : memref<!tpu.dma_semaphore, #tpu.memory_space<semaphore_mem>>) src(%dma_wait3A_393 : memref<2x128xi32, #tpu.memory_space<hbm>>) dst(%dma_wait3A_391 : memref<2x128xi32, #tpu.memory_space<vmem>>)
        %add3A_394 = arith.constant 1 : i32
        %add3A_395 = arith.addi %while3A_255, %add3A_394 : i32
        %jit3A_396 = arith.constant 3 : i32
        %eq3A_397 = arith.constant 0 : i32
        %eq3A_398 = arith.cmpi eq, %jit3A_396, %eq3A_397 : i32
        %jit3A_399 = arith.constant 1 : i32
        %select_n3A_400 = arith.select %eq3A_398, %jit3A_399, %jit3A_396 : i32
        %rem3A_401 = arith.remsi %add3A_395, %select_n3A_400 : i32
        %ne3A_402 = arith.constant 0 : i32
        %ne3A_403 = arith.cmpi ne, %rem3A_401, %ne3A_402 : i32
        %lt3A_404 = arith.constant 0 : i32
        %lt3A_405 = arith.cmpi slt, %rem3A_401, %lt3A_404 : i32
        %lt3A_406 = arith.constant 0 : i32
        %lt3A_407 = arith.cmpi slt, %select_n3A_400, %lt3A_406 : i32
        %ne3A_408 = arith.xori %lt3A_405, %lt3A_407 : i1
        %and3A_409 = arith.andi %ne3A_408, %ne3A_403 : i1
        %add3A_410 = arith.addi %rem3A_401, %select_n3A_400 : i32
        %select_n3A_411 = arith.select %and3A_409, %add3A_410, %rem3A_401 : i32
        %jit3A_412 = arith.constant 2 : i32
        %eq3A_413 = arith.constant 0 : i32
        %eq3A_414 = arith.cmpi eq, %jit3A_412, %eq3A_413 : i32
        %jit3A_415 = arith.constant 1 : i32
        %select_n3A_416 = arith.select %eq3A_414, %jit3A_415, %jit3A_412 : i32
        %rem3A_417 = arith.remsi %add3A_395, %select_n3A_416 : i32
        %ne3A_418 = arith.constant 0 : i32
        %ne3A_419 = arith.cmpi ne, %rem3A_417, %ne3A_418 : i32
        %lt3A_420 = arith.constant 0 : i32
        %lt3A_421 = arith.cmpi slt, %rem3A_417, %lt3A_420 : i32
        %lt3A_422 = arith.constant 0 : i32
        %lt3A_423 = arith.cmpi slt, %select_n3A_416, %lt3A_422 : i32
        %ne3A_424 = arith.xori %lt3A_421, %lt3A_423 : i1
        %and3A_425 = arith.andi %ne3A_424, %ne3A_419 : i1
        %add3A_426 = arith.addi %rem3A_417, %select_n3A_416 : i32
        %select_n3A_427 = arith.select %and3A_425, %add3A_426, %rem3A_417 : i32
        %dma_start3A_428 = arith.constant 0 : i32
        %dma_start3A_429 = arith.constant 0 : i32
        %dma_start3A_430 = arith.constant 0 : i32
        %dma_start3A_431 = tpu.memref_slice %arg6[%select_n3A_427, %dma_start3A_429, %dma_start3A_430] : memref<2x128x128xf32, #tpu.memory_space<vmem>> -> memref<1x128x128xf32, #tpu.memory_space<vmem>>
        %dma_start3A_432 = tpu.memref_squeeze %dma_start3A_431 : memref<1x128x128xf32, #tpu.memory_space<vmem>> -> memref<128x128xf32, #tpu.memory_space<vmem>>
        %dma_start3A_433 = arith.constant 0 : i32
        %dma_start3A_434 = tpu.memref_slice %arg5[%select_n3A_411, %dma_start3A_428, %dma_start3A_433] : memref<3x2x128xi32, #tpu.memory_space<vmem>> -> memref<1x1x128xi32, #tpu.memory_space<vmem>>
        %dma_start3A_435 = tpu.memref_squeeze %dma_start3A_434 : memref<1x1x128xi32, #tpu.memory_space<vmem>> -> memref<128xi32, #tpu.memory_space<vmem>>
        %dma_start3A_436 = arith.constant 0 : i32
        %dma_start3A_437 = arith.constant 0 : i32
        %dma_start3A_438 = tpu.memref_slice %arg2[%dma_start3A_436, %dma_start3A_437] : memref<10000x128xf32, #tpu.memory_space<hbm>> -> memref<10000x128xf32, #tpu.memory_space<hbm>>
        tpu.enqueue_indirect_dma source(%dma_start3A_438 : memref<10000x128xf32, #tpu.memory_space<hbm>>) target(%dma_start3A_432 : memref<128x128xf32, #tpu.memory_space<vmem>>) offsets(%dma_start3A_435 : memref<128xi32, #tpu.memory_space<vmem>>) semaphore(%arg10 : memref<!tpu.dma_semaphore, #tpu.memory_space<semaphore_mem>>)
      } else {
      }
      %jit3A_273 = arith.constant 3 : i32
      %eq3A_274 = arith.constant 0 : i32
      %eq3A_275 = arith.cmpi eq, %jit3A_273, %eq3A_274 : i32
      %jit3A_276 = arith.constant 1 : i32
      %select_n3A_277 = arith.select %eq3A_275, %jit3A_276, %jit3A_273 : i32
      %rem3A_278 = arith.remsi %while3A_255, %select_n3A_277 : i32
      %ne3A_279 = arith.constant 0 : i32
      %ne3A_280 = arith.cmpi ne, %rem3A_278, %ne3A_279 : i32
      %lt3A_281 = arith.constant 0 : i32
      %lt3A_282 = arith.cmpi slt, %rem3A_278, %lt3A_281 : i32
      %lt3A_283 = arith.constant 0 : i32
      %lt3A_284 = arith.cmpi slt, %select_n3A_277, %lt3A_283 : i32
      %ne3A_285 = arith.xori %lt3A_282, %lt3A_284 : i1
      %and3A_286 = arith.andi %ne3A_285, %ne3A_280 : i1
      %add3A_287 = arith.addi %rem3A_278, %select_n3A_277 : i32
      %select_n3A_288 = arith.select %and3A_286, %add3A_287, %rem3A_278 : i32
      %jit3A_289 = arith.constant 2 : i32
      %eq3A_290 = arith.constant 0 : i32
      %eq3A_291 = arith.cmpi eq, %jit3A_289, %eq3A_290 : i32
      %jit3A_292 = arith.constant 1 : i32
      %select_n3A_293 = arith.select %eq3A_291, %jit3A_292, %jit3A_289 : i32
      %rem3A_294 = arith.remsi %while3A_255, %select_n3A_293 : i32
      %ne3A_295 = arith.constant 0 : i32
      %ne3A_296 = arith.cmpi ne, %rem3A_294, %ne3A_295 : i32
      %lt3A_297 = arith.constant 0 : i32
      %lt3A_298 = arith.cmpi slt, %rem3A_294, %lt3A_297 : i32
      %lt3A_299 = arith.constant 0 : i32
      %lt3A_300 = arith.cmpi slt, %select_n3A_293, %lt3A_299 : i32
      %ne3A_301 = arith.xori %lt3A_298, %lt3A_300 : i1
      %and3A_302 = arith.andi %ne3A_301, %ne3A_296 : i1
      %add3A_303 = arith.addi %rem3A_294, %select_n3A_293 : i32
      %select_n3A_304 = arith.select %and3A_302, %add3A_303, %rem3A_294 : i32
      %dma_wait3A_305 = arith.constant 0 : i32
      %dma_wait3A_306 = arith.constant 0 : i32
      %dma_wait3A_307 = arith.constant 0 : i32
      %dma_wait3A_308 = tpu.memref_slice %arg6[%select_n3A_304, %dma_wait3A_306, %dma_wait3A_307] : memref<2x128x128xf32, #tpu.memory_space<vmem>> -> memref<1x128x128xf32, #tpu.memory_space<vmem>>
      %dma_wait3A_309 = tpu.memref_squeeze %dma_wait3A_308 : memref<1x128x128xf32, #tpu.memory_space<vmem>> -> memref<128x128xf32, #tpu.memory_space<vmem>>
      %dma_wait3A_310 = arith.constant 0 : i32
      %dma_wait3A_311 = tpu.memref_slice %arg5[%select_n3A_288, %dma_wait3A_305, %dma_wait3A_310] : memref<3x2x128xi32, #tpu.memory_space<vmem>> -> memref<1x1x128xi32, #tpu.memory_space<vmem>>
      %dma_wait3A_312 = tpu.memref_squeeze %dma_wait3A_311 : memref<1x1x128xi32, #tpu.memory_space<vmem>> -> memref<128xi32, #tpu.memory_space<vmem>>
      %dma_wait3A_313 = arith.constant 0 : i32
      %dma_wait3A_314 = arith.constant 0 : i32
      %dma_wait3A_315 = tpu.memref_slice %arg2[%dma_wait3A_313, %dma_wait3A_314] : memref<10000x128xf32, #tpu.memory_space<hbm>> -> memref<10000x128xf32, #tpu.memory_space<hbm>>
      tpu.wait_indirect_dma semaphore(%arg10 : memref<!tpu.dma_semaphore, #tpu.memory_space<semaphore_mem>>) src(%dma_wait3A_315 : memref<10000x128xf32, #tpu.memory_space<hbm>>) dst(%dma_wait3A_309 : memref<128x128xf32, #tpu.memory_space<vmem>>)
      %jit3A_316 = arith.constant 3 : i32
      %eq3A_317 = arith.constant 0 : i32
      %eq3A_318 = arith.cmpi eq, %jit3A_316, %eq3A_317 : i32
      %jit3A_319 = arith.constant 1 : i32
      %select_n3A_320 = arith.select %eq3A_318, %jit3A_319, %jit3A_316 : i32
      %rem3A_321 = arith.remsi %while3A_255, %select_n3A_320 : i32
      %ne3A_322 = arith.constant 0 : i32
      %ne3A_323 = arith.cmpi ne, %rem3A_321, %ne3A_322 : i32
      %lt3A_324 = arith.constant 0 : i32
      %lt3A_325 = arith.cmpi slt, %rem3A_321, %lt3A_324 : i32
      %lt3A_326 = arith.constant 0 : i32
      %lt3A_327 = arith.cmpi slt, %select_n3A_320, %lt3A_326 : i32
      %ne3A_328 = arith.xori %lt3A_325, %lt3A_327 : i1
      %and3A_329 = arith.andi %ne3A_328, %ne3A_323 : i1
      %add3A_330 = arith.addi %rem3A_321, %select_n3A_320 : i32
      %select_n3A_331 = arith.select %and3A_329, %add3A_330, %rem3A_321 : i32
      %jit3A_332 = arith.constant 2 : i32
      %eq3A_333 = arith.constant 0 : i32
      %eq3A_334 = arith.cmpi eq, %jit3A_332, %eq3A_333 : i32
      %jit3A_335 = arith.constant 1 : i32
      %select_n3A_336 = arith.select %eq3A_334, %jit3A_335, %jit3A_332 : i32
      %rem3A_337 = arith.remsi %while3A_255, %select_n3A_336 : i32
      %ne3A_338 = arith.constant 0 : i32
      %ne3A_339 = arith.cmpi ne, %rem3A_337, %ne3A_338 : i32
      %lt3A_340 = arith.constant 0 : i32
      %lt3A_341 = arith.cmpi slt, %rem3A_337, %lt3A_340 : i32
      %lt3A_342 = arith.constant 0 : i32
      %lt3A_343 = arith.cmpi slt, %select_n3A_336, %lt3A_342 : i32
      %ne3A_344 = arith.xori %lt3A_341, %lt3A_343 : i1
      %and3A_345 = arith.andi %ne3A_344, %ne3A_339 : i1
      %add3A_346 = arith.addi %rem3A_337, %select_n3A_336 : i32
      %select_n3A_347 = arith.select %and3A_345, %add3A_346, %rem3A_337 : i32
      %dma_start3A_348 = arith.constant 1 : i32
      %dma_start3A_349 = arith.constant 0 : i32
      %dma_start3A_350 = arith.constant 0 : i32
      %dma_start3A_351 = tpu.memref_slice %arg6[%select_n3A_347, %dma_start3A_349, %dma_start3A_350] : memref<2x128x128xf32, #tpu.memory_space<vmem>> -> memref<1x128x128xf32, #tpu.memory_space<vmem>>
      %dma_start3A_352 = tpu.memref_squeeze %dma_start3A_351 : memref<1x128x128xf32, #tpu.memory_space<vmem>> -> memref<128x128xf32, #tpu.memory_space<vmem>>
      %dma_start3A_353 = arith.constant 0 : i32
      %dma_start3A_354 = tpu.memref_slice %arg5[%select_n3A_331, %dma_start3A_348, %dma_start3A_353] : memref<3x2x128xi32, #tpu.memory_space<vmem>> -> memref<1x1x128xi32, #tpu.memory_space<vmem>>
      %dma_start3A_355 = tpu.memref_squeeze %dma_start3A_354 : memref<1x1x128xi32, #tpu.memory_space<vmem>> -> memref<128xi32, #tpu.memory_space<vmem>>
      %dma_start3A_356 = arith.constant 0 : i32
      %dma_start3A_357 = arith.constant 0 : i32
      %dma_start3A_358 = tpu.memref_slice %arg8[%dma_start3A_356, %dma_start3A_357] : memref<10240x128xf32, #tpu.memory_space<vmem_shared>> -> memref<10240x128xf32, #tpu.memory_space<vmem_shared>>
      tpu.enqueue_indirect_dma source(%dma_start3A_352 : memref<128x128xf32, #tpu.memory_space<vmem>>) target(%dma_start3A_358 : memref<10240x128xf32, #tpu.memory_space<vmem_shared>>) offsets(%dma_start3A_355 : memref<128xi32, #tpu.memory_space<vmem>>) semaphore(%arg11 : memref<!tpu.dma_semaphore, #tpu.memory_space<semaphore_mem>>) {add = true}
    }
    %while3A_209 = arith.constant 1 : i32
    scf.for %while3A_255 = %while3A_207 to %while3A_203 step %while3A_209  : i32 {
      %ge3A = arith.constant 1 : i32
      %ge3A_256 = arith.cmpi sge, %while3A_255, %ge3A : i32
      %convert_element_type3A = arith.extui %ge3A_256 : i1 to i32
      %cond3A = arith.constant 0 : i32
      %cond3A_257 = arith.cmpi ne, %convert_element_type3A, %cond3A : i32
      scf.if %cond3A_257 {
        %sub3A_359 = arith.constant 1 : i32
        %sub3A_360 = arith.subi %while3A_255, %sub3A_359 : i32
        %jit3A_361 = arith.constant 3 : i32
        %eq3A_362 = arith.constant 0 : i32
        %eq3A_363 = arith.cmpi eq, %jit3A_361, %eq3A_362 : i32
        %jit3A_364 = arith.constant 1 : i32
        %select_n3A_365 = arith.select %eq3A_363, %jit3A_364, %jit3A_361 : i32
        %rem3A_366 = arith.remsi %sub3A_360, %select_n3A_365 : i32
        %ne3A_367 = arith.constant 0 : i32
        %ne3A_368 = arith.cmpi ne, %rem3A_366, %ne3A_367 : i32
        %lt3A_369 = arith.constant 0 : i32
        %lt3A_370 = arith.cmpi slt, %rem3A_366, %lt3A_369 : i32
        %lt3A_371 = arith.constant 0 : i32
        %lt3A_372 = arith.cmpi slt, %select_n3A_365, %lt3A_371 : i32
        %ne3A_373 = arith.xori %lt3A_370, %lt3A_372 : i1
        %and3A_374 = arith.andi %ne3A_373, %ne3A_368 : i1
        %add3A_375 = arith.addi %rem3A_366, %select_n3A_365 : i32
        %select_n3A_376 = arith.select %and3A_374, %add3A_375, %rem3A_366 : i32
        %jit3A_377 = arith.constant 2 : i32
        %eq3A_378 = arith.constant 0 : i32
        %eq3A_379 = arith.cmpi eq, %jit3A_377, %eq3A_378 : i32
        %jit3A_380 = arith.constant 1 : i32
        %select_n3A_381 = arith.select %eq3A_379, %jit3A_380, %jit3A_377 : i32
        %rem3A_382 = arith.remsi %sub3A_360, %select_n3A_381 : i32
        %ne3A_383 = arith.constant 0 : i32
        %ne3A_384 = arith.cmpi ne, %rem3A_382, %ne3A_383 : i32
        %lt3A_385 = arith.constant 0 : i32
        %lt3A_386 = arith.cmpi slt, %rem3A_382, %lt3A_385 : i32
        %lt3A_387 = arith.constant 0 : i32
        %lt3A_388 = arith.cmpi slt, %select_n3A_381, %lt3A_387 : i32
        %ne3A_389 = arith.xori %lt3A_386, %lt3A_388 : i1
        %and3A_390 = arith.andi %ne3A_389, %ne3A_384 : i1
        %add3A_391 = arith.addi %rem3A_382, %select_n3A_381 : i32
        %select_n3A_392 = arith.select %and3A_390, %add3A_391, %rem3A_382 : i32
        %dma_wait3A_393 = arith.constant 1 : i32
        %dma_wait3A_394 = arith.constant 0 : i32
        %dma_wait3A_395 = arith.constant 0 : i32
        %dma_wait3A_396 = tpu.memref_slice %arg6[%select_n3A_392, %dma_wait3A_394, %dma_wait3A_395] : memref<2x128x128xf32, #tpu.memory_space<vmem>> -> memref<1x128x128xf32, #tpu.memory_space<vmem>>
        %dma_wait3A_397 = tpu.memref_squeeze %dma_wait3A_396 : memref<1x128x128xf32, #tpu.memory_space<vmem>> -> memref<128x128xf32, #tpu.memory_space<vmem>>
        %dma_wait3A_398 = arith.constant 0 : i32
        %dma_wait3A_399 = tpu.memref_slice %arg5[%select_n3A_376, %dma_wait3A_393, %dma_wait3A_398] : memref<3x2x128xi32, #tpu.memory_space<vmem>> -> memref<1x1x128xi32, #tpu.memory_space<vmem>>
        %dma_wait3A_400 = tpu.memref_squeeze %dma_wait3A_399 : memref<1x1x128xi32, #tpu.memory_space<vmem>> -> memref<128xi32, #tpu.memory_space<vmem>>
        %dma_wait3A_401 = arith.constant 0 : i32
        %dma_wait3A_402 = arith.constant 0 : i32
        %dma_wait3A_403 = tpu.memref_slice %arg8[%dma_wait3A_401, %dma_wait3A_402] : memref<10240x128xf32, #tpu.memory_space<vmem_shared>> -> memref<10240x128xf32, #tpu.memory_space<vmem_shared>>
        tpu.wait_indirect_dma semaphore(%arg11 : memref<!tpu.dma_semaphore, #tpu.memory_space<semaphore_mem>>) src(%dma_wait3A_397 : memref<128x128xf32, #tpu.memory_space<vmem>>) dst(%dma_wait3A_403 : memref<10240x128xf32, #tpu.memory_space<vmem_shared>>)
      } else {
      }
      %add3A_258 = arith.constant 2 : i32
      %add3A_259 = arith.addi %while3A_255, %add3A_258 : i32
      %sub3A_260 = arith.constant 1 : i32
      %sub3A_261 = arith.subi %add3A_4, %sub3A_260 : i32
      %le3A = arith.cmpi sle, %add3A_259, %sub3A_261 : i32
      %convert_element_type3A_262 = arith.extui %le3A : i1 to i32
      %cond3A_263 = arith.constant 0 : i32
      %cond3A_264 = arith.cmpi ne, %convert_element_type3A_262, %cond3A_263 : i32
      scf.if %cond3A_264 {
        %add3A_359 = arith.constant 2 : i32
        %add3A_360 = arith.addi %while3A_255, %add3A_359 : i32
        %mul3A_361 = arith.constant 32 : i32
        %mul3A_362 = arith.muli %add3A_360, %mul3A_361 : i32
        %add3A_363 = arith.addi %add3A, %mul3A_362 : i32
        %mul3A_364 = arith.constant 128 : i32
        %mul3A_365 = arith.muli %add3A_363, %mul3A_364 : i32
        %jit3A_366 = arith.constant 3 : i32
        %eq3A_367 = arith.constant 0 : i32
        %eq3A_368 = arith.cmpi eq, %jit3A_366, %eq3A_367 : i32
        %jit3A_369 = arith.constant 1 : i32
        %select_n3A_370 = arith.select %eq3A_368, %jit3A_369, %jit3A_366 : i32
        %rem3A_371 = arith.remsi %add3A_360, %select_n3A_370 : i32
        %ne3A_372 = arith.constant 0 : i32
        %ne3A_373 = arith.cmpi ne, %rem3A_371, %ne3A_372 : i32
        %lt3A_374 = arith.constant 0 : i32
        %lt3A_375 = arith.cmpi slt, %rem3A_371, %lt3A_374 : i32
        %lt3A_376 = arith.constant 0 : i32
        %lt3A_377 = arith.cmpi slt, %select_n3A_370, %lt3A_376 : i32
        %ne3A_378 = arith.xori %lt3A_375, %lt3A_377 : i1
        %and3A_379 = arith.andi %ne3A_378, %ne3A_373 : i1
        %add3A_380 = arith.addi %rem3A_371, %select_n3A_370 : i32
        %select_n3A_381 = arith.select %and3A_379, %add3A_380, %rem3A_371 : i32
        %dma_start3A_382 = arith.constant 0 : i32
        %dma_start3A_383 = arith.constant 0 : i32
        %dma_start3A_384 = tpu.memref_slice %arg5[%select_n3A_381, %dma_start3A_382, %dma_start3A_383] : memref<3x2x128xi32, #tpu.memory_space<vmem>> -> memref<1x2x128xi32, #tpu.memory_space<vmem>>
        %dma_start3A_385 = tpu.memref_squeeze %dma_start3A_384 : memref<1x2x128xi32, #tpu.memory_space<vmem>> -> memref<2x128xi32, #tpu.memory_space<vmem>>
        %dma_start3A_386 = arith.constant 0 : i32
        %dma_start3A_387 = tpu.memref_slice %arg3[%dma_start3A_386, %mul3A_365] : memref<2x320000xi32, #tpu.memory_space<hbm>> -> memref<2x128xi32, #tpu.memory_space<hbm>>
        %dma_start3A_388 = arith.constant 0 : i32
        %dma_start3A_389 = arith.constant 0 : i32
        %dma_start3A_390 = tpu.memref_slice %arg5[%select_n3A_381, %dma_start3A_388, %dma_start3A_389] : memref<3x2x128xi32, #tpu.memory_space<vmem>> -> memref<1x2x128xi32, #tpu.memory_space<vmem>>
        %dma_start3A_391 = tpu.memref_squeeze %dma_start3A_390 : memref<1x2x128xi32, #tpu.memory_space<vmem>> -> memref<2x128xi32, #tpu.memory_space<vmem>>
        %dma_start3A_392 = arith.constant 0 : i32
        %dma_start3A_393 = tpu.memref_slice %arg3[%dma_start3A_392, %mul3A_365] : memref<2x320000xi32, #tpu.memory_space<hbm>> -> memref<2x128xi32, #tpu.memory_space<hbm>>
        tpu.enqueue_dma source(%dma_start3A_393 : memref<2x128xi32, #tpu.memory_space<hbm>>) target(%dma_start3A_391 : memref<2x128xi32, #tpu.memory_space<vmem>>) target_semaphore(%arg9 : memref<!tpu.dma_semaphore, #tpu.memory_space<semaphore_mem>>)
      } else {
      }
      %add3A_265 = arith.constant 1 : i32
      %add3A_266 = arith.addi %while3A_255, %add3A_265 : i32
      %sub3A_267 = arith.constant 1 : i32
      %sub3A_268 = arith.subi %add3A_4, %sub3A_267 : i32
      %le3A_269 = arith.cmpi sle, %add3A_266, %sub3A_268 : i32
      %convert_element_type3A_270 = arith.extui %le3A_269 : i1 to i32
      %cond3A_271 = arith.constant 0 : i32
      %cond3A_272 = arith.cmpi ne, %convert_element_type3A_270, %cond3A_271 : i32
      scf.if %cond3A_272 {
        %add3A_359 = arith.constant 1 : i32
        %add3A_360 = arith.addi %while3A_255, %add3A_359 : i32
        %mul3A_361 = arith.constant 32 : i32
        %mul3A_362 = arith.muli %add3A_360, %mul3A_361 : i32
        %add3A_363 = arith.addi %add3A, %mul3A_362 : i32
        %mul3A_364 = arith.constant 128 : i32
        %mul3A_365 = arith.muli %add3A_363, %mul3A_364 : i32
        %jit3A_366 = arith.constant 3 : i32
        %eq3A_367 = arith.constant 0 : i32
        %eq3A_368 = arith.cmpi eq, %jit3A_366, %eq3A_367 : i32
        %jit3A_369 = arith.constant 1 : i32
        %select_n3A_370 = arith.select %eq3A_368, %jit3A_369, %jit3A_366 : i32
        %rem3A_371 = arith.remsi %add3A_360, %select_n3A_370 : i32
        %ne3A_372 = arith.constant 0 : i32
        %ne3A_373 = arith.cmpi ne, %rem3A_371, %ne3A_372 : i32
        %lt3A_374 = arith.constant 0 : i32
        %lt3A_375 = arith.cmpi slt, %rem3A_371, %lt3A_374 : i32
        %lt3A_376 = arith.constant 0 : i32
        %lt3A_377 = arith.cmpi slt, %select_n3A_370, %lt3A_376 : i32
        %ne3A_378 = arith.xori %lt3A_375, %lt3A_377 : i1
        %and3A_379 = arith.andi %ne3A_378, %ne3A_373 : i1
        %add3A_380 = arith.addi %rem3A_371, %select_n3A_370 : i32
        %select_n3A_381 = arith.select %and3A_379, %add3A_380, %rem3A_371 : i32
        %dma_wait3A_382 = arith.constant 0 : i32
        %dma_wait3A_383 = arith.constant 0 : i32
        %dma_wait3A_384 = tpu.memref_slice %arg5[%select_n3A_381, %dma_wait3A_382, %dma_wait3A_383] : memref<3x2x128xi32, #tpu.memory_space<vmem>> -> memref<1x2x128xi32, #tpu.memory_space<vmem>>
        %dma_wait3A_385 = tpu.memref_squeeze %dma_wait3A_384 : memref<1x2x128xi32, #tpu.memory_space<vmem>> -> memref<2x128xi32, #tpu.memory_space<vmem>>
        %dma_wait3A_386 = arith.constant 0 : i32
        %dma_wait3A_387 = tpu.memref_slice %arg3[%dma_wait3A_386, %mul3A_365] : memref<2x320000xi32, #tpu.memory_space<hbm>> -> memref<2x128xi32, #tpu.memory_space<hbm>>
        %dma_wait3A_388 = arith.constant 0 : i32
        %dma_wait3A_389 = arith.constant 0 : i32
        %dma_wait3A_390 = tpu.memref_slice %arg5[%select_n3A_381, %dma_wait3A_388, %dma_wait3A_389] : memref<3x2x128xi32, #tpu.memory_space<vmem>> -> memref<1x2x128xi32, #tpu.memory_space<vmem>>
        %dma_wait3A_391 = tpu.memref_squeeze %dma_wait3A_390 : memref<1x2x128xi32, #tpu.memory_space<vmem>> -> memref<2x128xi32, #tpu.memory_space<vmem>>
        %dma_wait3A_392 = arith.constant 0 : i32
        %dma_wait3A_393 = tpu.memref_slice %arg3[%dma_wait3A_392, %mul3A_365] : memref<2x320000xi32, #tpu.memory_space<hbm>> -> memref<2x128xi32, #tpu.memory_space<hbm>>
        tpu.wait_dma2 semaphore(%arg9 : memref<!tpu.dma_semaphore, #tpu.memory_space<semaphore_mem>>) src(%dma_wait3A_393 : memref<2x128xi32, #tpu.memory_space<hbm>>) dst(%dma_wait3A_391 : memref<2x128xi32, #tpu.memory_space<vmem>>)
        %add3A_394 = arith.constant 1 : i32
        %add3A_395 = arith.addi %while3A_255, %add3A_394 : i32
        %jit3A_396 = arith.constant 3 : i32
        %eq3A_397 = arith.constant 0 : i32
        %eq3A_398 = arith.cmpi eq, %jit3A_396, %eq3A_397 : i32
        %jit3A_399 = arith.constant 1 : i32
        %select_n3A_400 = arith.select %eq3A_398, %jit3A_399, %jit3A_396 : i32
        %rem3A_401 = arith.remsi %add3A_395, %select_n3A_400 : i32
        %ne3A_402 = arith.constant 0 : i32
        %ne3A_403 = arith.cmpi ne, %rem3A_401, %ne3A_402 : i32
        %lt3A_404 = arith.constant 0 : i32
        %lt3A_405 = arith.cmpi slt, %rem3A_401, %lt3A_404 : i32
        %lt3A_406 = arith.constant 0 : i32
        %lt3A_407 = arith.cmpi slt, %select_n3A_400, %lt3A_406 : i32
        %ne3A_408 = arith.xori %lt3A_405, %lt3A_407 : i1
        %and3A_409 = arith.andi %ne3A_408, %ne3A_403 : i1
        %add3A_410 = arith.addi %rem3A_401, %select_n3A_400 : i32
        %select_n3A_411 = arith.select %and3A_409, %add3A_410, %rem3A_401 : i32
        %jit3A_412 = arith.constant 2 : i32
        %eq3A_413 = arith.constant 0 : i32
        %eq3A_414 = arith.cmpi eq, %jit3A_412, %eq3A_413 : i32
        %jit3A_415 = arith.constant 1 : i32
        %select_n3A_416 = arith.select %eq3A_414, %jit3A_415, %jit3A_412 : i32
        %rem3A_417 = arith.remsi %add3A_395, %select_n3A_416 : i32
        %ne3A_418 = arith.constant 0 : i32
        %ne3A_419 = arith.cmpi ne, %rem3A_417, %ne3A_418 : i32
        %lt3A_420 = arith.constant 0 : i32
        %lt3A_421 = arith.cmpi slt, %rem3A_417, %lt3A_420 : i32
        %lt3A_422 = arith.constant 0 : i32
        %lt3A_423 = arith.cmpi slt, %select_n3A_416, %lt3A_422 : i32
        %ne3A_424 = arith.xori %lt3A_421, %lt3A_423 : i1
        %and3A_425 = arith.andi %ne3A_424, %ne3A_419 : i1
        %add3A_426 = arith.addi %rem3A_417, %select_n3A_416 : i32
        %select_n3A_427 = arith.select %and3A_425, %add3A_426, %rem3A_417 : i32
        %dma_start3A_428 = arith.constant 0 : i32
        %dma_start3A_429 = arith.constant 0 : i32
        %dma_start3A_430 = arith.constant 0 : i32
        %dma_start3A_431 = tpu.memref_slice %arg6[%select_n3A_427, %dma_start3A_429, %dma_start3A_430] : memref<2x128x128xf32, #tpu.memory_space<vmem>> -> memref<1x128x128xf32, #tpu.memory_space<vmem>>
        %dma_start3A_432 = tpu.memref_squeeze %dma_start3A_431 : memref<1x128x128xf32, #tpu.memory_space<vmem>> -> memref<128x128xf32, #tpu.memory_space<vmem>>
        %dma_start3A_433 = arith.constant 0 : i32
        %dma_start3A_434 = tpu.memref_slice %arg5[%select_n3A_411, %dma_start3A_428, %dma_start3A_433] : memref<3x2x128xi32, #tpu.memory_space<vmem>> -> memref<1x1x128xi32, #tpu.memory_space<vmem>>
        %dma_start3A_435 = tpu.memref_squeeze %dma_start3A_434 : memref<1x1x128xi32, #tpu.memory_space<vmem>> -> memref<128xi32, #tpu.memory_space<vmem>>
        %dma_start3A_436 = arith.constant 0 : i32
        %dma_start3A_437 = arith.constant 0 : i32
        %dma_start3A_438 = tpu.memref_slice %arg2[%dma_start3A_436, %dma_start3A_437] : memref<10000x128xf32, #tpu.memory_space<hbm>> -> memref<10000x128xf32, #tpu.memory_space<hbm>>
        tpu.enqueue_indirect_dma source(%dma_start3A_438 : memref<10000x128xf32, #tpu.memory_space<hbm>>) target(%dma_start3A_432 : memref<128x128xf32, #tpu.memory_space<vmem>>) offsets(%dma_start3A_435 : memref<128xi32, #tpu.memory_space<vmem>>) semaphore(%arg10 : memref<!tpu.dma_semaphore, #tpu.memory_space<semaphore_mem>>)
      } else {
      }
      %jit3A_273 = arith.constant 3 : i32
      %eq3A_274 = arith.constant 0 : i32
      %eq3A_275 = arith.cmpi eq, %jit3A_273, %eq3A_274 : i32
      %jit3A_276 = arith.constant 1 : i32
      %select_n3A_277 = arith.select %eq3A_275, %jit3A_276, %jit3A_273 : i32
      %rem3A_278 = arith.remsi %while3A_255, %select_n3A_277 : i32
      %ne3A_279 = arith.constant 0 : i32
      %ne3A_280 = arith.cmpi ne, %rem3A_278, %ne3A_279 : i32
      %lt3A_281 = arith.constant 0 : i32
      %lt3A_282 = arith.cmpi slt, %rem3A_278, %lt3A_281 : i32
      %lt3A_283 = arith.constant 0 : i32
      %lt3A_284 = arith.cmpi slt, %select_n3A_277, %lt3A_283 : i32
      %ne3A_285 = arith.xori %lt3A_282, %lt3A_284 : i1
      %and3A_286 = arith.andi %ne3A_285, %ne3A_280 : i1
      %add3A_287 = arith.addi %rem3A_278, %select_n3A_277 : i32
      %select_n3A_288 = arith.select %and3A_286, %add3A_287, %rem3A_278 : i32
      %jit3A_289 = arith.constant 2 : i32
      %eq3A_290 = arith.constant 0 : i32
      %eq3A_291 = arith.cmpi eq, %jit3A_289, %eq3A_290 : i32
      %jit3A_292 = arith.constant 1 : i32
      %select_n3A_293 = arith.select %eq3A_291, %jit3A_292, %jit3A_289 : i32
      %rem3A_294 = arith.remsi %while3A_255, %select_n3A_293 : i32
      %ne3A_295 = arith.constant 0 : i32
      %ne3A_296 = arith.cmpi ne, %rem3A_294, %ne3A_295 : i32
      %lt3A_297 = arith.constant 0 : i32
      %lt3A_298 = arith.cmpi slt, %rem3A_294, %lt3A_297 : i32
      %lt3A_299 = arith.constant 0 : i32
      %lt3A_300 = arith.cmpi slt, %select_n3A_293, %lt3A_299 : i32
      %ne3A_301 = arith.xori %lt3A_298, %lt3A_300 : i1
      %and3A_302 = arith.andi %ne3A_301, %ne3A_296 : i1
      %add3A_303 = arith.addi %rem3A_294, %select_n3A_293 : i32
      %select_n3A_304 = arith.select %and3A_302, %add3A_303, %rem3A_294 : i32
      %dma_wait3A_305 = arith.constant 0 : i32
      %dma_wait3A_306 = arith.constant 0 : i32
      %dma_wait3A_307 = arith.constant 0 : i32
      %dma_wait3A_308 = tpu.memref_slice %arg6[%select_n3A_304, %dma_wait3A_306, %dma_wait3A_307] : memref<2x128x128xf32, #tpu.memory_space<vmem>> -> memref<1x128x128xf32, #tpu.memory_space<vmem>>
      %dma_wait3A_309 = tpu.memref_squeeze %dma_wait3A_308 : memref<1x128x128xf32, #tpu.memory_space<vmem>> -> memref<128x128xf32, #tpu.memory_space<vmem>>
      %dma_wait3A_310 = arith.constant 0 : i32
      %dma_wait3A_311 = tpu.memref_slice %arg5[%select_n3A_288, %dma_wait3A_305, %dma_wait3A_310] : memref<3x2x128xi32, #tpu.memory_space<vmem>> -> memref<1x1x128xi32, #tpu.memory_space<vmem>>
      %dma_wait3A_312 = tpu.memref_squeeze %dma_wait3A_311 : memref<1x1x128xi32, #tpu.memory_space<vmem>> -> memref<128xi32, #tpu.memory_space<vmem>>
      %dma_wait3A_313 = arith.constant 0 : i32
      %dma_wait3A_314 = arith.constant 0 : i32
      %dma_wait3A_315 = tpu.memref_slice %arg2[%dma_wait3A_313, %dma_wait3A_314] : memref<10000x128xf32, #tpu.memory_space<hbm>> -> memref<10000x128xf32, #tpu.memory_space<hbm>>
      tpu.wait_indirect_dma semaphore(%arg10 : memref<!tpu.dma_semaphore, #tpu.memory_space<semaphore_mem>>) src(%dma_wait3A_315 : memref<10000x128xf32, #tpu.memory_space<hbm>>) dst(%dma_wait3A_309 : memref<128x128xf32, #tpu.memory_space<vmem>>)
      %jit3A_316 = arith.constant 3 : i32
      %eq3A_317 = arith.constant 0 : i32
      %eq3A_318 = arith.cmpi eq, %jit3A_316, %eq3A_317 : i32
      %jit3A_319 = arith.constant 1 : i32
      %select_n3A_320 = arith.select %eq3A_318, %jit3A_319, %jit3A_316 : i32
      %rem3A_321 = arith.remsi %while3A_255, %select_n3A_320 : i32
      %ne3A_322 = arith.constant 0 : i32
      %ne3A_323 = arith.cmpi ne, %rem3A_321, %ne3A_322 : i32
      %lt3A_324 = arith.constant 0 : i32
      %lt3A_325 = arith.cmpi slt, %rem3A_321, %lt3A_324 : i32
      %lt3A_326 = arith.constant 0 : i32
      %lt3A_327 = arith.cmpi slt, %select_n3A_320, %lt3A_326 : i32
      %ne3A_328 = arith.xori %lt3A_325, %lt3A_327 : i1
      %and3A_329 = arith.andi %ne3A_328, %ne3A_323 : i1
      %add3A_330 = arith.addi %rem3A_321, %select_n3A_320 : i32
      %select_n3A_331 = arith.select %and3A_329, %add3A_330, %rem3A_321 : i32
      %jit3A_332 = arith.constant 2 : i32
      %eq3A_333 = arith.constant 0 : i32
      %eq3A_334 = arith.cmpi eq, %jit3A_332, %eq3A_333 : i32
      %jit3A_335 = arith.constant 1 : i32
      %select_n3A_336 = arith.select %eq3A_334, %jit3A_335, %jit3A_332 : i32
      %rem3A_337 = arith.remsi %while3A_255, %select_n3A_336 : i32
      %ne3A_338 = arith.constant 0 : i32
      %ne3A_339 = arith.cmpi ne, %rem3A_337, %ne3A_338 : i32
      %lt3A_340 = arith.constant 0 : i32
      %lt3A_341 = arith.cmpi slt, %rem3A_337, %lt3A_340 : i32
      %lt3A_342 = arith.constant 0 : i32
      %lt3A_343 = arith.cmpi slt, %select_n3A_336, %lt3A_342 : i32
      %ne3A_344 = arith.xori %lt3A_341, %lt3A_343 : i1
      %and3A_345 = arith.andi %ne3A_344, %ne3A_339 : i1
      %add3A_346 = arith.addi %rem3A_337, %select_n3A_336 : i32
      %select_n3A_347 = arith.select %and3A_345, %add3A_346, %rem3A_337 : i32
      %dma_start3A_348 = arith.constant 1 : i32
      %dma_start3A_349 = arith.constant 0 : i32
      %dma_start3A_350 = arith.constant 0 : i32
      %dma_start3A_351 = tpu.memref_slice %arg6[%select_n3A_347, %dma_start3A_349, %dma_start3A_350] : memref<2x128x128xf32, #tpu.memory_space<vmem>> -> memref<1x128x128xf32, #tpu.memory_space<vmem>>
      %dma_start3A_352 = tpu.memref_squeeze %dma_start3A_351 : memref<1x128x128xf32, #tpu.memory_space<vmem>> -> memref<128x128xf32, #tpu.memory_space<vmem>>
      %dma_start3A_353 = arith.constant 0 : i32
      %dma_start3A_354 = tpu.memref_slice %arg5[%select_n3A_331, %dma_start3A_348, %dma_start3A_353] : memref<3x2x128xi32, #tpu.memory_space<vmem>> -> memref<1x1x128xi32, #tpu.memory_space<vmem>>
      %dma_start3A_355 = tpu.memref_squeeze %dma_start3A_354 : memref<1x1x128xi32, #tpu.memory_space<vmem>> -> memref<128xi32, #tpu.memory_space<vmem>>
      %dma_start3A_356 = arith.constant 0 : i32
      %dma_start3A_357 = arith.constant 0 : i32
      %dma_start3A_358 = tpu.memref_slice %arg8[%dma_start3A_356, %dma_start3A_357] : memref<10240x128xf32, #tpu.memory_space<vmem_shared>> -> memref<10240x128xf32, #tpu.memory_space<vmem_shared>>
      tpu.enqueue_indirect_dma source(%dma_start3A_352 : memref<128x128xf32, #tpu.memory_space<vmem>>) target(%dma_start3A_358 : memref<10240x128xf32, #tpu.memory_space<vmem_shared>>) offsets(%dma_start3A_355 : memref<128xi32, #tpu.memory_space<vmem>>) semaphore(%arg11 : memref<!tpu.dma_semaphore, #tpu.memory_space<semaphore_mem>>) {add = true}
    }
    %sub3A = arith.constant 1 : i32
    %sub3A_210 = arith.subi %add3A_4, %sub3A : i32
    %jit3A_211 = arith.constant 3 : i32
    %eq3A = arith.constant 0 : i32
    %eq3A_212 = arith.cmpi eq, %jit3A_211, %eq3A : i32
    %jit3A_213 = arith.constant 1 : i32
    %select_n3A_214 = arith.select %eq3A_212, %jit3A_213, %jit3A_211 : i32
    %rem3A = arith.remsi %sub3A_210, %select_n3A_214 : i32
    %ne3A = arith.constant 0 : i32
    %ne3A_215 = arith.cmpi ne, %rem3A, %ne3A : i32
    %lt3A_216 = arith.constant 0 : i32
    %lt3A_217 = arith.cmpi slt, %rem3A, %lt3A_216 : i32
    %lt3A_218 = arith.constant 0 : i32
    %lt3A_219 = arith.cmpi slt, %select_n3A_214, %lt3A_218 : i32
    %ne3A_220 = arith.xori %lt3A_217, %lt3A_219 : i1
    %and3A = arith.andi %ne3A_220, %ne3A_215 : i1
    %add3A_221 = arith.addi %rem3A, %select_n3A_214 : i32
    %select_n3A_222 = arith.select %and3A, %add3A_221, %rem3A : i32
    %jit3A_223 = arith.constant 2 : i32
    %eq3A_224 = arith.constant 0 : i32
    %eq3A_225 = arith.cmpi eq, %jit3A_223, %eq3A_224 : i32
    %jit3A_226 = arith.constant 1 : i32
    %select_n3A_227 = arith.select %eq3A_225, %jit3A_226, %jit3A_223 : i32
    %rem3A_228 = arith.remsi %sub3A_210, %select_n3A_227 : i32
    %ne3A_229 = arith.constant 0 : i32
    %ne3A_230 = arith.cmpi ne, %rem3A_228, %ne3A_229 : i32
    %lt3A_231 = arith.constant 0 : i32
    %lt3A_232 = arith.cmpi slt, %rem3A_228, %lt3A_231 : i32
    %lt3A_233 = arith.constant 0 : i32
    %lt3A_234 = arith.cmpi slt, %select_n3A_227, %lt3A_233 : i32
    %ne3A_235 = arith.xori %lt3A_232, %lt3A_234 : i1
    %and3A_236 = arith.andi %ne3A_235, %ne3A_230 : i1
    %add3A_237 = arith.addi %rem3A_228, %select_n3A_227 : i32
    %select_n3A_238 = arith.select %and3A_236, %add3A_237, %rem3A_228 : i32
    %dma_wait3A_239 = arith.constant 1 : i32
    %dma_wait3A_240 = arith.constant 0 : i32
    %dma_wait3A_241 = arith.constant 0 : i32
    %dma_wait3A_242 = tpu.memref_slice %arg6[%select_n3A_238, %dma_wait3A_240, %dma_wait3A_241] : memref<2x128x128xf32, #tpu.memory_space<vmem>> -> memref<1x128x128xf32, #tpu.memory_space<vmem>>
    %dma_wait3A_243 = tpu.memref_squeeze %dma_wait3A_242 : memref<1x128x128xf32, #tpu.memory_space<vmem>> -> memref<128x128xf32, #tpu.memory_space<vmem>>
    %dma_wait3A_244 = arith.constant 0 : i32
    %dma_wait3A_245 = tpu.memref_slice %arg5[%select_n3A_222, %dma_wait3A_239, %dma_wait3A_244] : memref<3x2x128xi32, #tpu.memory_space<vmem>> -> memref<1x1x128xi32, #tpu.memory_space<vmem>>
    %dma_wait3A_246 = tpu.memref_squeeze %dma_wait3A_245 : memref<1x1x128xi32, #tpu.memory_space<vmem>> -> memref<128xi32, #tpu.memory_space<vmem>>
    %dma_wait3A_247 = arith.constant 0 : i32
    %dma_wait3A_248 = arith.constant 0 : i32
    %dma_wait3A_249 = tpu.memref_slice %arg8[%dma_wait3A_247, %dma_wait3A_248] : memref<10240x128xf32, #tpu.memory_space<vmem_shared>> -> memref<10240x128xf32, #tpu.memory_space<vmem_shared>>
    tpu.wait_indirect_dma semaphore(%arg11 : memref<!tpu.dma_semaphore, #tpu.memory_space<semaphore_mem>>) src(%dma_wait3A_243 : memref<128x128xf32, #tpu.memory_space<vmem>>) dst(%dma_wait3A_249 : memref<10240x128xf32, #tpu.memory_space<vmem_shared>>)
    %barrier3A_250 = arith.constant 0 : index
    tpu.barrier barrier_id(%barrier3A_250)
    %mul3A_251 = arith.constant 640 : i32
    %mul3A_252 = arith.muli %arg1, %mul3A_251 : i32
    %mul3A_253 = arith.constant 640 : i32
    %mul3A_254 = arith.muli %arg1, %mul3A_253 : i32
    "tpu.region"() ({
      %run_scoped3A = tpu.sem_alloc : memref<!tpu.dma_semaphore, #tpu.memory_space<semaphore_mem>>
      %dma_start3A_255 = arith.constant 0 : i32
      %dma_start3A_256 = tpu.memref_slice %arg4[%arg0, %mul3A_254, %dma_start3A_255] : memref<2x10240x128xf32, #tpu.memory_space<hbm>> -> memref<1x640x128xf32, #tpu.memory_space<hbm>>
      %dma_start3A_257 = tpu.memref_squeeze %dma_start3A_256 : memref<1x640x128xf32, #tpu.memory_space<hbm>> -> memref<640x128xf32, #tpu.memory_space<hbm>>
      %dma_start3A_258 = arith.constant 0 : i32
      %dma_start3A_259 = tpu.memref_slice %arg8[%mul3A_252, %dma_start3A_258] : memref<10240x128xf32, #tpu.memory_space<vmem_shared>> -> memref<640x128xf32, #tpu.memory_space<vmem_shared>>
      tpu.enqueue_dma source(%dma_start3A_259 : memref<640x128xf32, #tpu.memory_space<vmem_shared>>) target(%dma_start3A_257 : memref<640x128xf32, #tpu.memory_space<hbm>>) target_semaphore(%run_scoped3A : memref<!tpu.dma_semaphore, #tpu.memory_space<semaphore_mem>>)
      %dma_wait3A_260 = arith.constant 0 : i32
      %dma_wait3A_261 = tpu.memref_slice %arg4[%arg0, %mul3A_254, %dma_wait3A_260] : memref<2x10240x128xf32, #tpu.memory_space<hbm>> -> memref<1x640x128xf32, #tpu.memory_space<hbm>>
      %dma_wait3A_262 = tpu.memref_squeeze %dma_wait3A_261 : memref<1x640x128xf32, #tpu.memory_space<hbm>> -> memref<640x128xf32, #tpu.memory_space<hbm>>
      %dma_wait3A_263 = arith.constant 0 : i32
      %dma_wait3A_264 = tpu.memref_slice %arg8[%mul3A_252, %dma_wait3A_263] : memref<10240x128xf32, #tpu.memory_space<vmem_shared>> -> memref<640x128xf32, #tpu.memory_space<vmem_shared>>
      tpu.wait_dma2 semaphore(%run_scoped3A : memref<!tpu.dma_semaphore, #tpu.memory_space<semaphore_mem>>) src(%dma_wait3A_264 : memref<640x128xf32, #tpu.memory_space<vmem_shared>>) dst(%dma_wait3A_262 : memref<640x128xf32, #tpu.memory_space<hbm>>)
      tpu.yield
    }) : () -> ()
    return
  }
}

#map = affine_map<(d0, d1) -> (0, 0)>
#map1 = affine_map<(d0, d1) -> (0, 0, 0)>
module attributes {stable_mosaic.version = 14 : i64} {
  func.func @_seg_sum_sc(%arg0: i32, %arg1: i32, %arg2: memref<10000x128xf32, #tpu.memory_space<hbm>>, %arg3: memref<2x320000xi32, #tpu.memory_space<hbm>>, %arg4: memref<2x10240x128xf32, #tpu.memory_space<hbm>>, %arg5: memref<3x2x128xi32, #tpu.memory_space<vmem>>, %arg6: memref<2x128x128xf32, #tpu.memory_space<vmem>>, %arg7: memref<80x128xf32, #tpu.memory_space<vmem>>, %arg8: memref<10240x128xf32, #tpu.memory_space<vmem_shared>>, %arg9: memref<!tpu.dma_semaphore, #tpu.memory_space<semaphore_mem>>, %arg10: memref<!tpu.dma_semaphore, #tpu.memory_space<semaphore_mem>>, %arg11: memref<!tpu.dma_semaphore, #tpu.memory_space<semaphore_mem>>) attributes {dimension_semantics = [#tpu.dimension_semantics<core_parallel>, #tpu.dimension_semantics<subcore_parallel>], iteration_bounds = array<i64: 2, 16>, scalar_prefetch = 0 : i64, scratch_operands = 7 : i64, tpu.core_type = #tpu.core_type<sc_vector_subcore>, window_params = [{transform_indices = #map}, {transform_indices = #map}, {transform_indices = #map1}]} {
    %mul3A = arith.constant 2 : i32
    %mul3A_0 = arith.muli %arg1, %mul3A : i32
    %add3A = arith.addi %mul3A_0, %arg0 : i32
    %lt3A = arith.constant 4 : i32
    %lt3A_1 = arith.cmpi slt, %add3A, %lt3A : i32
    %jit3A = arith.constant 1 : i32
    %jit3A_2 = arith.constant 0 : i32
    %select_n3A = arith.select %lt3A_1, %jit3A, %jit3A_2 : i32
    %add3A_3 = arith.constant 78 : i32
    %add3A_4 = arith.addi %add3A_3, %select_n3A : i32
    %add3A_5 = arith.constant 0 : i32
    %add3A_6 = arith.addi %add3A, %add3A_5 : i32
    %mul3A_7 = arith.constant 128 : i32
    %mul3A_8 = arith.muli %add3A_6, %mul3A_7 : i32
    %dma_start3A = arith.constant 0 : i32
    %dma_start3A_9 = arith.constant 0 : i32
    %dma_start3A_10 = arith.constant 0 : i32
    %dma_start3A_11 = tpu.memref_slice %arg5[%dma_start3A, %dma_start3A_9, %dma_start3A_10] : memref<3x2x128xi32, #tpu.memory_space<vmem>> -> memref<1x2x128xi32, #tpu.memory_space<vmem>>
    %dma_start3A_12 = tpu.memref_squeeze %dma_start3A_11 : memref<1x2x128xi32, #tpu.memory_space<vmem>> -> memref<2x128xi32, #tpu.memory_space<vmem>>
    %dma_start3A_13 = arith.constant 0 : i32
    %dma_start3A_14 = tpu.memref_slice %arg3[%dma_start3A_13, %mul3A_8] : memref<2x320000xi32, #tpu.memory_space<hbm>> -> memref<2x128xi32, #tpu.memory_space<hbm>>
    %dma_start3A_15 = arith.constant 0 : i32
    %dma_start3A_16 = arith.constant 0 : i32
    %dma_start3A_17 = tpu.memref_slice %arg5[%dma_start3A, %dma_start3A_15, %dma_start3A_16] : memref<3x2x128xi32, #tpu.memory_space<vmem>> -> memref<1x2x128xi32, #tpu.memory_space<vmem>>
    %dma_start3A_18 = tpu.memref_squeeze %dma_start3A_17 : memref<1x2x128xi32, #tpu.memory_space<vmem>> -> memref<2x128xi32, #tpu.memory_space<vmem>>
    %dma_start3A_19 = arith.constant 0 : i32
    %dma_start3A_20 = tpu.memref_slice %arg3[%dma_start3A_19, %mul3A_8] : memref<2x320000xi32, #tpu.memory_space<hbm>> -> memref<2x128xi32, #tpu.memory_space<hbm>>
    tpu.enqueue_dma source(%dma_start3A_20 : memref<2x128xi32, #tpu.memory_space<hbm>>) target(%dma_start3A_18 : memref<2x128xi32, #tpu.memory_space<vmem>>) target_semaphore(%arg9 : memref<!tpu.dma_semaphore, #tpu.memory_space<semaphore_mem>>)
    %add3A_21 = arith.constant 32 : i32
    %add3A_22 = arith.addi %add3A, %add3A_21 : i32
    %mul3A_23 = arith.constant 128 : i32
    %mul3A_24 = arith.muli %add3A_22, %mul3A_23 : i32
    %dma_start3A_25 = arith.constant 1 : i32
    %dma_start3A_26 = arith.constant 0 : i32
    %dma_start3A_27 = arith.constant 0 : i32
    %dma_start3A_28 = tpu.memref_slice %arg5[%dma_start3A_25, %dma_start3A_26, %dma_start3A_27] : memref<3x2x128xi32, #tpu.memory_space<vmem>> -> memref<1x2x128xi32, #tpu.memory_space<vmem>>
    %dma_start3A_29 = tpu.memref_squeeze %dma_start3A_28 : memref<1x2x128xi32, #tpu.memory_space<vmem>> -> memref<2x128xi32, #tpu.memory_space<vmem>>
    %dma_start3A_30 = arith.constant 0 : i32
    %dma_start3A_31 = tpu.memref_slice %arg3[%dma_start3A_30, %mul3A_24] : memref<2x320000xi32, #tpu.memory_space<hbm>> -> memref<2x128xi32, #tpu.memory_space<hbm>>
    %dma_start3A_32 = arith.constant 0 : i32
    %dma_start3A_33 = arith.constant 0 : i32
    %dma_start3A_34 = tpu.memref_slice %arg5[%dma_start3A_25, %dma_start3A_32, %dma_start3A_33] : memref<3x2x128xi32, #tpu.memory_space<vmem>> -> memref<1x2x128xi32, #tpu.memory_space<vmem>>
    %dma_start3A_35 = tpu.memref_squeeze %dma_start3A_34 : memref<1x2x128xi32, #tpu.memory_space<vmem>> -> memref<2x128xi32, #tpu.memory_space<vmem>>
    %dma_start3A_36 = arith.constant 0 : i32
    %dma_start3A_37 = tpu.memref_slice %arg3[%dma_start3A_36, %mul3A_24] : memref<2x320000xi32, #tpu.memory_space<hbm>> -> memref<2x128xi32, #tpu.memory_space<hbm>>
    tpu.enqueue_dma source(%dma_start3A_37 : memref<2x128xi32, #tpu.memory_space<hbm>>) target(%dma_start3A_35 : memref<2x128xi32, #tpu.memory_space<vmem>>) target_semaphore(%arg9 : memref<!tpu.dma_semaphore, #tpu.memory_space<semaphore_mem>>)
    %broadcast_in_dim3A = arith.constant 0.000000e+00 : f32
    %broadcast_in_dim3A_38 = vector.broadcast %broadcast_in_dim3A : f32 to vector<16xf32>
    %scan3A = arith.constant 0 : i32
    %scan3A_39 = arith.constant 0 : i32
    %scan3A_40 = arith.constant 80 : i32
    %scan3A_41 = arith.addi %scan3A_39, %scan3A_40 : i32
    %scan3A_42 = arith.constant 1 : i32
    scf.for %scan3A_255 = %scan3A_39 to %scan3A_41 step %scan3A_42  : i32 {
      %swap3A = arith.index_cast %scan3A_255 : i32 to index
      %swap3A_256 = arith.constant 0 : index
      %swap3A_257 = tpu.vector_load %arg7[%swap3A, %swap3A_256] {strides = array<i32>} : memref<80x128xf32, #tpu.memory_space<vmem>>, vector<1x16xf32>,
      %swap3A_258 = vector.shape_cast %swap3A_257 : vector<1x16xf32> to vector<16xf32>
      %swap3A_259 = vector.shape_cast %broadcast_in_dim3A_38 : vector<16xf32> to vector<1x16xf32>
      tpu.vector_store %arg7[%swap3A, %swap3A_256], %swap3A_259 {strides = array<i32>} : memref<80x128xf32, #tpu.memory_space<vmem>>, vector<1x16xf32>,
      %swap3A_260 = arith.index_cast %scan3A_255 : i32 to index
      %swap3A_261 = arith.constant 16 : index
      %swap3A_262 = tpu.vector_load %arg7[%swap3A_260, %swap3A_261] {strides = array<i32>} : memref<80x128xf32, #tpu.memory_space<vmem>>, vector<1x16xf32>,
      %swap3A_263 = vector.shape_cast %swap3A_262 : vector<1x16xf32> to vector<16xf32>
      %swap3A_264 = vector.shape_cast %broadcast_in_dim3A_38 : vector<16xf32> to vector<1x16xf32>
      tpu.vector_store %arg7[%swap3A_260, %swap3A_261], %swap3A_264 {strides = array<i32>} : memref<80x128xf32, #tpu.memory_space<vmem>>, vector<1x16xf32>,
      %swap3A_265 = arith.index_cast %scan3A_255 : i32 to index
      %swap3A_266 = arith.constant 32 : index
      %swap3A_267 = tpu.vector_load %arg7[%swap3A_265, %swap3A_266] {strides = array<i32>} : memref<80x128xf32, #tpu.memory_space<vmem>>, vector<1x16xf32>,
      %swap3A_268 = vector.shape_cast %swap3A_267 : vector<1x16xf32> to vector<16xf32>
      %swap3A_269 = vector.shape_cast %broadcast_in_dim3A_38 : vector<16xf32> to vector<1x16xf32>
      tpu.vector_store %arg7[%swap3A_265, %swap3A_266], %swap3A_269 {strides = array<i32>} : memref<80x128xf32, #tpu.memory_space<vmem>>, vector<1x16xf32>,
      %swap3A_270 = arith.index_cast %scan3A_255 : i32 to index
      %swap3A_271 = arith.constant 48 : index
      %swap3A_272 = tpu.vector_load %arg7[%swap3A_270, %swap3A_271] {strides = array<i32>} : memref<80x128xf32, #tpu.memory_space<vmem>>, vector<1x16xf32>,
      %swap3A_273 = vector.shape_cast %swap3A_272 : vector<1x16xf32> to vector<16xf32>
      %swap3A_274 = vector.shape_cast %broadcast_in_dim3A_38 : vector<16xf32> to vector<1x16xf32>
      tpu.vector_store %arg7[%swap3A_270, %swap3A_271], %swap3A_274 {strides = array<i32>} : memref<80x128xf32, #tpu.memory_space<vmem>>, vector<1x16xf32>,
      %swap3A_275 = arith.index_cast %scan3A_255 : i32 to index
      %swap3A_276 = arith.constant 64 : index
      %swap3A_277 = tpu.vector_load %arg7[%swap3A_275, %swap3A_276] {strides = array<i32>} : memref<80x128xf32, #tpu.memory_space<vmem>>, vector<1x16xf32>,
      %swap3A_278 = vector.shape_cast %swap3A_277 : vector<1x16xf32> to vector<16xf32>
      %swap3A_279 = vector.shape_cast %broadcast_in_dim3A_38 : vector<16xf32> to vector<1x16xf32>
      tpu.vector_store %arg7[%swap3A_275, %swap3A_276], %swap3A_279 {strides = array<i32>} : memref<80x128xf32, #tpu.memory_space<vmem>>, vector<1x16xf32>,
      %swap3A_280 = arith.index_cast %scan3A_255 : i32 to index
      %swap3A_281 = arith.constant 80 : index
      %swap3A_282 = tpu.vector_load %arg7[%swap3A_280, %swap3A_281] {strides = array<i32>} : memref<80x128xf32, #tpu.memory_space<vmem>>, vector<1x16xf32>,
      %swap3A_283 = vector.shape_cast %swap3A_282 : vector<1x16xf32> to vector<16xf32>
      %swap3A_284 = vector.shape_cast %broadcast_in_dim3A_38 : vector<16xf32> to vector<1x16xf32>
      tpu.vector_store %arg7[%swap3A_280, %swap3A_281], %swap3A_284 {strides = array<i32>} : memref<80x128xf32, #tpu.memory_space<vmem>>, vector<1x16xf32>,
      %swap3A_285 = arith.index_cast %scan3A_255 : i32 to index
      %swap3A_286 = arith.constant 96 : index
      %swap3A_287 = tpu.vector_load %arg7[%swap3A_285, %swap3A_286] {strides = array<i32>} : memref<80x128xf32, #tpu.memory_space<vmem>>, vector<1x16xf32>,
      %swap3A_288 = vector.shape_cast %swap3A_287 : vector<1x16xf32> to vector<16xf32>
      %swap3A_289 = vector.shape_cast %broadcast_in_dim3A_38 : vector<16xf32> to vector<1x16xf32>
      tpu.vector_store %arg7[%swap3A_285, %swap3A_286], %swap3A_289 {strides = array<i32>} : memref<80x128xf32, #tpu.memory_space<vmem>>, vector<1x16xf32>,
      %swap3A_290 = arith.index_cast %scan3A_255 : i32 to index
      %swap3A_291 = arith.constant 112 : index
      %swap3A_292 = tpu.vector_load %arg7[%swap3A_290, %swap3A_291] {strides = array<i32>} : memref<80x128xf32, #tpu.memory_space<vmem>>, vector<1x16xf32>,
      %swap3A_293 = vector.shape_cast %swap3A_292 : vector<1x16xf32> to vector<16xf32>
      %swap3A_294 = vector.shape_cast %broadcast_in_dim3A_38 : vector<16xf32> to vector<1x16xf32>
      tpu.vector_store %arg7[%swap3A_290, %swap3A_291], %swap3A_294 {strides = array<i32>} : memref<80x128xf32, #tpu.memory_space<vmem>>, vector<1x16xf32>,
    }
    %scan3A_43 = arith.constant 80 : i32
    %mul3A_44 = arith.constant 640 : i32
    %mul3A_45 = arith.muli %arg1, %mul3A_44 : i32
    %add3A_46 = arith.constant 0 : i32
    %add3A_47 = arith.addi %mul3A_45, %add3A_46 : i32
    %dma_start3A_48 = arith.constant 0 : i32
    %dma_start3A_49 = tpu.memref_slice %arg8[%add3A_47, %dma_start3A_48] : memref<10240x128xf32, #tpu.memory_space<vmem_shared>> -> memref<80x128xf32, #tpu.memory_space<vmem_shared>>
    %dma_start3A_50 = arith.constant 0 : i32
    %dma_start3A_51 = tpu.memref_slice %arg8[%add3A_47, %dma_start3A_50] : memref<10240x128xf32, #tpu.memory_space<vmem_shared>> -> memref<80x128xf32, #tpu.memory_space<vmem_shared>>
    tpu.enqueue_dma source(%arg7 : memref<80x128xf32, #tpu.memory_space<vmem>>) target(%dma_start3A_51 : memref<80x128xf32, #tpu.memory_space<vmem_shared>>) target_semaphore(%arg11 : memref<!tpu.dma_semaphore, #tpu.memory_space<semaphore_mem>>)
    %mul3A_52 = arith.constant 640 : i32
    %mul3A_53 = arith.muli %arg1, %mul3A_52 : i32
    %add3A_54 = arith.constant 80 : i32
    %add3A_55 = arith.addi %mul3A_53, %add3A_54 : i32
    %dma_start3A_56 = arith.constant 0 : i32
    %dma_start3A_57 = tpu.memref_slice %arg8[%add3A_55, %dma_start3A_56] : memref<10240x128xf32, #tpu.memory_space<vmem_shared>> -> memref<80x128xf32, #tpu.memory_space<vmem_shared>>
    %dma_start3A_58 = arith.constant 0 : i32
    %dma_start3A_59 = tpu.memref_slice %arg8[%add3A_55, %dma_start3A_58] : memref<10240x128xf32, #tpu.memory_space<vmem_shared>> -> memref<80x128xf32, #tpu.memory_space<vmem_shared>>
    tpu.enqueue_dma source(%arg7 : memref<80x128xf32, #tpu.memory_space<vmem>>) target(%dma_start3A_59 : memref<80x128xf32, #tpu.memory_space<vmem_shared>>) target_semaphore(%arg11 : memref<!tpu.dma_semaphore, #tpu.memory_space<semaphore_mem>>)
    %mul3A_60 = arith.constant 640 : i32
    %mul3A_61 = arith.muli %arg1, %mul3A_60 : i32
    %add3A_62 = arith.constant 160 : i32
    %add3A_63 = arith.addi %mul3A_61, %add3A_62 : i32
    %dma_start3A_64 = arith.constant 0 : i32
    %dma_start3A_65 = tpu.memref_slice %arg8[%add3A_63, %dma_start3A_64] : memref<10240x128xf32, #tpu.memory_space<vmem_shared>> -> memref<80x128xf32, #tpu.memory_space<vmem_shared>>
    %dma_start3A_66 = arith.constant 0 : i32
    %dma_start3A_67 = tpu.memref_slice %arg8[%add3A_63, %dma_start3A_66] : memref<10240x128xf32, #tpu.memory_space<vmem_shared>> -> memref<80x128xf32, #tpu.memory_space<vmem_shared>>
    tpu.enqueue_dma source(%arg7 : memref<80x128xf32, #tpu.memory_space<vmem>>) target(%dma_start3A_67 : memref<80x128xf32, #tpu.memory_space<vmem_shared>>) target_semaphore(%arg11 : memref<!tpu.dma_semaphore, #tpu.memory_space<semaphore_mem>>)
    %mul3A_68 = arith.constant 640 : i32
    %mul3A_69 = arith.muli %arg1, %mul3A_68 : i32
    %add3A_70 = arith.constant 240 : i32
    %add3A_71 = arith.addi %mul3A_69, %add3A_70 : i32
    %dma_start3A_72 = arith.constant 0 : i32
    %dma_start3A_73 = tpu.memref_slice %arg8[%add3A_71, %dma_start3A_72] : memref<10240x128xf32, #tpu.memory_space<vmem_shared>> -> memref<80x128xf32, #tpu.memory_space<vmem_shared>>
    %dma_start3A_74 = arith.constant 0 : i32
    %dma_start3A_75 = tpu.memref_slice %arg8[%add3A_71, %dma_start3A_74] : memref<10240x128xf32, #tpu.memory_space<vmem_shared>> -> memref<80x128xf32, #tpu.memory_space<vmem_shared>>
    tpu.enqueue_dma source(%arg7 : memref<80x128xf32, #tpu.memory_space<vmem>>) target(%dma_start3A_75 : memref<80x128xf32, #tpu.memory_space<vmem_shared>>) target_semaphore(%arg11 : memref<!tpu.dma_semaphore, #tpu.memory_space<semaphore_mem>>)
    %mul3A_76 = arith.constant 640 : i32
    %mul3A_77 = arith.muli %arg1, %mul3A_76 : i32
    %add3A_78 = arith.constant 320 : i32
    %add3A_79 = arith.addi %mul3A_77, %add3A_78 : i32
    %dma_start3A_80 = arith.constant 0 : i32
    %dma_start3A_81 = tpu.memref_slice %arg8[%add3A_79, %dma_start3A_80] : memref<10240x128xf32, #tpu.memory_space<vmem_shared>> -> memref<80x128xf32, #tpu.memory_space<vmem_shared>>
    %dma_start3A_82 = arith.constant 0 : i32
    %dma_start3A_83 = tpu.memref_slice %arg8[%add3A_79, %dma_start3A_82] : memref<10240x128xf32, #tpu.memory_space<vmem_shared>> -> memref<80x128xf32, #tpu.memory_space<vmem_shared>>
    tpu.enqueue_dma source(%arg7 : memref<80x128xf32, #tpu.memory_space<vmem>>) target(%dma_start3A_83 : memref<80x128xf32, #tpu.memory_space<vmem_shared>>) target_semaphore(%arg11 : memref<!tpu.dma_semaphore, #tpu.memory_space<semaphore_mem>>)
    %mul3A_84 = arith.constant 640 : i32
    %mul3A_85 = arith.muli %arg1, %mul3A_84 : i32
    %add3A_86 = arith.constant 400 : i32
    %add3A_87 = arith.addi %mul3A_85, %add3A_86 : i32
    %dma_start3A_88 = arith.constant 0 : i32
    %dma_start3A_89 = tpu.memref_slice %arg8[%add3A_87, %dma_start3A_88] : memref<10240x128xf32, #tpu.memory_space<vmem_shared>> -> memref<80x128xf32, #tpu.memory_space<vmem_shared>>
    %dma_start3A_90 = arith.constant 0 : i32
    %dma_start3A_91 = tpu.memref_slice %arg8[%add3A_87, %dma_start3A_90] : memref<10240x128xf32, #tpu.memory_space<vmem_shared>> -> memref<80x128xf32, #tpu.memory_space<vmem_shared>>
    tpu.enqueue_dma source(%arg7 : memref<80x128xf32, #tpu.memory_space<vmem>>) target(%dma_start3A_91 : memref<80x128xf32, #tpu.memory_space<vmem_shared>>) target_semaphore(%arg11 : memref<!tpu.dma_semaphore, #tpu.memory_space<semaphore_mem>>)
    %mul3A_92 = arith.constant 640 : i32
    %mul3A_93 = arith.muli %arg1, %mul3A_92 : i32
    %add3A_94 = arith.constant 480 : i32
    %add3A_95 = arith.addi %mul3A_93, %add3A_94 : i32
    %dma_start3A_96 = arith.constant 0 : i32
    %dma_start3A_97 = tpu.memref_slice %arg8[%add3A_95, %dma_start3A_96] : memref<10240x128xf32, #tpu.memory_space<vmem_shared>> -> memref<80x128xf32, #tpu.memory_space<vmem_shared>>
    %dma_start3A_98 = arith.constant 0 : i32
    %dma_start3A_99 = tpu.memref_slice %arg8[%add3A_95, %dma_start3A_98] : memref<10240x128xf32, #tpu.memory_space<vmem_shared>> -> memref<80x128xf32, #tpu.memory_space<vmem_shared>>
    tpu.enqueue_dma source(%arg7 : memref<80x128xf32, #tpu.memory_space<vmem>>) target(%dma_start3A_99 : memref<80x128xf32, #tpu.memory_space<vmem_shared>>) target_semaphore(%arg11 : memref<!tpu.dma_semaphore, #tpu.memory_space<semaphore_mem>>)
    %mul3A_100 = arith.constant 640 : i32
    %mul3A_101 = arith.muli %arg1, %mul3A_100 : i32
    %add3A_102 = arith.constant 560 : i32
    %add3A_103 = arith.addi %mul3A_101, %add3A_102 : i32
    %dma_start3A_104 = arith.constant 0 : i32
    %dma_start3A_105 = tpu.memref_slice %arg8[%add3A_103, %dma_start3A_104] : memref<10240x128xf32, #tpu.memory_space<vmem_shared>> -> memref<80x128xf32, #tpu.memory_space<vmem_shared>>
    %dma_start3A_106 = arith.constant 0 : i32
    %dma_start3A_107 = tpu.memref_slice %arg8[%add3A_103, %dma_start3A_106] : memref<10240x128xf32, #tpu.memory_space<vmem_shared>> -> memref<80x128xf32, #tpu.memory_space<vmem_shared>>
    tpu.enqueue_dma source(%arg7 : memref<80x128xf32, #tpu.memory_space<vmem>>) target(%dma_start3A_107 : memref<80x128xf32, #tpu.memory_space<vmem_shared>>) target_semaphore(%arg11 : memref<!tpu.dma_semaphore, #tpu.memory_space<semaphore_mem>>)
    %add3A_108 = arith.constant 0 : i32
    %add3A_109 = arith.addi %add3A, %add3A_108 : i32
    %mul3A_110 = arith.constant 128 : i32
    %mul3A_111 = arith.muli %add3A_109, %mul3A_110 : i32
    %dma_wait3A = arith.constant 0 : i32
    %dma_wait3A_112 = arith.constant 0 : i32
    %dma_wait3A_113 = arith.constant 0 : i32
    %dma_wait3A_114 = tpu.memref_slice %arg5[%dma_wait3A, %dma_wait3A_112, %dma_wait3A_113] : memref<3x2x128xi32, #tpu.memory_space<vmem>> -> memref<1x2x128xi32, #tpu.memory_space<vmem>>
    %dma_wait3A_115 = tpu.memref_squeeze %dma_wait3A_114 : memref<1x2x128xi32, #tpu.memory_space<vmem>> -> memref<2x128xi32, #tpu.memory_space<vmem>>
    %dma_wait3A_116 = arith.constant 0 : i32
    %dma_wait3A_117 = tpu.memref_slice %arg3[%dma_wait3A_116, %mul3A_111] : memref<2x320000xi32, #tpu.memory_space<hbm>> -> memref<2x128xi32, #tpu.memory_space<hbm>>
    %dma_wait3A_118 = arith.constant 0 : i32
    %dma_wait3A_119 = arith.constant 0 : i32
    %dma_wait3A_120 = tpu.memref_slice %arg5[%dma_wait3A, %dma_wait3A_118, %dma_wait3A_119] : memref<3x2x128xi32, #tpu.memory_space<vmem>> -> memref<1x2x128xi32, #tpu.memory_space<vmem>>
    %dma_wait3A_121 = tpu.memref_squeeze %dma_wait3A_120 : memref<1x2x128xi32, #tpu.memory_space<vmem>> -> memref<2x128xi32, #tpu.memory_space<vmem>>
    %dma_wait3A_122 = arith.constant 0 : i32
    %dma_wait3A_123 = tpu.memref_slice %arg3[%dma_wait3A_122, %mul3A_111] : memref<2x320000xi32, #tpu.memory_space<hbm>> -> memref<2x128xi32, #tpu.memory_space<hbm>>
    tpu.wait_dma2 semaphore(%arg9 : memref<!tpu.dma_semaphore, #tpu.memory_space<semaphore_mem>>) src(%dma_wait3A_123 : memref<2x128xi32, #tpu.memory_space<hbm>>) dst(%dma_wait3A_121 : memref<2x128xi32, #tpu.memory_space<vmem>>)
    %dma_start3A_124 = arith.constant 0 : i32
    %dma_start3A_125 = arith.constant 0 : i32
    %dma_start3A_126 = arith.constant 0 : i32
    %dma_start3A_127 = arith.constant 0 : i32
    %dma_start3A_128 = arith.constant 0 : i32
    %dma_start3A_129 = tpu.memref_slice %arg6[%dma_start3A_126, %dma_start3A_127, %dma_start3A_128] : memref<2x128x128xf32, #tpu.memory_space<vmem>> -> memref<1x128x128xf32, #tpu.memory_space<vmem>>
    %dma_start3A_130 = tpu.memref_squeeze %dma_start3A_129 : memref<1x128x128xf32, #tpu.memory_space<vmem>> -> memref<128x128xf32, #tpu.memory_space<vmem>>
    %dma_start3A_131 = arith.constant 0 : i32
    %dma_start3A_132 = tpu.memref_slice %arg5[%dma_start3A_124, %dma_start3A_125, %dma_start3A_131] : memref<3x2x128xi32, #tpu.memory_space<vmem>> -> memref<1x1x128xi32, #tpu.memory_space<vmem>>
    %dma_start3A_133 = tpu.memref_squeeze %dma_start3A_132 : memref<1x1x128xi32, #tpu.memory_space<vmem>> -> memref<128xi32, #tpu.memory_space<vmem>>
    %dma_start3A_134 = arith.constant 0 : i32
    %dma_start3A_135 = arith.constant 0 : i32
    %dma_start3A_136 = tpu.memref_slice %arg2[%dma_start3A_134, %dma_start3A_135] : memref<10000x128xf32, #tpu.memory_space<hbm>> -> memref<10000x128xf32, #tpu.memory_space<hbm>>
    tpu.enqueue_indirect_dma source(%dma_start3A_136 : memref<10000x128xf32, #tpu.memory_space<hbm>>) target(%dma_start3A_130 : memref<128x128xf32, #tpu.memory_space<vmem>>) offsets(%dma_start3A_133 : memref<128xi32, #tpu.memory_space<vmem>>) semaphore(%arg10 : memref<!tpu.dma_semaphore, #tpu.memory_space<semaphore_mem>>)
    %mul3A_137 = arith.constant 640 : i32
    %mul3A_138 = arith.muli %arg1, %mul3A_137 : i32
    %add3A_139 = arith.constant 0 : i32
    %add3A_140 = arith.addi %mul3A_138, %add3A_139 : i32
    %dma_wait3A_141 = arith.constant 0 : i32
    %dma_wait3A_142 = tpu.memref_slice %arg8[%add3A_140, %dma_wait3A_141] : memref<10240x128xf32, #tpu.memory_space<vmem_shared>> -> memref<80x128xf32, #tpu.memory_space<vmem_shared>>
    %dma_wait3A_143 = arith.constant 0 : i32
    %dma_wait3A_144 = tpu.memref_slice %arg8[%add3A_140, %dma_wait3A_143] : memref<10240x128xf32, #tpu.memory_space<vmem_shared>> -> memref<80x128xf32, #tpu.memory_space<vmem_shared>>
    tpu.wait_dma2 semaphore(%arg11 : memref<!tpu.dma_semaphore, #tpu.memory_space<semaphore_mem>>) src(%arg7 : memref<80x128xf32, #tpu.memory_space<vmem>>) dst(%dma_wait3A_144 : memref<80x128xf32, #tpu.memory_space<vmem_shared>>)
    %mul3A_145 = arith.constant 640 : i32
    %mul3A_146 = arith.muli %arg1, %mul3A_145 : i32
    %add3A_147 = arith.constant 80 : i32
    %add3A_148 = arith.addi %mul3A_146, %add3A_147 : i32
    %dma_wait3A_149 = arith.constant 0 : i32
    %dma_wait3A_150 = tpu.memref_slice %arg8[%add3A_148, %dma_wait3A_149] : memref<10240x128xf32, #tpu.memory_space<vmem_shared>> -> memref<80x128xf32, #tpu.memory_space<vmem_shared>>
    %dma_wait3A_151 = arith.constant 0 : i32
    %dma_wait3A_152 = tpu.memref_slice %arg8[%add3A_148, %dma_wait3A_151] : memref<10240x128xf32, #tpu.memory_space<vmem_shared>> -> memref<80x128xf32, #tpu.memory_space<vmem_shared>>
    tpu.wait_dma2 semaphore(%arg11 : memref<!tpu.dma_semaphore, #tpu.memory_space<semaphore_mem>>) src(%arg7 : memref<80x128xf32, #tpu.memory_space<vmem>>) dst(%dma_wait3A_152 : memref<80x128xf32, #tpu.memory_space<vmem_shared>>)
    %mul3A_153 = arith.constant 640 : i32
    %mul3A_154 = arith.muli %arg1, %mul3A_153 : i32
    %add3A_155 = arith.constant 160 : i32
    %add3A_156 = arith.addi %mul3A_154, %add3A_155 : i32
    %dma_wait3A_157 = arith.constant 0 : i32
    %dma_wait3A_158 = tpu.memref_slice %arg8[%add3A_156, %dma_wait3A_157] : memref<10240x128xf32, #tpu.memory_space<vmem_shared>> -> memref<80x128xf32, #tpu.memory_space<vmem_shared>>
    %dma_wait3A_159 = arith.constant 0 : i32
    %dma_wait3A_160 = tpu.memref_slice %arg8[%add3A_156, %dma_wait3A_159] : memref<10240x128xf32, #tpu.memory_space<vmem_shared>> -> memref<80x128xf32, #tpu.memory_space<vmem_shared>>
    tpu.wait_dma2 semaphore(%arg11 : memref<!tpu.dma_semaphore, #tpu.memory_space<semaphore_mem>>) src(%arg7 : memref<80x128xf32, #tpu.memory_space<vmem>>) dst(%dma_wait3A_160 : memref<80x128xf32, #tpu.memory_space<vmem_shared>>)
    %mul3A_161 = arith.constant 640 : i32
    %mul3A_162 = arith.muli %arg1, %mul3A_161 : i32
    %add3A_163 = arith.constant 240 : i32
    %add3A_164 = arith.addi %mul3A_162, %add3A_163 : i32
    %dma_wait3A_165 = arith.constant 0 : i32
    %dma_wait3A_166 = tpu.memref_slice %arg8[%add3A_164, %dma_wait3A_165] : memref<10240x128xf32, #tpu.memory_space<vmem_shared>> -> memref<80x128xf32, #tpu.memory_space<vmem_shared>>
    %dma_wait3A_167 = arith.constant 0 : i32
    %dma_wait3A_168 = tpu.memref_slice %arg8[%add3A_164, %dma_wait3A_167] : memref<10240x128xf32, #tpu.memory_space<vmem_shared>> -> memref<80x128xf32, #tpu.memory_space<vmem_shared>>
    tpu.wait_dma2 semaphore(%arg11 : memref<!tpu.dma_semaphore, #tpu.memory_space<semaphore_mem>>) src(%arg7 : memref<80x128xf32, #tpu.memory_space<vmem>>) dst(%dma_wait3A_168 : memref<80x128xf32, #tpu.memory_space<vmem_shared>>)
    %mul3A_169 = arith.constant 640 : i32
    %mul3A_170 = arith.muli %arg1, %mul3A_169 : i32
    %add3A_171 = arith.constant 320 : i32
    %add3A_172 = arith.addi %mul3A_170, %add3A_171 : i32
    %dma_wait3A_173 = arith.constant 0 : i32
    %dma_wait3A_174 = tpu.memref_slice %arg8[%add3A_172, %dma_wait3A_173] : memref<10240x128xf32, #tpu.memory_space<vmem_shared>> -> memref<80x128xf32, #tpu.memory_space<vmem_shared>>
    %dma_wait3A_175 = arith.constant 0 : i32
    %dma_wait3A_176 = tpu.memref_slice %arg8[%add3A_172, %dma_wait3A_175] : memref<10240x128xf32, #tpu.memory_space<vmem_shared>> -> memref<80x128xf32, #tpu.memory_space<vmem_shared>>
    tpu.wait_dma2 semaphore(%arg11 : memref<!tpu.dma_semaphore, #tpu.memory_space<semaphore_mem>>) src(%arg7 : memref<80x128xf32, #tpu.memory_space<vmem>>) dst(%dma_wait3A_176 : memref<80x128xf32, #tpu.memory_space<vmem_shared>>)
    %mul3A_177 = arith.constant 640 : i32
    %mul3A_178 = arith.muli %arg1, %mul3A_177 : i32
    %add3A_179 = arith.constant 400 : i32
    %add3A_180 = arith.addi %mul3A_178, %add3A_179 : i32
    %dma_wait3A_181 = arith.constant 0 : i32
    %dma_wait3A_182 = tpu.memref_slice %arg8[%add3A_180, %dma_wait3A_181] : memref<10240x128xf32, #tpu.memory_space<vmem_shared>> -> memref<80x128xf32, #tpu.memory_space<vmem_shared>>
    %dma_wait3A_183 = arith.constant 0 : i32
    %dma_wait3A_184 = tpu.memref_slice %arg8[%add3A_180, %dma_wait3A_183] : memref<10240x128xf32, #tpu.memory_space<vmem_shared>> -> memref<80x128xf32, #tpu.memory_space<vmem_shared>>
    tpu.wait_dma2 semaphore(%arg11 : memref<!tpu.dma_semaphore, #tpu.memory_space<semaphore_mem>>) src(%arg7 : memref<80x128xf32, #tpu.memory_space<vmem>>) dst(%dma_wait3A_184 : memref<80x128xf32, #tpu.memory_space<vmem_shared>>)
    %mul3A_185 = arith.constant 640 : i32
    %mul3A_186 = arith.muli %arg1, %mul3A_185 : i32
    %add3A_187 = arith.constant 480 : i32
    %add3A_188 = arith.addi %mul3A_186, %add3A_187 : i32
    %dma_wait3A_189 = arith.constant 0 : i32
    %dma_wait3A_190 = tpu.memref_slice %arg8[%add3A_188, %dma_wait3A_189] : memref<10240x128xf32, #tpu.memory_space<vmem_shared>> -> memref<80x128xf32, #tpu.memory_space<vmem_shared>>
    %dma_wait3A_191 = arith.constant 0 : i32
    %dma_wait3A_192 = tpu.memref_slice %arg8[%add3A_188, %dma_wait3A_191] : memref<10240x128xf32, #tpu.memory_space<vmem_shared>> -> memref<80x128xf32, #tpu.memory_space<vmem_shared>>
    tpu.wait_dma2 semaphore(%arg11 : memref<!tpu.dma_semaphore, #tpu.memory_space<semaphore_mem>>) src(%arg7 : memref<80x128xf32, #tpu.memory_space<vmem>>) dst(%dma_wait3A_192 : memref<80x128xf32, #tpu.memory_space<vmem_shared>>)
    %mul3A_193 = arith.constant 640 : i32
    %mul3A_194 = arith.muli %arg1, %mul3A_193 : i32
    %add3A_195 = arith.constant 560 : i32
    %add3A_196 = arith.addi %mul3A_194, %add3A_195 : i32
    %dma_wait3A_197 = arith.constant 0 : i32
    %dma_wait3A_198 = tpu.memref_slice %arg8[%add3A_196, %dma_wait3A_197] : memref<10240x128xf32, #tpu.memory_space<vmem_shared>> -> memref<80x128xf32, #tpu.memory_space<vmem_shared>>
    %dma_wait3A_199 = arith.constant 0 : i32
    %dma_wait3A_200 = tpu.memref_slice %arg8[%add3A_196, %dma_wait3A_199] : memref<10240x128xf32, #tpu.memory_space<vmem_shared>> -> memref<80x128xf32, #tpu.memory_space<vmem_shared>>
    tpu.wait_dma2 semaphore(%arg11 : memref<!tpu.dma_semaphore, #tpu.memory_space<semaphore_mem>>) src(%arg7 : memref<80x128xf32, #tpu.memory_space<vmem>>) dst(%dma_wait3A_200 : memref<80x128xf32, #tpu.memory_space<vmem_shared>>)
    %barrier3A = arith.constant 0 : index
    tpu.barrier barrier_id(%barrier3A)
    %while3A = arith.constant 0 : i32
    %while3A_201 = arith.constant 0 : i32
    %while3A_202 = arith.subi %add3A_4, %while3A_201 : i32
    %while3A_203 = arith.addi %while3A_201, %while3A_202 : i32
    %while3A_204 = arith.constant 1 : i32
    %while3A_205 = arith.divsi %while3A_202, %while3A_204 : i32
    %while3A_206 = arith.muli %while3A_205, %while3A_204 : i32
    %while3A_207 = arith.addi %while3A_201, %while3A_206 : i32
    %while3A_208 = arith.constant 1 : i32
    scf.for %while3A_255 = %while3A_201 to %while3A_207 step %while3A_208  : i32 {
      %ge3A = arith.constant 1 : i32
      %ge3A_256 = arith.cmpi sge, %while3A_255, %ge3A : i32
      %convert_element_type3A = arith.extui %ge3A_256 : i1 to i32
      %cond3A = arith.constant 0 : i32
      %cond3A_257 = arith.cmpi ne, %convert_element_type3A, %cond3A : i32
      scf.if %cond3A_257 {
        %sub3A_359 = arith.constant 1 : i32
        %sub3A_360 = arith.subi %while3A_255, %sub3A_359 : i32
        %jit3A_361 = arith.constant 3 : i32
        %eq3A_362 = arith.constant 0 : i32
        %eq3A_363 = arith.cmpi eq, %jit3A_361, %eq3A_362 : i32
        %jit3A_364 = arith.constant 1 : i32
        %select_n3A_365 = arith.select %eq3A_363, %jit3A_364, %jit3A_361 : i32
        %rem3A_366 = arith.remsi %sub3A_360, %select_n3A_365 : i32
        %ne3A_367 = arith.constant 0 : i32
        %ne3A_368 = arith.cmpi ne, %rem3A_366, %ne3A_367 : i32
        %lt3A_369 = arith.constant 0 : i32
        %lt3A_370 = arith.cmpi slt, %rem3A_366, %lt3A_369 : i32
        %lt3A_371 = arith.constant 0 : i32
        %lt3A_372 = arith.cmpi slt, %select_n3A_365, %lt3A_371 : i32
        %ne3A_373 = arith.xori %lt3A_370, %lt3A_372 : i1
        %and3A_374 = arith.andi %ne3A_373, %ne3A_368 : i1
        %add3A_375 = arith.addi %rem3A_366, %select_n3A_365 : i32
        %select_n3A_376 = arith.select %and3A_374, %add3A_375, %rem3A_366 : i32
        %jit3A_377 = arith.constant 2 : i32
        %eq3A_378 = arith.constant 0 : i32
        %eq3A_379 = arith.cmpi eq, %jit3A_377, %eq3A_378 : i32
        %jit3A_380 = arith.constant 1 : i32
        %select_n3A_381 = arith.select %eq3A_379, %jit3A_380, %jit3A_377 : i32
        %rem3A_382 = arith.remsi %sub3A_360, %select_n3A_381 : i32
        %ne3A_383 = arith.constant 0 : i32
        %ne3A_384 = arith.cmpi ne, %rem3A_382, %ne3A_383 : i32
        %lt3A_385 = arith.constant 0 : i32
        %lt3A_386 = arith.cmpi slt, %rem3A_382, %lt3A_385 : i32
        %lt3A_387 = arith.constant 0 : i32
        %lt3A_388 = arith.cmpi slt, %select_n3A_381, %lt3A_387 : i32
        %ne3A_389 = arith.xori %lt3A_386, %lt3A_388 : i1
        %and3A_390 = arith.andi %ne3A_389, %ne3A_384 : i1
        %add3A_391 = arith.addi %rem3A_382, %select_n3A_381 : i32
        %select_n3A_392 = arith.select %and3A_390, %add3A_391, %rem3A_382 : i32
        %dma_wait3A_393 = arith.constant 1 : i32
        %dma_wait3A_394 = arith.constant 0 : i32
        %dma_wait3A_395 = arith.constant 0 : i32
        %dma_wait3A_396 = tpu.memref_slice %arg6[%select_n3A_392, %dma_wait3A_394, %dma_wait3A_395] : memref<2x128x128xf32, #tpu.memory_space<vmem>> -> memref<1x128x128xf32, #tpu.memory_space<vmem>>
        %dma_wait3A_397 = tpu.memref_squeeze %dma_wait3A_396 : memref<1x128x128xf32, #tpu.memory_space<vmem>> -> memref<128x128xf32, #tpu.memory_space<vmem>>
        %dma_wait3A_398 = arith.constant 0 : i32
        %dma_wait3A_399 = tpu.memref_slice %arg5[%select_n3A_376, %dma_wait3A_393, %dma_wait3A_398] : memref<3x2x128xi32, #tpu.memory_space<vmem>> -> memref<1x1x128xi32, #tpu.memory_space<vmem>>
        %dma_wait3A_400 = tpu.memref_squeeze %dma_wait3A_399 : memref<1x1x128xi32, #tpu.memory_space<vmem>> -> memref<128xi32, #tpu.memory_space<vmem>>
        %dma_wait3A_401 = arith.constant 0 : i32
        %dma_wait3A_402 = arith.constant 0 : i32
        %dma_wait3A_403 = tpu.memref_slice %arg8[%dma_wait3A_401, %dma_wait3A_402] : memref<10240x128xf32, #tpu.memory_space<vmem_shared>> -> memref<10240x128xf32, #tpu.memory_space<vmem_shared>>
        tpu.wait_indirect_dma semaphore(%arg11 : memref<!tpu.dma_semaphore, #tpu.memory_space<semaphore_mem>>) src(%dma_wait3A_397 : memref<128x128xf32, #tpu.memory_space<vmem>>) dst(%dma_wait3A_403 : memref<10240x128xf32, #tpu.memory_space<vmem_shared>>)
      } else {
      }
      %add3A_258 = arith.constant 2 : i32
      %add3A_259 = arith.addi %while3A_255, %add3A_258 : i32
      %sub3A_260 = arith.constant 1 : i32
      %sub3A_261 = arith.subi %add3A_4, %sub3A_260 : i32
      %le3A = arith.cmpi sle, %add3A_259, %sub3A_261 : i32
      %convert_element_type3A_262 = arith.extui %le3A : i1 to i32
      %cond3A_263 = arith.constant 0 : i32
      %cond3A_264 = arith.cmpi ne, %convert_element_type3A_262, %cond3A_263 : i32
      scf.if %cond3A_264 {
        %add3A_359 = arith.constant 2 : i32
        %add3A_360 = arith.addi %while3A_255, %add3A_359 : i32
        %mul3A_361 = arith.constant 32 : i32
        %mul3A_362 = arith.muli %add3A_360, %mul3A_361 : i32
        %add3A_363 = arith.addi %add3A, %mul3A_362 : i32
        %mul3A_364 = arith.constant 128 : i32
        %mul3A_365 = arith.muli %add3A_363, %mul3A_364 : i32
        %jit3A_366 = arith.constant 3 : i32
        %eq3A_367 = arith.constant 0 : i32
        %eq3A_368 = arith.cmpi eq, %jit3A_366, %eq3A_367 : i32
        %jit3A_369 = arith.constant 1 : i32
        %select_n3A_370 = arith.select %eq3A_368, %jit3A_369, %jit3A_366 : i32
        %rem3A_371 = arith.remsi %add3A_360, %select_n3A_370 : i32
        %ne3A_372 = arith.constant 0 : i32
        %ne3A_373 = arith.cmpi ne, %rem3A_371, %ne3A_372 : i32
        %lt3A_374 = arith.constant 0 : i32
        %lt3A_375 = arith.cmpi slt, %rem3A_371, %lt3A_374 : i32
        %lt3A_376 = arith.constant 0 : i32
        %lt3A_377 = arith.cmpi slt, %select_n3A_370, %lt3A_376 : i32
        %ne3A_378 = arith.xori %lt3A_375, %lt3A_377 : i1
        %and3A_379 = arith.andi %ne3A_378, %ne3A_373 : i1
        %add3A_380 = arith.addi %rem3A_371, %select_n3A_370 : i32
        %select_n3A_381 = arith.select %and3A_379, %add3A_380, %rem3A_371 : i32
        %dma_start3A_382 = arith.constant 0 : i32
        %dma_start3A_383 = arith.constant 0 : i32
        %dma_start3A_384 = tpu.memref_slice %arg5[%select_n3A_381, %dma_start3A_382, %dma_start3A_383] : memref<3x2x128xi32, #tpu.memory_space<vmem>> -> memref<1x2x128xi32, #tpu.memory_space<vmem>>
        %dma_start3A_385 = tpu.memref_squeeze %dma_start3A_384 : memref<1x2x128xi32, #tpu.memory_space<vmem>> -> memref<2x128xi32, #tpu.memory_space<vmem>>
        %dma_start3A_386 = arith.constant 0 : i32
        %dma_start3A_387 = tpu.memref_slice %arg3[%dma_start3A_386, %mul3A_365] : memref<2x320000xi32, #tpu.memory_space<hbm>> -> memref<2x128xi32, #tpu.memory_space<hbm>>
        %dma_start3A_388 = arith.constant 0 : i32
        %dma_start3A_389 = arith.constant 0 : i32
        %dma_start3A_390 = tpu.memref_slice %arg5[%select_n3A_381, %dma_start3A_388, %dma_start3A_389] : memref<3x2x128xi32, #tpu.memory_space<vmem>> -> memref<1x2x128xi32, #tpu.memory_space<vmem>>
        %dma_start3A_391 = tpu.memref_squeeze %dma_start3A_390 : memref<1x2x128xi32, #tpu.memory_space<vmem>> -> memref<2x128xi32, #tpu.memory_space<vmem>>
        %dma_start3A_392 = arith.constant 0 : i32
        %dma_start3A_393 = tpu.memref_slice %arg3[%dma_start3A_392, %mul3A_365] : memref<2x320000xi32, #tpu.memory_space<hbm>> -> memref<2x128xi32, #tpu.memory_space<hbm>>
        tpu.enqueue_dma source(%dma_start3A_393 : memref<2x128xi32, #tpu.memory_space<hbm>>) target(%dma_start3A_391 : memref<2x128xi32, #tpu.memory_space<vmem>>) target_semaphore(%arg9 : memref<!tpu.dma_semaphore, #tpu.memory_space<semaphore_mem>>)
      } else {
      }
      %add3A_265 = arith.constant 1 : i32
      %add3A_266 = arith.addi %while3A_255, %add3A_265 : i32
      %sub3A_267 = arith.constant 1 : i32
      %sub3A_268 = arith.subi %add3A_4, %sub3A_267 : i32
      %le3A_269 = arith.cmpi sle, %add3A_266, %sub3A_268 : i32
      %convert_element_type3A_270 = arith.extui %le3A_269 : i1 to i32
      %cond3A_271 = arith.constant 0 : i32
      %cond3A_272 = arith.cmpi ne, %convert_element_type3A_270, %cond3A_271 : i32
      scf.if %cond3A_272 {
        %add3A_359 = arith.constant 1 : i32
        %add3A_360 = arith.addi %while3A_255, %add3A_359 : i32
        %mul3A_361 = arith.constant 32 : i32
        %mul3A_362 = arith.muli %add3A_360, %mul3A_361 : i32
        %add3A_363 = arith.addi %add3A, %mul3A_362 : i32
        %mul3A_364 = arith.constant 128 : i32
        %mul3A_365 = arith.muli %add3A_363, %mul3A_364 : i32
        %jit3A_366 = arith.constant 3 : i32
        %eq3A_367 = arith.constant 0 : i32
        %eq3A_368 = arith.cmpi eq, %jit3A_366, %eq3A_367 : i32
        %jit3A_369 = arith.constant 1 : i32
        %select_n3A_370 = arith.select %eq3A_368, %jit3A_369, %jit3A_366 : i32
        %rem3A_371 = arith.remsi %add3A_360, %select_n3A_370 : i32
        %ne3A_372 = arith.constant 0 : i32
        %ne3A_373 = arith.cmpi ne, %rem3A_371, %ne3A_372 : i32
        %lt3A_374 = arith.constant 0 : i32
        %lt3A_375 = arith.cmpi slt, %rem3A_371, %lt3A_374 : i32
        %lt3A_376 = arith.constant 0 : i32
        %lt3A_377 = arith.cmpi slt, %select_n3A_370, %lt3A_376 : i32
        %ne3A_378 = arith.xori %lt3A_375, %lt3A_377 : i1
        %and3A_379 = arith.andi %ne3A_378, %ne3A_373 : i1
        %add3A_380 = arith.addi %rem3A_371, %select_n3A_370 : i32
        %select_n3A_381 = arith.select %and3A_379, %add3A_380, %rem3A_371 : i32
        %dma_wait3A_382 = arith.constant 0 : i32
        %dma_wait3A_383 = arith.constant 0 : i32
        %dma_wait3A_384 = tpu.memref_slice %arg5[%select_n3A_381, %dma_wait3A_382, %dma_wait3A_383] : memref<3x2x128xi32, #tpu.memory_space<vmem>> -> memref<1x2x128xi32, #tpu.memory_space<vmem>>
        %dma_wait3A_385 = tpu.memref_squeeze %dma_wait3A_384 : memref<1x2x128xi32, #tpu.memory_space<vmem>> -> memref<2x128xi32, #tpu.memory_space<vmem>>
        %dma_wait3A_386 = arith.constant 0 : i32
        %dma_wait3A_387 = tpu.memref_slice %arg3[%dma_wait3A_386, %mul3A_365] : memref<2x320000xi32, #tpu.memory_space<hbm>> -> memref<2x128xi32, #tpu.memory_space<hbm>>
        %dma_wait3A_388 = arith.constant 0 : i32
        %dma_wait3A_389 = arith.constant 0 : i32
        %dma_wait3A_390 = tpu.memref_slice %arg5[%select_n3A_381, %dma_wait3A_388, %dma_wait3A_389] : memref<3x2x128xi32, #tpu.memory_space<vmem>> -> memref<1x2x128xi32, #tpu.memory_space<vmem>>
        %dma_wait3A_391 = tpu.memref_squeeze %dma_wait3A_390 : memref<1x2x128xi32, #tpu.memory_space<vmem>> -> memref<2x128xi32, #tpu.memory_space<vmem>>
        %dma_wait3A_392 = arith.constant 0 : i32
        %dma_wait3A_393 = tpu.memref_slice %arg3[%dma_wait3A_392, %mul3A_365] : memref<2x320000xi32, #tpu.memory_space<hbm>> -> memref<2x128xi32, #tpu.memory_space<hbm>>
        tpu.wait_dma2 semaphore(%arg9 : memref<!tpu.dma_semaphore, #tpu.memory_space<semaphore_mem>>) src(%dma_wait3A_393 : memref<2x128xi32, #tpu.memory_space<hbm>>) dst(%dma_wait3A_391 : memref<2x128xi32, #tpu.memory_space<vmem>>)
        %add3A_394 = arith.constant 1 : i32
        %add3A_395 = arith.addi %while3A_255, %add3A_394 : i32
        %jit3A_396 = arith.constant 3 : i32
        %eq3A_397 = arith.constant 0 : i32
        %eq3A_398 = arith.cmpi eq, %jit3A_396, %eq3A_397 : i32
        %jit3A_399 = arith.constant 1 : i32
        %select_n3A_400 = arith.select %eq3A_398, %jit3A_399, %jit3A_396 : i32
        %rem3A_401 = arith.remsi %add3A_395, %select_n3A_400 : i32
        %ne3A_402 = arith.constant 0 : i32
        %ne3A_403 = arith.cmpi ne, %rem3A_401, %ne3A_402 : i32
        %lt3A_404 = arith.constant 0 : i32
        %lt3A_405 = arith.cmpi slt, %rem3A_401, %lt3A_404 : i32
        %lt3A_406 = arith.constant 0 : i32
        %lt3A_407 = arith.cmpi slt, %select_n3A_400, %lt3A_406 : i32
        %ne3A_408 = arith.xori %lt3A_405, %lt3A_407 : i1
        %and3A_409 = arith.andi %ne3A_408, %ne3A_403 : i1
        %add3A_410 = arith.addi %rem3A_401, %select_n3A_400 : i32
        %select_n3A_411 = arith.select %and3A_409, %add3A_410, %rem3A_401 : i32
        %jit3A_412 = arith.constant 2 : i32
        %eq3A_413 = arith.constant 0 : i32
        %eq3A_414 = arith.cmpi eq, %jit3A_412, %eq3A_413 : i32
        %jit3A_415 = arith.constant 1 : i32
        %select_n3A_416 = arith.select %eq3A_414, %jit3A_415, %jit3A_412 : i32
        %rem3A_417 = arith.remsi %add3A_395, %select_n3A_416 : i32
        %ne3A_418 = arith.constant 0 : i32
        %ne3A_419 = arith.cmpi ne, %rem3A_417, %ne3A_418 : i32
        %lt3A_420 = arith.constant 0 : i32
        %lt3A_421 = arith.cmpi slt, %rem3A_417, %lt3A_420 : i32
        %lt3A_422 = arith.constant 0 : i32
        %lt3A_423 = arith.cmpi slt, %select_n3A_416, %lt3A_422 : i32
        %ne3A_424 = arith.xori %lt3A_421, %lt3A_423 : i1
        %and3A_425 = arith.andi %ne3A_424, %ne3A_419 : i1
        %add3A_426 = arith.addi %rem3A_417, %select_n3A_416 : i32
        %select_n3A_427 = arith.select %and3A_425, %add3A_426, %rem3A_417 : i32
        %dma_start3A_428 = arith.constant 0 : i32
        %dma_start3A_429 = arith.constant 0 : i32
        %dma_start3A_430 = arith.constant 0 : i32
        %dma_start3A_431 = tpu.memref_slice %arg6[%select_n3A_427, %dma_start3A_429, %dma_start3A_430] : memref<2x128x128xf32, #tpu.memory_space<vmem>> -> memref<1x128x128xf32, #tpu.memory_space<vmem>>
        %dma_start3A_432 = tpu.memref_squeeze %dma_start3A_431 : memref<1x128x128xf32, #tpu.memory_space<vmem>> -> memref<128x128xf32, #tpu.memory_space<vmem>>
        %dma_start3A_433 = arith.constant 0 : i32
        %dma_start3A_434 = tpu.memref_slice %arg5[%select_n3A_411, %dma_start3A_428, %dma_start3A_433] : memref<3x2x128xi32, #tpu.memory_space<vmem>> -> memref<1x1x128xi32, #tpu.memory_space<vmem>>
        %dma_start3A_435 = tpu.memref_squeeze %dma_start3A_434 : memref<1x1x128xi32, #tpu.memory_space<vmem>> -> memref<128xi32, #tpu.memory_space<vmem>>
        %dma_start3A_436 = arith.constant 0 : i32
        %dma_start3A_437 = arith.constant 0 : i32
        %dma_start3A_438 = tpu.memref_slice %arg2[%dma_start3A_436, %dma_start3A_437] : memref<10000x128xf32, #tpu.memory_space<hbm>> -> memref<10000x128xf32, #tpu.memory_space<hbm>>
        tpu.enqueue_indirect_dma source(%dma_start3A_438 : memref<10000x128xf32, #tpu.memory_space<hbm>>) target(%dma_start3A_432 : memref<128x128xf32, #tpu.memory_space<vmem>>) offsets(%dma_start3A_435 : memref<128xi32, #tpu.memory_space<vmem>>) semaphore(%arg10 : memref<!tpu.dma_semaphore, #tpu.memory_space<semaphore_mem>>)
      } else {
      }
      %jit3A_273 = arith.constant 3 : i32
      %eq3A_274 = arith.constant 0 : i32
      %eq3A_275 = arith.cmpi eq, %jit3A_273, %eq3A_274 : i32
      %jit3A_276 = arith.constant 1 : i32
      %select_n3A_277 = arith.select %eq3A_275, %jit3A_276, %jit3A_273 : i32
      %rem3A_278 = arith.remsi %while3A_255, %select_n3A_277 : i32
      %ne3A_279 = arith.constant 0 : i32
      %ne3A_280 = arith.cmpi ne, %rem3A_278, %ne3A_279 : i32
      %lt3A_281 = arith.constant 0 : i32
      %lt3A_282 = arith.cmpi slt, %rem3A_278, %lt3A_281 : i32
      %lt3A_283 = arith.constant 0 : i32
      %lt3A_284 = arith.cmpi slt, %select_n3A_277, %lt3A_283 : i32
      %ne3A_285 = arith.xori %lt3A_282, %lt3A_284 : i1
      %and3A_286 = arith.andi %ne3A_285, %ne3A_280 : i1
      %add3A_287 = arith.addi %rem3A_278, %select_n3A_277 : i32
      %select_n3A_288 = arith.select %and3A_286, %add3A_287, %rem3A_278 : i32
      %jit3A_289 = arith.constant 2 : i32
      %eq3A_290 = arith.constant 0 : i32
      %eq3A_291 = arith.cmpi eq, %jit3A_289, %eq3A_290 : i32
      %jit3A_292 = arith.constant 1 : i32
      %select_n3A_293 = arith.select %eq3A_291, %jit3A_292, %jit3A_289 : i32
      %rem3A_294 = arith.remsi %while3A_255, %select_n3A_293 : i32
      %ne3A_295 = arith.constant 0 : i32
      %ne3A_296 = arith.cmpi ne, %rem3A_294, %ne3A_295 : i32
      %lt3A_297 = arith.constant 0 : i32
      %lt3A_298 = arith.cmpi slt, %rem3A_294, %lt3A_297 : i32
      %lt3A_299 = arith.constant 0 : i32
      %lt3A_300 = arith.cmpi slt, %select_n3A_293, %lt3A_299 : i32
      %ne3A_301 = arith.xori %lt3A_298, %lt3A_300 : i1
      %and3A_302 = arith.andi %ne3A_301, %ne3A_296 : i1
      %add3A_303 = arith.addi %rem3A_294, %select_n3A_293 : i32
      %select_n3A_304 = arith.select %and3A_302, %add3A_303, %rem3A_294 : i32
      %dma_wait3A_305 = arith.constant 0 : i32
      %dma_wait3A_306 = arith.constant 0 : i32
      %dma_wait3A_307 = arith.constant 0 : i32
      %dma_wait3A_308 = tpu.memref_slice %arg6[%select_n3A_304, %dma_wait3A_306, %dma_wait3A_307] : memref<2x128x128xf32, #tpu.memory_space<vmem>> -> memref<1x128x128xf32, #tpu.memory_space<vmem>>
      %dma_wait3A_309 = tpu.memref_squeeze %dma_wait3A_308 : memref<1x128x128xf32, #tpu.memory_space<vmem>> -> memref<128x128xf32, #tpu.memory_space<vmem>>
      %dma_wait3A_310 = arith.constant 0 : i32
      %dma_wait3A_311 = tpu.memref_slice %arg5[%select_n3A_288, %dma_wait3A_305, %dma_wait3A_310] : memref<3x2x128xi32, #tpu.memory_space<vmem>> -> memref<1x1x128xi32, #tpu.memory_space<vmem>>
      %dma_wait3A_312 = tpu.memref_squeeze %dma_wait3A_311 : memref<1x1x128xi32, #tpu.memory_space<vmem>> -> memref<128xi32, #tpu.memory_space<vmem>>
      %dma_wait3A_313 = arith.constant 0 : i32
      %dma_wait3A_314 = arith.constant 0 : i32
      %dma_wait3A_315 = tpu.memref_slice %arg2[%dma_wait3A_313, %dma_wait3A_314] : memref<10000x128xf32, #tpu.memory_space<hbm>> -> memref<10000x128xf32, #tpu.memory_space<hbm>>
      tpu.wait_indirect_dma semaphore(%arg10 : memref<!tpu.dma_semaphore, #tpu.memory_space<semaphore_mem>>) src(%dma_wait3A_315 : memref<10000x128xf32, #tpu.memory_space<hbm>>) dst(%dma_wait3A_309 : memref<128x128xf32, #tpu.memory_space<vmem>>)
      %jit3A_316 = arith.constant 3 : i32
      %eq3A_317 = arith.constant 0 : i32
      %eq3A_318 = arith.cmpi eq, %jit3A_316, %eq3A_317 : i32
      %jit3A_319 = arith.constant 1 : i32
      %select_n3A_320 = arith.select %eq3A_318, %jit3A_319, %jit3A_316 : i32
      %rem3A_321 = arith.remsi %while3A_255, %select_n3A_320 : i32
      %ne3A_322 = arith.constant 0 : i32
      %ne3A_323 = arith.cmpi ne, %rem3A_321, %ne3A_322 : i32
      %lt3A_324 = arith.constant 0 : i32
      %lt3A_325 = arith.cmpi slt, %rem3A_321, %lt3A_324 : i32
      %lt3A_326 = arith.constant 0 : i32
      %lt3A_327 = arith.cmpi slt, %select_n3A_320, %lt3A_326 : i32
      %ne3A_328 = arith.xori %lt3A_325, %lt3A_327 : i1
      %and3A_329 = arith.andi %ne3A_328, %ne3A_323 : i1
      %add3A_330 = arith.addi %rem3A_321, %select_n3A_320 : i32
      %select_n3A_331 = arith.select %and3A_329, %add3A_330, %rem3A_321 : i32
      %jit3A_332 = arith.constant 2 : i32
      %eq3A_333 = arith.constant 0 : i32
      %eq3A_334 = arith.cmpi eq, %jit3A_332, %eq3A_333 : i32
      %jit3A_335 = arith.constant 1 : i32
      %select_n3A_336 = arith.select %eq3A_334, %jit3A_335, %jit3A_332 : i32
      %rem3A_337 = arith.remsi %while3A_255, %select_n3A_336 : i32
      %ne3A_338 = arith.constant 0 : i32
      %ne3A_339 = arith.cmpi ne, %rem3A_337, %ne3A_338 : i32
      %lt3A_340 = arith.constant 0 : i32
      %lt3A_341 = arith.cmpi slt, %rem3A_337, %lt3A_340 : i32
      %lt3A_342 = arith.constant 0 : i32
      %lt3A_343 = arith.cmpi slt, %select_n3A_336, %lt3A_342 : i32
      %ne3A_344 = arith.xori %lt3A_341, %lt3A_343 : i1
      %and3A_345 = arith.andi %ne3A_344, %ne3A_339 : i1
      %add3A_346 = arith.addi %rem3A_337, %select_n3A_336 : i32
      %select_n3A_347 = arith.select %and3A_345, %add3A_346, %rem3A_337 : i32
      %dma_start3A_348 = arith.constant 1 : i32
      %dma_start3A_349 = arith.constant 0 : i32
      %dma_start3A_350 = arith.constant 0 : i32
      %dma_start3A_351 = tpu.memref_slice %arg6[%select_n3A_347, %dma_start3A_349, %dma_start3A_350] : memref<2x128x128xf32, #tpu.memory_space<vmem>> -> memref<1x128x128xf32, #tpu.memory_space<vmem>>
      %dma_start3A_352 = tpu.memref_squeeze %dma_start3A_351 : memref<1x128x128xf32, #tpu.memory_space<vmem>> -> memref<128x128xf32, #tpu.memory_space<vmem>>
      %dma_start3A_353 = arith.constant 0 : i32
      %dma_start3A_354 = tpu.memref_slice %arg5[%select_n3A_331, %dma_start3A_348, %dma_start3A_353] : memref<3x2x128xi32, #tpu.memory_space<vmem>> -> memref<1x1x128xi32, #tpu.memory_space<vmem>>
      %dma_start3A_355 = tpu.memref_squeeze %dma_start3A_354 : memref<1x1x128xi32, #tpu.memory_space<vmem>> -> memref<128xi32, #tpu.memory_space<vmem>>
      %dma_start3A_356 = arith.constant 0 : i32
      %dma_start3A_357 = arith.constant 0 : i32
      %dma_start3A_358 = tpu.memref_slice %arg8[%dma_start3A_356, %dma_start3A_357] : memref<10240x128xf32, #tpu.memory_space<vmem_shared>> -> memref<10240x128xf32, #tpu.memory_space<vmem_shared>>
      tpu.enqueue_indirect_dma source(%dma_start3A_352 : memref<128x128xf32, #tpu.memory_space<vmem>>) target(%dma_start3A_358 : memref<10240x128xf32, #tpu.memory_space<vmem_shared>>) offsets(%dma_start3A_355 : memref<128xi32, #tpu.memory_space<vmem>>) semaphore(%arg11 : memref<!tpu.dma_semaphore, #tpu.memory_space<semaphore_mem>>) {add = true}
    }
    %while3A_209 = arith.constant 1 : i32
    scf.for %while3A_255 = %while3A_207 to %while3A_203 step %while3A_209  : i32 {
      %ge3A = arith.constant 1 : i32
      %ge3A_256 = arith.cmpi sge, %while3A_255, %ge3A : i32
      %convert_element_type3A = arith.extui %ge3A_256 : i1 to i32
      %cond3A = arith.constant 0 : i32
      %cond3A_257 = arith.cmpi ne, %convert_element_type3A, %cond3A : i32
      scf.if %cond3A_257 {
        %sub3A_359 = arith.constant 1 : i32
        %sub3A_360 = arith.subi %while3A_255, %sub3A_359 : i32
        %jit3A_361 = arith.constant 3 : i32
        %eq3A_362 = arith.constant 0 : i32
        %eq3A_363 = arith.cmpi eq, %jit3A_361, %eq3A_362 : i32
        %jit3A_364 = arith.constant 1 : i32
        %select_n3A_365 = arith.select %eq3A_363, %jit3A_364, %jit3A_361 : i32
        %rem3A_366 = arith.remsi %sub3A_360, %select_n3A_365 : i32
        %ne3A_367 = arith.constant 0 : i32
        %ne3A_368 = arith.cmpi ne, %rem3A_366, %ne3A_367 : i32
        %lt3A_369 = arith.constant 0 : i32
        %lt3A_370 = arith.cmpi slt, %rem3A_366, %lt3A_369 : i32
        %lt3A_371 = arith.constant 0 : i32
        %lt3A_372 = arith.cmpi slt, %select_n3A_365, %lt3A_371 : i32
        %ne3A_373 = arith.xori %lt3A_370, %lt3A_372 : i1
        %and3A_374 = arith.andi %ne3A_373, %ne3A_368 : i1
        %add3A_375 = arith.addi %rem3A_366, %select_n3A_365 : i32
        %select_n3A_376 = arith.select %and3A_374, %add3A_375, %rem3A_366 : i32
        %jit3A_377 = arith.constant 2 : i32
        %eq3A_378 = arith.constant 0 : i32
        %eq3A_379 = arith.cmpi eq, %jit3A_377, %eq3A_378 : i32
        %jit3A_380 = arith.constant 1 : i32
        %select_n3A_381 = arith.select %eq3A_379, %jit3A_380, %jit3A_377 : i32
        %rem3A_382 = arith.remsi %sub3A_360, %select_n3A_381 : i32
        %ne3A_383 = arith.constant 0 : i32
        %ne3A_384 = arith.cmpi ne, %rem3A_382, %ne3A_383 : i32
        %lt3A_385 = arith.constant 0 : i32
        %lt3A_386 = arith.cmpi slt, %rem3A_382, %lt3A_385 : i32
        %lt3A_387 = arith.constant 0 : i32
        %lt3A_388 = arith.cmpi slt, %select_n3A_381, %lt3A_387 : i32
        %ne3A_389 = arith.xori %lt3A_386, %lt3A_388 : i1
        %and3A_390 = arith.andi %ne3A_389, %ne3A_384 : i1
        %add3A_391 = arith.addi %rem3A_382, %select_n3A_381 : i32
        %select_n3A_392 = arith.select %and3A_390, %add3A_391, %rem3A_382 : i32
        %dma_wait3A_393 = arith.constant 1 : i32
        %dma_wait3A_394 = arith.constant 0 : i32
        %dma_wait3A_395 = arith.constant 0 : i32
        %dma_wait3A_396 = tpu.memref_slice %arg6[%select_n3A_392, %dma_wait3A_394, %dma_wait3A_395] : memref<2x128x128xf32, #tpu.memory_space<vmem>> -> memref<1x128x128xf32, #tpu.memory_space<vmem>>
        %dma_wait3A_397 = tpu.memref_squeeze %dma_wait3A_396 : memref<1x128x128xf32, #tpu.memory_space<vmem>> -> memref<128x128xf32, #tpu.memory_space<vmem>>
        %dma_wait3A_398 = arith.constant 0 : i32
        %dma_wait3A_399 = tpu.memref_slice %arg5[%select_n3A_376, %dma_wait3A_393, %dma_wait3A_398] : memref<3x2x128xi32, #tpu.memory_space<vmem>> -> memref<1x1x128xi32, #tpu.memory_space<vmem>>
        %dma_wait3A_400 = tpu.memref_squeeze %dma_wait3A_399 : memref<1x1x128xi32, #tpu.memory_space<vmem>> -> memref<128xi32, #tpu.memory_space<vmem>>
        %dma_wait3A_401 = arith.constant 0 : i32
        %dma_wait3A_402 = arith.constant 0 : i32
        %dma_wait3A_403 = tpu.memref_slice %arg8[%dma_wait3A_401, %dma_wait3A_402] : memref<10240x128xf32, #tpu.memory_space<vmem_shared>> -> memref<10240x128xf32, #tpu.memory_space<vmem_shared>>
        tpu.wait_indirect_dma semaphore(%arg11 : memref<!tpu.dma_semaphore, #tpu.memory_space<semaphore_mem>>) src(%dma_wait3A_397 : memref<128x128xf32, #tpu.memory_space<vmem>>) dst(%dma_wait3A_403 : memref<10240x128xf32, #tpu.memory_space<vmem_shared>>)
      } else {
      }
      %add3A_258 = arith.constant 2 : i32
      %add3A_259 = arith.addi %while3A_255, %add3A_258 : i32
      %sub3A_260 = arith.constant 1 : i32
      %sub3A_261 = arith.subi %add3A_4, %sub3A_260 : i32
      %le3A = arith.cmpi sle, %add3A_259, %sub3A_261 : i32
      %convert_element_type3A_262 = arith.extui %le3A : i1 to i32
      %cond3A_263 = arith.constant 0 : i32
      %cond3A_264 = arith.cmpi ne, %convert_element_type3A_262, %cond3A_263 : i32
      scf.if %cond3A_264 {
        %add3A_359 = arith.constant 2 : i32
        %add3A_360 = arith.addi %while3A_255, %add3A_359 : i32
        %mul3A_361 = arith.constant 32 : i32
        %mul3A_362 = arith.muli %add3A_360, %mul3A_361 : i32
        %add3A_363 = arith.addi %add3A, %mul3A_362 : i32
        %mul3A_364 = arith.constant 128 : i32
        %mul3A_365 = arith.muli %add3A_363, %mul3A_364 : i32
        %jit3A_366 = arith.constant 3 : i32
        %eq3A_367 = arith.constant 0 : i32
        %eq3A_368 = arith.cmpi eq, %jit3A_366, %eq3A_367 : i32
        %jit3A_369 = arith.constant 1 : i32
        %select_n3A_370 = arith.select %eq3A_368, %jit3A_369, %jit3A_366 : i32
        %rem3A_371 = arith.remsi %add3A_360, %select_n3A_370 : i32
        %ne3A_372 = arith.constant 0 : i32
        %ne3A_373 = arith.cmpi ne, %rem3A_371, %ne3A_372 : i32
        %lt3A_374 = arith.constant 0 : i32
        %lt3A_375 = arith.cmpi slt, %rem3A_371, %lt3A_374 : i32
        %lt3A_376 = arith.constant 0 : i32
        %lt3A_377 = arith.cmpi slt, %select_n3A_370, %lt3A_376 : i32
        %ne3A_378 = arith.xori %lt3A_375, %lt3A_377 : i1
        %and3A_379 = arith.andi %ne3A_378, %ne3A_373 : i1
        %add3A_380 = arith.addi %rem3A_371, %select_n3A_370 : i32
        %select_n3A_381 = arith.select %and3A_379, %add3A_380, %rem3A_371 : i32
        %dma_start3A_382 = arith.constant 0 : i32
        %dma_start3A_383 = arith.constant 0 : i32
        %dma_start3A_384 = tpu.memref_slice %arg5[%select_n3A_381, %dma_start3A_382, %dma_start3A_383] : memref<3x2x128xi32, #tpu.memory_space<vmem>> -> memref<1x2x128xi32, #tpu.memory_space<vmem>>
        %dma_start3A_385 = tpu.memref_squeeze %dma_start3A_384 : memref<1x2x128xi32, #tpu.memory_space<vmem>> -> memref<2x128xi32, #tpu.memory_space<vmem>>
        %dma_start3A_386 = arith.constant 0 : i32
        %dma_start3A_387 = tpu.memref_slice %arg3[%dma_start3A_386, %mul3A_365] : memref<2x320000xi32, #tpu.memory_space<hbm>> -> memref<2x128xi32, #tpu.memory_space<hbm>>
        %dma_start3A_388 = arith.constant 0 : i32
        %dma_start3A_389 = arith.constant 0 : i32
        %dma_start3A_390 = tpu.memref_slice %arg5[%select_n3A_381, %dma_start3A_388, %dma_start3A_389] : memref<3x2x128xi32, #tpu.memory_space<vmem>> -> memref<1x2x128xi32, #tpu.memory_space<vmem>>
        %dma_start3A_391 = tpu.memref_squeeze %dma_start3A_390 : memref<1x2x128xi32, #tpu.memory_space<vmem>> -> memref<2x128xi32, #tpu.memory_space<vmem>>
        %dma_start3A_392 = arith.constant 0 : i32
        %dma_start3A_393 = tpu.memref_slice %arg3[%dma_start3A_392, %mul3A_365] : memref<2x320000xi32, #tpu.memory_space<hbm>> -> memref<2x128xi32, #tpu.memory_space<hbm>>
        tpu.enqueue_dma source(%dma_start3A_393 : memref<2x128xi32, #tpu.memory_space<hbm>>) target(%dma_start3A_391 : memref<2x128xi32, #tpu.memory_space<vmem>>) target_semaphore(%arg9 : memref<!tpu.dma_semaphore, #tpu.memory_space<semaphore_mem>>)
      } else {
      }
      %add3A_265 = arith.constant 1 : i32
      %add3A_266 = arith.addi %while3A_255, %add3A_265 : i32
      %sub3A_267 = arith.constant 1 : i32
      %sub3A_268 = arith.subi %add3A_4, %sub3A_267 : i32
      %le3A_269 = arith.cmpi sle, %add3A_266, %sub3A_268 : i32
      %convert_element_type3A_270 = arith.extui %le3A_269 : i1 to i32
      %cond3A_271 = arith.constant 0 : i32
      %cond3A_272 = arith.cmpi ne, %convert_element_type3A_270, %cond3A_271 : i32
      scf.if %cond3A_272 {
        %add3A_359 = arith.constant 1 : i32
        %add3A_360 = arith.addi %while3A_255, %add3A_359 : i32
        %mul3A_361 = arith.constant 32 : i32
        %mul3A_362 = arith.muli %add3A_360, %mul3A_361 : i32
        %add3A_363 = arith.addi %add3A, %mul3A_362 : i32
        %mul3A_364 = arith.constant 128 : i32
        %mul3A_365 = arith.muli %add3A_363, %mul3A_364 : i32
        %jit3A_366 = arith.constant 3 : i32
        %eq3A_367 = arith.constant 0 : i32
        %eq3A_368 = arith.cmpi eq, %jit3A_366, %eq3A_367 : i32
        %jit3A_369 = arith.constant 1 : i32
        %select_n3A_370 = arith.select %eq3A_368, %jit3A_369, %jit3A_366 : i32
        %rem3A_371 = arith.remsi %add3A_360, %select_n3A_370 : i32
        %ne3A_372 = arith.constant 0 : i32
        %ne3A_373 = arith.cmpi ne, %rem3A_371, %ne3A_372 : i32
        %lt3A_374 = arith.constant 0 : i32
        %lt3A_375 = arith.cmpi slt, %rem3A_371, %lt3A_374 : i32
        %lt3A_376 = arith.constant 0 : i32
        %lt3A_377 = arith.cmpi slt, %select_n3A_370, %lt3A_376 : i32
        %ne3A_378 = arith.xori %lt3A_375, %lt3A_377 : i1
        %and3A_379 = arith.andi %ne3A_378, %ne3A_373 : i1
        %add3A_380 = arith.addi %rem3A_371, %select_n3A_370 : i32
        %select_n3A_381 = arith.select %and3A_379, %add3A_380, %rem3A_371 : i32
        %dma_wait3A_382 = arith.constant 0 : i32
        %dma_wait3A_383 = arith.constant 0 : i32
        %dma_wait3A_384 = tpu.memref_slice %arg5[%select_n3A_381, %dma_wait3A_382, %dma_wait3A_383] : memref<3x2x128xi32, #tpu.memory_space<vmem>> -> memref<1x2x128xi32, #tpu.memory_space<vmem>>
        %dma_wait3A_385 = tpu.memref_squeeze %dma_wait3A_384 : memref<1x2x128xi32, #tpu.memory_space<vmem>> -> memref<2x128xi32, #tpu.memory_space<vmem>>
        %dma_wait3A_386 = arith.constant 0 : i32
        %dma_wait3A_387 = tpu.memref_slice %arg3[%dma_wait3A_386, %mul3A_365] : memref<2x320000xi32, #tpu.memory_space<hbm>> -> memref<2x128xi32, #tpu.memory_space<hbm>>
        %dma_wait3A_388 = arith.constant 0 : i32
        %dma_wait3A_389 = arith.constant 0 : i32
        %dma_wait3A_390 = tpu.memref_slice %arg5[%select_n3A_381, %dma_wait3A_388, %dma_wait3A_389] : memref<3x2x128xi32, #tpu.memory_space<vmem>> -> memref<1x2x128xi32, #tpu.memory_space<vmem>>
        %dma_wait3A_391 = tpu.memref_squeeze %dma_wait3A_390 : memref<1x2x128xi32, #tpu.memory_space<vmem>> -> memref<2x128xi32, #tpu.memory_space<vmem>>
        %dma_wait3A_392 = arith.constant 0 : i32
        %dma_wait3A_393 = tpu.memref_slice %arg3[%dma_wait3A_392, %mul3A_365] : memref<2x320000xi32, #tpu.memory_space<hbm>> -> memref<2x128xi32, #tpu.memory_space<hbm>>
        tpu.wait_dma2 semaphore(%arg9 : memref<!tpu.dma_semaphore, #tpu.memory_space<semaphore_mem>>) src(%dma_wait3A_393 : memref<2x128xi32, #tpu.memory_space<hbm>>) dst(%dma_wait3A_391 : memref<2x128xi32, #tpu.memory_space<vmem>>)
        %add3A_394 = arith.constant 1 : i32
        %add3A_395 = arith.addi %while3A_255, %add3A_394 : i32
        %jit3A_396 = arith.constant 3 : i32
        %eq3A_397 = arith.constant 0 : i32
        %eq3A_398 = arith.cmpi eq, %jit3A_396, %eq3A_397 : i32
        %jit3A_399 = arith.constant 1 : i32
        %select_n3A_400 = arith.select %eq3A_398, %jit3A_399, %jit3A_396 : i32
        %rem3A_401 = arith.remsi %add3A_395, %select_n3A_400 : i32
        %ne3A_402 = arith.constant 0 : i32
        %ne3A_403 = arith.cmpi ne, %rem3A_401, %ne3A_402 : i32
        %lt3A_404 = arith.constant 0 : i32
        %lt3A_405 = arith.cmpi slt, %rem3A_401, %lt3A_404 : i32
        %lt3A_406 = arith.constant 0 : i32
        %lt3A_407 = arith.cmpi slt, %select_n3A_400, %lt3A_406 : i32
        %ne3A_408 = arith.xori %lt3A_405, %lt3A_407 : i1
        %and3A_409 = arith.andi %ne3A_408, %ne3A_403 : i1
        %add3A_410 = arith.addi %rem3A_401, %select_n3A_400 : i32
        %select_n3A_411 = arith.select %and3A_409, %add3A_410, %rem3A_401 : i32
        %jit3A_412 = arith.constant 2 : i32
        %eq3A_413 = arith.constant 0 : i32
        %eq3A_414 = arith.cmpi eq, %jit3A_412, %eq3A_413 : i32
        %jit3A_415 = arith.constant 1 : i32
        %select_n3A_416 = arith.select %eq3A_414, %jit3A_415, %jit3A_412 : i32
        %rem3A_417 = arith.remsi %add3A_395, %select_n3A_416 : i32
        %ne3A_418 = arith.constant 0 : i32
        %ne3A_419 = arith.cmpi ne, %rem3A_417, %ne3A_418 : i32
        %lt3A_420 = arith.constant 0 : i32
        %lt3A_421 = arith.cmpi slt, %rem3A_417, %lt3A_420 : i32
        %lt3A_422 = arith.constant 0 : i32
        %lt3A_423 = arith.cmpi slt, %select_n3A_416, %lt3A_422 : i32
        %ne3A_424 = arith.xori %lt3A_421, %lt3A_423 : i1
        %and3A_425 = arith.andi %ne3A_424, %ne3A_419 : i1
        %add3A_426 = arith.addi %rem3A_417, %select_n3A_416 : i32
        %select_n3A_427 = arith.select %and3A_425, %add3A_426, %rem3A_417 : i32
        %dma_start3A_428 = arith.constant 0 : i32
        %dma_start3A_429 = arith.constant 0 : i32
        %dma_start3A_430 = arith.constant 0 : i32
        %dma_start3A_431 = tpu.memref_slice %arg6[%select_n3A_427, %dma_start3A_429, %dma_start3A_430] : memref<2x128x128xf32, #tpu.memory_space<vmem>> -> memref<1x128x128xf32, #tpu.memory_space<vmem>>
        %dma_start3A_432 = tpu.memref_squeeze %dma_start3A_431 : memref<1x128x128xf32, #tpu.memory_space<vmem>> -> memref<128x128xf32, #tpu.memory_space<vmem>>
        %dma_start3A_433 = arith.constant 0 : i32
        %dma_start3A_434 = tpu.memref_slice %arg5[%select_n3A_411, %dma_start3A_428, %dma_start3A_433] : memref<3x2x128xi32, #tpu.memory_space<vmem>> -> memref<1x1x128xi32, #tpu.memory_space<vmem>>
        %dma_start3A_435 = tpu.memref_squeeze %dma_start3A_434 : memref<1x1x128xi32, #tpu.memory_space<vmem>> -> memref<128xi32, #tpu.memory_space<vmem>>
        %dma_start3A_436 = arith.constant 0 : i32
        %dma_start3A_437 = arith.constant 0 : i32
        %dma_start3A_438 = tpu.memref_slice %arg2[%dma_start3A_436, %dma_start3A_437] : memref<10000x128xf32, #tpu.memory_space<hbm>> -> memref<10000x128xf32, #tpu.memory_space<hbm>>
        tpu.enqueue_indirect_dma source(%dma_start3A_438 : memref<10000x128xf32, #tpu.memory_space<hbm>>) target(%dma_start3A_432 : memref<128x128xf32, #tpu.memory_space<vmem>>) offsets(%dma_start3A_435 : memref<128xi32, #tpu.memory_space<vmem>>) semaphore(%arg10 : memref<!tpu.dma_semaphore, #tpu.memory_space<semaphore_mem>>)
      } else {
      }
      %jit3A_273 = arith.constant 3 : i32
      %eq3A_274 = arith.constant 0 : i32
      %eq3A_275 = arith.cmpi eq, %jit3A_273, %eq3A_274 : i32
      %jit3A_276 = arith.constant 1 : i32
      %select_n3A_277 = arith.select %eq3A_275, %jit3A_276, %jit3A_273 : i32
      %rem3A_278 = arith.remsi %while3A_255, %select_n3A_277 : i32
      %ne3A_279 = arith.constant 0 : i32
      %ne3A_280 = arith.cmpi ne, %rem3A_278, %ne3A_279 : i32
      %lt3A_281 = arith.constant 0 : i32
      %lt3A_282 = arith.cmpi slt, %rem3A_278, %lt3A_281 : i32
      %lt3A_283 = arith.constant 0 : i32
      %lt3A_284 = arith.cmpi slt, %select_n3A_277, %lt3A_283 : i32
      %ne3A_285 = arith.xori %lt3A_282, %lt3A_284 : i1
      %and3A_286 = arith.andi %ne3A_285, %ne3A_280 : i1
      %add3A_287 = arith.addi %rem3A_278, %select_n3A_277 : i32
      %select_n3A_288 = arith.select %and3A_286, %add3A_287, %rem3A_278 : i32
      %jit3A_289 = arith.constant 2 : i32
      %eq3A_290 = arith.constant 0 : i32
      %eq3A_291 = arith.cmpi eq, %jit3A_289, %eq3A_290 : i32
      %jit3A_292 = arith.constant 1 : i32
      %select_n3A_293 = arith.select %eq3A_291, %jit3A_292, %jit3A_289 : i32
      %rem3A_294 = arith.remsi %while3A_255, %select_n3A_293 : i32
      %ne3A_295 = arith.constant 0 : i32
      %ne3A_296 = arith.cmpi ne, %rem3A_294, %ne3A_295 : i32
      %lt3A_297 = arith.constant 0 : i32
      %lt3A_298 = arith.cmpi slt, %rem3A_294, %lt3A_297 : i32
      %lt3A_299 = arith.constant 0 : i32
      %lt3A_300 = arith.cmpi slt, %select_n3A_293, %lt3A_299 : i32
      %ne3A_301 = arith.xori %lt3A_298, %lt3A_300 : i1
      %and3A_302 = arith.andi %ne3A_301, %ne3A_296 : i1
      %add3A_303 = arith.addi %rem3A_294, %select_n3A_293 : i32
      %select_n3A_304 = arith.select %and3A_302, %add3A_303, %rem3A_294 : i32
      %dma_wait3A_305 = arith.constant 0 : i32
      %dma_wait3A_306 = arith.constant 0 : i32
      %dma_wait3A_307 = arith.constant 0 : i32
      %dma_wait3A_308 = tpu.memref_slice %arg6[%select_n3A_304, %dma_wait3A_306, %dma_wait3A_307] : memref<2x128x128xf32, #tpu.memory_space<vmem>> -> memref<1x128x128xf32, #tpu.memory_space<vmem>>
      %dma_wait3A_309 = tpu.memref_squeeze %dma_wait3A_308 : memref<1x128x128xf32, #tpu.memory_space<vmem>> -> memref<128x128xf32, #tpu.memory_space<vmem>>
      %dma_wait3A_310 = arith.constant 0 : i32
      %dma_wait3A_311 = tpu.memref_slice %arg5[%select_n3A_288, %dma_wait3A_305, %dma_wait3A_310] : memref<3x2x128xi32, #tpu.memory_space<vmem>> -> memref<1x1x128xi32, #tpu.memory_space<vmem>>
      %dma_wait3A_312 = tpu.memref_squeeze %dma_wait3A_311 : memref<1x1x128xi32, #tpu.memory_space<vmem>> -> memref<128xi32, #tpu.memory_space<vmem>>
      %dma_wait3A_313 = arith.constant 0 : i32
      %dma_wait3A_314 = arith.constant 0 : i32
      %dma_wait3A_315 = tpu.memref_slice %arg2[%dma_wait3A_313, %dma_wait3A_314] : memref<10000x128xf32, #tpu.memory_space<hbm>> -> memref<10000x128xf32, #tpu.memory_space<hbm>>
      tpu.wait_indirect_dma semaphore(%arg10 : memref<!tpu.dma_semaphore, #tpu.memory_space<semaphore_mem>>) src(%dma_wait3A_315 : memref<10000x128xf32, #tpu.memory_space<hbm>>) dst(%dma_wait3A_309 : memref<128x128xf32, #tpu.memory_space<vmem>>)
      %jit3A_316 = arith.constant 3 : i32
      %eq3A_317 = arith.constant 0 : i32
      %eq3A_318 = arith.cmpi eq, %jit3A_316, %eq3A_317 : i32
      %jit3A_319 = arith.constant 1 : i32
      %select_n3A_320 = arith.select %eq3A_318, %jit3A_319, %jit3A_316 : i32
      %rem3A_321 = arith.remsi %while3A_255, %select_n3A_320 : i32
      %ne3A_322 = arith.constant 0 : i32
      %ne3A_323 = arith.cmpi ne, %rem3A_321, %ne3A_322 : i32
      %lt3A_324 = arith.constant 0 : i32
      %lt3A_325 = arith.cmpi slt, %rem3A_321, %lt3A_324 : i32
      %lt3A_326 = arith.constant 0 : i32
      %lt3A_327 = arith.cmpi slt, %select_n3A_320, %lt3A_326 : i32
      %ne3A_328 = arith.xori %lt3A_325, %lt3A_327 : i1
      %and3A_329 = arith.andi %ne3A_328, %ne3A_323 : i1
      %add3A_330 = arith.addi %rem3A_321, %select_n3A_320 : i32
      %select_n3A_331 = arith.select %and3A_329, %add3A_330, %rem3A_321 : i32
      %jit3A_332 = arith.constant 2 : i32
      %eq3A_333 = arith.constant 0 : i32
      %eq3A_334 = arith.cmpi eq, %jit3A_332, %eq3A_333 : i32
      %jit3A_335 = arith.constant 1 : i32
      %select_n3A_336 = arith.select %eq3A_334, %jit3A_335, %jit3A_332 : i32
      %rem3A_337 = arith.remsi %while3A_255, %select_n3A_336 : i32
      %ne3A_338 = arith.constant 0 : i32
      %ne3A_339 = arith.cmpi ne, %rem3A_337, %ne3A_338 : i32
      %lt3A_340 = arith.constant 0 : i32
      %lt3A_341 = arith.cmpi slt, %rem3A_337, %lt3A_340 : i32
      %lt3A_342 = arith.constant 0 : i32
      %lt3A_343 = arith.cmpi slt, %select_n3A_336, %lt3A_342 : i32
      %ne3A_344 = arith.xori %lt3A_341, %lt3A_343 : i1
      %and3A_345 = arith.andi %ne3A_344, %ne3A_339 : i1
      %add3A_346 = arith.addi %rem3A_337, %select_n3A_336 : i32
      %select_n3A_347 = arith.select %and3A_345, %add3A_346, %rem3A_337 : i32
      %dma_start3A_348 = arith.constant 1 : i32
      %dma_start3A_349 = arith.constant 0 : i32
      %dma_start3A_350 = arith.constant 0 : i32
      %dma_start3A_351 = tpu.memref_slice %arg6[%select_n3A_347, %dma_start3A_349, %dma_start3A_350] : memref<2x128x128xf32, #tpu.memory_space<vmem>> -> memref<1x128x128xf32, #tpu.memory_space<vmem>>
      %dma_start3A_352 = tpu.memref_squeeze %dma_start3A_351 : memref<1x128x128xf32, #tpu.memory_space<vmem>> -> memref<128x128xf32, #tpu.memory_space<vmem>>
      %dma_start3A_353 = arith.constant 0 : i32
      %dma_start3A_354 = tpu.memref_slice %arg5[%select_n3A_331, %dma_start3A_348, %dma_start3A_353] : memref<3x2x128xi32, #tpu.memory_space<vmem>> -> memref<1x1x128xi32, #tpu.memory_space<vmem>>
      %dma_start3A_355 = tpu.memref_squeeze %dma_start3A_354 : memref<1x1x128xi32, #tpu.memory_space<vmem>> -> memref<128xi32, #tpu.memory_space<vmem>>
      %dma_start3A_356 = arith.constant 0 : i32
      %dma_start3A_357 = arith.constant 0 : i32
      %dma_start3A_358 = tpu.memref_slice %arg8[%dma_start3A_356, %dma_start3A_357] : memref<10240x128xf32, #tpu.memory_space<vmem_shared>> -> memref<10240x128xf32, #tpu.memory_space<vmem_shared>>
      tpu.enqueue_indirect_dma source(%dma_start3A_352 : memref<128x128xf32, #tpu.memory_space<vmem>>) target(%dma_start3A_358 : memref<10240x128xf32, #tpu.memory_space<vmem_shared>>) offsets(%dma_start3A_355 : memref<128xi32, #tpu.memory_space<vmem>>) semaphore(%arg11 : memref<!tpu.dma_semaphore, #tpu.memory_space<semaphore_mem>>) {add = true}
    }
    %sub3A = arith.constant 1 : i32
    %sub3A_210 = arith.subi %add3A_4, %sub3A : i32
    %jit3A_211 = arith.constant 3 : i32
    %eq3A = arith.constant 0 : i32
    %eq3A_212 = arith.cmpi eq, %jit3A_211, %eq3A : i32
    %jit3A_213 = arith.constant 1 : i32
    %select_n3A_214 = arith.select %eq3A_212, %jit3A_213, %jit3A_211 : i32
    %rem3A = arith.remsi %sub3A_210, %select_n3A_214 : i32
    %ne3A = arith.constant 0 : i32
    %ne3A_215 = arith.cmpi ne, %rem3A, %ne3A : i32
    %lt3A_216 = arith.constant 0 : i32
    %lt3A_217 = arith.cmpi slt, %rem3A, %lt3A_216 : i32
    %lt3A_218 = arith.constant 0 : i32
    %lt3A_219 = arith.cmpi slt, %select_n3A_214, %lt3A_218 : i32
    %ne3A_220 = arith.xori %lt3A_217, %lt3A_219 : i1
    %and3A = arith.andi %ne3A_220, %ne3A_215 : i1
    %add3A_221 = arith.addi %rem3A, %select_n3A_214 : i32
    %select_n3A_222 = arith.select %and3A, %add3A_221, %rem3A : i32
    %jit3A_223 = arith.constant 2 : i32
    %eq3A_224 = arith.constant 0 : i32
    %eq3A_225 = arith.cmpi eq, %jit3A_223, %eq3A_224 : i32
    %jit3A_226 = arith.constant 1 : i32
    %select_n3A_227 = arith.select %eq3A_225, %jit3A_226, %jit3A_223 : i32
    %rem3A_228 = arith.remsi %sub3A_210, %select_n3A_227 : i32
    %ne3A_229 = arith.constant 0 : i32
    %ne3A_230 = arith.cmpi ne, %rem3A_228, %ne3A_229 : i32
    %lt3A_231 = arith.constant 0 : i32
    %lt3A_232 = arith.cmpi slt, %rem3A_228, %lt3A_231 : i32
    %lt3A_233 = arith.constant 0 : i32
    %lt3A_234 = arith.cmpi slt, %select_n3A_227, %lt3A_233 : i32
    %ne3A_235 = arith.xori %lt3A_232, %lt3A_234 : i1
    %and3A_236 = arith.andi %ne3A_235, %ne3A_230 : i1
    %add3A_237 = arith.addi %rem3A_228, %select_n3A_227 : i32
    %select_n3A_238 = arith.select %and3A_236, %add3A_237, %rem3A_228 : i32
    %dma_wait3A_239 = arith.constant 1 : i32
    %dma_wait3A_240 = arith.constant 0 : i32
    %dma_wait3A_241 = arith.constant 0 : i32
    %dma_wait3A_242 = tpu.memref_slice %arg6[%select_n3A_238, %dma_wait3A_240, %dma_wait3A_241] : memref<2x128x128xf32, #tpu.memory_space<vmem>> -> memref<1x128x128xf32, #tpu.memory_space<vmem>>
    %dma_wait3A_243 = tpu.memref_squeeze %dma_wait3A_242 : memref<1x128x128xf32, #tpu.memory_space<vmem>> -> memref<128x128xf32, #tpu.memory_space<vmem>>
    %dma_wait3A_244 = arith.constant 0 : i32
    %dma_wait3A_245 = tpu.memref_slice %arg5[%select_n3A_222, %dma_wait3A_239, %dma_wait3A_244] : memref<3x2x128xi32, #tpu.memory_space<vmem>> -> memref<1x1x128xi32, #tpu.memory_space<vmem>>
    %dma_wait3A_246 = tpu.memref_squeeze %dma_wait3A_245 : memref<1x1x128xi32, #tpu.memory_space<vmem>> -> memref<128xi32, #tpu.memory_space<vmem>>
    %dma_wait3A_247 = arith.constant 0 : i32
    %dma_wait3A_248 = arith.constant 0 : i32
    %dma_wait3A_249 = tpu.memref_slice %arg8[%dma_wait3A_247, %dma_wait3A_248] : memref<10240x128xf32, #tpu.memory_space<vmem_shared>> -> memref<10240x128xf32, #tpu.memory_space<vmem_shared>>
    tpu.wait_indirect_dma semaphore(%arg11 : memref<!tpu.dma_semaphore, #tpu.memory_space<semaphore_mem>>) src(%dma_wait3A_243 : memref<128x128xf32, #tpu.memory_space<vmem>>) dst(%dma_wait3A_249 : memref<10240x128xf32, #tpu.memory_space<vmem_shared>>)
    %barrier3A_250 = arith.constant 0 : index
    tpu.barrier barrier_id(%barrier3A_250)
    %mul3A_251 = arith.constant 640 : i32
    %mul3A_252 = arith.muli %arg1, %mul3A_251 : i32
    %mul3A_253 = arith.constant 640 : i32
    %mul3A_254 = arith.muli %arg1, %mul3A_253 : i32
    "tpu.region"() ({
      %run_scoped3A = tpu.sem_alloc : memref<!tpu.dma_semaphore, #tpu.memory_space<semaphore_mem>>
      %dma_start3A_255 = arith.constant 0 : i32
      %dma_start3A_256 = tpu.memref_slice %arg4[%arg0, %mul3A_254, %dma_start3A_255] : memref<2x10240x128xf32, #tpu.memory_space<hbm>> -> memref<1x640x128xf32, #tpu.memory_space<hbm>>
      %dma_start3A_257 = tpu.memref_squeeze %dma_start3A_256 : memref<1x640x128xf32, #tpu.memory_space<hbm>> -> memref<640x128xf32, #tpu.memory_space<hbm>>
      %dma_start3A_258 = arith.constant 0 : i32
      %dma_start3A_259 = tpu.memref_slice %arg8[%mul3A_252, %dma_start3A_258] : memref<10240x128xf32, #tpu.memory_space<vmem_shared>> -> memref<640x128xf32, #tpu.memory_space<vmem_shared>>
      tpu.enqueue_dma source(%dma_start3A_259 : memref<640x128xf32, #tpu.memory_space<vmem_shared>>) target(%dma_start3A_257 : memref<640x128xf32, #tpu.memory_space<hbm>>) target_semaphore(%run_scoped3A : memref<!tpu.dma_semaphore, #tpu.memory_space<semaphore_mem>>)
      %dma_wait3A_260 = arith.constant 0 : i32
      %dma_wait3A_261 = tpu.memref_slice %arg4[%arg0, %mul3A_254, %dma_wait3A_260] : memref<2x10240x128xf32, #tpu.memory_space<hbm>> -> memref<1x640x128xf32, #tpu.memory_space<hbm>>
      %dma_wait3A_262 = tpu.memref_squeeze %dma_wait3A_261 : memref<1x640x128xf32, #tpu.memory_space<hbm>> -> memref<640x128xf32, #tpu.memory_space<hbm>>
      %dma_wait3A_263 = arith.constant 0 : i32
      %dma_wait3A_264 = tpu.memref_slice %arg8[%mul3A_252, %dma_wait3A_263] : memref<10240x128xf32, #tpu.memory_space<vmem_shared>> -> memref<640x128xf32, #tpu.memory_space<vmem_shared>>
      tpu.wait_dma2 semaphore(%run_scoped3A : memref<!tpu.dma_semaphore, #tpu.memory_space<semaphore_mem>>) src(%dma_wait3A_264 : memref<640x128xf32, #tpu.memory_space<vmem_shared>>) dst(%dma_wait3A_262 : memref<640x128xf32, #tpu.memory_space<hbm>>)
      tpu.yield
    }) : () -> ()
    return
  }
}

#map = affine_map<(d0, d1) -> (0, 0)>
#map1 = affine_map<(d0, d1) -> (0, 0, 0)>
module attributes {stable_mosaic.version = 14 : i64} {
  func.func @_seg_sum_sc(%arg0: i32, %arg1: i32, %arg2: memref<10000x128xf32, #tpu.memory_space<hbm>>, %arg3: memref<2x320000xi32, #tpu.memory_space<hbm>>, %arg4: memref<2x10240x128xf32, #tpu.memory_space<hbm>>, %arg5: memref<3x2x128xi32, #tpu.memory_space<vmem>>, %arg6: memref<2x128x128xf32, #tpu.memory_space<vmem>>, %arg7: memref<80x128xf32, #tpu.memory_space<vmem>>, %arg8: memref<10240x128xf32, #tpu.memory_space<vmem_shared>>, %arg9: memref<!tpu.dma_semaphore, #tpu.memory_space<semaphore_mem>>, %arg10: memref<!tpu.dma_semaphore, #tpu.memory_space<semaphore_mem>>, %arg11: memref<!tpu.dma_semaphore, #tpu.memory_space<semaphore_mem>>) attributes {dimension_semantics = [#tpu.dimension_semantics<core_parallel>, #tpu.dimension_semantics<subcore_parallel>], iteration_bounds = array<i64: 2, 16>, scalar_prefetch = 0 : i64, scratch_operands = 7 : i64, tpu.core_type = #tpu.core_type<sc_vector_subcore>, window_params = [{transform_indices = #map}, {transform_indices = #map}, {transform_indices = #map1}]} {
    %mul3A = arith.constant 2 : i32
    %mul3A_0 = arith.muli %arg1, %mul3A : i32
    %add3A = arith.addi %mul3A_0, %arg0 : i32
    %lt3A = arith.constant 4 : i32
    %lt3A_1 = arith.cmpi slt, %add3A, %lt3A : i32
    %jit3A = arith.constant 1 : i32
    %jit3A_2 = arith.constant 0 : i32
    %select_n3A = arith.select %lt3A_1, %jit3A, %jit3A_2 : i32
    %add3A_3 = arith.constant 78 : i32
    %add3A_4 = arith.addi %add3A_3, %select_n3A : i32
    %add3A_5 = arith.constant 0 : i32
    %add3A_6 = arith.addi %add3A, %add3A_5 : i32
    %mul3A_7 = arith.constant 128 : i32
    %mul3A_8 = arith.muli %add3A_6, %mul3A_7 : i32
    %dma_start3A = arith.constant 0 : i32
    %dma_start3A_9 = arith.constant 0 : i32
    %dma_start3A_10 = arith.constant 0 : i32
    %dma_start3A_11 = tpu.memref_slice %arg5[%dma_start3A, %dma_start3A_9, %dma_start3A_10] : memref<3x2x128xi32, #tpu.memory_space<vmem>> -> memref<1x2x128xi32, #tpu.memory_space<vmem>>
    %dma_start3A_12 = tpu.memref_squeeze %dma_start3A_11 : memref<1x2x128xi32, #tpu.memory_space<vmem>> -> memref<2x128xi32, #tpu.memory_space<vmem>>
    %dma_start3A_13 = arith.constant 0 : i32
    %dma_start3A_14 = tpu.memref_slice %arg3[%dma_start3A_13, %mul3A_8] : memref<2x320000xi32, #tpu.memory_space<hbm>> -> memref<2x128xi32, #tpu.memory_space<hbm>>
    %dma_start3A_15 = arith.constant 0 : i32
    %dma_start3A_16 = arith.constant 0 : i32
    %dma_start3A_17 = tpu.memref_slice %arg5[%dma_start3A, %dma_start3A_15, %dma_start3A_16] : memref<3x2x128xi32, #tpu.memory_space<vmem>> -> memref<1x2x128xi32, #tpu.memory_space<vmem>>
    %dma_start3A_18 = tpu.memref_squeeze %dma_start3A_17 : memref<1x2x128xi32, #tpu.memory_space<vmem>> -> memref<2x128xi32, #tpu.memory_space<vmem>>
    %dma_start3A_19 = arith.constant 0 : i32
    %dma_start3A_20 = tpu.memref_slice %arg3[%dma_start3A_19, %mul3A_8] : memref<2x320000xi32, #tpu.memory_space<hbm>> -> memref<2x128xi32, #tpu.memory_space<hbm>>
    tpu.enqueue_dma source(%dma_start3A_20 : memref<2x128xi32, #tpu.memory_space<hbm>>) target(%dma_start3A_18 : memref<2x128xi32, #tpu.memory_space<vmem>>) target_semaphore(%arg9 : memref<!tpu.dma_semaphore, #tpu.memory_space<semaphore_mem>>)
    %add3A_21 = arith.constant 32 : i32
    %add3A_22 = arith.addi %add3A, %add3A_21 : i32
    %mul3A_23 = arith.constant 128 : i32
    %mul3A_24 = arith.muli %add3A_22, %mul3A_23 : i32
    %dma_start3A_25 = arith.constant 1 : i32
    %dma_start3A_26 = arith.constant 0 : i32
    %dma_start3A_27 = arith.constant 0 : i32
    %dma_start3A_28 = tpu.memref_slice %arg5[%dma_start3A_25, %dma_start3A_26, %dma_start3A_27] : memref<3x2x128xi32, #tpu.memory_space<vmem>> -> memref<1x2x128xi32, #tpu.memory_space<vmem>>
    %dma_start3A_29 = tpu.memref_squeeze %dma_start3A_28 : memref<1x2x128xi32, #tpu.memory_space<vmem>> -> memref<2x128xi32, #tpu.memory_space<vmem>>
    %dma_start3A_30 = arith.constant 0 : i32
    %dma_start3A_31 = tpu.memref_slice %arg3[%dma_start3A_30, %mul3A_24] : memref<2x320000xi32, #tpu.memory_space<hbm>> -> memref<2x128xi32, #tpu.memory_space<hbm>>
    %dma_start3A_32 = arith.constant 0 : i32
    %dma_start3A_33 = arith.constant 0 : i32
    %dma_start3A_34 = tpu.memref_slice %arg5[%dma_start3A_25, %dma_start3A_32, %dma_start3A_33] : memref<3x2x128xi32, #tpu.memory_space<vmem>> -> memref<1x2x128xi32, #tpu.memory_space<vmem>>
    %dma_start3A_35 = tpu.memref_squeeze %dma_start3A_34 : memref<1x2x128xi32, #tpu.memory_space<vmem>> -> memref<2x128xi32, #tpu.memory_space<vmem>>
    %dma_start3A_36 = arith.constant 0 : i32
    %dma_start3A_37 = tpu.memref_slice %arg3[%dma_start3A_36, %mul3A_24] : memref<2x320000xi32, #tpu.memory_space<hbm>> -> memref<2x128xi32, #tpu.memory_space<hbm>>
    tpu.enqueue_dma source(%dma_start3A_37 : memref<2x128xi32, #tpu.memory_space<hbm>>) target(%dma_start3A_35 : memref<2x128xi32, #tpu.memory_space<vmem>>) target_semaphore(%arg9 : memref<!tpu.dma_semaphore, #tpu.memory_space<semaphore_mem>>)
    %broadcast_in_dim3A = arith.constant 0.000000e+00 : f32
    %broadcast_in_dim3A_38 = vector.broadcast %broadcast_in_dim3A : f32 to vector<16xf32>
    %scan3A = arith.constant 0 : i32
    %scan3A_39 = arith.constant 0 : i32
    %scan3A_40 = arith.constant 80 : i32
    %scan3A_41 = arith.addi %scan3A_39, %scan3A_40 : i32
    %scan3A_42 = arith.constant 1 : i32
    scf.for %scan3A_255 = %scan3A_39 to %scan3A_41 step %scan3A_42  : i32 {
      %swap3A = arith.index_cast %scan3A_255 : i32 to index
      %swap3A_256 = arith.constant 0 : index
      %swap3A_257 = tpu.vector_load %arg7[%swap3A, %swap3A_256] {strides = array<i32>} : memref<80x128xf32, #tpu.memory_space<vmem>>, vector<1x16xf32>,
      %swap3A_258 = vector.shape_cast %swap3A_257 : vector<1x16xf32> to vector<16xf32>
      %swap3A_259 = vector.shape_cast %broadcast_in_dim3A_38 : vector<16xf32> to vector<1x16xf32>
      tpu.vector_store %arg7[%swap3A, %swap3A_256], %swap3A_259 {strides = array<i32>} : memref<80x128xf32, #tpu.memory_space<vmem>>, vector<1x16xf32>,
      %swap3A_260 = arith.index_cast %scan3A_255 : i32 to index
      %swap3A_261 = arith.constant 16 : index
      %swap3A_262 = tpu.vector_load %arg7[%swap3A_260, %swap3A_261] {strides = array<i32>} : memref<80x128xf32, #tpu.memory_space<vmem>>, vector<1x16xf32>,
      %swap3A_263 = vector.shape_cast %swap3A_262 : vector<1x16xf32> to vector<16xf32>
      %swap3A_264 = vector.shape_cast %broadcast_in_dim3A_38 : vector<16xf32> to vector<1x16xf32>
      tpu.vector_store %arg7[%swap3A_260, %swap3A_261], %swap3A_264 {strides = array<i32>} : memref<80x128xf32, #tpu.memory_space<vmem>>, vector<1x16xf32>,
      %swap3A_265 = arith.index_cast %scan3A_255 : i32 to index
      %swap3A_266 = arith.constant 32 : index
      %swap3A_267 = tpu.vector_load %arg7[%swap3A_265, %swap3A_266] {strides = array<i32>} : memref<80x128xf32, #tpu.memory_space<vmem>>, vector<1x16xf32>,
      %swap3A_268 = vector.shape_cast %swap3A_267 : vector<1x16xf32> to vector<16xf32>
      %swap3A_269 = vector.shape_cast %broadcast_in_dim3A_38 : vector<16xf32> to vector<1x16xf32>
      tpu.vector_store %arg7[%swap3A_265, %swap3A_266], %swap3A_269 {strides = array<i32>} : memref<80x128xf32, #tpu.memory_space<vmem>>, vector<1x16xf32>,
      %swap3A_270 = arith.index_cast %scan3A_255 : i32 to index
      %swap3A_271 = arith.constant 48 : index
      %swap3A_272 = tpu.vector_load %arg7[%swap3A_270, %swap3A_271] {strides = array<i32>} : memref<80x128xf32, #tpu.memory_space<vmem>>, vector<1x16xf32>,
      %swap3A_273 = vector.shape_cast %swap3A_272 : vector<1x16xf32> to vector<16xf32>
      %swap3A_274 = vector.shape_cast %broadcast_in_dim3A_38 : vector<16xf32> to vector<1x16xf32>
      tpu.vector_store %arg7[%swap3A_270, %swap3A_271], %swap3A_274 {strides = array<i32>} : memref<80x128xf32, #tpu.memory_space<vmem>>, vector<1x16xf32>,
      %swap3A_275 = arith.index_cast %scan3A_255 : i32 to index
      %swap3A_276 = arith.constant 64 : index
      %swap3A_277 = tpu.vector_load %arg7[%swap3A_275, %swap3A_276] {strides = array<i32>} : memref<80x128xf32, #tpu.memory_space<vmem>>, vector<1x16xf32>,
      %swap3A_278 = vector.shape_cast %swap3A_277 : vector<1x16xf32> to vector<16xf32>
      %swap3A_279 = vector.shape_cast %broadcast_in_dim3A_38 : vector<16xf32> to vector<1x16xf32>
      tpu.vector_store %arg7[%swap3A_275, %swap3A_276], %swap3A_279 {strides = array<i32>} : memref<80x128xf32, #tpu.memory_space<vmem>>, vector<1x16xf32>,
      %swap3A_280 = arith.index_cast %scan3A_255 : i32 to index
      %swap3A_281 = arith.constant 80 : index
      %swap3A_282 = tpu.vector_load %arg7[%swap3A_280, %swap3A_281] {strides = array<i32>} : memref<80x128xf32, #tpu.memory_space<vmem>>, vector<1x16xf32>,
      %swap3A_283 = vector.shape_cast %swap3A_282 : vector<1x16xf32> to vector<16xf32>
      %swap3A_284 = vector.shape_cast %broadcast_in_dim3A_38 : vector<16xf32> to vector<1x16xf32>
      tpu.vector_store %arg7[%swap3A_280, %swap3A_281], %swap3A_284 {strides = array<i32>} : memref<80x128xf32, #tpu.memory_space<vmem>>, vector<1x16xf32>,
      %swap3A_285 = arith.index_cast %scan3A_255 : i32 to index
      %swap3A_286 = arith.constant 96 : index
      %swap3A_287 = tpu.vector_load %arg7[%swap3A_285, %swap3A_286] {strides = array<i32>} : memref<80x128xf32, #tpu.memory_space<vmem>>, vector<1x16xf32>,
      %swap3A_288 = vector.shape_cast %swap3A_287 : vector<1x16xf32> to vector<16xf32>
      %swap3A_289 = vector.shape_cast %broadcast_in_dim3A_38 : vector<16xf32> to vector<1x16xf32>
      tpu.vector_store %arg7[%swap3A_285, %swap3A_286], %swap3A_289 {strides = array<i32>} : memref<80x128xf32, #tpu.memory_space<vmem>>, vector<1x16xf32>,
      %swap3A_290 = arith.index_cast %scan3A_255 : i32 to index
      %swap3A_291 = arith.constant 112 : index
      %swap3A_292 = tpu.vector_load %arg7[%swap3A_290, %swap3A_291] {strides = array<i32>} : memref<80x128xf32, #tpu.memory_space<vmem>>, vector<1x16xf32>,
      %swap3A_293 = vector.shape_cast %swap3A_292 : vector<1x16xf32> to vector<16xf32>
      %swap3A_294 = vector.shape_cast %broadcast_in_dim3A_38 : vector<16xf32> to vector<1x16xf32>
      tpu.vector_store %arg7[%swap3A_290, %swap3A_291], %swap3A_294 {strides = array<i32>} : memref<80x128xf32, #tpu.memory_space<vmem>>, vector<1x16xf32>,
    }
    %scan3A_43 = arith.constant 80 : i32
    %mul3A_44 = arith.constant 640 : i32
    %mul3A_45 = arith.muli %arg1, %mul3A_44 : i32
    %add3A_46 = arith.constant 0 : i32
    %add3A_47 = arith.addi %mul3A_45, %add3A_46 : i32
    %dma_start3A_48 = arith.constant 0 : i32
    %dma_start3A_49 = tpu.memref_slice %arg8[%add3A_47, %dma_start3A_48] : memref<10240x128xf32, #tpu.memory_space<vmem_shared>> -> memref<80x128xf32, #tpu.memory_space<vmem_shared>>
    %dma_start3A_50 = arith.constant 0 : i32
    %dma_start3A_51 = tpu.memref_slice %arg8[%add3A_47, %dma_start3A_50] : memref<10240x128xf32, #tpu.memory_space<vmem_shared>> -> memref<80x128xf32, #tpu.memory_space<vmem_shared>>
    tpu.enqueue_dma source(%arg7 : memref<80x128xf32, #tpu.memory_space<vmem>>) target(%dma_start3A_51 : memref<80x128xf32, #tpu.memory_space<vmem_shared>>) target_semaphore(%arg11 : memref<!tpu.dma_semaphore, #tpu.memory_space<semaphore_mem>>)
    %mul3A_52 = arith.constant 640 : i32
    %mul3A_53 = arith.muli %arg1, %mul3A_52 : i32
    %add3A_54 = arith.constant 80 : i32
    %add3A_55 = arith.addi %mul3A_53, %add3A_54 : i32
    %dma_start3A_56 = arith.constant 0 : i32
    %dma_start3A_57 = tpu.memref_slice %arg8[%add3A_55, %dma_start3A_56] : memref<10240x128xf32, #tpu.memory_space<vmem_shared>> -> memref<80x128xf32, #tpu.memory_space<vmem_shared>>
    %dma_start3A_58 = arith.constant 0 : i32
    %dma_start3A_59 = tpu.memref_slice %arg8[%add3A_55, %dma_start3A_58] : memref<10240x128xf32, #tpu.memory_space<vmem_shared>> -> memref<80x128xf32, #tpu.memory_space<vmem_shared>>
    tpu.enqueue_dma source(%arg7 : memref<80x128xf32, #tpu.memory_space<vmem>>) target(%dma_start3A_59 : memref<80x128xf32, #tpu.memory_space<vmem_shared>>) target_semaphore(%arg11 : memref<!tpu.dma_semaphore, #tpu.memory_space<semaphore_mem>>)
    %mul3A_60 = arith.constant 640 : i32
    %mul3A_61 = arith.muli %arg1, %mul3A_60 : i32
    %add3A_62 = arith.constant 160 : i32
    %add3A_63 = arith.addi %mul3A_61, %add3A_62 : i32
    %dma_start3A_64 = arith.constant 0 : i32
    %dma_start3A_65 = tpu.memref_slice %arg8[%add3A_63, %dma_start3A_64] : memref<10240x128xf32, #tpu.memory_space<vmem_shared>> -> memref<80x128xf32, #tpu.memory_space<vmem_shared>>
    %dma_start3A_66 = arith.constant 0 : i32
    %dma_start3A_67 = tpu.memref_slice %arg8[%add3A_63, %dma_start3A_66] : memref<10240x128xf32, #tpu.memory_space<vmem_shared>> -> memref<80x128xf32, #tpu.memory_space<vmem_shared>>
    tpu.enqueue_dma source(%arg7 : memref<80x128xf32, #tpu.memory_space<vmem>>) target(%dma_start3A_67 : memref<80x128xf32, #tpu.memory_space<vmem_shared>>) target_semaphore(%arg11 : memref<!tpu.dma_semaphore, #tpu.memory_space<semaphore_mem>>)
    %mul3A_68 = arith.constant 640 : i32
    %mul3A_69 = arith.muli %arg1, %mul3A_68 : i32
    %add3A_70 = arith.constant 240 : i32
    %add3A_71 = arith.addi %mul3A_69, %add3A_70 : i32
    %dma_start3A_72 = arith.constant 0 : i32
    %dma_start3A_73 = tpu.memref_slice %arg8[%add3A_71, %dma_start3A_72] : memref<10240x128xf32, #tpu.memory_space<vmem_shared>> -> memref<80x128xf32, #tpu.memory_space<vmem_shared>>
    %dma_start3A_74 = arith.constant 0 : i32
    %dma_start3A_75 = tpu.memref_slice %arg8[%add3A_71, %dma_start3A_74] : memref<10240x128xf32, #tpu.memory_space<vmem_shared>> -> memref<80x128xf32, #tpu.memory_space<vmem_shared>>
    tpu.enqueue_dma source(%arg7 : memref<80x128xf32, #tpu.memory_space<vmem>>) target(%dma_start3A_75 : memref<80x128xf32, #tpu.memory_space<vmem_shared>>) target_semaphore(%arg11 : memref<!tpu.dma_semaphore, #tpu.memory_space<semaphore_mem>>)
    %mul3A_76 = arith.constant 640 : i32
    %mul3A_77 = arith.muli %arg1, %mul3A_76 : i32
    %add3A_78 = arith.constant 320 : i32
    %add3A_79 = arith.addi %mul3A_77, %add3A_78 : i32
    %dma_start3A_80 = arith.constant 0 : i32
    %dma_start3A_81 = tpu.memref_slice %arg8[%add3A_79, %dma_start3A_80] : memref<10240x128xf32, #tpu.memory_space<vmem_shared>> -> memref<80x128xf32, #tpu.memory_space<vmem_shared>>
    %dma_start3A_82 = arith.constant 0 : i32
    %dma_start3A_83 = tpu.memref_slice %arg8[%add3A_79, %dma_start3A_82] : memref<10240x128xf32, #tpu.memory_space<vmem_shared>> -> memref<80x128xf32, #tpu.memory_space<vmem_shared>>
    tpu.enqueue_dma source(%arg7 : memref<80x128xf32, #tpu.memory_space<vmem>>) target(%dma_start3A_83 : memref<80x128xf32, #tpu.memory_space<vmem_shared>>) target_semaphore(%arg11 : memref<!tpu.dma_semaphore, #tpu.memory_space<semaphore_mem>>)
    %mul3A_84 = arith.constant 640 : i32
    %mul3A_85 = arith.muli %arg1, %mul3A_84 : i32
    %add3A_86 = arith.constant 400 : i32
    %add3A_87 = arith.addi %mul3A_85, %add3A_86 : i32
    %dma_start3A_88 = arith.constant 0 : i32
    %dma_start3A_89 = tpu.memref_slice %arg8[%add3A_87, %dma_start3A_88] : memref<10240x128xf32, #tpu.memory_space<vmem_shared>> -> memref<80x128xf32, #tpu.memory_space<vmem_shared>>
    %dma_start3A_90 = arith.constant 0 : i32
    %dma_start3A_91 = tpu.memref_slice %arg8[%add3A_87, %dma_start3A_90] : memref<10240x128xf32, #tpu.memory_space<vmem_shared>> -> memref<80x128xf32, #tpu.memory_space<vmem_shared>>
    tpu.enqueue_dma source(%arg7 : memref<80x128xf32, #tpu.memory_space<vmem>>) target(%dma_start3A_91 : memref<80x128xf32, #tpu.memory_space<vmem_shared>>) target_semaphore(%arg11 : memref<!tpu.dma_semaphore, #tpu.memory_space<semaphore_mem>>)
    %mul3A_92 = arith.constant 640 : i32
    %mul3A_93 = arith.muli %arg1, %mul3A_92 : i32
    %add3A_94 = arith.constant 480 : i32
    %add3A_95 = arith.addi %mul3A_93, %add3A_94 : i32
    %dma_start3A_96 = arith.constant 0 : i32
    %dma_start3A_97 = tpu.memref_slice %arg8[%add3A_95, %dma_start3A_96] : memref<10240x128xf32, #tpu.memory_space<vmem_shared>> -> memref<80x128xf32, #tpu.memory_space<vmem_shared>>
    %dma_start3A_98 = arith.constant 0 : i32
    %dma_start3A_99 = tpu.memref_slice %arg8[%add3A_95, %dma_start3A_98] : memref<10240x128xf32, #tpu.memory_space<vmem_shared>> -> memref<80x128xf32, #tpu.memory_space<vmem_shared>>
    tpu.enqueue_dma source(%arg7 : memref<80x128xf32, #tpu.memory_space<vmem>>) target(%dma_start3A_99 : memref<80x128xf32, #tpu.memory_space<vmem_shared>>) target_semaphore(%arg11 : memref<!tpu.dma_semaphore, #tpu.memory_space<semaphore_mem>>)
    %mul3A_100 = arith.constant 640 : i32
    %mul3A_101 = arith.muli %arg1, %mul3A_100 : i32
    %add3A_102 = arith.constant 560 : i32
    %add3A_103 = arith.addi %mul3A_101, %add3A_102 : i32
    %dma_start3A_104 = arith.constant 0 : i32
    %dma_start3A_105 = tpu.memref_slice %arg8[%add3A_103, %dma_start3A_104] : memref<10240x128xf32, #tpu.memory_space<vmem_shared>> -> memref<80x128xf32, #tpu.memory_space<vmem_shared>>
    %dma_start3A_106 = arith.constant 0 : i32
    %dma_start3A_107 = tpu.memref_slice %arg8[%add3A_103, %dma_start3A_106] : memref<10240x128xf32, #tpu.memory_space<vmem_shared>> -> memref<80x128xf32, #tpu.memory_space<vmem_shared>>
    tpu.enqueue_dma source(%arg7 : memref<80x128xf32, #tpu.memory_space<vmem>>) target(%dma_start3A_107 : memref<80x128xf32, #tpu.memory_space<vmem_shared>>) target_semaphore(%arg11 : memref<!tpu.dma_semaphore, #tpu.memory_space<semaphore_mem>>)
    %add3A_108 = arith.constant 0 : i32
    %add3A_109 = arith.addi %add3A, %add3A_108 : i32
    %mul3A_110 = arith.constant 128 : i32
    %mul3A_111 = arith.muli %add3A_109, %mul3A_110 : i32
    %dma_wait3A = arith.constant 0 : i32
    %dma_wait3A_112 = arith.constant 0 : i32
    %dma_wait3A_113 = arith.constant 0 : i32
    %dma_wait3A_114 = tpu.memref_slice %arg5[%dma_wait3A, %dma_wait3A_112, %dma_wait3A_113] : memref<3x2x128xi32, #tpu.memory_space<vmem>> -> memref<1x2x128xi32, #tpu.memory_space<vmem>>
    %dma_wait3A_115 = tpu.memref_squeeze %dma_wait3A_114 : memref<1x2x128xi32, #tpu.memory_space<vmem>> -> memref<2x128xi32, #tpu.memory_space<vmem>>
    %dma_wait3A_116 = arith.constant 0 : i32
    %dma_wait3A_117 = tpu.memref_slice %arg3[%dma_wait3A_116, %mul3A_111] : memref<2x320000xi32, #tpu.memory_space<hbm>> -> memref<2x128xi32, #tpu.memory_space<hbm>>
    %dma_wait3A_118 = arith.constant 0 : i32
    %dma_wait3A_119 = arith.constant 0 : i32
    %dma_wait3A_120 = tpu.memref_slice %arg5[%dma_wait3A, %dma_wait3A_118, %dma_wait3A_119] : memref<3x2x128xi32, #tpu.memory_space<vmem>> -> memref<1x2x128xi32, #tpu.memory_space<vmem>>
    %dma_wait3A_121 = tpu.memref_squeeze %dma_wait3A_120 : memref<1x2x128xi32, #tpu.memory_space<vmem>> -> memref<2x128xi32, #tpu.memory_space<vmem>>
    %dma_wait3A_122 = arith.constant 0 : i32
    %dma_wait3A_123 = tpu.memref_slice %arg3[%dma_wait3A_122, %mul3A_111] : memref<2x320000xi32, #tpu.memory_space<hbm>> -> memref<2x128xi32, #tpu.memory_space<hbm>>
    tpu.wait_dma2 semaphore(%arg9 : memref<!tpu.dma_semaphore, #tpu.memory_space<semaphore_mem>>) src(%dma_wait3A_123 : memref<2x128xi32, #tpu.memory_space<hbm>>) dst(%dma_wait3A_121 : memref<2x128xi32, #tpu.memory_space<vmem>>)
    %dma_start3A_124 = arith.constant 0 : i32
    %dma_start3A_125 = arith.constant 0 : i32
    %dma_start3A_126 = arith.constant 0 : i32
    %dma_start3A_127 = arith.constant 0 : i32
    %dma_start3A_128 = arith.constant 0 : i32
    %dma_start3A_129 = tpu.memref_slice %arg6[%dma_start3A_126, %dma_start3A_127, %dma_start3A_128] : memref<2x128x128xf32, #tpu.memory_space<vmem>> -> memref<1x128x128xf32, #tpu.memory_space<vmem>>
    %dma_start3A_130 = tpu.memref_squeeze %dma_start3A_129 : memref<1x128x128xf32, #tpu.memory_space<vmem>> -> memref<128x128xf32, #tpu.memory_space<vmem>>
    %dma_start3A_131 = arith.constant 0 : i32
    %dma_start3A_132 = tpu.memref_slice %arg5[%dma_start3A_124, %dma_start3A_125, %dma_start3A_131] : memref<3x2x128xi32, #tpu.memory_space<vmem>> -> memref<1x1x128xi32, #tpu.memory_space<vmem>>
    %dma_start3A_133 = tpu.memref_squeeze %dma_start3A_132 : memref<1x1x128xi32, #tpu.memory_space<vmem>> -> memref<128xi32, #tpu.memory_space<vmem>>
    %dma_start3A_134 = arith.constant 0 : i32
    %dma_start3A_135 = arith.constant 0 : i32
    %dma_start3A_136 = tpu.memref_slice %arg2[%dma_start3A_134, %dma_start3A_135] : memref<10000x128xf32, #tpu.memory_space<hbm>> -> memref<10000x128xf32, #tpu.memory_space<hbm>>
    tpu.enqueue_indirect_dma source(%dma_start3A_136 : memref<10000x128xf32, #tpu.memory_space<hbm>>) target(%dma_start3A_130 : memref<128x128xf32, #tpu.memory_space<vmem>>) offsets(%dma_start3A_133 : memref<128xi32, #tpu.memory_space<vmem>>) semaphore(%arg10 : memref<!tpu.dma_semaphore, #tpu.memory_space<semaphore_mem>>)
    %mul3A_137 = arith.constant 640 : i32
    %mul3A_138 = arith.muli %arg1, %mul3A_137 : i32
    %add3A_139 = arith.constant 0 : i32
    %add3A_140 = arith.addi %mul3A_138, %add3A_139 : i32
    %dma_wait3A_141 = arith.constant 0 : i32
    %dma_wait3A_142 = tpu.memref_slice %arg8[%add3A_140, %dma_wait3A_141] : memref<10240x128xf32, #tpu.memory_space<vmem_shared>> -> memref<80x128xf32, #tpu.memory_space<vmem_shared>>
    %dma_wait3A_143 = arith.constant 0 : i32
    %dma_wait3A_144 = tpu.memref_slice %arg8[%add3A_140, %dma_wait3A_143] : memref<10240x128xf32, #tpu.memory_space<vmem_shared>> -> memref<80x128xf32, #tpu.memory_space<vmem_shared>>
    tpu.wait_dma2 semaphore(%arg11 : memref<!tpu.dma_semaphore, #tpu.memory_space<semaphore_mem>>) src(%arg7 : memref<80x128xf32, #tpu.memory_space<vmem>>) dst(%dma_wait3A_144 : memref<80x128xf32, #tpu.memory_space<vmem_shared>>)
    %mul3A_145 = arith.constant 640 : i32
    %mul3A_146 = arith.muli %arg1, %mul3A_145 : i32
    %add3A_147 = arith.constant 80 : i32
    %add3A_148 = arith.addi %mul3A_146, %add3A_147 : i32
    %dma_wait3A_149 = arith.constant 0 : i32
    %dma_wait3A_150 = tpu.memref_slice %arg8[%add3A_148, %dma_wait3A_149] : memref<10240x128xf32, #tpu.memory_space<vmem_shared>> -> memref<80x128xf32, #tpu.memory_space<vmem_shared>>
    %dma_wait3A_151 = arith.constant 0 : i32
    %dma_wait3A_152 = tpu.memref_slice %arg8[%add3A_148, %dma_wait3A_151] : memref<10240x128xf32, #tpu.memory_space<vmem_shared>> -> memref<80x128xf32, #tpu.memory_space<vmem_shared>>
    tpu.wait_dma2 semaphore(%arg11 : memref<!tpu.dma_semaphore, #tpu.memory_space<semaphore_mem>>) src(%arg7 : memref<80x128xf32, #tpu.memory_space<vmem>>) dst(%dma_wait3A_152 : memref<80x128xf32, #tpu.memory_space<vmem_shared>>)
    %mul3A_153 = arith.constant 640 : i32
    %mul3A_154 = arith.muli %arg1, %mul3A_153 : i32
    %add3A_155 = arith.constant 160 : i32
    %add3A_156 = arith.addi %mul3A_154, %add3A_155 : i32
    %dma_wait3A_157 = arith.constant 0 : i32
    %dma_wait3A_158 = tpu.memref_slice %arg8[%add3A_156, %dma_wait3A_157] : memref<10240x128xf32, #tpu.memory_space<vmem_shared>> -> memref<80x128xf32, #tpu.memory_space<vmem_shared>>
    %dma_wait3A_159 = arith.constant 0 : i32
    %dma_wait3A_160 = tpu.memref_slice %arg8[%add3A_156, %dma_wait3A_159] : memref<10240x128xf32, #tpu.memory_space<vmem_shared>> -> memref<80x128xf32, #tpu.memory_space<vmem_shared>>
    tpu.wait_dma2 semaphore(%arg11 : memref<!tpu.dma_semaphore, #tpu.memory_space<semaphore_mem>>) src(%arg7 : memref<80x128xf32, #tpu.memory_space<vmem>>) dst(%dma_wait3A_160 : memref<80x128xf32, #tpu.memory_space<vmem_shared>>)
    %mul3A_161 = arith.constant 640 : i32
    %mul3A_162 = arith.muli %arg1, %mul3A_161 : i32
    %add3A_163 = arith.constant 240 : i32
    %add3A_164 = arith.addi %mul3A_162, %add3A_163 : i32
    %dma_wait3A_165 = arith.constant 0 : i32
    %dma_wait3A_166 = tpu.memref_slice %arg8[%add3A_164, %dma_wait3A_165] : memref<10240x128xf32, #tpu.memory_space<vmem_shared>> -> memref<80x128xf32, #tpu.memory_space<vmem_shared>>
    %dma_wait3A_167 = arith.constant 0 : i32
    %dma_wait3A_168 = tpu.memref_slice %arg8[%add3A_164, %dma_wait3A_167] : memref<10240x128xf32, #tpu.memory_space<vmem_shared>> -> memref<80x128xf32, #tpu.memory_space<vmem_shared>>
    tpu.wait_dma2 semaphore(%arg11 : memref<!tpu.dma_semaphore, #tpu.memory_space<semaphore_mem>>) src(%arg7 : memref<80x128xf32, #tpu.memory_space<vmem>>) dst(%dma_wait3A_168 : memref<80x128xf32, #tpu.memory_space<vmem_shared>>)
    %mul3A_169 = arith.constant 640 : i32
    %mul3A_170 = arith.muli %arg1, %mul3A_169 : i32
    %add3A_171 = arith.constant 320 : i32
    %add3A_172 = arith.addi %mul3A_170, %add3A_171 : i32
    %dma_wait3A_173 = arith.constant 0 : i32
    %dma_wait3A_174 = tpu.memref_slice %arg8[%add3A_172, %dma_wait3A_173] : memref<10240x128xf32, #tpu.memory_space<vmem_shared>> -> memref<80x128xf32, #tpu.memory_space<vmem_shared>>
    %dma_wait3A_175 = arith.constant 0 : i32
    %dma_wait3A_176 = tpu.memref_slice %arg8[%add3A_172, %dma_wait3A_175] : memref<10240x128xf32, #tpu.memory_space<vmem_shared>> -> memref<80x128xf32, #tpu.memory_space<vmem_shared>>
    tpu.wait_dma2 semaphore(%arg11 : memref<!tpu.dma_semaphore, #tpu.memory_space<semaphore_mem>>) src(%arg7 : memref<80x128xf32, #tpu.memory_space<vmem>>) dst(%dma_wait3A_176 : memref<80x128xf32, #tpu.memory_space<vmem_shared>>)
    %mul3A_177 = arith.constant 640 : i32
    %mul3A_178 = arith.muli %arg1, %mul3A_177 : i32
    %add3A_179 = arith.constant 400 : i32
    %add3A_180 = arith.addi %mul3A_178, %add3A_179 : i32
    %dma_wait3A_181 = arith.constant 0 : i32
    %dma_wait3A_182 = tpu.memref_slice %arg8[%add3A_180, %dma_wait3A_181] : memref<10240x128xf32, #tpu.memory_space<vmem_shared>> -> memref<80x128xf32, #tpu.memory_space<vmem_shared>>
    %dma_wait3A_183 = arith.constant 0 : i32
    %dma_wait3A_184 = tpu.memref_slice %arg8[%add3A_180, %dma_wait3A_183] : memref<10240x128xf32, #tpu.memory_space<vmem_shared>> -> memref<80x128xf32, #tpu.memory_space<vmem_shared>>
    tpu.wait_dma2 semaphore(%arg11 : memref<!tpu.dma_semaphore, #tpu.memory_space<semaphore_mem>>) src(%arg7 : memref<80x128xf32, #tpu.memory_space<vmem>>) dst(%dma_wait3A_184 : memref<80x128xf32, #tpu.memory_space<vmem_shared>>)
    %mul3A_185 = arith.constant 640 : i32
    %mul3A_186 = arith.muli %arg1, %mul3A_185 : i32
    %add3A_187 = arith.constant 480 : i32
    %add3A_188 = arith.addi %mul3A_186, %add3A_187 : i32
    %dma_wait3A_189 = arith.constant 0 : i32
    %dma_wait3A_190 = tpu.memref_slice %arg8[%add3A_188, %dma_wait3A_189] : memref<10240x128xf32, #tpu.memory_space<vmem_shared>> -> memref<80x128xf32, #tpu.memory_space<vmem_shared>>
    %dma_wait3A_191 = arith.constant 0 : i32
    %dma_wait3A_192 = tpu.memref_slice %arg8[%add3A_188, %dma_wait3A_191] : memref<10240x128xf32, #tpu.memory_space<vmem_shared>> -> memref<80x128xf32, #tpu.memory_space<vmem_shared>>
    tpu.wait_dma2 semaphore(%arg11 : memref<!tpu.dma_semaphore, #tpu.memory_space<semaphore_mem>>) src(%arg7 : memref<80x128xf32, #tpu.memory_space<vmem>>) dst(%dma_wait3A_192 : memref<80x128xf32, #tpu.memory_space<vmem_shared>>)
    %mul3A_193 = arith.constant 640 : i32
    %mul3A_194 = arith.muli %arg1, %mul3A_193 : i32
    %add3A_195 = arith.constant 560 : i32
    %add3A_196 = arith.addi %mul3A_194, %add3A_195 : i32
    %dma_wait3A_197 = arith.constant 0 : i32
    %dma_wait3A_198 = tpu.memref_slice %arg8[%add3A_196, %dma_wait3A_197] : memref<10240x128xf32, #tpu.memory_space<vmem_shared>> -> memref<80x128xf32, #tpu.memory_space<vmem_shared>>
    %dma_wait3A_199 = arith.constant 0 : i32
    %dma_wait3A_200 = tpu.memref_slice %arg8[%add3A_196, %dma_wait3A_199] : memref<10240x128xf32, #tpu.memory_space<vmem_shared>> -> memref<80x128xf32, #tpu.memory_space<vmem_shared>>
    tpu.wait_dma2 semaphore(%arg11 : memref<!tpu.dma_semaphore, #tpu.memory_space<semaphore_mem>>) src(%arg7 : memref<80x128xf32, #tpu.memory_space<vmem>>) dst(%dma_wait3A_200 : memref<80x128xf32, #tpu.memory_space<vmem_shared>>)
    %barrier3A = arith.constant 0 : index
    tpu.barrier barrier_id(%barrier3A)
    %while3A = arith.constant 0 : i32
    %while3A_201 = arith.constant 0 : i32
    %while3A_202 = arith.subi %add3A_4, %while3A_201 : i32
    %while3A_203 = arith.addi %while3A_201, %while3A_202 : i32
    %while3A_204 = arith.constant 1 : i32
    %while3A_205 = arith.divsi %while3A_202, %while3A_204 : i32
    %while3A_206 = arith.muli %while3A_205, %while3A_204 : i32
    %while3A_207 = arith.addi %while3A_201, %while3A_206 : i32
    %while3A_208 = arith.constant 1 : i32
    scf.for %while3A_255 = %while3A_201 to %while3A_207 step %while3A_208  : i32 {
      %ge3A = arith.constant 1 : i32
      %ge3A_256 = arith.cmpi sge, %while3A_255, %ge3A : i32
      %convert_element_type3A = arith.extui %ge3A_256 : i1 to i32
      %cond3A = arith.constant 0 : i32
      %cond3A_257 = arith.cmpi ne, %convert_element_type3A, %cond3A : i32
      scf.if %cond3A_257 {
        %sub3A_359 = arith.constant 1 : i32
        %sub3A_360 = arith.subi %while3A_255, %sub3A_359 : i32
        %jit3A_361 = arith.constant 3 : i32
        %eq3A_362 = arith.constant 0 : i32
        %eq3A_363 = arith.cmpi eq, %jit3A_361, %eq3A_362 : i32
        %jit3A_364 = arith.constant 1 : i32
        %select_n3A_365 = arith.select %eq3A_363, %jit3A_364, %jit3A_361 : i32
        %rem3A_366 = arith.remsi %sub3A_360, %select_n3A_365 : i32
        %ne3A_367 = arith.constant 0 : i32
        %ne3A_368 = arith.cmpi ne, %rem3A_366, %ne3A_367 : i32
        %lt3A_369 = arith.constant 0 : i32
        %lt3A_370 = arith.cmpi slt, %rem3A_366, %lt3A_369 : i32
        %lt3A_371 = arith.constant 0 : i32
        %lt3A_372 = arith.cmpi slt, %select_n3A_365, %lt3A_371 : i32
        %ne3A_373 = arith.xori %lt3A_370, %lt3A_372 : i1
        %and3A_374 = arith.andi %ne3A_373, %ne3A_368 : i1
        %add3A_375 = arith.addi %rem3A_366, %select_n3A_365 : i32
        %select_n3A_376 = arith.select %and3A_374, %add3A_375, %rem3A_366 : i32
        %jit3A_377 = arith.constant 2 : i32
        %eq3A_378 = arith.constant 0 : i32
        %eq3A_379 = arith.cmpi eq, %jit3A_377, %eq3A_378 : i32
        %jit3A_380 = arith.constant 1 : i32
        %select_n3A_381 = arith.select %eq3A_379, %jit3A_380, %jit3A_377 : i32
        %rem3A_382 = arith.remsi %sub3A_360, %select_n3A_381 : i32
        %ne3A_383 = arith.constant 0 : i32
        %ne3A_384 = arith.cmpi ne, %rem3A_382, %ne3A_383 : i32
        %lt3A_385 = arith.constant 0 : i32
        %lt3A_386 = arith.cmpi slt, %rem3A_382, %lt3A_385 : i32
        %lt3A_387 = arith.constant 0 : i32
        %lt3A_388 = arith.cmpi slt, %select_n3A_381, %lt3A_387 : i32
        %ne3A_389 = arith.xori %lt3A_386, %lt3A_388 : i1
        %and3A_390 = arith.andi %ne3A_389, %ne3A_384 : i1
        %add3A_391 = arith.addi %rem3A_382, %select_n3A_381 : i32
        %select_n3A_392 = arith.select %and3A_390, %add3A_391, %rem3A_382 : i32
        %dma_wait3A_393 = arith.constant 1 : i32
        %dma_wait3A_394 = arith.constant 0 : i32
        %dma_wait3A_395 = arith.constant 0 : i32
        %dma_wait3A_396 = tpu.memref_slice %arg6[%select_n3A_392, %dma_wait3A_394, %dma_wait3A_395] : memref<2x128x128xf32, #tpu.memory_space<vmem>> -> memref<1x128x128xf32, #tpu.memory_space<vmem>>
        %dma_wait3A_397 = tpu.memref_squeeze %dma_wait3A_396 : memref<1x128x128xf32, #tpu.memory_space<vmem>> -> memref<128x128xf32, #tpu.memory_space<vmem>>
        %dma_wait3A_398 = arith.constant 0 : i32
        %dma_wait3A_399 = tpu.memref_slice %arg5[%select_n3A_376, %dma_wait3A_393, %dma_wait3A_398] : memref<3x2x128xi32, #tpu.memory_space<vmem>> -> memref<1x1x128xi32, #tpu.memory_space<vmem>>
        %dma_wait3A_400 = tpu.memref_squeeze %dma_wait3A_399 : memref<1x1x128xi32, #tpu.memory_space<vmem>> -> memref<128xi32, #tpu.memory_space<vmem>>
        %dma_wait3A_401 = arith.constant 0 : i32
        %dma_wait3A_402 = arith.constant 0 : i32
        %dma_wait3A_403 = tpu.memref_slice %arg8[%dma_wait3A_401, %dma_wait3A_402] : memref<10240x128xf32, #tpu.memory_space<vmem_shared>> -> memref<10240x128xf32, #tpu.memory_space<vmem_shared>>
        tpu.wait_indirect_dma semaphore(%arg11 : memref<!tpu.dma_semaphore, #tpu.memory_space<semaphore_mem>>) src(%dma_wait3A_397 : memref<128x128xf32, #tpu.memory_space<vmem>>) dst(%dma_wait3A_403 : memref<10240x128xf32, #tpu.memory_space<vmem_shared>>)
      } else {
      }
      %add3A_258 = arith.constant 2 : i32
      %add3A_259 = arith.addi %while3A_255, %add3A_258 : i32
      %sub3A_260 = arith.constant 1 : i32
      %sub3A_261 = arith.subi %add3A_4, %sub3A_260 : i32
      %le3A = arith.cmpi sle, %add3A_259, %sub3A_261 : i32
      %convert_element_type3A_262 = arith.extui %le3A : i1 to i32
      %cond3A_263 = arith.constant 0 : i32
      %cond3A_264 = arith.cmpi ne, %convert_element_type3A_262, %cond3A_263 : i32
      scf.if %cond3A_264 {
        %add3A_359 = arith.constant 2 : i32
        %add3A_360 = arith.addi %while3A_255, %add3A_359 : i32
        %mul3A_361 = arith.constant 32 : i32
        %mul3A_362 = arith.muli %add3A_360, %mul3A_361 : i32
        %add3A_363 = arith.addi %add3A, %mul3A_362 : i32
        %mul3A_364 = arith.constant 128 : i32
        %mul3A_365 = arith.muli %add3A_363, %mul3A_364 : i32
        %jit3A_366 = arith.constant 3 : i32
        %eq3A_367 = arith.constant 0 : i32
        %eq3A_368 = arith.cmpi eq, %jit3A_366, %eq3A_367 : i32
        %jit3A_369 = arith.constant 1 : i32
        %select_n3A_370 = arith.select %eq3A_368, %jit3A_369, %jit3A_366 : i32
        %rem3A_371 = arith.remsi %add3A_360, %select_n3A_370 : i32
        %ne3A_372 = arith.constant 0 : i32
        %ne3A_373 = arith.cmpi ne, %rem3A_371, %ne3A_372 : i32
        %lt3A_374 = arith.constant 0 : i32
        %lt3A_375 = arith.cmpi slt, %rem3A_371, %lt3A_374 : i32
        %lt3A_376 = arith.constant 0 : i32
        %lt3A_377 = arith.cmpi slt, %select_n3A_370, %lt3A_376 : i32
        %ne3A_378 = arith.xori %lt3A_375, %lt3A_377 : i1
        %and3A_379 = arith.andi %ne3A_378, %ne3A_373 : i1
        %add3A_380 = arith.addi %rem3A_371, %select_n3A_370 : i32
        %select_n3A_381 = arith.select %and3A_379, %add3A_380, %rem3A_371 : i32
        %dma_start3A_382 = arith.constant 0 : i32
        %dma_start3A_383 = arith.constant 0 : i32
        %dma_start3A_384 = tpu.memref_slice %arg5[%select_n3A_381, %dma_start3A_382, %dma_start3A_383] : memref<3x2x128xi32, #tpu.memory_space<vmem>> -> memref<1x2x128xi32, #tpu.memory_space<vmem>>
        %dma_start3A_385 = tpu.memref_squeeze %dma_start3A_384 : memref<1x2x128xi32, #tpu.memory_space<vmem>> -> memref<2x128xi32, #tpu.memory_space<vmem>>
        %dma_start3A_386 = arith.constant 0 : i32
        %dma_start3A_387 = tpu.memref_slice %arg3[%dma_start3A_386, %mul3A_365] : memref<2x320000xi32, #tpu.memory_space<hbm>> -> memref<2x128xi32, #tpu.memory_space<hbm>>
        %dma_start3A_388 = arith.constant 0 : i32
        %dma_start3A_389 = arith.constant 0 : i32
        %dma_start3A_390 = tpu.memref_slice %arg5[%select_n3A_381, %dma_start3A_388, %dma_start3A_389] : memref<3x2x128xi32, #tpu.memory_space<vmem>> -> memref<1x2x128xi32, #tpu.memory_space<vmem>>
        %dma_start3A_391 = tpu.memref_squeeze %dma_start3A_390 : memref<1x2x128xi32, #tpu.memory_space<vmem>> -> memref<2x128xi32, #tpu.memory_space<vmem>>
        %dma_start3A_392 = arith.constant 0 : i32
        %dma_start3A_393 = tpu.memref_slice %arg3[%dma_start3A_392, %mul3A_365] : memref<2x320000xi32, #tpu.memory_space<hbm>> -> memref<2x128xi32, #tpu.memory_space<hbm>>
        tpu.enqueue_dma source(%dma_start3A_393 : memref<2x128xi32, #tpu.memory_space<hbm>>) target(%dma_start3A_391 : memref<2x128xi32, #tpu.memory_space<vmem>>) target_semaphore(%arg9 : memref<!tpu.dma_semaphore, #tpu.memory_space<semaphore_mem>>)
      } else {
      }
      %add3A_265 = arith.constant 1 : i32
      %add3A_266 = arith.addi %while3A_255, %add3A_265 : i32
      %sub3A_267 = arith.constant 1 : i32
      %sub3A_268 = arith.subi %add3A_4, %sub3A_267 : i32
      %le3A_269 = arith.cmpi sle, %add3A_266, %sub3A_268 : i32
      %convert_element_type3A_270 = arith.extui %le3A_269 : i1 to i32
      %cond3A_271 = arith.constant 0 : i32
      %cond3A_272 = arith.cmpi ne, %convert_element_type3A_270, %cond3A_271 : i32
      scf.if %cond3A_272 {
        %add3A_359 = arith.constant 1 : i32
        %add3A_360 = arith.addi %while3A_255, %add3A_359 : i32
        %mul3A_361 = arith.constant 32 : i32
        %mul3A_362 = arith.muli %add3A_360, %mul3A_361 : i32
        %add3A_363 = arith.addi %add3A, %mul3A_362 : i32
        %mul3A_364 = arith.constant 128 : i32
        %mul3A_365 = arith.muli %add3A_363, %mul3A_364 : i32
        %jit3A_366 = arith.constant 3 : i32
        %eq3A_367 = arith.constant 0 : i32
        %eq3A_368 = arith.cmpi eq, %jit3A_366, %eq3A_367 : i32
        %jit3A_369 = arith.constant 1 : i32
        %select_n3A_370 = arith.select %eq3A_368, %jit3A_369, %jit3A_366 : i32
        %rem3A_371 = arith.remsi %add3A_360, %select_n3A_370 : i32
        %ne3A_372 = arith.constant 0 : i32
        %ne3A_373 = arith.cmpi ne, %rem3A_371, %ne3A_372 : i32
        %lt3A_374 = arith.constant 0 : i32
        %lt3A_375 = arith.cmpi slt, %rem3A_371, %lt3A_374 : i32
        %lt3A_376 = arith.constant 0 : i32
        %lt3A_377 = arith.cmpi slt, %select_n3A_370, %lt3A_376 : i32
        %ne3A_378 = arith.xori %lt3A_375, %lt3A_377 : i1
        %and3A_379 = arith.andi %ne3A_378, %ne3A_373 : i1
        %add3A_380 = arith.addi %rem3A_371, %select_n3A_370 : i32
        %select_n3A_381 = arith.select %and3A_379, %add3A_380, %rem3A_371 : i32
        %dma_wait3A_382 = arith.constant 0 : i32
        %dma_wait3A_383 = arith.constant 0 : i32
        %dma_wait3A_384 = tpu.memref_slice %arg5[%select_n3A_381, %dma_wait3A_382, %dma_wait3A_383] : memref<3x2x128xi32, #tpu.memory_space<vmem>> -> memref<1x2x128xi32, #tpu.memory_space<vmem>>
        %dma_wait3A_385 = tpu.memref_squeeze %dma_wait3A_384 : memref<1x2x128xi32, #tpu.memory_space<vmem>> -> memref<2x128xi32, #tpu.memory_space<vmem>>
        %dma_wait3A_386 = arith.constant 0 : i32
        %dma_wait3A_387 = tpu.memref_slice %arg3[%dma_wait3A_386, %mul3A_365] : memref<2x320000xi32, #tpu.memory_space<hbm>> -> memref<2x128xi32, #tpu.memory_space<hbm>>
        %dma_wait3A_388 = arith.constant 0 : i32
        %dma_wait3A_389 = arith.constant 0 : i32
        %dma_wait3A_390 = tpu.memref_slice %arg5[%select_n3A_381, %dma_wait3A_388, %dma_wait3A_389] : memref<3x2x128xi32, #tpu.memory_space<vmem>> -> memref<1x2x128xi32, #tpu.memory_space<vmem>>
        %dma_wait3A_391 = tpu.memref_squeeze %dma_wait3A_390 : memref<1x2x128xi32, #tpu.memory_space<vmem>> -> memref<2x128xi32, #tpu.memory_space<vmem>>
        %dma_wait3A_392 = arith.constant 0 : i32
        %dma_wait3A_393 = tpu.memref_slice %arg3[%dma_wait3A_392, %mul3A_365] : memref<2x320000xi32, #tpu.memory_space<hbm>> -> memref<2x128xi32, #tpu.memory_space<hbm>>
        tpu.wait_dma2 semaphore(%arg9 : memref<!tpu.dma_semaphore, #tpu.memory_space<semaphore_mem>>) src(%dma_wait3A_393 : memref<2x128xi32, #tpu.memory_space<hbm>>) dst(%dma_wait3A_391 : memref<2x128xi32, #tpu.memory_space<vmem>>)
        %add3A_394 = arith.constant 1 : i32
        %add3A_395 = arith.addi %while3A_255, %add3A_394 : i32
        %jit3A_396 = arith.constant 3 : i32
        %eq3A_397 = arith.constant 0 : i32
        %eq3A_398 = arith.cmpi eq, %jit3A_396, %eq3A_397 : i32
        %jit3A_399 = arith.constant 1 : i32
        %select_n3A_400 = arith.select %eq3A_398, %jit3A_399, %jit3A_396 : i32
        %rem3A_401 = arith.remsi %add3A_395, %select_n3A_400 : i32
        %ne3A_402 = arith.constant 0 : i32
        %ne3A_403 = arith.cmpi ne, %rem3A_401, %ne3A_402 : i32
        %lt3A_404 = arith.constant 0 : i32
        %lt3A_405 = arith.cmpi slt, %rem3A_401, %lt3A_404 : i32
        %lt3A_406 = arith.constant 0 : i32
        %lt3A_407 = arith.cmpi slt, %select_n3A_400, %lt3A_406 : i32
        %ne3A_408 = arith.xori %lt3A_405, %lt3A_407 : i1
        %and3A_409 = arith.andi %ne3A_408, %ne3A_403 : i1
        %add3A_410 = arith.addi %rem3A_401, %select_n3A_400 : i32
        %select_n3A_411 = arith.select %and3A_409, %add3A_410, %rem3A_401 : i32
        %jit3A_412 = arith.constant 2 : i32
        %eq3A_413 = arith.constant 0 : i32
        %eq3A_414 = arith.cmpi eq, %jit3A_412, %eq3A_413 : i32
        %jit3A_415 = arith.constant 1 : i32
        %select_n3A_416 = arith.select %eq3A_414, %jit3A_415, %jit3A_412 : i32
        %rem3A_417 = arith.remsi %add3A_395, %select_n3A_416 : i32
        %ne3A_418 = arith.constant 0 : i32
        %ne3A_419 = arith.cmpi ne, %rem3A_417, %ne3A_418 : i32
        %lt3A_420 = arith.constant 0 : i32
        %lt3A_421 = arith.cmpi slt, %rem3A_417, %lt3A_420 : i32
        %lt3A_422 = arith.constant 0 : i32
        %lt3A_423 = arith.cmpi slt, %select_n3A_416, %lt3A_422 : i32
        %ne3A_424 = arith.xori %lt3A_421, %lt3A_423 : i1
        %and3A_425 = arith.andi %ne3A_424, %ne3A_419 : i1
        %add3A_426 = arith.addi %rem3A_417, %select_n3A_416 : i32
        %select_n3A_427 = arith.select %and3A_425, %add3A_426, %rem3A_417 : i32
        %dma_start3A_428 = arith.constant 0 : i32
        %dma_start3A_429 = arith.constant 0 : i32
        %dma_start3A_430 = arith.constant 0 : i32
        %dma_start3A_431 = tpu.memref_slice %arg6[%select_n3A_427, %dma_start3A_429, %dma_start3A_430] : memref<2x128x128xf32, #tpu.memory_space<vmem>> -> memref<1x128x128xf32, #tpu.memory_space<vmem>>
        %dma_start3A_432 = tpu.memref_squeeze %dma_start3A_431 : memref<1x128x128xf32, #tpu.memory_space<vmem>> -> memref<128x128xf32, #tpu.memory_space<vmem>>
        %dma_start3A_433 = arith.constant 0 : i32
        %dma_start3A_434 = tpu.memref_slice %arg5[%select_n3A_411, %dma_start3A_428, %dma_start3A_433] : memref<3x2x128xi32, #tpu.memory_space<vmem>> -> memref<1x1x128xi32, #tpu.memory_space<vmem>>
        %dma_start3A_435 = tpu.memref_squeeze %dma_start3A_434 : memref<1x1x128xi32, #tpu.memory_space<vmem>> -> memref<128xi32, #tpu.memory_space<vmem>>
        %dma_start3A_436 = arith.constant 0 : i32
        %dma_start3A_437 = arith.constant 0 : i32
        %dma_start3A_438 = tpu.memref_slice %arg2[%dma_start3A_436, %dma_start3A_437] : memref<10000x128xf32, #tpu.memory_space<hbm>> -> memref<10000x128xf32, #tpu.memory_space<hbm>>
        tpu.enqueue_indirect_dma source(%dma_start3A_438 : memref<10000x128xf32, #tpu.memory_space<hbm>>) target(%dma_start3A_432 : memref<128x128xf32, #tpu.memory_space<vmem>>) offsets(%dma_start3A_435 : memref<128xi32, #tpu.memory_space<vmem>>) semaphore(%arg10 : memref<!tpu.dma_semaphore, #tpu.memory_space<semaphore_mem>>)
      } else {
      }
      %jit3A_273 = arith.constant 3 : i32
      %eq3A_274 = arith.constant 0 : i32
      %eq3A_275 = arith.cmpi eq, %jit3A_273, %eq3A_274 : i32
      %jit3A_276 = arith.constant 1 : i32
      %select_n3A_277 = arith.select %eq3A_275, %jit3A_276, %jit3A_273 : i32
      %rem3A_278 = arith.remsi %while3A_255, %select_n3A_277 : i32
      %ne3A_279 = arith.constant 0 : i32
      %ne3A_280 = arith.cmpi ne, %rem3A_278, %ne3A_279 : i32
      %lt3A_281 = arith.constant 0 : i32
      %lt3A_282 = arith.cmpi slt, %rem3A_278, %lt3A_281 : i32
      %lt3A_283 = arith.constant 0 : i32
      %lt3A_284 = arith.cmpi slt, %select_n3A_277, %lt3A_283 : i32
      %ne3A_285 = arith.xori %lt3A_282, %lt3A_284 : i1
      %and3A_286 = arith.andi %ne3A_285, %ne3A_280 : i1
      %add3A_287 = arith.addi %rem3A_278, %select_n3A_277 : i32
      %select_n3A_288 = arith.select %and3A_286, %add3A_287, %rem3A_278 : i32
      %jit3A_289 = arith.constant 2 : i32
      %eq3A_290 = arith.constant 0 : i32
      %eq3A_291 = arith.cmpi eq, %jit3A_289, %eq3A_290 : i32
      %jit3A_292 = arith.constant 1 : i32
      %select_n3A_293 = arith.select %eq3A_291, %jit3A_292, %jit3A_289 : i32
      %rem3A_294 = arith.remsi %while3A_255, %select_n3A_293 : i32
      %ne3A_295 = arith.constant 0 : i32
      %ne3A_296 = arith.cmpi ne, %rem3A_294, %ne3A_295 : i32
      %lt3A_297 = arith.constant 0 : i32
      %lt3A_298 = arith.cmpi slt, %rem3A_294, %lt3A_297 : i32
      %lt3A_299 = arith.constant 0 : i32
      %lt3A_300 = arith.cmpi slt, %select_n3A_293, %lt3A_299 : i32
      %ne3A_301 = arith.xori %lt3A_298, %lt3A_300 : i1
      %and3A_302 = arith.andi %ne3A_301, %ne3A_296 : i1
      %add3A_303 = arith.addi %rem3A_294, %select_n3A_293 : i32
      %select_n3A_304 = arith.select %and3A_302, %add3A_303, %rem3A_294 : i32
      %dma_wait3A_305 = arith.constant 0 : i32
      %dma_wait3A_306 = arith.constant 0 : i32
      %dma_wait3A_307 = arith.constant 0 : i32
      %dma_wait3A_308 = tpu.memref_slice %arg6[%select_n3A_304, %dma_wait3A_306, %dma_wait3A_307] : memref<2x128x128xf32, #tpu.memory_space<vmem>> -> memref<1x128x128xf32, #tpu.memory_space<vmem>>
      %dma_wait3A_309 = tpu.memref_squeeze %dma_wait3A_308 : memref<1x128x128xf32, #tpu.memory_space<vmem>> -> memref<128x128xf32, #tpu.memory_space<vmem>>
      %dma_wait3A_310 = arith.constant 0 : i32
      %dma_wait3A_311 = tpu.memref_slice %arg5[%select_n3A_288, %dma_wait3A_305, %dma_wait3A_310] : memref<3x2x128xi32, #tpu.memory_space<vmem>> -> memref<1x1x128xi32, #tpu.memory_space<vmem>>
      %dma_wait3A_312 = tpu.memref_squeeze %dma_wait3A_311 : memref<1x1x128xi32, #tpu.memory_space<vmem>> -> memref<128xi32, #tpu.memory_space<vmem>>
      %dma_wait3A_313 = arith.constant 0 : i32
      %dma_wait3A_314 = arith.constant 0 : i32
      %dma_wait3A_315 = tpu.memref_slice %arg2[%dma_wait3A_313, %dma_wait3A_314] : memref<10000x128xf32, #tpu.memory_space<hbm>> -> memref<10000x128xf32, #tpu.memory_space<hbm>>
      tpu.wait_indirect_dma semaphore(%arg10 : memref<!tpu.dma_semaphore, #tpu.memory_space<semaphore_mem>>) src(%dma_wait3A_315 : memref<10000x128xf32, #tpu.memory_space<hbm>>) dst(%dma_wait3A_309 : memref<128x128xf32, #tpu.memory_space<vmem>>)
      %jit3A_316 = arith.constant 3 : i32
      %eq3A_317 = arith.constant 0 : i32
      %eq3A_318 = arith.cmpi eq, %jit3A_316, %eq3A_317 : i32
      %jit3A_319 = arith.constant 1 : i32
      %select_n3A_320 = arith.select %eq3A_318, %jit3A_319, %jit3A_316 : i32
      %rem3A_321 = arith.remsi %while3A_255, %select_n3A_320 : i32
      %ne3A_322 = arith.constant 0 : i32
      %ne3A_323 = arith.cmpi ne, %rem3A_321, %ne3A_322 : i32
      %lt3A_324 = arith.constant 0 : i32
      %lt3A_325 = arith.cmpi slt, %rem3A_321, %lt3A_324 : i32
      %lt3A_326 = arith.constant 0 : i32
      %lt3A_327 = arith.cmpi slt, %select_n3A_320, %lt3A_326 : i32
      %ne3A_328 = arith.xori %lt3A_325, %lt3A_327 : i1
      %and3A_329 = arith.andi %ne3A_328, %ne3A_323 : i1
      %add3A_330 = arith.addi %rem3A_321, %select_n3A_320 : i32
      %select_n3A_331 = arith.select %and3A_329, %add3A_330, %rem3A_321 : i32
      %jit3A_332 = arith.constant 2 : i32
      %eq3A_333 = arith.constant 0 : i32
      %eq3A_334 = arith.cmpi eq, %jit3A_332, %eq3A_333 : i32
      %jit3A_335 = arith.constant 1 : i32
      %select_n3A_336 = arith.select %eq3A_334, %jit3A_335, %jit3A_332 : i32
      %rem3A_337 = arith.remsi %while3A_255, %select_n3A_336 : i32
      %ne3A_338 = arith.constant 0 : i32
      %ne3A_339 = arith.cmpi ne, %rem3A_337, %ne3A_338 : i32
      %lt3A_340 = arith.constant 0 : i32
      %lt3A_341 = arith.cmpi slt, %rem3A_337, %lt3A_340 : i32
      %lt3A_342 = arith.constant 0 : i32
      %lt3A_343 = arith.cmpi slt, %select_n3A_336, %lt3A_342 : i32
      %ne3A_344 = arith.xori %lt3A_341, %lt3A_343 : i1
      %and3A_345 = arith.andi %ne3A_344, %ne3A_339 : i1
      %add3A_346 = arith.addi %rem3A_337, %select_n3A_336 : i32
      %select_n3A_347 = arith.select %and3A_345, %add3A_346, %rem3A_337 : i32
      %dma_start3A_348 = arith.constant 1 : i32
      %dma_start3A_349 = arith.constant 0 : i32
      %dma_start3A_350 = arith.constant 0 : i32
      %dma_start3A_351 = tpu.memref_slice %arg6[%select_n3A_347, %dma_start3A_349, %dma_start3A_350] : memref<2x128x128xf32, #tpu.memory_space<vmem>> -> memref<1x128x128xf32, #tpu.memory_space<vmem>>
      %dma_start3A_352 = tpu.memref_squeeze %dma_start3A_351 : memref<1x128x128xf32, #tpu.memory_space<vmem>> -> memref<128x128xf32, #tpu.memory_space<vmem>>
      %dma_start3A_353 = arith.constant 0 : i32
      %dma_start3A_354 = tpu.memref_slice %arg5[%select_n3A_331, %dma_start3A_348, %dma_start3A_353] : memref<3x2x128xi32, #tpu.memory_space<vmem>> -> memref<1x1x128xi32, #tpu.memory_space<vmem>>
      %dma_start3A_355 = tpu.memref_squeeze %dma_start3A_354 : memref<1x1x128xi32, #tpu.memory_space<vmem>> -> memref<128xi32, #tpu.memory_space<vmem>>
      %dma_start3A_356 = arith.constant 0 : i32
      %dma_start3A_357 = arith.constant 0 : i32
      %dma_start3A_358 = tpu.memref_slice %arg8[%dma_start3A_356, %dma_start3A_357] : memref<10240x128xf32, #tpu.memory_space<vmem_shared>> -> memref<10240x128xf32, #tpu.memory_space<vmem_shared>>
      tpu.enqueue_indirect_dma source(%dma_start3A_352 : memref<128x128xf32, #tpu.memory_space<vmem>>) target(%dma_start3A_358 : memref<10240x128xf32, #tpu.memory_space<vmem_shared>>) offsets(%dma_start3A_355 : memref<128xi32, #tpu.memory_space<vmem>>) semaphore(%arg11 : memref<!tpu.dma_semaphore, #tpu.memory_space<semaphore_mem>>) {add = true}
    }
    %while3A_209 = arith.constant 1 : i32
    scf.for %while3A_255 = %while3A_207 to %while3A_203 step %while3A_209  : i32 {
      %ge3A = arith.constant 1 : i32
      %ge3A_256 = arith.cmpi sge, %while3A_255, %ge3A : i32
      %convert_element_type3A = arith.extui %ge3A_256 : i1 to i32
      %cond3A = arith.constant 0 : i32
      %cond3A_257 = arith.cmpi ne, %convert_element_type3A, %cond3A : i32
      scf.if %cond3A_257 {
        %sub3A_359 = arith.constant 1 : i32
        %sub3A_360 = arith.subi %while3A_255, %sub3A_359 : i32
        %jit3A_361 = arith.constant 3 : i32
        %eq3A_362 = arith.constant 0 : i32
        %eq3A_363 = arith.cmpi eq, %jit3A_361, %eq3A_362 : i32
        %jit3A_364 = arith.constant 1 : i32
        %select_n3A_365 = arith.select %eq3A_363, %jit3A_364, %jit3A_361 : i32
        %rem3A_366 = arith.remsi %sub3A_360, %select_n3A_365 : i32
        %ne3A_367 = arith.constant 0 : i32
        %ne3A_368 = arith.cmpi ne, %rem3A_366, %ne3A_367 : i32
        %lt3A_369 = arith.constant 0 : i32
        %lt3A_370 = arith.cmpi slt, %rem3A_366, %lt3A_369 : i32
        %lt3A_371 = arith.constant 0 : i32
        %lt3A_372 = arith.cmpi slt, %select_n3A_365, %lt3A_371 : i32
        %ne3A_373 = arith.xori %lt3A_370, %lt3A_372 : i1
        %and3A_374 = arith.andi %ne3A_373, %ne3A_368 : i1
        %add3A_375 = arith.addi %rem3A_366, %select_n3A_365 : i32
        %select_n3A_376 = arith.select %and3A_374, %add3A_375, %rem3A_366 : i32
        %jit3A_377 = arith.constant 2 : i32
        %eq3A_378 = arith.constant 0 : i32
        %eq3A_379 = arith.cmpi eq, %jit3A_377, %eq3A_378 : i32
        %jit3A_380 = arith.constant 1 : i32
        %select_n3A_381 = arith.select %eq3A_379, %jit3A_380, %jit3A_377 : i32
        %rem3A_382 = arith.remsi %sub3A_360, %select_n3A_381 : i32
        %ne3A_383 = arith.constant 0 : i32
        %ne3A_384 = arith.cmpi ne, %rem3A_382, %ne3A_383 : i32
        %lt3A_385 = arith.constant 0 : i32
        %lt3A_386 = arith.cmpi slt, %rem3A_382, %lt3A_385 : i32
        %lt3A_387 = arith.constant 0 : i32
        %lt3A_388 = arith.cmpi slt, %select_n3A_381, %lt3A_387 : i32
        %ne3A_389 = arith.xori %lt3A_386, %lt3A_388 : i1
        %and3A_390 = arith.andi %ne3A_389, %ne3A_384 : i1
        %add3A_391 = arith.addi %rem3A_382, %select_n3A_381 : i32
        %select_n3A_392 = arith.select %and3A_390, %add3A_391, %rem3A_382 : i32
        %dma_wait3A_393 = arith.constant 1 : i32
        %dma_wait3A_394 = arith.constant 0 : i32
        %dma_wait3A_395 = arith.constant 0 : i32
        %dma_wait3A_396 = tpu.memref_slice %arg6[%select_n3A_392, %dma_wait3A_394, %dma_wait3A_395] : memref<2x128x128xf32, #tpu.memory_space<vmem>> -> memref<1x128x128xf32, #tpu.memory_space<vmem>>
        %dma_wait3A_397 = tpu.memref_squeeze %dma_wait3A_396 : memref<1x128x128xf32, #tpu.memory_space<vmem>> -> memref<128x128xf32, #tpu.memory_space<vmem>>
        %dma_wait3A_398 = arith.constant 0 : i32
        %dma_wait3A_399 = tpu.memref_slice %arg5[%select_n3A_376, %dma_wait3A_393, %dma_wait3A_398] : memref<3x2x128xi32, #tpu.memory_space<vmem>> -> memref<1x1x128xi32, #tpu.memory_space<vmem>>
        %dma_wait3A_400 = tpu.memref_squeeze %dma_wait3A_399 : memref<1x1x128xi32, #tpu.memory_space<vmem>> -> memref<128xi32, #tpu.memory_space<vmem>>
        %dma_wait3A_401 = arith.constant 0 : i32
        %dma_wait3A_402 = arith.constant 0 : i32
        %dma_wait3A_403 = tpu.memref_slice %arg8[%dma_wait3A_401, %dma_wait3A_402] : memref<10240x128xf32, #tpu.memory_space<vmem_shared>> -> memref<10240x128xf32, #tpu.memory_space<vmem_shared>>
        tpu.wait_indirect_dma semaphore(%arg11 : memref<!tpu.dma_semaphore, #tpu.memory_space<semaphore_mem>>) src(%dma_wait3A_397 : memref<128x128xf32, #tpu.memory_space<vmem>>) dst(%dma_wait3A_403 : memref<10240x128xf32, #tpu.memory_space<vmem_shared>>)
      } else {
      }
      %add3A_258 = arith.constant 2 : i32
      %add3A_259 = arith.addi %while3A_255, %add3A_258 : i32
      %sub3A_260 = arith.constant 1 : i32
      %sub3A_261 = arith.subi %add3A_4, %sub3A_260 : i32
      %le3A = arith.cmpi sle, %add3A_259, %sub3A_261 : i32
      %convert_element_type3A_262 = arith.extui %le3A : i1 to i32
      %cond3A_263 = arith.constant 0 : i32
      %cond3A_264 = arith.cmpi ne, %convert_element_type3A_262, %cond3A_263 : i32
      scf.if %cond3A_264 {
        %add3A_359 = arith.constant 2 : i32
        %add3A_360 = arith.addi %while3A_255, %add3A_359 : i32
        %mul3A_361 = arith.constant 32 : i32
        %mul3A_362 = arith.muli %add3A_360, %mul3A_361 : i32
        %add3A_363 = arith.addi %add3A, %mul3A_362 : i32
        %mul3A_364 = arith.constant 128 : i32
        %mul3A_365 = arith.muli %add3A_363, %mul3A_364 : i32
        %jit3A_366 = arith.constant 3 : i32
        %eq3A_367 = arith.constant 0 : i32
        %eq3A_368 = arith.cmpi eq, %jit3A_366, %eq3A_367 : i32
        %jit3A_369 = arith.constant 1 : i32
        %select_n3A_370 = arith.select %eq3A_368, %jit3A_369, %jit3A_366 : i32
        %rem3A_371 = arith.remsi %add3A_360, %select_n3A_370 : i32
        %ne3A_372 = arith.constant 0 : i32
        %ne3A_373 = arith.cmpi ne, %rem3A_371, %ne3A_372 : i32
        %lt3A_374 = arith.constant 0 : i32
        %lt3A_375 = arith.cmpi slt, %rem3A_371, %lt3A_374 : i32
        %lt3A_376 = arith.constant 0 : i32
        %lt3A_377 = arith.cmpi slt, %select_n3A_370, %lt3A_376 : i32
        %ne3A_378 = arith.xori %lt3A_375, %lt3A_377 : i1
        %and3A_379 = arith.andi %ne3A_378, %ne3A_373 : i1
        %add3A_380 = arith.addi %rem3A_371, %select_n3A_370 : i32
        %select_n3A_381 = arith.select %and3A_379, %add3A_380, %rem3A_371 : i32
        %dma_start3A_382 = arith.constant 0 : i32
        %dma_start3A_383 = arith.constant 0 : i32
        %dma_start3A_384 = tpu.memref_slice %arg5[%select_n3A_381, %dma_start3A_382, %dma_start3A_383] : memref<3x2x128xi32, #tpu.memory_space<vmem>> -> memref<1x2x128xi32, #tpu.memory_space<vmem>>
        %dma_start3A_385 = tpu.memref_squeeze %dma_start3A_384 : memref<1x2x128xi32, #tpu.memory_space<vmem>> -> memref<2x128xi32, #tpu.memory_space<vmem>>
        %dma_start3A_386 = arith.constant 0 : i32
        %dma_start3A_387 = tpu.memref_slice %arg3[%dma_start3A_386, %mul3A_365] : memref<2x320000xi32, #tpu.memory_space<hbm>> -> memref<2x128xi32, #tpu.memory_space<hbm>>
        %dma_start3A_388 = arith.constant 0 : i32
        %dma_start3A_389 = arith.constant 0 : i32
        %dma_start3A_390 = tpu.memref_slice %arg5[%select_n3A_381, %dma_start3A_388, %dma_start3A_389] : memref<3x2x128xi32, #tpu.memory_space<vmem>> -> memref<1x2x128xi32, #tpu.memory_space<vmem>>
        %dma_start3A_391 = tpu.memref_squeeze %dma_start3A_390 : memref<1x2x128xi32, #tpu.memory_space<vmem>> -> memref<2x128xi32, #tpu.memory_space<vmem>>
        %dma_start3A_392 = arith.constant 0 : i32
        %dma_start3A_393 = tpu.memref_slice %arg3[%dma_start3A_392, %mul3A_365] : memref<2x320000xi32, #tpu.memory_space<hbm>> -> memref<2x128xi32, #tpu.memory_space<hbm>>
        tpu.enqueue_dma source(%dma_start3A_393 : memref<2x128xi32, #tpu.memory_space<hbm>>) target(%dma_start3A_391 : memref<2x128xi32, #tpu.memory_space<vmem>>) target_semaphore(%arg9 : memref<!tpu.dma_semaphore, #tpu.memory_space<semaphore_mem>>)
      } else {
      }
      %add3A_265 = arith.constant 1 : i32
      %add3A_266 = arith.addi %while3A_255, %add3A_265 : i32
      %sub3A_267 = arith.constant 1 : i32
      %sub3A_268 = arith.subi %add3A_4, %sub3A_267 : i32
      %le3A_269 = arith.cmpi sle, %add3A_266, %sub3A_268 : i32
      %convert_element_type3A_270 = arith.extui %le3A_269 : i1 to i32
      %cond3A_271 = arith.constant 0 : i32
      %cond3A_272 = arith.cmpi ne, %convert_element_type3A_270, %cond3A_271 : i32
      scf.if %cond3A_272 {
        %add3A_359 = arith.constant 1 : i32
        %add3A_360 = arith.addi %while3A_255, %add3A_359 : i32
        %mul3A_361 = arith.constant 32 : i32
        %mul3A_362 = arith.muli %add3A_360, %mul3A_361 : i32
        %add3A_363 = arith.addi %add3A, %mul3A_362 : i32
        %mul3A_364 = arith.constant 128 : i32
        %mul3A_365 = arith.muli %add3A_363, %mul3A_364 : i32
        %jit3A_366 = arith.constant 3 : i32
        %eq3A_367 = arith.constant 0 : i32
        %eq3A_368 = arith.cmpi eq, %jit3A_366, %eq3A_367 : i32
        %jit3A_369 = arith.constant 1 : i32
        %select_n3A_370 = arith.select %eq3A_368, %jit3A_369, %jit3A_366 : i32
        %rem3A_371 = arith.remsi %add3A_360, %select_n3A_370 : i32
        %ne3A_372 = arith.constant 0 : i32
        %ne3A_373 = arith.cmpi ne, %rem3A_371, %ne3A_372 : i32
        %lt3A_374 = arith.constant 0 : i32
        %lt3A_375 = arith.cmpi slt, %rem3A_371, %lt3A_374 : i32
        %lt3A_376 = arith.constant 0 : i32
        %lt3A_377 = arith.cmpi slt, %select_n3A_370, %lt3A_376 : i32
        %ne3A_378 = arith.xori %lt3A_375, %lt3A_377 : i1
        %and3A_379 = arith.andi %ne3A_378, %ne3A_373 : i1
        %add3A_380 = arith.addi %rem3A_371, %select_n3A_370 : i32
        %select_n3A_381 = arith.select %and3A_379, %add3A_380, %rem3A_371 : i32
        %dma_wait3A_382 = arith.constant 0 : i32
        %dma_wait3A_383 = arith.constant 0 : i32
        %dma_wait3A_384 = tpu.memref_slice %arg5[%select_n3A_381, %dma_wait3A_382, %dma_wait3A_383] : memref<3x2x128xi32, #tpu.memory_space<vmem>> -> memref<1x2x128xi32, #tpu.memory_space<vmem>>
        %dma_wait3A_385 = tpu.memref_squeeze %dma_wait3A_384 : memref<1x2x128xi32, #tpu.memory_space<vmem>> -> memref<2x128xi32, #tpu.memory_space<vmem>>
        %dma_wait3A_386 = arith.constant 0 : i32
        %dma_wait3A_387 = tpu.memref_slice %arg3[%dma_wait3A_386, %mul3A_365] : memref<2x320000xi32, #tpu.memory_space<hbm>> -> memref<2x128xi32, #tpu.memory_space<hbm>>
        %dma_wait3A_388 = arith.constant 0 : i32
        %dma_wait3A_389 = arith.constant 0 : i32
        %dma_wait3A_390 = tpu.memref_slice %arg5[%select_n3A_381, %dma_wait3A_388, %dma_wait3A_389] : memref<3x2x128xi32, #tpu.memory_space<vmem>> -> memref<1x2x128xi32, #tpu.memory_space<vmem>>
        %dma_wait3A_391 = tpu.memref_squeeze %dma_wait3A_390 : memref<1x2x128xi32, #tpu.memory_space<vmem>> -> memref<2x128xi32, #tpu.memory_space<vmem>>
        %dma_wait3A_392 = arith.constant 0 : i32
        %dma_wait3A_393 = tpu.memref_slice %arg3[%dma_wait3A_392, %mul3A_365] : memref<2x320000xi32, #tpu.memory_space<hbm>> -> memref<2x128xi32, #tpu.memory_space<hbm>>
        tpu.wait_dma2 semaphore(%arg9 : memref<!tpu.dma_semaphore, #tpu.memory_space<semaphore_mem>>) src(%dma_wait3A_393 : memref<2x128xi32, #tpu.memory_space<hbm>>) dst(%dma_wait3A_391 : memref<2x128xi32, #tpu.memory_space<vmem>>)
        %add3A_394 = arith.constant 1 : i32
        %add3A_395 = arith.addi %while3A_255, %add3A_394 : i32
        %jit3A_396 = arith.constant 3 : i32
        %eq3A_397 = arith.constant 0 : i32
        %eq3A_398 = arith.cmpi eq, %jit3A_396, %eq3A_397 : i32
        %jit3A_399 = arith.constant 1 : i32
        %select_n3A_400 = arith.select %eq3A_398, %jit3A_399, %jit3A_396 : i32
        %rem3A_401 = arith.remsi %add3A_395, %select_n3A_400 : i32
        %ne3A_402 = arith.constant 0 : i32
        %ne3A_403 = arith.cmpi ne, %rem3A_401, %ne3A_402 : i32
        %lt3A_404 = arith.constant 0 : i32
        %lt3A_405 = arith.cmpi slt, %rem3A_401, %lt3A_404 : i32
        %lt3A_406 = arith.constant 0 : i32
        %lt3A_407 = arith.cmpi slt, %select_n3A_400, %lt3A_406 : i32
        %ne3A_408 = arith.xori %lt3A_405, %lt3A_407 : i1
        %and3A_409 = arith.andi %ne3A_408, %ne3A_403 : i1
        %add3A_410 = arith.addi %rem3A_401, %select_n3A_400 : i32
        %select_n3A_411 = arith.select %and3A_409, %add3A_410, %rem3A_401 : i32
        %jit3A_412 = arith.constant 2 : i32
        %eq3A_413 = arith.constant 0 : i32
        %eq3A_414 = arith.cmpi eq, %jit3A_412, %eq3A_413 : i32
        %jit3A_415 = arith.constant 1 : i32
        %select_n3A_416 = arith.select %eq3A_414, %jit3A_415, %jit3A_412 : i32
        %rem3A_417 = arith.remsi %add3A_395, %select_n3A_416 : i32
        %ne3A_418 = arith.constant 0 : i32
        %ne3A_419 = arith.cmpi ne, %rem3A_417, %ne3A_418 : i32
        %lt3A_420 = arith.constant 0 : i32
        %lt3A_421 = arith.cmpi slt, %rem3A_417, %lt3A_420 : i32
        %lt3A_422 = arith.constant 0 : i32
        %lt3A_423 = arith.cmpi slt, %select_n3A_416, %lt3A_422 : i32
        %ne3A_424 = arith.xori %lt3A_421, %lt3A_423 : i1
        %and3A_425 = arith.andi %ne3A_424, %ne3A_419 : i1
        %add3A_426 = arith.addi %rem3A_417, %select_n3A_416 : i32
        %select_n3A_427 = arith.select %and3A_425, %add3A_426, %rem3A_417 : i32
        %dma_start3A_428 = arith.constant 0 : i32
        %dma_start3A_429 = arith.constant 0 : i32
        %dma_start3A_430 = arith.constant 0 : i32
        %dma_start3A_431 = tpu.memref_slice %arg6[%select_n3A_427, %dma_start3A_429, %dma_start3A_430] : memref<2x128x128xf32, #tpu.memory_space<vmem>> -> memref<1x128x128xf32, #tpu.memory_space<vmem>>
        %dma_start3A_432 = tpu.memref_squeeze %dma_start3A_431 : memref<1x128x128xf32, #tpu.memory_space<vmem>> -> memref<128x128xf32, #tpu.memory_space<vmem>>
        %dma_start3A_433 = arith.constant 0 : i32
        %dma_start3A_434 = tpu.memref_slice %arg5[%select_n3A_411, %dma_start3A_428, %dma_start3A_433] : memref<3x2x128xi32, #tpu.memory_space<vmem>> -> memref<1x1x128xi32, #tpu.memory_space<vmem>>
        %dma_start3A_435 = tpu.memref_squeeze %dma_start3A_434 : memref<1x1x128xi32, #tpu.memory_space<vmem>> -> memref<128xi32, #tpu.memory_space<vmem>>
        %dma_start3A_436 = arith.constant 0 : i32
        %dma_start3A_437 = arith.constant 0 : i32
        %dma_start3A_438 = tpu.memref_slice %arg2[%dma_start3A_436, %dma_start3A_437] : memref<10000x128xf32, #tpu.memory_space<hbm>> -> memref<10000x128xf32, #tpu.memory_space<hbm>>
        tpu.enqueue_indirect_dma source(%dma_start3A_438 : memref<10000x128xf32, #tpu.memory_space<hbm>>) target(%dma_start3A_432 : memref<128x128xf32, #tpu.memory_space<vmem>>) offsets(%dma_start3A_435 : memref<128xi32, #tpu.memory_space<vmem>>) semaphore(%arg10 : memref<!tpu.dma_semaphore, #tpu.memory_space<semaphore_mem>>)
      } else {
      }
      %jit3A_273 = arith.constant 3 : i32
      %eq3A_274 = arith.constant 0 : i32
      %eq3A_275 = arith.cmpi eq, %jit3A_273, %eq3A_274 : i32
      %jit3A_276 = arith.constant 1 : i32
      %select_n3A_277 = arith.select %eq3A_275, %jit3A_276, %jit3A_273 : i32
      %rem3A_278 = arith.remsi %while3A_255, %select_n3A_277 : i32
      %ne3A_279 = arith.constant 0 : i32
      %ne3A_280 = arith.cmpi ne, %rem3A_278, %ne3A_279 : i32
      %lt3A_281 = arith.constant 0 : i32
      %lt3A_282 = arith.cmpi slt, %rem3A_278, %lt3A_281 : i32
      %lt3A_283 = arith.constant 0 : i32
      %lt3A_284 = arith.cmpi slt, %select_n3A_277, %lt3A_283 : i32
      %ne3A_285 = arith.xori %lt3A_282, %lt3A_284 : i1
      %and3A_286 = arith.andi %ne3A_285, %ne3A_280 : i1
      %add3A_287 = arith.addi %rem3A_278, %select_n3A_277 : i32
      %select_n3A_288 = arith.select %and3A_286, %add3A_287, %rem3A_278 : i32
      %jit3A_289 = arith.constant 2 : i32
      %eq3A_290 = arith.constant 0 : i32
      %eq3A_291 = arith.cmpi eq, %jit3A_289, %eq3A_290 : i32
      %jit3A_292 = arith.constant 1 : i32
      %select_n3A_293 = arith.select %eq3A_291, %jit3A_292, %jit3A_289 : i32
      %rem3A_294 = arith.remsi %while3A_255, %select_n3A_293 : i32
      %ne3A_295 = arith.constant 0 : i32
      %ne3A_296 = arith.cmpi ne, %rem3A_294, %ne3A_295 : i32
      %lt3A_297 = arith.constant 0 : i32
      %lt3A_298 = arith.cmpi slt, %rem3A_294, %lt3A_297 : i32
      %lt3A_299 = arith.constant 0 : i32
      %lt3A_300 = arith.cmpi slt, %select_n3A_293, %lt3A_299 : i32
      %ne3A_301 = arith.xori %lt3A_298, %lt3A_300 : i1
      %and3A_302 = arith.andi %ne3A_301, %ne3A_296 : i1
      %add3A_303 = arith.addi %rem3A_294, %select_n3A_293 : i32
      %select_n3A_304 = arith.select %and3A_302, %add3A_303, %rem3A_294 : i32
      %dma_wait3A_305 = arith.constant 0 : i32
      %dma_wait3A_306 = arith.constant 0 : i32
      %dma_wait3A_307 = arith.constant 0 : i32
      %dma_wait3A_308 = tpu.memref_slice %arg6[%select_n3A_304, %dma_wait3A_306, %dma_wait3A_307] : memref<2x128x128xf32, #tpu.memory_space<vmem>> -> memref<1x128x128xf32, #tpu.memory_space<vmem>>
      %dma_wait3A_309 = tpu.memref_squeeze %dma_wait3A_308 : memref<1x128x128xf32, #tpu.memory_space<vmem>> -> memref<128x128xf32, #tpu.memory_space<vmem>>
      %dma_wait3A_310 = arith.constant 0 : i32
      %dma_wait3A_311 = tpu.memref_slice %arg5[%select_n3A_288, %dma_wait3A_305, %dma_wait3A_310] : memref<3x2x128xi32, #tpu.memory_space<vmem>> -> memref<1x1x128xi32, #tpu.memory_space<vmem>>
      %dma_wait3A_312 = tpu.memref_squeeze %dma_wait3A_311 : memref<1x1x128xi32, #tpu.memory_space<vmem>> -> memref<128xi32, #tpu.memory_space<vmem>>
      %dma_wait3A_313 = arith.constant 0 : i32
      %dma_wait3A_314 = arith.constant 0 : i32
      %dma_wait3A_315 = tpu.memref_slice %arg2[%dma_wait3A_313, %dma_wait3A_314] : memref<10000x128xf32, #tpu.memory_space<hbm>> -> memref<10000x128xf32, #tpu.memory_space<hbm>>
      tpu.wait_indirect_dma semaphore(%arg10 : memref<!tpu.dma_semaphore, #tpu.memory_space<semaphore_mem>>) src(%dma_wait3A_315 : memref<10000x128xf32, #tpu.memory_space<hbm>>) dst(%dma_wait3A_309 : memref<128x128xf32, #tpu.memory_space<vmem>>)
      %jit3A_316 = arith.constant 3 : i32
      %eq3A_317 = arith.constant 0 : i32
      %eq3A_318 = arith.cmpi eq, %jit3A_316, %eq3A_317 : i32
      %jit3A_319 = arith.constant 1 : i32
      %select_n3A_320 = arith.select %eq3A_318, %jit3A_319, %jit3A_316 : i32
      %rem3A_321 = arith.remsi %while3A_255, %select_n3A_320 : i32
      %ne3A_322 = arith.constant 0 : i32
      %ne3A_323 = arith.cmpi ne, %rem3A_321, %ne3A_322 : i32
      %lt3A_324 = arith.constant 0 : i32
      %lt3A_325 = arith.cmpi slt, %rem3A_321, %lt3A_324 : i32
      %lt3A_326 = arith.constant 0 : i32
      %lt3A_327 = arith.cmpi slt, %select_n3A_320, %lt3A_326 : i32
      %ne3A_328 = arith.xori %lt3A_325, %lt3A_327 : i1
      %and3A_329 = arith.andi %ne3A_328, %ne3A_323 : i1
      %add3A_330 = arith.addi %rem3A_321, %select_n3A_320 : i32
      %select_n3A_331 = arith.select %and3A_329, %add3A_330, %rem3A_321 : i32
      %jit3A_332 = arith.constant 2 : i32
      %eq3A_333 = arith.constant 0 : i32
      %eq3A_334 = arith.cmpi eq, %jit3A_332, %eq3A_333 : i32
      %jit3A_335 = arith.constant 1 : i32
      %select_n3A_336 = arith.select %eq3A_334, %jit3A_335, %jit3A_332 : i32
      %rem3A_337 = arith.remsi %while3A_255, %select_n3A_336 : i32
      %ne3A_338 = arith.constant 0 : i32
      %ne3A_339 = arith.cmpi ne, %rem3A_337, %ne3A_338 : i32
      %lt3A_340 = arith.constant 0 : i32
      %lt3A_341 = arith.cmpi slt, %rem3A_337, %lt3A_340 : i32
      %lt3A_342 = arith.constant 0 : i32
      %lt3A_343 = arith.cmpi slt, %select_n3A_336, %lt3A_342 : i32
      %ne3A_344 = arith.xori %lt3A_341, %lt3A_343 : i1
      %and3A_345 = arith.andi %ne3A_344, %ne3A_339 : i1
      %add3A_346 = arith.addi %rem3A_337, %select_n3A_336 : i32
      %select_n3A_347 = arith.select %and3A_345, %add3A_346, %rem3A_337 : i32
      %dma_start3A_348 = arith.constant 1 : i32
      %dma_start3A_349 = arith.constant 0 : i32
      %dma_start3A_350 = arith.constant 0 : i32
      %dma_start3A_351 = tpu.memref_slice %arg6[%select_n3A_347, %dma_start3A_349, %dma_start3A_350] : memref<2x128x128xf32, #tpu.memory_space<vmem>> -> memref<1x128x128xf32, #tpu.memory_space<vmem>>
      %dma_start3A_352 = tpu.memref_squeeze %dma_start3A_351 : memref<1x128x128xf32, #tpu.memory_space<vmem>> -> memref<128x128xf32, #tpu.memory_space<vmem>>
      %dma_start3A_353 = arith.constant 0 : i32
      %dma_start3A_354 = tpu.memref_slice %arg5[%select_n3A_331, %dma_start3A_348, %dma_start3A_353] : memref<3x2x128xi32, #tpu.memory_space<vmem>> -> memref<1x1x128xi32, #tpu.memory_space<vmem>>
      %dma_start3A_355 = tpu.memref_squeeze %dma_start3A_354 : memref<1x1x128xi32, #tpu.memory_space<vmem>> -> memref<128xi32, #tpu.memory_space<vmem>>
      %dma_start3A_356 = arith.constant 0 : i32
      %dma_start3A_357 = arith.constant 0 : i32
      %dma_start3A_358 = tpu.memref_slice %arg8[%dma_start3A_356, %dma_start3A_357] : memref<10240x128xf32, #tpu.memory_space<vmem_shared>> -> memref<10240x128xf32, #tpu.memory_space<vmem_shared>>
      tpu.enqueue_indirect_dma source(%dma_start3A_352 : memref<128x128xf32, #tpu.memory_space<vmem>>) target(%dma_start3A_358 : memref<10240x128xf32, #tpu.memory_space<vmem_shared>>) offsets(%dma_start3A_355 : memref<128xi32, #tpu.memory_space<vmem>>) semaphore(%arg11 : memref<!tpu.dma_semaphore, #tpu.memory_space<semaphore_mem>>) {add = true}
    }
    %sub3A = arith.constant 1 : i32
    %sub3A_210 = arith.subi %add3A_4, %sub3A : i32
    %jit3A_211 = arith.constant 3 : i32
    %eq3A = arith.constant 0 : i32
    %eq3A_212 = arith.cmpi eq, %jit3A_211, %eq3A : i32
    %jit3A_213 = arith.constant 1 : i32
    %select_n3A_214 = arith.select %eq3A_212, %jit3A_213, %jit3A_211 : i32
    %rem3A = arith.remsi %sub3A_210, %select_n3A_214 : i32
    %ne3A = arith.constant 0 : i32
    %ne3A_215 = arith.cmpi ne, %rem3A, %ne3A : i32
    %lt3A_216 = arith.constant 0 : i32
    %lt3A_217 = arith.cmpi slt, %rem3A, %lt3A_216 : i32
    %lt3A_218 = arith.constant 0 : i32
    %lt3A_219 = arith.cmpi slt, %select_n3A_214, %lt3A_218 : i32
    %ne3A_220 = arith.xori %lt3A_217, %lt3A_219 : i1
    %and3A = arith.andi %ne3A_220, %ne3A_215 : i1
    %add3A_221 = arith.addi %rem3A, %select_n3A_214 : i32
    %select_n3A_222 = arith.select %and3A, %add3A_221, %rem3A : i32
    %jit3A_223 = arith.constant 2 : i32
    %eq3A_224 = arith.constant 0 : i32
    %eq3A_225 = arith.cmpi eq, %jit3A_223, %eq3A_224 : i32
    %jit3A_226 = arith.constant 1 : i32
    %select_n3A_227 = arith.select %eq3A_225, %jit3A_226, %jit3A_223 : i32
    %rem3A_228 = arith.remsi %sub3A_210, %select_n3A_227 : i32
    %ne3A_229 = arith.constant 0 : i32
    %ne3A_230 = arith.cmpi ne, %rem3A_228, %ne3A_229 : i32
    %lt3A_231 = arith.constant 0 : i32
    %lt3A_232 = arith.cmpi slt, %rem3A_228, %lt3A_231 : i32
    %lt3A_233 = arith.constant 0 : i32
    %lt3A_234 = arith.cmpi slt, %select_n3A_227, %lt3A_233 : i32
    %ne3A_235 = arith.xori %lt3A_232, %lt3A_234 : i1
    %and3A_236 = arith.andi %ne3A_235, %ne3A_230 : i1
    %add3A_237 = arith.addi %rem3A_228, %select_n3A_227 : i32
    %select_n3A_238 = arith.select %and3A_236, %add3A_237, %rem3A_228 : i32
    %dma_wait3A_239 = arith.constant 1 : i32
    %dma_wait3A_240 = arith.constant 0 : i32
    %dma_wait3A_241 = arith.constant 0 : i32
    %dma_wait3A_242 = tpu.memref_slice %arg6[%select_n3A_238, %dma_wait3A_240, %dma_wait3A_241] : memref<2x128x128xf32, #tpu.memory_space<vmem>> -> memref<1x128x128xf32, #tpu.memory_space<vmem>>
    %dma_wait3A_243 = tpu.memref_squeeze %dma_wait3A_242 : memref<1x128x128xf32, #tpu.memory_space<vmem>> -> memref<128x128xf32, #tpu.memory_space<vmem>>
    %dma_wait3A_244 = arith.constant 0 : i32
    %dma_wait3A_245 = tpu.memref_slice %arg5[%select_n3A_222, %dma_wait3A_239, %dma_wait3A_244] : memref<3x2x128xi32, #tpu.memory_space<vmem>> -> memref<1x1x128xi32, #tpu.memory_space<vmem>>
    %dma_wait3A_246 = tpu.memref_squeeze %dma_wait3A_245 : memref<1x1x128xi32, #tpu.memory_space<vmem>> -> memref<128xi32, #tpu.memory_space<vmem>>
    %dma_wait3A_247 = arith.constant 0 : i32
    %dma_wait3A_248 = arith.constant 0 : i32
    %dma_wait3A_249 = tpu.memref_slice %arg8[%dma_wait3A_247, %dma_wait3A_248] : memref<10240x128xf32, #tpu.memory_space<vmem_shared>> -> memref<10240x128xf32, #tpu.memory_space<vmem_shared>>
    tpu.wait_indirect_dma semaphore(%arg11 : memref<!tpu.dma_semaphore, #tpu.memory_space<semaphore_mem>>) src(%dma_wait3A_243 : memref<128x128xf32, #tpu.memory_space<vmem>>) dst(%dma_wait3A_249 : memref<10240x128xf32, #tpu.memory_space<vmem_shared>>)
    %barrier3A_250 = arith.constant 0 : index
    tpu.barrier barrier_id(%barrier3A_250)
    %mul3A_251 = arith.constant 640 : i32
    %mul3A_252 = arith.muli %arg1, %mul3A_251 : i32
    %mul3A_253 = arith.constant 640 : i32
    %mul3A_254 = arith.muli %arg1, %mul3A_253 : i32
    "tpu.region"() ({
      %run_scoped3A = tpu.sem_alloc : memref<!tpu.dma_semaphore, #tpu.memory_space<semaphore_mem>>
      %dma_start3A_255 = arith.constant 0 : i32
      %dma_start3A_256 = tpu.memref_slice %arg4[%arg0, %mul3A_254, %dma_start3A_255] : memref<2x10240x128xf32, #tpu.memory_space<hbm>> -> memref<1x640x128xf32, #tpu.memory_space<hbm>>
      %dma_start3A_257 = tpu.memref_squeeze %dma_start3A_256 : memref<1x640x128xf32, #tpu.memory_space<hbm>> -> memref<640x128xf32, #tpu.memory_space<hbm>>
      %dma_start3A_258 = arith.constant 0 : i32
      %dma_start3A_259 = tpu.memref_slice %arg8[%mul3A_252, %dma_start3A_258] : memref<10240x128xf32, #tpu.memory_space<vmem_shared>> -> memref<640x128xf32, #tpu.memory_space<vmem_shared>>
      tpu.enqueue_dma source(%dma_start3A_259 : memref<640x128xf32, #tpu.memory_space<vmem_shared>>) target(%dma_start3A_257 : memref<640x128xf32, #tpu.memory_space<hbm>>) target_semaphore(%run_scoped3A : memref<!tpu.dma_semaphore, #tpu.memory_space<semaphore_mem>>)
      %dma_wait3A_260 = arith.constant 0 : i32
      %dma_wait3A_261 = tpu.memref_slice %arg4[%arg0, %mul3A_254, %dma_wait3A_260] : memref<2x10240x128xf32, #tpu.memory_space<hbm>> -> memref<1x640x128xf32, #tpu.memory_space<hbm>>
      %dma_wait3A_262 = tpu.memref_squeeze %dma_wait3A_261 : memref<1x640x128xf32, #tpu.memory_space<hbm>> -> memref<640x128xf32, #tpu.memory_space<hbm>>
      %dma_wait3A_263 = arith.constant 0 : i32
      %dma_wait3A_264 = tpu.memref_slice %arg8[%mul3A_252, %dma_wait3A_263] : memref<10240x128xf32, #tpu.memory_space<vmem_shared>> -> memref<640x128xf32, #tpu.memory_space<vmem_shared>>
      tpu.wait_dma2 semaphore(%run_scoped3A : memref<!tpu.dma_semaphore, #tpu.memory_space<semaphore_mem>>) src(%dma_wait3A_264 : memref<640x128xf32, #tpu.memory_space<vmem_shared>>) dst(%dma_wait3A_262 : memref<640x128xf32, #tpu.memory_space<hbm>>)
      tpu.yield
    }) : () -> ()
    return
  }
}

#map = affine_map<(d0, d1) -> (0, 0)>
#map1 = affine_map<(d0, d1) -> (0, 0, 0)>
module attributes {stable_mosaic.version = 14 : i64} {
  func.func @_seg_sum_sc(%arg0: i32, %arg1: i32, %arg2: memref<10000x128xf32, #tpu.memory_space<hbm>>, %arg3: memref<2x320000xi32, #tpu.memory_space<hbm>>, %arg4: memref<2x10240x128xf32, #tpu.memory_space<hbm>>, %arg5: memref<3x2x128xi32, #tpu.memory_space<vmem>>, %arg6: memref<2x128x128xf32, #tpu.memory_space<vmem>>, %arg7: memref<80x128xf32, #tpu.memory_space<vmem>>, %arg8: memref<10240x128xf32, #tpu.memory_space<vmem_shared>>, %arg9: memref<!tpu.dma_semaphore, #tpu.memory_space<semaphore_mem>>, %arg10: memref<!tpu.dma_semaphore, #tpu.memory_space<semaphore_mem>>, %arg11: memref<!tpu.dma_semaphore, #tpu.memory_space<semaphore_mem>>) attributes {dimension_semantics = [#tpu.dimension_semantics<core_parallel>, #tpu.dimension_semantics<subcore_parallel>], iteration_bounds = array<i64: 2, 16>, scalar_prefetch = 0 : i64, scratch_operands = 7 : i64, tpu.core_type = #tpu.core_type<sc_vector_subcore>, window_params = [{transform_indices = #map}, {transform_indices = #map}, {transform_indices = #map1}]} {
    %mul3A = arith.constant 2 : i32
    %mul3A_0 = arith.muli %arg1, %mul3A : i32
    %add3A = arith.addi %mul3A_0, %arg0 : i32
    %lt3A = arith.constant 4 : i32
    %lt3A_1 = arith.cmpi slt, %add3A, %lt3A : i32
    %jit3A = arith.constant 1 : i32
    %jit3A_2 = arith.constant 0 : i32
    %select_n3A = arith.select %lt3A_1, %jit3A, %jit3A_2 : i32
    %add3A_3 = arith.constant 78 : i32
    %add3A_4 = arith.addi %add3A_3, %select_n3A : i32
    %add3A_5 = arith.constant 0 : i32
    %add3A_6 = arith.addi %add3A, %add3A_5 : i32
    %mul3A_7 = arith.constant 128 : i32
    %mul3A_8 = arith.muli %add3A_6, %mul3A_7 : i32
    %dma_start3A = arith.constant 0 : i32
    %dma_start3A_9 = arith.constant 0 : i32
    %dma_start3A_10 = arith.constant 0 : i32
    %dma_start3A_11 = tpu.memref_slice %arg5[%dma_start3A, %dma_start3A_9, %dma_start3A_10] : memref<3x2x128xi32, #tpu.memory_space<vmem>> -> memref<1x2x128xi32, #tpu.memory_space<vmem>>
    %dma_start3A_12 = tpu.memref_squeeze %dma_start3A_11 : memref<1x2x128xi32, #tpu.memory_space<vmem>> -> memref<2x128xi32, #tpu.memory_space<vmem>>
    %dma_start3A_13 = arith.constant 0 : i32
    %dma_start3A_14 = tpu.memref_slice %arg3[%dma_start3A_13, %mul3A_8] : memref<2x320000xi32, #tpu.memory_space<hbm>> -> memref<2x128xi32, #tpu.memory_space<hbm>>
    %dma_start3A_15 = arith.constant 0 : i32
    %dma_start3A_16 = arith.constant 0 : i32
    %dma_start3A_17 = tpu.memref_slice %arg5[%dma_start3A, %dma_start3A_15, %dma_start3A_16] : memref<3x2x128xi32, #tpu.memory_space<vmem>> -> memref<1x2x128xi32, #tpu.memory_space<vmem>>
    %dma_start3A_18 = tpu.memref_squeeze %dma_start3A_17 : memref<1x2x128xi32, #tpu.memory_space<vmem>> -> memref<2x128xi32, #tpu.memory_space<vmem>>
    %dma_start3A_19 = arith.constant 0 : i32
    %dma_start3A_20 = tpu.memref_slice %arg3[%dma_start3A_19, %mul3A_8] : memref<2x320000xi32, #tpu.memory_space<hbm>> -> memref<2x128xi32, #tpu.memory_space<hbm>>
    tpu.enqueue_dma source(%dma_start3A_20 : memref<2x128xi32, #tpu.memory_space<hbm>>) target(%dma_start3A_18 : memref<2x128xi32, #tpu.memory_space<vmem>>) target_semaphore(%arg9 : memref<!tpu.dma_semaphore, #tpu.memory_space<semaphore_mem>>)
    %add3A_21 = arith.constant 32 : i32
    %add3A_22 = arith.addi %add3A, %add3A_21 : i32
    %mul3A_23 = arith.constant 128 : i32
    %mul3A_24 = arith.muli %add3A_22, %mul3A_23 : i32
    %dma_start3A_25 = arith.constant 1 : i32
    %dma_start3A_26 = arith.constant 0 : i32
    %dma_start3A_27 = arith.constant 0 : i32
    %dma_start3A_28 = tpu.memref_slice %arg5[%dma_start3A_25, %dma_start3A_26, %dma_start3A_27] : memref<3x2x128xi32, #tpu.memory_space<vmem>> -> memref<1x2x128xi32, #tpu.memory_space<vmem>>
    %dma_start3A_29 = tpu.memref_squeeze %dma_start3A_28 : memref<1x2x128xi32, #tpu.memory_space<vmem>> -> memref<2x128xi32, #tpu.memory_space<vmem>>
    %dma_start3A_30 = arith.constant 0 : i32
    %dma_start3A_31 = tpu.memref_slice %arg3[%dma_start3A_30, %mul3A_24] : memref<2x320000xi32, #tpu.memory_space<hbm>> -> memref<2x128xi32, #tpu.memory_space<hbm>>
    %dma_start3A_32 = arith.constant 0 : i32
    %dma_start3A_33 = arith.constant 0 : i32
    %dma_start3A_34 = tpu.memref_slice %arg5[%dma_start3A_25, %dma_start3A_32, %dma_start3A_33] : memref<3x2x128xi32, #tpu.memory_space<vmem>> -> memref<1x2x128xi32, #tpu.memory_space<vmem>>
    %dma_start3A_35 = tpu.memref_squeeze %dma_start3A_34 : memref<1x2x128xi32, #tpu.memory_space<vmem>> -> memref<2x128xi32, #tpu.memory_space<vmem>>
    %dma_start3A_36 = arith.constant 0 : i32
    %dma_start3A_37 = tpu.memref_slice %arg3[%dma_start3A_36, %mul3A_24] : memref<2x320000xi32, #tpu.memory_space<hbm>> -> memref<2x128xi32, #tpu.memory_space<hbm>>
    tpu.enqueue_dma source(%dma_start3A_37 : memref<2x128xi32, #tpu.memory_space<hbm>>) target(%dma_start3A_35 : memref<2x128xi32, #tpu.memory_space<vmem>>) target_semaphore(%arg9 : memref<!tpu.dma_semaphore, #tpu.memory_space<semaphore_mem>>)
    %broadcast_in_dim3A = arith.constant 0.000000e+00 : f32
    %broadcast_in_dim3A_38 = vector.broadcast %broadcast_in_dim3A : f32 to vector<16xf32>
    %scan3A = arith.constant 0 : i32
    %scan3A_39 = arith.constant 0 : i32
    %scan3A_40 = arith.constant 80 : i32
    %scan3A_41 = arith.addi %scan3A_39, %scan3A_40 : i32
    %scan3A_42 = arith.constant 1 : i32
    scf.for %scan3A_255 = %scan3A_39 to %scan3A_41 step %scan3A_42  : i32 {
      %swap3A = arith.index_cast %scan3A_255 : i32 to index
      %swap3A_256 = arith.constant 0 : index
      %swap3A_257 = tpu.vector_load %arg7[%swap3A, %swap3A_256] {strides = array<i32>} : memref<80x128xf32, #tpu.memory_space<vmem>>, vector<1x16xf32>,
      %swap3A_258 = vector.shape_cast %swap3A_257 : vector<1x16xf32> to vector<16xf32>
      %swap3A_259 = vector.shape_cast %broadcast_in_dim3A_38 : vector<16xf32> to vector<1x16xf32>
      tpu.vector_store %arg7[%swap3A, %swap3A_256], %swap3A_259 {strides = array<i32>} : memref<80x128xf32, #tpu.memory_space<vmem>>, vector<1x16xf32>,
      %swap3A_260 = arith.index_cast %scan3A_255 : i32 to index
      %swap3A_261 = arith.constant 16 : index
      %swap3A_262 = tpu.vector_load %arg7[%swap3A_260, %swap3A_261] {strides = array<i32>} : memref<80x128xf32, #tpu.memory_space<vmem>>, vector<1x16xf32>,
      %swap3A_263 = vector.shape_cast %swap3A_262 : vector<1x16xf32> to vector<16xf32>
      %swap3A_264 = vector.shape_cast %broadcast_in_dim3A_38 : vector<16xf32> to vector<1x16xf32>
      tpu.vector_store %arg7[%swap3A_260, %swap3A_261], %swap3A_264 {strides = array<i32>} : memref<80x128xf32, #tpu.memory_space<vmem>>, vector<1x16xf32>,
      %swap3A_265 = arith.index_cast %scan3A_255 : i32 to index
      %swap3A_266 = arith.constant 32 : index
      %swap3A_267 = tpu.vector_load %arg7[%swap3A_265, %swap3A_266] {strides = array<i32>} : memref<80x128xf32, #tpu.memory_space<vmem>>, vector<1x16xf32>,
      %swap3A_268 = vector.shape_cast %swap3A_267 : vector<1x16xf32> to vector<16xf32>
      %swap3A_269 = vector.shape_cast %broadcast_in_dim3A_38 : vector<16xf32> to vector<1x16xf32>
      tpu.vector_store %arg7[%swap3A_265, %swap3A_266], %swap3A_269 {strides = array<i32>} : memref<80x128xf32, #tpu.memory_space<vmem>>, vector<1x16xf32>,
      %swap3A_270 = arith.index_cast %scan3A_255 : i32 to index
      %swap3A_271 = arith.constant 48 : index
      %swap3A_272 = tpu.vector_load %arg7[%swap3A_270, %swap3A_271] {strides = array<i32>} : memref<80x128xf32, #tpu.memory_space<vmem>>, vector<1x16xf32>,
      %swap3A_273 = vector.shape_cast %swap3A_272 : vector<1x16xf32> to vector<16xf32>
      %swap3A_274 = vector.shape_cast %broadcast_in_dim3A_38 : vector<16xf32> to vector<1x16xf32>
      tpu.vector_store %arg7[%swap3A_270, %swap3A_271], %swap3A_274 {strides = array<i32>} : memref<80x128xf32, #tpu.memory_space<vmem>>, vector<1x16xf32>,
      %swap3A_275 = arith.index_cast %scan3A_255 : i32 to index
      %swap3A_276 = arith.constant 64 : index
      %swap3A_277 = tpu.vector_load %arg7[%swap3A_275, %swap3A_276] {strides = array<i32>} : memref<80x128xf32, #tpu.memory_space<vmem>>, vector<1x16xf32>,
      %swap3A_278 = vector.shape_cast %swap3A_277 : vector<1x16xf32> to vector<16xf32>
      %swap3A_279 = vector.shape_cast %broadcast_in_dim3A_38 : vector<16xf32> to vector<1x16xf32>
      tpu.vector_store %arg7[%swap3A_275, %swap3A_276], %swap3A_279 {strides = array<i32>} : memref<80x128xf32, #tpu.memory_space<vmem>>, vector<1x16xf32>,
      %swap3A_280 = arith.index_cast %scan3A_255 : i32 to index
      %swap3A_281 = arith.constant 80 : index
      %swap3A_282 = tpu.vector_load %arg7[%swap3A_280, %swap3A_281] {strides = array<i32>} : memref<80x128xf32, #tpu.memory_space<vmem>>, vector<1x16xf32>,
      %swap3A_283 = vector.shape_cast %swap3A_282 : vector<1x16xf32> to vector<16xf32>
      %swap3A_284 = vector.shape_cast %broadcast_in_dim3A_38 : vector<16xf32> to vector<1x16xf32>
      tpu.vector_store %arg7[%swap3A_280, %swap3A_281], %swap3A_284 {strides = array<i32>} : memref<80x128xf32, #tpu.memory_space<vmem>>, vector<1x16xf32>,
      %swap3A_285 = arith.index_cast %scan3A_255 : i32 to index
      %swap3A_286 = arith.constant 96 : index
      %swap3A_287 = tpu.vector_load %arg7[%swap3A_285, %swap3A_286] {strides = array<i32>} : memref<80x128xf32, #tpu.memory_space<vmem>>, vector<1x16xf32>,
      %swap3A_288 = vector.shape_cast %swap3A_287 : vector<1x16xf32> to vector<16xf32>
      %swap3A_289 = vector.shape_cast %broadcast_in_dim3A_38 : vector<16xf32> to vector<1x16xf32>
      tpu.vector_store %arg7[%swap3A_285, %swap3A_286], %swap3A_289 {strides = array<i32>} : memref<80x128xf32, #tpu.memory_space<vmem>>, vector<1x16xf32>,
      %swap3A_290 = arith.index_cast %scan3A_255 : i32 to index
      %swap3A_291 = arith.constant 112 : index
      %swap3A_292 = tpu.vector_load %arg7[%swap3A_290, %swap3A_291] {strides = array<i32>} : memref<80x128xf32, #tpu.memory_space<vmem>>, vector<1x16xf32>,
      %swap3A_293 = vector.shape_cast %swap3A_292 : vector<1x16xf32> to vector<16xf32>
      %swap3A_294 = vector.shape_cast %broadcast_in_dim3A_38 : vector<16xf32> to vector<1x16xf32>
      tpu.vector_store %arg7[%swap3A_290, %swap3A_291], %swap3A_294 {strides = array<i32>} : memref<80x128xf32, #tpu.memory_space<vmem>>, vector<1x16xf32>,
    }
    %scan3A_43 = arith.constant 80 : i32
    %mul3A_44 = arith.constant 640 : i32
    %mul3A_45 = arith.muli %arg1, %mul3A_44 : i32
    %add3A_46 = arith.constant 0 : i32
    %add3A_47 = arith.addi %mul3A_45, %add3A_46 : i32
    %dma_start3A_48 = arith.constant 0 : i32
    %dma_start3A_49 = tpu.memref_slice %arg8[%add3A_47, %dma_start3A_48] : memref<10240x128xf32, #tpu.memory_space<vmem_shared>> -> memref<80x128xf32, #tpu.memory_space<vmem_shared>>
    %dma_start3A_50 = arith.constant 0 : i32
    %dma_start3A_51 = tpu.memref_slice %arg8[%add3A_47, %dma_start3A_50] : memref<10240x128xf32, #tpu.memory_space<vmem_shared>> -> memref<80x128xf32, #tpu.memory_space<vmem_shared>>
    tpu.enqueue_dma source(%arg7 : memref<80x128xf32, #tpu.memory_space<vmem>>) target(%dma_start3A_51 : memref<80x128xf32, #tpu.memory_space<vmem_shared>>) target_semaphore(%arg11 : memref<!tpu.dma_semaphore, #tpu.memory_space<semaphore_mem>>)
    %mul3A_52 = arith.constant 640 : i32
    %mul3A_53 = arith.muli %arg1, %mul3A_52 : i32
    %add3A_54 = arith.constant 80 : i32
    %add3A_55 = arith.addi %mul3A_53, %add3A_54 : i32
    %dma_start3A_56 = arith.constant 0 : i32
    %dma_start3A_57 = tpu.memref_slice %arg8[%add3A_55, %dma_start3A_56] : memref<10240x128xf32, #tpu.memory_space<vmem_shared>> -> memref<80x128xf32, #tpu.memory_space<vmem_shared>>
    %dma_start3A_58 = arith.constant 0 : i32
    %dma_start3A_59 = tpu.memref_slice %arg8[%add3A_55, %dma_start3A_58] : memref<10240x128xf32, #tpu.memory_space<vmem_shared>> -> memref<80x128xf32, #tpu.memory_space<vmem_shared>>
    tpu.enqueue_dma source(%arg7 : memref<80x128xf32, #tpu.memory_space<vmem>>) target(%dma_start3A_59 : memref<80x128xf32, #tpu.memory_space<vmem_shared>>) target_semaphore(%arg11 : memref<!tpu.dma_semaphore, #tpu.memory_space<semaphore_mem>>)
    %mul3A_60 = arith.constant 640 : i32
    %mul3A_61 = arith.muli %arg1, %mul3A_60 : i32
    %add3A_62 = arith.constant 160 : i32
    %add3A_63 = arith.addi %mul3A_61, %add3A_62 : i32
    %dma_start3A_64 = arith.constant 0 : i32
    %dma_start3A_65 = tpu.memref_slice %arg8[%add3A_63, %dma_start3A_64] : memref<10240x128xf32, #tpu.memory_space<vmem_shared>> -> memref<80x128xf32, #tpu.memory_space<vmem_shared>>
    %dma_start3A_66 = arith.constant 0 : i32
    %dma_start3A_67 = tpu.memref_slice %arg8[%add3A_63, %dma_start3A_66] : memref<10240x128xf32, #tpu.memory_space<vmem_shared>> -> memref<80x128xf32, #tpu.memory_space<vmem_shared>>
    tpu.enqueue_dma source(%arg7 : memref<80x128xf32, #tpu.memory_space<vmem>>) target(%dma_start3A_67 : memref<80x128xf32, #tpu.memory_space<vmem_shared>>) target_semaphore(%arg11 : memref<!tpu.dma_semaphore, #tpu.memory_space<semaphore_mem>>)
    %mul3A_68 = arith.constant 640 : i32
    %mul3A_69 = arith.muli %arg1, %mul3A_68 : i32
    %add3A_70 = arith.constant 240 : i32
    %add3A_71 = arith.addi %mul3A_69, %add3A_70 : i32
    %dma_start3A_72 = arith.constant 0 : i32
    %dma_start3A_73 = tpu.memref_slice %arg8[%add3A_71, %dma_start3A_72] : memref<10240x128xf32, #tpu.memory_space<vmem_shared>> -> memref<80x128xf32, #tpu.memory_space<vmem_shared>>
    %dma_start3A_74 = arith.constant 0 : i32
    %dma_start3A_75 = tpu.memref_slice %arg8[%add3A_71, %dma_start3A_74] : memref<10240x128xf32, #tpu.memory_space<vmem_shared>> -> memref<80x128xf32, #tpu.memory_space<vmem_shared>>
    tpu.enqueue_dma source(%arg7 : memref<80x128xf32, #tpu.memory_space<vmem>>) target(%dma_start3A_75 : memref<80x128xf32, #tpu.memory_space<vmem_shared>>) target_semaphore(%arg11 : memref<!tpu.dma_semaphore, #tpu.memory_space<semaphore_mem>>)
    %mul3A_76 = arith.constant 640 : i32
    %mul3A_77 = arith.muli %arg1, %mul3A_76 : i32
    %add3A_78 = arith.constant 320 : i32
    %add3A_79 = arith.addi %mul3A_77, %add3A_78 : i32
    %dma_start3A_80 = arith.constant 0 : i32
    %dma_start3A_81 = tpu.memref_slice %arg8[%add3A_79, %dma_start3A_80] : memref<10240x128xf32, #tpu.memory_space<vmem_shared>> -> memref<80x128xf32, #tpu.memory_space<vmem_shared>>
    %dma_start3A_82 = arith.constant 0 : i32
    %dma_start3A_83 = tpu.memref_slice %arg8[%add3A_79, %dma_start3A_82] : memref<10240x128xf32, #tpu.memory_space<vmem_shared>> -> memref<80x128xf32, #tpu.memory_space<vmem_shared>>
    tpu.enqueue_dma source(%arg7 : memref<80x128xf32, #tpu.memory_space<vmem>>) target(%dma_start3A_83 : memref<80x128xf32, #tpu.memory_space<vmem_shared>>) target_semaphore(%arg11 : memref<!tpu.dma_semaphore, #tpu.memory_space<semaphore_mem>>)
    %mul3A_84 = arith.constant 640 : i32
    %mul3A_85 = arith.muli %arg1, %mul3A_84 : i32
    %add3A_86 = arith.constant 400 : i32
    %add3A_87 = arith.addi %mul3A_85, %add3A_86 : i32
    %dma_start3A_88 = arith.constant 0 : i32
    %dma_start3A_89 = tpu.memref_slice %arg8[%add3A_87, %dma_start3A_88] : memref<10240x128xf32, #tpu.memory_space<vmem_shared>> -> memref<80x128xf32, #tpu.memory_space<vmem_shared>>
    %dma_start3A_90 = arith.constant 0 : i32
    %dma_start3A_91 = tpu.memref_slice %arg8[%add3A_87, %dma_start3A_90] : memref<10240x128xf32, #tpu.memory_space<vmem_shared>> -> memref<80x128xf32, #tpu.memory_space<vmem_shared>>
    tpu.enqueue_dma source(%arg7 : memref<80x128xf32, #tpu.memory_space<vmem>>) target(%dma_start3A_91 : memref<80x128xf32, #tpu.memory_space<vmem_shared>>) target_semaphore(%arg11 : memref<!tpu.dma_semaphore, #tpu.memory_space<semaphore_mem>>)
    %mul3A_92 = arith.constant 640 : i32
    %mul3A_93 = arith.muli %arg1, %mul3A_92 : i32
    %add3A_94 = arith.constant 480 : i32
    %add3A_95 = arith.addi %mul3A_93, %add3A_94 : i32
    %dma_start3A_96 = arith.constant 0 : i32
    %dma_start3A_97 = tpu.memref_slice %arg8[%add3A_95, %dma_start3A_96] : memref<10240x128xf32, #tpu.memory_space<vmem_shared>> -> memref<80x128xf32, #tpu.memory_space<vmem_shared>>
    %dma_start3A_98 = arith.constant 0 : i32
    %dma_start3A_99 = tpu.memref_slice %arg8[%add3A_95, %dma_start3A_98] : memref<10240x128xf32, #tpu.memory_space<vmem_shared>> -> memref<80x128xf32, #tpu.memory_space<vmem_shared>>
    tpu.enqueue_dma source(%arg7 : memref<80x128xf32, #tpu.memory_space<vmem>>) target(%dma_start3A_99 : memref<80x128xf32, #tpu.memory_space<vmem_shared>>) target_semaphore(%arg11 : memref<!tpu.dma_semaphore, #tpu.memory_space<semaphore_mem>>)
    %mul3A_100 = arith.constant 640 : i32
    %mul3A_101 = arith.muli %arg1, %mul3A_100 : i32
    %add3A_102 = arith.constant 560 : i32
    %add3A_103 = arith.addi %mul3A_101, %add3A_102 : i32
    %dma_start3A_104 = arith.constant 0 : i32
    %dma_start3A_105 = tpu.memref_slice %arg8[%add3A_103, %dma_start3A_104] : memref<10240x128xf32, #tpu.memory_space<vmem_shared>> -> memref<80x128xf32, #tpu.memory_space<vmem_shared>>
    %dma_start3A_106 = arith.constant 0 : i32
    %dma_start3A_107 = tpu.memref_slice %arg8[%add3A_103, %dma_start3A_106] : memref<10240x128xf32, #tpu.memory_space<vmem_shared>> -> memref<80x128xf32, #tpu.memory_space<vmem_shared>>
    tpu.enqueue_dma source(%arg7 : memref<80x128xf32, #tpu.memory_space<vmem>>) target(%dma_start3A_107 : memref<80x128xf32, #tpu.memory_space<vmem_shared>>) target_semaphore(%arg11 : memref<!tpu.dma_semaphore, #tpu.memory_space<semaphore_mem>>)
    %add3A_108 = arith.constant 0 : i32
    %add3A_109 = arith.addi %add3A, %add3A_108 : i32
    %mul3A_110 = arith.constant 128 : i32
    %mul3A_111 = arith.muli %add3A_109, %mul3A_110 : i32
    %dma_wait3A = arith.constant 0 : i32
    %dma_wait3A_112 = arith.constant 0 : i32
    %dma_wait3A_113 = arith.constant 0 : i32
    %dma_wait3A_114 = tpu.memref_slice %arg5[%dma_wait3A, %dma_wait3A_112, %dma_wait3A_113] : memref<3x2x128xi32, #tpu.memory_space<vmem>> -> memref<1x2x128xi32, #tpu.memory_space<vmem>>
    %dma_wait3A_115 = tpu.memref_squeeze %dma_wait3A_114 : memref<1x2x128xi32, #tpu.memory_space<vmem>> -> memref<2x128xi32, #tpu.memory_space<vmem>>
    %dma_wait3A_116 = arith.constant 0 : i32
    %dma_wait3A_117 = tpu.memref_slice %arg3[%dma_wait3A_116, %mul3A_111] : memref<2x320000xi32, #tpu.memory_space<hbm>> -> memref<2x128xi32, #tpu.memory_space<hbm>>
    %dma_wait3A_118 = arith.constant 0 : i32
    %dma_wait3A_119 = arith.constant 0 : i32
    %dma_wait3A_120 = tpu.memref_slice %arg5[%dma_wait3A, %dma_wait3A_118, %dma_wait3A_119] : memref<3x2x128xi32, #tpu.memory_space<vmem>> -> memref<1x2x128xi32, #tpu.memory_space<vmem>>
    %dma_wait3A_121 = tpu.memref_squeeze %dma_wait3A_120 : memref<1x2x128xi32, #tpu.memory_space<vmem>> -> memref<2x128xi32, #tpu.memory_space<vmem>>
    %dma_wait3A_122 = arith.constant 0 : i32
    %dma_wait3A_123 = tpu.memref_slice %arg3[%dma_wait3A_122, %mul3A_111] : memref<2x320000xi32, #tpu.memory_space<hbm>> -> memref<2x128xi32, #tpu.memory_space<hbm>>
    tpu.wait_dma2 semaphore(%arg9 : memref<!tpu.dma_semaphore, #tpu.memory_space<semaphore_mem>>) src(%dma_wait3A_123 : memref<2x128xi32, #tpu.memory_space<hbm>>) dst(%dma_wait3A_121 : memref<2x128xi32, #tpu.memory_space<vmem>>)
    %dma_start3A_124 = arith.constant 0 : i32
    %dma_start3A_125 = arith.constant 0 : i32
    %dma_start3A_126 = arith.constant 0 : i32
    %dma_start3A_127 = arith.constant 0 : i32
    %dma_start3A_128 = arith.constant 0 : i32
    %dma_start3A_129 = tpu.memref_slice %arg6[%dma_start3A_126, %dma_start3A_127, %dma_start3A_128] : memref<2x128x128xf32, #tpu.memory_space<vmem>> -> memref<1x128x128xf32, #tpu.memory_space<vmem>>
    %dma_start3A_130 = tpu.memref_squeeze %dma_start3A_129 : memref<1x128x128xf32, #tpu.memory_space<vmem>> -> memref<128x128xf32, #tpu.memory_space<vmem>>
    %dma_start3A_131 = arith.constant 0 : i32
    %dma_start3A_132 = tpu.memref_slice %arg5[%dma_start3A_124, %dma_start3A_125, %dma_start3A_131] : memref<3x2x128xi32, #tpu.memory_space<vmem>> -> memref<1x1x128xi32, #tpu.memory_space<vmem>>
    %dma_start3A_133 = tpu.memref_squeeze %dma_start3A_132 : memref<1x1x128xi32, #tpu.memory_space<vmem>> -> memref<128xi32, #tpu.memory_space<vmem>>
    %dma_start3A_134 = arith.constant 0 : i32
    %dma_start3A_135 = arith.constant 0 : i32
    %dma_start3A_136 = tpu.memref_slice %arg2[%dma_start3A_134, %dma_start3A_135] : memref<10000x128xf32, #tpu.memory_space<hbm>> -> memref<10000x128xf32, #tpu.memory_space<hbm>>
    tpu.enqueue_indirect_dma source(%dma_start3A_136 : memref<10000x128xf32, #tpu.memory_space<hbm>>) target(%dma_start3A_130 : memref<128x128xf32, #tpu.memory_space<vmem>>) offsets(%dma_start3A_133 : memref<128xi32, #tpu.memory_space<vmem>>) semaphore(%arg10 : memref<!tpu.dma_semaphore, #tpu.memory_space<semaphore_mem>>)
    %mul3A_137 = arith.constant 640 : i32
    %mul3A_138 = arith.muli %arg1, %mul3A_137 : i32
    %add3A_139 = arith.constant 0 : i32
    %add3A_140 = arith.addi %mul3A_138, %add3A_139 : i32
    %dma_wait3A_141 = arith.constant 0 : i32
    %dma_wait3A_142 = tpu.memref_slice %arg8[%add3A_140, %dma_wait3A_141] : memref<10240x128xf32, #tpu.memory_space<vmem_shared>> -> memref<80x128xf32, #tpu.memory_space<vmem_shared>>
    %dma_wait3A_143 = arith.constant 0 : i32
    %dma_wait3A_144 = tpu.memref_slice %arg8[%add3A_140, %dma_wait3A_143] : memref<10240x128xf32, #tpu.memory_space<vmem_shared>> -> memref<80x128xf32, #tpu.memory_space<vmem_shared>>
    tpu.wait_dma2 semaphore(%arg11 : memref<!tpu.dma_semaphore, #tpu.memory_space<semaphore_mem>>) src(%arg7 : memref<80x128xf32, #tpu.memory_space<vmem>>) dst(%dma_wait3A_144 : memref<80x128xf32, #tpu.memory_space<vmem_shared>>)
    %mul3A_145 = arith.constant 640 : i32
    %mul3A_146 = arith.muli %arg1, %mul3A_145 : i32
    %add3A_147 = arith.constant 80 : i32
    %add3A_148 = arith.addi %mul3A_146, %add3A_147 : i32
    %dma_wait3A_149 = arith.constant 0 : i32
    %dma_wait3A_150 = tpu.memref_slice %arg8[%add3A_148, %dma_wait3A_149] : memref<10240x128xf32, #tpu.memory_space<vmem_shared>> -> memref<80x128xf32, #tpu.memory_space<vmem_shared>>
    %dma_wait3A_151 = arith.constant 0 : i32
    %dma_wait3A_152 = tpu.memref_slice %arg8[%add3A_148, %dma_wait3A_151] : memref<10240x128xf32, #tpu.memory_space<vmem_shared>> -> memref<80x128xf32, #tpu.memory_space<vmem_shared>>
    tpu.wait_dma2 semaphore(%arg11 : memref<!tpu.dma_semaphore, #tpu.memory_space<semaphore_mem>>) src(%arg7 : memref<80x128xf32, #tpu.memory_space<vmem>>) dst(%dma_wait3A_152 : memref<80x128xf32, #tpu.memory_space<vmem_shared>>)
    %mul3A_153 = arith.constant 640 : i32
    %mul3A_154 = arith.muli %arg1, %mul3A_153 : i32
    %add3A_155 = arith.constant 160 : i32
    %add3A_156 = arith.addi %mul3A_154, %add3A_155 : i32
    %dma_wait3A_157 = arith.constant 0 : i32
    %dma_wait3A_158 = tpu.memref_slice %arg8[%add3A_156, %dma_wait3A_157] : memref<10240x128xf32, #tpu.memory_space<vmem_shared>> -> memref<80x128xf32, #tpu.memory_space<vmem_shared>>
    %dma_wait3A_159 = arith.constant 0 : i32
    %dma_wait3A_160 = tpu.memref_slice %arg8[%add3A_156, %dma_wait3A_159] : memref<10240x128xf32, #tpu.memory_space<vmem_shared>> -> memref<80x128xf32, #tpu.memory_space<vmem_shared>>
    tpu.wait_dma2 semaphore(%arg11 : memref<!tpu.dma_semaphore, #tpu.memory_space<semaphore_mem>>) src(%arg7 : memref<80x128xf32, #tpu.memory_space<vmem>>) dst(%dma_wait3A_160 : memref<80x128xf32, #tpu.memory_space<vmem_shared>>)
    %mul3A_161 = arith.constant 640 : i32
    %mul3A_162 = arith.muli %arg1, %mul3A_161 : i32
    %add3A_163 = arith.constant 240 : i32
    %add3A_164 = arith.addi %mul3A_162, %add3A_163 : i32
    %dma_wait3A_165 = arith.constant 0 : i32
    %dma_wait3A_166 = tpu.memref_slice %arg8[%add3A_164, %dma_wait3A_165] : memref<10240x128xf32, #tpu.memory_space<vmem_shared>> -> memref<80x128xf32, #tpu.memory_space<vmem_shared>>
    %dma_wait3A_167 = arith.constant 0 : i32
    %dma_wait3A_168 = tpu.memref_slice %arg8[%add3A_164, %dma_wait3A_167] : memref<10240x128xf32, #tpu.memory_space<vmem_shared>> -> memref<80x128xf32, #tpu.memory_space<vmem_shared>>
    tpu.wait_dma2 semaphore(%arg11 : memref<!tpu.dma_semaphore, #tpu.memory_space<semaphore_mem>>) src(%arg7 : memref<80x128xf32, #tpu.memory_space<vmem>>) dst(%dma_wait3A_168 : memref<80x128xf32, #tpu.memory_space<vmem_shared>>)
    %mul3A_169 = arith.constant 640 : i32
    %mul3A_170 = arith.muli %arg1, %mul3A_169 : i32
    %add3A_171 = arith.constant 320 : i32
    %add3A_172 = arith.addi %mul3A_170, %add3A_171 : i32
    %dma_wait3A_173 = arith.constant 0 : i32
    %dma_wait3A_174 = tpu.memref_slice %arg8[%add3A_172, %dma_wait3A_173] : memref<10240x128xf32, #tpu.memory_space<vmem_shared>> -> memref<80x128xf32, #tpu.memory_space<vmem_shared>>
    %dma_wait3A_175 = arith.constant 0 : i32
    %dma_wait3A_176 = tpu.memref_slice %arg8[%add3A_172, %dma_wait3A_175] : memref<10240x128xf32, #tpu.memory_space<vmem_shared>> -> memref<80x128xf32, #tpu.memory_space<vmem_shared>>
    tpu.wait_dma2 semaphore(%arg11 : memref<!tpu.dma_semaphore, #tpu.memory_space<semaphore_mem>>) src(%arg7 : memref<80x128xf32, #tpu.memory_space<vmem>>) dst(%dma_wait3A_176 : memref<80x128xf32, #tpu.memory_space<vmem_shared>>)
    %mul3A_177 = arith.constant 640 : i32
    %mul3A_178 = arith.muli %arg1, %mul3A_177 : i32
    %add3A_179 = arith.constant 400 : i32
    %add3A_180 = arith.addi %mul3A_178, %add3A_179 : i32
    %dma_wait3A_181 = arith.constant 0 : i32
    %dma_wait3A_182 = tpu.memref_slice %arg8[%add3A_180, %dma_wait3A_181] : memref<10240x128xf32, #tpu.memory_space<vmem_shared>> -> memref<80x128xf32, #tpu.memory_space<vmem_shared>>
    %dma_wait3A_183 = arith.constant 0 : i32
    %dma_wait3A_184 = tpu.memref_slice %arg8[%add3A_180, %dma_wait3A_183] : memref<10240x128xf32, #tpu.memory_space<vmem_shared>> -> memref<80x128xf32, #tpu.memory_space<vmem_shared>>
    tpu.wait_dma2 semaphore(%arg11 : memref<!tpu.dma_semaphore, #tpu.memory_space<semaphore_mem>>) src(%arg7 : memref<80x128xf32, #tpu.memory_space<vmem>>) dst(%dma_wait3A_184 : memref<80x128xf32, #tpu.memory_space<vmem_shared>>)
    %mul3A_185 = arith.constant 640 : i32
    %mul3A_186 = arith.muli %arg1, %mul3A_185 : i32
    %add3A_187 = arith.constant 480 : i32
    %add3A_188 = arith.addi %mul3A_186, %add3A_187 : i32
    %dma_wait3A_189 = arith.constant 0 : i32
    %dma_wait3A_190 = tpu.memref_slice %arg8[%add3A_188, %dma_wait3A_189] : memref<10240x128xf32, #tpu.memory_space<vmem_shared>> -> memref<80x128xf32, #tpu.memory_space<vmem_shared>>
    %dma_wait3A_191 = arith.constant 0 : i32
    %dma_wait3A_192 = tpu.memref_slice %arg8[%add3A_188, %dma_wait3A_191] : memref<10240x128xf32, #tpu.memory_space<vmem_shared>> -> memref<80x128xf32, #tpu.memory_space<vmem_shared>>
    tpu.wait_dma2 semaphore(%arg11 : memref<!tpu.dma_semaphore, #tpu.memory_space<semaphore_mem>>) src(%arg7 : memref<80x128xf32, #tpu.memory_space<vmem>>) dst(%dma_wait3A_192 : memref<80x128xf32, #tpu.memory_space<vmem_shared>>)
    %mul3A_193 = arith.constant 640 : i32
    %mul3A_194 = arith.muli %arg1, %mul3A_193 : i32
    %add3A_195 = arith.constant 560 : i32
    %add3A_196 = arith.addi %mul3A_194, %add3A_195 : i32
    %dma_wait3A_197 = arith.constant 0 : i32
    %dma_wait3A_198 = tpu.memref_slice %arg8[%add3A_196, %dma_wait3A_197] : memref<10240x128xf32, #tpu.memory_space<vmem_shared>> -> memref<80x128xf32, #tpu.memory_space<vmem_shared>>
    %dma_wait3A_199 = arith.constant 0 : i32
    %dma_wait3A_200 = tpu.memref_slice %arg8[%add3A_196, %dma_wait3A_199] : memref<10240x128xf32, #tpu.memory_space<vmem_shared>> -> memref<80x128xf32, #tpu.memory_space<vmem_shared>>
    tpu.wait_dma2 semaphore(%arg11 : memref<!tpu.dma_semaphore, #tpu.memory_space<semaphore_mem>>) src(%arg7 : memref<80x128xf32, #tpu.memory_space<vmem>>) dst(%dma_wait3A_200 : memref<80x128xf32, #tpu.memory_space<vmem_shared>>)
    %barrier3A = arith.constant 0 : index
    tpu.barrier barrier_id(%barrier3A)
    %while3A = arith.constant 0 : i32
    %while3A_201 = arith.constant 0 : i32
    %while3A_202 = arith.subi %add3A_4, %while3A_201 : i32
    %while3A_203 = arith.addi %while3A_201, %while3A_202 : i32
    %while3A_204 = arith.constant 1 : i32
    %while3A_205 = arith.divsi %while3A_202, %while3A_204 : i32
    %while3A_206 = arith.muli %while3A_205, %while3A_204 : i32
    %while3A_207 = arith.addi %while3A_201, %while3A_206 : i32
    %while3A_208 = arith.constant 1 : i32
    scf.for %while3A_255 = %while3A_201 to %while3A_207 step %while3A_208  : i32 {
      %ge3A = arith.constant 1 : i32
      %ge3A_256 = arith.cmpi sge, %while3A_255, %ge3A : i32
      %convert_element_type3A = arith.extui %ge3A_256 : i1 to i32
      %cond3A = arith.constant 0 : i32
      %cond3A_257 = arith.cmpi ne, %convert_element_type3A, %cond3A : i32
      scf.if %cond3A_257 {
        %sub3A_359 = arith.constant 1 : i32
        %sub3A_360 = arith.subi %while3A_255, %sub3A_359 : i32
        %jit3A_361 = arith.constant 3 : i32
        %eq3A_362 = arith.constant 0 : i32
        %eq3A_363 = arith.cmpi eq, %jit3A_361, %eq3A_362 : i32
        %jit3A_364 = arith.constant 1 : i32
        %select_n3A_365 = arith.select %eq3A_363, %jit3A_364, %jit3A_361 : i32
        %rem3A_366 = arith.remsi %sub3A_360, %select_n3A_365 : i32
        %ne3A_367 = arith.constant 0 : i32
        %ne3A_368 = arith.cmpi ne, %rem3A_366, %ne3A_367 : i32
        %lt3A_369 = arith.constant 0 : i32
        %lt3A_370 = arith.cmpi slt, %rem3A_366, %lt3A_369 : i32
        %lt3A_371 = arith.constant 0 : i32
        %lt3A_372 = arith.cmpi slt, %select_n3A_365, %lt3A_371 : i32
        %ne3A_373 = arith.xori %lt3A_370, %lt3A_372 : i1
        %and3A_374 = arith.andi %ne3A_373, %ne3A_368 : i1
        %add3A_375 = arith.addi %rem3A_366, %select_n3A_365 : i32
        %select_n3A_376 = arith.select %and3A_374, %add3A_375, %rem3A_366 : i32
        %jit3A_377 = arith.constant 2 : i32
        %eq3A_378 = arith.constant 0 : i32
        %eq3A_379 = arith.cmpi eq, %jit3A_377, %eq3A_378 : i32
        %jit3A_380 = arith.constant 1 : i32
        %select_n3A_381 = arith.select %eq3A_379, %jit3A_380, %jit3A_377 : i32
        %rem3A_382 = arith.remsi %sub3A_360, %select_n3A_381 : i32
        %ne3A_383 = arith.constant 0 : i32
        %ne3A_384 = arith.cmpi ne, %rem3A_382, %ne3A_383 : i32
        %lt3A_385 = arith.constant 0 : i32
        %lt3A_386 = arith.cmpi slt, %rem3A_382, %lt3A_385 : i32
        %lt3A_387 = arith.constant 0 : i32
        %lt3A_388 = arith.cmpi slt, %select_n3A_381, %lt3A_387 : i32
        %ne3A_389 = arith.xori %lt3A_386, %lt3A_388 : i1
        %and3A_390 = arith.andi %ne3A_389, %ne3A_384 : i1
        %add3A_391 = arith.addi %rem3A_382, %select_n3A_381 : i32
        %select_n3A_392 = arith.select %and3A_390, %add3A_391, %rem3A_382 : i32
        %dma_wait3A_393 = arith.constant 1 : i32
        %dma_wait3A_394 = arith.constant 0 : i32
        %dma_wait3A_395 = arith.constant 0 : i32
        %dma_wait3A_396 = tpu.memref_slice %arg6[%select_n3A_392, %dma_wait3A_394, %dma_wait3A_395] : memref<2x128x128xf32, #tpu.memory_space<vmem>> -> memref<1x128x128xf32, #tpu.memory_space<vmem>>
        %dma_wait3A_397 = tpu.memref_squeeze %dma_wait3A_396 : memref<1x128x128xf32, #tpu.memory_space<vmem>> -> memref<128x128xf32, #tpu.memory_space<vmem>>
        %dma_wait3A_398 = arith.constant 0 : i32
        %dma_wait3A_399 = tpu.memref_slice %arg5[%select_n3A_376, %dma_wait3A_393, %dma_wait3A_398] : memref<3x2x128xi32, #tpu.memory_space<vmem>> -> memref<1x1x128xi32, #tpu.memory_space<vmem>>
        %dma_wait3A_400 = tpu.memref_squeeze %dma_wait3A_399 : memref<1x1x128xi32, #tpu.memory_space<vmem>> -> memref<128xi32, #tpu.memory_space<vmem>>
        %dma_wait3A_401 = arith.constant 0 : i32
        %dma_wait3A_402 = arith.constant 0 : i32
        %dma_wait3A_403 = tpu.memref_slice %arg8[%dma_wait3A_401, %dma_wait3A_402] : memref<10240x128xf32, #tpu.memory_space<vmem_shared>> -> memref<10240x128xf32, #tpu.memory_space<vmem_shared>>
        tpu.wait_indirect_dma semaphore(%arg11 : memref<!tpu.dma_semaphore, #tpu.memory_space<semaphore_mem>>) src(%dma_wait3A_397 : memref<128x128xf32, #tpu.memory_space<vmem>>) dst(%dma_wait3A_403 : memref<10240x128xf32, #tpu.memory_space<vmem_shared>>)
      } else {
      }
      %add3A_258 = arith.constant 2 : i32
      %add3A_259 = arith.addi %while3A_255, %add3A_258 : i32
      %sub3A_260 = arith.constant 1 : i32
      %sub3A_261 = arith.subi %add3A_4, %sub3A_260 : i32
      %le3A = arith.cmpi sle, %add3A_259, %sub3A_261 : i32
      %convert_element_type3A_262 = arith.extui %le3A : i1 to i32
      %cond3A_263 = arith.constant 0 : i32
      %cond3A_264 = arith.cmpi ne, %convert_element_type3A_262, %cond3A_263 : i32
      scf.if %cond3A_264 {
        %add3A_359 = arith.constant 2 : i32
        %add3A_360 = arith.addi %while3A_255, %add3A_359 : i32
        %mul3A_361 = arith.constant 32 : i32
        %mul3A_362 = arith.muli %add3A_360, %mul3A_361 : i32
        %add3A_363 = arith.addi %add3A, %mul3A_362 : i32
        %mul3A_364 = arith.constant 128 : i32
        %mul3A_365 = arith.muli %add3A_363, %mul3A_364 : i32
        %jit3A_366 = arith.constant 3 : i32
        %eq3A_367 = arith.constant 0 : i32
        %eq3A_368 = arith.cmpi eq, %jit3A_366, %eq3A_367 : i32
        %jit3A_369 = arith.constant 1 : i32
        %select_n3A_370 = arith.select %eq3A_368, %jit3A_369, %jit3A_366 : i32
        %rem3A_371 = arith.remsi %add3A_360, %select_n3A_370 : i32
        %ne3A_372 = arith.constant 0 : i32
        %ne3A_373 = arith.cmpi ne, %rem3A_371, %ne3A_372 : i32
        %lt3A_374 = arith.constant 0 : i32
        %lt3A_375 = arith.cmpi slt, %rem3A_371, %lt3A_374 : i32
        %lt3A_376 = arith.constant 0 : i32
        %lt3A_377 = arith.cmpi slt, %select_n3A_370, %lt3A_376 : i32
        %ne3A_378 = arith.xori %lt3A_375, %lt3A_377 : i1
        %and3A_379 = arith.andi %ne3A_378, %ne3A_373 : i1
        %add3A_380 = arith.addi %rem3A_371, %select_n3A_370 : i32
        %select_n3A_381 = arith.select %and3A_379, %add3A_380, %rem3A_371 : i32
        %dma_start3A_382 = arith.constant 0 : i32
        %dma_start3A_383 = arith.constant 0 : i32
        %dma_start3A_384 = tpu.memref_slice %arg5[%select_n3A_381, %dma_start3A_382, %dma_start3A_383] : memref<3x2x128xi32, #tpu.memory_space<vmem>> -> memref<1x2x128xi32, #tpu.memory_space<vmem>>
        %dma_start3A_385 = tpu.memref_squeeze %dma_start3A_384 : memref<1x2x128xi32, #tpu.memory_space<vmem>> -> memref<2x128xi32, #tpu.memory_space<vmem>>
        %dma_start3A_386 = arith.constant 0 : i32
        %dma_start3A_387 = tpu.memref_slice %arg3[%dma_start3A_386, %mul3A_365] : memref<2x320000xi32, #tpu.memory_space<hbm>> -> memref<2x128xi32, #tpu.memory_space<hbm>>
        %dma_start3A_388 = arith.constant 0 : i32
        %dma_start3A_389 = arith.constant 0 : i32
        %dma_start3A_390 = tpu.memref_slice %arg5[%select_n3A_381, %dma_start3A_388, %dma_start3A_389] : memref<3x2x128xi32, #tpu.memory_space<vmem>> -> memref<1x2x128xi32, #tpu.memory_space<vmem>>
        %dma_start3A_391 = tpu.memref_squeeze %dma_start3A_390 : memref<1x2x128xi32, #tpu.memory_space<vmem>> -> memref<2x128xi32, #tpu.memory_space<vmem>>
        %dma_start3A_392 = arith.constant 0 : i32
        %dma_start3A_393 = tpu.memref_slice %arg3[%dma_start3A_392, %mul3A_365] : memref<2x320000xi32, #tpu.memory_space<hbm>> -> memref<2x128xi32, #tpu.memory_space<hbm>>
        tpu.enqueue_dma source(%dma_start3A_393 : memref<2x128xi32, #tpu.memory_space<hbm>>) target(%dma_start3A_391 : memref<2x128xi32, #tpu.memory_space<vmem>>) target_semaphore(%arg9 : memref<!tpu.dma_semaphore, #tpu.memory_space<semaphore_mem>>)
      } else {
      }
      %add3A_265 = arith.constant 1 : i32
      %add3A_266 = arith.addi %while3A_255, %add3A_265 : i32
      %sub3A_267 = arith.constant 1 : i32
      %sub3A_268 = arith.subi %add3A_4, %sub3A_267 : i32
      %le3A_269 = arith.cmpi sle, %add3A_266, %sub3A_268 : i32
      %convert_element_type3A_270 = arith.extui %le3A_269 : i1 to i32
      %cond3A_271 = arith.constant 0 : i32
      %cond3A_272 = arith.cmpi ne, %convert_element_type3A_270, %cond3A_271 : i32
      scf.if %cond3A_272 {
        %add3A_359 = arith.constant 1 : i32
        %add3A_360 = arith.addi %while3A_255, %add3A_359 : i32
        %mul3A_361 = arith.constant 32 : i32
        %mul3A_362 = arith.muli %add3A_360, %mul3A_361 : i32
        %add3A_363 = arith.addi %add3A, %mul3A_362 : i32
        %mul3A_364 = arith.constant 128 : i32
        %mul3A_365 = arith.muli %add3A_363, %mul3A_364 : i32
        %jit3A_366 = arith.constant 3 : i32
        %eq3A_367 = arith.constant 0 : i32
        %eq3A_368 = arith.cmpi eq, %jit3A_366, %eq3A_367 : i32
        %jit3A_369 = arith.constant 1 : i32
        %select_n3A_370 = arith.select %eq3A_368, %jit3A_369, %jit3A_366 : i32
        %rem3A_371 = arith.remsi %add3A_360, %select_n3A_370 : i32
        %ne3A_372 = arith.constant 0 : i32
        %ne3A_373 = arith.cmpi ne, %rem3A_371, %ne3A_372 : i32
        %lt3A_374 = arith.constant 0 : i32
        %lt3A_375 = arith.cmpi slt, %rem3A_371, %lt3A_374 : i32
        %lt3A_376 = arith.constant 0 : i32
        %lt3A_377 = arith.cmpi slt, %select_n3A_370, %lt3A_376 : i32
        %ne3A_378 = arith.xori %lt3A_375, %lt3A_377 : i1
        %and3A_379 = arith.andi %ne3A_378, %ne3A_373 : i1
        %add3A_380 = arith.addi %rem3A_371, %select_n3A_370 : i32
        %select_n3A_381 = arith.select %and3A_379, %add3A_380, %rem3A_371 : i32
        %dma_wait3A_382 = arith.constant 0 : i32
        %dma_wait3A_383 = arith.constant 0 : i32
        %dma_wait3A_384 = tpu.memref_slice %arg5[%select_n3A_381, %dma_wait3A_382, %dma_wait3A_383] : memref<3x2x128xi32, #tpu.memory_space<vmem>> -> memref<1x2x128xi32, #tpu.memory_space<vmem>>
        %dma_wait3A_385 = tpu.memref_squeeze %dma_wait3A_384 : memref<1x2x128xi32, #tpu.memory_space<vmem>> -> memref<2x128xi32, #tpu.memory_space<vmem>>
        %dma_wait3A_386 = arith.constant 0 : i32
        %dma_wait3A_387 = tpu.memref_slice %arg3[%dma_wait3A_386, %mul3A_365] : memref<2x320000xi32, #tpu.memory_space<hbm>> -> memref<2x128xi32, #tpu.memory_space<hbm>>
        %dma_wait3A_388 = arith.constant 0 : i32
        %dma_wait3A_389 = arith.constant 0 : i32
        %dma_wait3A_390 = tpu.memref_slice %arg5[%select_n3A_381, %dma_wait3A_388, %dma_wait3A_389] : memref<3x2x128xi32, #tpu.memory_space<vmem>> -> memref<1x2x128xi32, #tpu.memory_space<vmem>>
        %dma_wait3A_391 = tpu.memref_squeeze %dma_wait3A_390 : memref<1x2x128xi32, #tpu.memory_space<vmem>> -> memref<2x128xi32, #tpu.memory_space<vmem>>
        %dma_wait3A_392 = arith.constant 0 : i32
        %dma_wait3A_393 = tpu.memref_slice %arg3[%dma_wait3A_392, %mul3A_365] : memref<2x320000xi32, #tpu.memory_space<hbm>> -> memref<2x128xi32, #tpu.memory_space<hbm>>
        tpu.wait_dma2 semaphore(%arg9 : memref<!tpu.dma_semaphore, #tpu.memory_space<semaphore_mem>>) src(%dma_wait3A_393 : memref<2x128xi32, #tpu.memory_space<hbm>>) dst(%dma_wait3A_391 : memref<2x128xi32, #tpu.memory_space<vmem>>)
        %add3A_394 = arith.constant 1 : i32
        %add3A_395 = arith.addi %while3A_255, %add3A_394 : i32
        %jit3A_396 = arith.constant 3 : i32
        %eq3A_397 = arith.constant 0 : i32
        %eq3A_398 = arith.cmpi eq, %jit3A_396, %eq3A_397 : i32
        %jit3A_399 = arith.constant 1 : i32
        %select_n3A_400 = arith.select %eq3A_398, %jit3A_399, %jit3A_396 : i32
        %rem3A_401 = arith.remsi %add3A_395, %select_n3A_400 : i32
        %ne3A_402 = arith.constant 0 : i32
        %ne3A_403 = arith.cmpi ne, %rem3A_401, %ne3A_402 : i32
        %lt3A_404 = arith.constant 0 : i32
        %lt3A_405 = arith.cmpi slt, %rem3A_401, %lt3A_404 : i32
        %lt3A_406 = arith.constant 0 : i32
        %lt3A_407 = arith.cmpi slt, %select_n3A_400, %lt3A_406 : i32
        %ne3A_408 = arith.xori %lt3A_405, %lt3A_407 : i1
        %and3A_409 = arith.andi %ne3A_408, %ne3A_403 : i1
        %add3A_410 = arith.addi %rem3A_401, %select_n3A_400 : i32
        %select_n3A_411 = arith.select %and3A_409, %add3A_410, %rem3A_401 : i32
        %jit3A_412 = arith.constant 2 : i32
        %eq3A_413 = arith.constant 0 : i32
        %eq3A_414 = arith.cmpi eq, %jit3A_412, %eq3A_413 : i32
        %jit3A_415 = arith.constant 1 : i32
        %select_n3A_416 = arith.select %eq3A_414, %jit3A_415, %jit3A_412 : i32
        %rem3A_417 = arith.remsi %add3A_395, %select_n3A_416 : i32
        %ne3A_418 = arith.constant 0 : i32
        %ne3A_419 = arith.cmpi ne, %rem3A_417, %ne3A_418 : i32
        %lt3A_420 = arith.constant 0 : i32
        %lt3A_421 = arith.cmpi slt, %rem3A_417, %lt3A_420 : i32
        %lt3A_422 = arith.constant 0 : i32
        %lt3A_423 = arith.cmpi slt, %select_n3A_416, %lt3A_422 : i32
        %ne3A_424 = arith.xori %lt3A_421, %lt3A_423 : i1
        %and3A_425 = arith.andi %ne3A_424, %ne3A_419 : i1
        %add3A_426 = arith.addi %rem3A_417, %select_n3A_416 : i32
        %select_n3A_427 = arith.select %and3A_425, %add3A_426, %rem3A_417 : i32
        %dma_start3A_428 = arith.constant 0 : i32
        %dma_start3A_429 = arith.constant 0 : i32
        %dma_start3A_430 = arith.constant 0 : i32
        %dma_start3A_431 = tpu.memref_slice %arg6[%select_n3A_427, %dma_start3A_429, %dma_start3A_430] : memref<2x128x128xf32, #tpu.memory_space<vmem>> -> memref<1x128x128xf32, #tpu.memory_space<vmem>>
        %dma_start3A_432 = tpu.memref_squeeze %dma_start3A_431 : memref<1x128x128xf32, #tpu.memory_space<vmem>> -> memref<128x128xf32, #tpu.memory_space<vmem>>
        %dma_start3A_433 = arith.constant 0 : i32
        %dma_start3A_434 = tpu.memref_slice %arg5[%select_n3A_411, %dma_start3A_428, %dma_start3A_433] : memref<3x2x128xi32, #tpu.memory_space<vmem>> -> memref<1x1x128xi32, #tpu.memory_space<vmem>>
        %dma_start3A_435 = tpu.memref_squeeze %dma_start3A_434 : memref<1x1x128xi32, #tpu.memory_space<vmem>> -> memref<128xi32, #tpu.memory_space<vmem>>
        %dma_start3A_436 = arith.constant 0 : i32
        %dma_start3A_437 = arith.constant 0 : i32
        %dma_start3A_438 = tpu.memref_slice %arg2[%dma_start3A_436, %dma_start3A_437] : memref<10000x128xf32, #tpu.memory_space<hbm>> -> memref<10000x128xf32, #tpu.memory_space<hbm>>
        tpu.enqueue_indirect_dma source(%dma_start3A_438 : memref<10000x128xf32, #tpu.memory_space<hbm>>) target(%dma_start3A_432 : memref<128x128xf32, #tpu.memory_space<vmem>>) offsets(%dma_start3A_435 : memref<128xi32, #tpu.memory_space<vmem>>) semaphore(%arg10 : memref<!tpu.dma_semaphore, #tpu.memory_space<semaphore_mem>>)
      } else {
      }
      %jit3A_273 = arith.constant 3 : i32
      %eq3A_274 = arith.constant 0 : i32
      %eq3A_275 = arith.cmpi eq, %jit3A_273, %eq3A_274 : i32
      %jit3A_276 = arith.constant 1 : i32
      %select_n3A_277 = arith.select %eq3A_275, %jit3A_276, %jit3A_273 : i32
      %rem3A_278 = arith.remsi %while3A_255, %select_n3A_277 : i32
      %ne3A_279 = arith.constant 0 : i32
      %ne3A_280 = arith.cmpi ne, %rem3A_278, %ne3A_279 : i32
      %lt3A_281 = arith.constant 0 : i32
      %lt3A_282 = arith.cmpi slt, %rem3A_278, %lt3A_281 : i32
      %lt3A_283 = arith.constant 0 : i32
      %lt3A_284 = arith.cmpi slt, %select_n3A_277, %lt3A_283 : i32
      %ne3A_285 = arith.xori %lt3A_282, %lt3A_284 : i1
      %and3A_286 = arith.andi %ne3A_285, %ne3A_280 : i1
      %add3A_287 = arith.addi %rem3A_278, %select_n3A_277 : i32
      %select_n3A_288 = arith.select %and3A_286, %add3A_287, %rem3A_278 : i32
      %jit3A_289 = arith.constant 2 : i32
      %eq3A_290 = arith.constant 0 : i32
      %eq3A_291 = arith.cmpi eq, %jit3A_289, %eq3A_290 : i32
      %jit3A_292 = arith.constant 1 : i32
      %select_n3A_293 = arith.select %eq3A_291, %jit3A_292, %jit3A_289 : i32
      %rem3A_294 = arith.remsi %while3A_255, %select_n3A_293 : i32
      %ne3A_295 = arith.constant 0 : i32
      %ne3A_296 = arith.cmpi ne, %rem3A_294, %ne3A_295 : i32
      %lt3A_297 = arith.constant 0 : i32
      %lt3A_298 = arith.cmpi slt, %rem3A_294, %lt3A_297 : i32
      %lt3A_299 = arith.constant 0 : i32
      %lt3A_300 = arith.cmpi slt, %select_n3A_293, %lt3A_299 : i32
      %ne3A_301 = arith.xori %lt3A_298, %lt3A_300 : i1
      %and3A_302 = arith.andi %ne3A_301, %ne3A_296 : i1
      %add3A_303 = arith.addi %rem3A_294, %select_n3A_293 : i32
      %select_n3A_304 = arith.select %and3A_302, %add3A_303, %rem3A_294 : i32
      %dma_wait3A_305 = arith.constant 0 : i32
      %dma_wait3A_306 = arith.constant 0 : i32
      %dma_wait3A_307 = arith.constant 0 : i32
      %dma_wait3A_308 = tpu.memref_slice %arg6[%select_n3A_304, %dma_wait3A_306, %dma_wait3A_307] : memref<2x128x128xf32, #tpu.memory_space<vmem>> -> memref<1x128x128xf32, #tpu.memory_space<vmem>>
      %dma_wait3A_309 = tpu.memref_squeeze %dma_wait3A_308 : memref<1x128x128xf32, #tpu.memory_space<vmem>> -> memref<128x128xf32, #tpu.memory_space<vmem>>
      %dma_wait3A_310 = arith.constant 0 : i32
      %dma_wait3A_311 = tpu.memref_slice %arg5[%select_n3A_288, %dma_wait3A_305, %dma_wait3A_310] : memref<3x2x128xi32, #tpu.memory_space<vmem>> -> memref<1x1x128xi32, #tpu.memory_space<vmem>>
      %dma_wait3A_312 = tpu.memref_squeeze %dma_wait3A_311 : memref<1x1x128xi32, #tpu.memory_space<vmem>> -> memref<128xi32, #tpu.memory_space<vmem>>
      %dma_wait3A_313 = arith.constant 0 : i32
      %dma_wait3A_314 = arith.constant 0 : i32
      %dma_wait3A_315 = tpu.memref_slice %arg2[%dma_wait3A_313, %dma_wait3A_314] : memref<10000x128xf32, #tpu.memory_space<hbm>> -> memref<10000x128xf32, #tpu.memory_space<hbm>>
      tpu.wait_indirect_dma semaphore(%arg10 : memref<!tpu.dma_semaphore, #tpu.memory_space<semaphore_mem>>) src(%dma_wait3A_315 : memref<10000x128xf32, #tpu.memory_space<hbm>>) dst(%dma_wait3A_309 : memref<128x128xf32, #tpu.memory_space<vmem>>)
      %jit3A_316 = arith.constant 3 : i32
      %eq3A_317 = arith.constant 0 : i32
      %eq3A_318 = arith.cmpi eq, %jit3A_316, %eq3A_317 : i32
      %jit3A_319 = arith.constant 1 : i32
      %select_n3A_320 = arith.select %eq3A_318, %jit3A_319, %jit3A_316 : i32
      %rem3A_321 = arith.remsi %while3A_255, %select_n3A_320 : i32
      %ne3A_322 = arith.constant 0 : i32
      %ne3A_323 = arith.cmpi ne, %rem3A_321, %ne3A_322 : i32
      %lt3A_324 = arith.constant 0 : i32
      %lt3A_325 = arith.cmpi slt, %rem3A_321, %lt3A_324 : i32
      %lt3A_326 = arith.constant 0 : i32
      %lt3A_327 = arith.cmpi slt, %select_n3A_320, %lt3A_326 : i32
      %ne3A_328 = arith.xori %lt3A_325, %lt3A_327 : i1
      %and3A_329 = arith.andi %ne3A_328, %ne3A_323 : i1
      %add3A_330 = arith.addi %rem3A_321, %select_n3A_320 : i32
      %select_n3A_331 = arith.select %and3A_329, %add3A_330, %rem3A_321 : i32
      %jit3A_332 = arith.constant 2 : i32
      %eq3A_333 = arith.constant 0 : i32
      %eq3A_334 = arith.cmpi eq, %jit3A_332, %eq3A_333 : i32
      %jit3A_335 = arith.constant 1 : i32
      %select_n3A_336 = arith.select %eq3A_334, %jit3A_335, %jit3A_332 : i32
      %rem3A_337 = arith.remsi %while3A_255, %select_n3A_336 : i32
      %ne3A_338 = arith.constant 0 : i32
      %ne3A_339 = arith.cmpi ne, %rem3A_337, %ne3A_338 : i32
      %lt3A_340 = arith.constant 0 : i32
      %lt3A_341 = arith.cmpi slt, %rem3A_337, %lt3A_340 : i32
      %lt3A_342 = arith.constant 0 : i32
      %lt3A_343 = arith.cmpi slt, %select_n3A_336, %lt3A_342 : i32
      %ne3A_344 = arith.xori %lt3A_341, %lt3A_343 : i1
      %and3A_345 = arith.andi %ne3A_344, %ne3A_339 : i1
      %add3A_346 = arith.addi %rem3A_337, %select_n3A_336 : i32
      %select_n3A_347 = arith.select %and3A_345, %add3A_346, %rem3A_337 : i32
      %dma_start3A_348 = arith.constant 1 : i32
      %dma_start3A_349 = arith.constant 0 : i32
      %dma_start3A_350 = arith.constant 0 : i32
      %dma_start3A_351 = tpu.memref_slice %arg6[%select_n3A_347, %dma_start3A_349, %dma_start3A_350] : memref<2x128x128xf32, #tpu.memory_space<vmem>> -> memref<1x128x128xf32, #tpu.memory_space<vmem>>
      %dma_start3A_352 = tpu.memref_squeeze %dma_start3A_351 : memref<1x128x128xf32, #tpu.memory_space<vmem>> -> memref<128x128xf32, #tpu.memory_space<vmem>>
      %dma_start3A_353 = arith.constant 0 : i32
      %dma_start3A_354 = tpu.memref_slice %arg5[%select_n3A_331, %dma_start3A_348, %dma_start3A_353] : memref<3x2x128xi32, #tpu.memory_space<vmem>> -> memref<1x1x128xi32, #tpu.memory_space<vmem>>
      %dma_start3A_355 = tpu.memref_squeeze %dma_start3A_354 : memref<1x1x128xi32, #tpu.memory_space<vmem>> -> memref<128xi32, #tpu.memory_space<vmem>>
      %dma_start3A_356 = arith.constant 0 : i32
      %dma_start3A_357 = arith.constant 0 : i32
      %dma_start3A_358 = tpu.memref_slice %arg8[%dma_start3A_356, %dma_start3A_357] : memref<10240x128xf32, #tpu.memory_space<vmem_shared>> -> memref<10240x128xf32, #tpu.memory_space<vmem_shared>>
      tpu.enqueue_indirect_dma source(%dma_start3A_352 : memref<128x128xf32, #tpu.memory_space<vmem>>) target(%dma_start3A_358 : memref<10240x128xf32, #tpu.memory_space<vmem_shared>>) offsets(%dma_start3A_355 : memref<128xi32, #tpu.memory_space<vmem>>) semaphore(%arg11 : memref<!tpu.dma_semaphore, #tpu.memory_space<semaphore_mem>>) {add = true}
    }
    %while3A_209 = arith.constant 1 : i32
    scf.for %while3A_255 = %while3A_207 to %while3A_203 step %while3A_209  : i32 {
      %ge3A = arith.constant 1 : i32
      %ge3A_256 = arith.cmpi sge, %while3A_255, %ge3A : i32
      %convert_element_type3A = arith.extui %ge3A_256 : i1 to i32
      %cond3A = arith.constant 0 : i32
      %cond3A_257 = arith.cmpi ne, %convert_element_type3A, %cond3A : i32
      scf.if %cond3A_257 {
        %sub3A_359 = arith.constant 1 : i32
        %sub3A_360 = arith.subi %while3A_255, %sub3A_359 : i32
        %jit3A_361 = arith.constant 3 : i32
        %eq3A_362 = arith.constant 0 : i32
        %eq3A_363 = arith.cmpi eq, %jit3A_361, %eq3A_362 : i32
        %jit3A_364 = arith.constant 1 : i32
        %select_n3A_365 = arith.select %eq3A_363, %jit3A_364, %jit3A_361 : i32
        %rem3A_366 = arith.remsi %sub3A_360, %select_n3A_365 : i32
        %ne3A_367 = arith.constant 0 : i32
        %ne3A_368 = arith.cmpi ne, %rem3A_366, %ne3A_367 : i32
        %lt3A_369 = arith.constant 0 : i32
        %lt3A_370 = arith.cmpi slt, %rem3A_366, %lt3A_369 : i32
        %lt3A_371 = arith.constant 0 : i32
        %lt3A_372 = arith.cmpi slt, %select_n3A_365, %lt3A_371 : i32
        %ne3A_373 = arith.xori %lt3A_370, %lt3A_372 : i1
        %and3A_374 = arith.andi %ne3A_373, %ne3A_368 : i1
        %add3A_375 = arith.addi %rem3A_366, %select_n3A_365 : i32
        %select_n3A_376 = arith.select %and3A_374, %add3A_375, %rem3A_366 : i32
        %jit3A_377 = arith.constant 2 : i32
        %eq3A_378 = arith.constant 0 : i32
        %eq3A_379 = arith.cmpi eq, %jit3A_377, %eq3A_378 : i32
        %jit3A_380 = arith.constant 1 : i32
        %select_n3A_381 = arith.select %eq3A_379, %jit3A_380, %jit3A_377 : i32
        %rem3A_382 = arith.remsi %sub3A_360, %select_n3A_381 : i32
        %ne3A_383 = arith.constant 0 : i32
        %ne3A_384 = arith.cmpi ne, %rem3A_382, %ne3A_383 : i32
        %lt3A_385 = arith.constant 0 : i32
        %lt3A_386 = arith.cmpi slt, %rem3A_382, %lt3A_385 : i32
        %lt3A_387 = arith.constant 0 : i32
        %lt3A_388 = arith.cmpi slt, %select_n3A_381, %lt3A_387 : i32
        %ne3A_389 = arith.xori %lt3A_386, %lt3A_388 : i1
        %and3A_390 = arith.andi %ne3A_389, %ne3A_384 : i1
        %add3A_391 = arith.addi %rem3A_382, %select_n3A_381 : i32
        %select_n3A_392 = arith.select %and3A_390, %add3A_391, %rem3A_382 : i32
        %dma_wait3A_393 = arith.constant 1 : i32
        %dma_wait3A_394 = arith.constant 0 : i32
        %dma_wait3A_395 = arith.constant 0 : i32
        %dma_wait3A_396 = tpu.memref_slice %arg6[%select_n3A_392, %dma_wait3A_394, %dma_wait3A_395] : memref<2x128x128xf32, #tpu.memory_space<vmem>> -> memref<1x128x128xf32, #tpu.memory_space<vmem>>
        %dma_wait3A_397 = tpu.memref_squeeze %dma_wait3A_396 : memref<1x128x128xf32, #tpu.memory_space<vmem>> -> memref<128x128xf32, #tpu.memory_space<vmem>>
        %dma_wait3A_398 = arith.constant 0 : i32
        %dma_wait3A_399 = tpu.memref_slice %arg5[%select_n3A_376, %dma_wait3A_393, %dma_wait3A_398] : memref<3x2x128xi32, #tpu.memory_space<vmem>> -> memref<1x1x128xi32, #tpu.memory_space<vmem>>
        %dma_wait3A_400 = tpu.memref_squeeze %dma_wait3A_399 : memref<1x1x128xi32, #tpu.memory_space<vmem>> -> memref<128xi32, #tpu.memory_space<vmem>>
        %dma_wait3A_401 = arith.constant 0 : i32
        %dma_wait3A_402 = arith.constant 0 : i32
        %dma_wait3A_403 = tpu.memref_slice %arg8[%dma_wait3A_401, %dma_wait3A_402] : memref<10240x128xf32, #tpu.memory_space<vmem_shared>> -> memref<10240x128xf32, #tpu.memory_space<vmem_shared>>
        tpu.wait_indirect_dma semaphore(%arg11 : memref<!tpu.dma_semaphore, #tpu.memory_space<semaphore_mem>>) src(%dma_wait3A_397 : memref<128x128xf32, #tpu.memory_space<vmem>>) dst(%dma_wait3A_403 : memref<10240x128xf32, #tpu.memory_space<vmem_shared>>)
      } else {
      }
      %add3A_258 = arith.constant 2 : i32
      %add3A_259 = arith.addi %while3A_255, %add3A_258 : i32
      %sub3A_260 = arith.constant 1 : i32
      %sub3A_261 = arith.subi %add3A_4, %sub3A_260 : i32
      %le3A = arith.cmpi sle, %add3A_259, %sub3A_261 : i32
      %convert_element_type3A_262 = arith.extui %le3A : i1 to i32
      %cond3A_263 = arith.constant 0 : i32
      %cond3A_264 = arith.cmpi ne, %convert_element_type3A_262, %cond3A_263 : i32
      scf.if %cond3A_264 {
        %add3A_359 = arith.constant 2 : i32
        %add3A_360 = arith.addi %while3A_255, %add3A_359 : i32
        %mul3A_361 = arith.constant 32 : i32
        %mul3A_362 = arith.muli %add3A_360, %mul3A_361 : i32
        %add3A_363 = arith.addi %add3A, %mul3A_362 : i32
        %mul3A_364 = arith.constant 128 : i32
        %mul3A_365 = arith.muli %add3A_363, %mul3A_364 : i32
        %jit3A_366 = arith.constant 3 : i32
        %eq3A_367 = arith.constant 0 : i32
        %eq3A_368 = arith.cmpi eq, %jit3A_366, %eq3A_367 : i32
        %jit3A_369 = arith.constant 1 : i32
        %select_n3A_370 = arith.select %eq3A_368, %jit3A_369, %jit3A_366 : i32
        %rem3A_371 = arith.remsi %add3A_360, %select_n3A_370 : i32
        %ne3A_372 = arith.constant 0 : i32
        %ne3A_373 = arith.cmpi ne, %rem3A_371, %ne3A_372 : i32
        %lt3A_374 = arith.constant 0 : i32
        %lt3A_375 = arith.cmpi slt, %rem3A_371, %lt3A_374 : i32
        %lt3A_376 = arith.constant 0 : i32
        %lt3A_377 = arith.cmpi slt, %select_n3A_370, %lt3A_376 : i32
        %ne3A_378 = arith.xori %lt3A_375, %lt3A_377 : i1
        %and3A_379 = arith.andi %ne3A_378, %ne3A_373 : i1
        %add3A_380 = arith.addi %rem3A_371, %select_n3A_370 : i32
        %select_n3A_381 = arith.select %and3A_379, %add3A_380, %rem3A_371 : i32
        %dma_start3A_382 = arith.constant 0 : i32
        %dma_start3A_383 = arith.constant 0 : i32
        %dma_start3A_384 = tpu.memref_slice %arg5[%select_n3A_381, %dma_start3A_382, %dma_start3A_383] : memref<3x2x128xi32, #tpu.memory_space<vmem>> -> memref<1x2x128xi32, #tpu.memory_space<vmem>>
        %dma_start3A_385 = tpu.memref_squeeze %dma_start3A_384 : memref<1x2x128xi32, #tpu.memory_space<vmem>> -> memref<2x128xi32, #tpu.memory_space<vmem>>
        %dma_start3A_386 = arith.constant 0 : i32
        %dma_start3A_387 = tpu.memref_slice %arg3[%dma_start3A_386, %mul3A_365] : memref<2x320000xi32, #tpu.memory_space<hbm>> -> memref<2x128xi32, #tpu.memory_space<hbm>>
        %dma_start3A_388 = arith.constant 0 : i32
        %dma_start3A_389 = arith.constant 0 : i32
        %dma_start3A_390 = tpu.memref_slice %arg5[%select_n3A_381, %dma_start3A_388, %dma_start3A_389] : memref<3x2x128xi32, #tpu.memory_space<vmem>> -> memref<1x2x128xi32, #tpu.memory_space<vmem>>
        %dma_start3A_391 = tpu.memref_squeeze %dma_start3A_390 : memref<1x2x128xi32, #tpu.memory_space<vmem>> -> memref<2x128xi32, #tpu.memory_space<vmem>>
        %dma_start3A_392 = arith.constant 0 : i32
        %dma_start3A_393 = tpu.memref_slice %arg3[%dma_start3A_392, %mul3A_365] : memref<2x320000xi32, #tpu.memory_space<hbm>> -> memref<2x128xi32, #tpu.memory_space<hbm>>
        tpu.enqueue_dma source(%dma_start3A_393 : memref<2x128xi32, #tpu.memory_space<hbm>>) target(%dma_start3A_391 : memref<2x128xi32, #tpu.memory_space<vmem>>) target_semaphore(%arg9 : memref<!tpu.dma_semaphore, #tpu.memory_space<semaphore_mem>>)
      } else {
      }
      %add3A_265 = arith.constant 1 : i32
      %add3A_266 = arith.addi %while3A_255, %add3A_265 : i32
      %sub3A_267 = arith.constant 1 : i32
      %sub3A_268 = arith.subi %add3A_4, %sub3A_267 : i32
      %le3A_269 = arith.cmpi sle, %add3A_266, %sub3A_268 : i32
      %convert_element_type3A_270 = arith.extui %le3A_269 : i1 to i32
      %cond3A_271 = arith.constant 0 : i32
      %cond3A_272 = arith.cmpi ne, %convert_element_type3A_270, %cond3A_271 : i32
      scf.if %cond3A_272 {
        %add3A_359 = arith.constant 1 : i32
        %add3A_360 = arith.addi %while3A_255, %add3A_359 : i32
        %mul3A_361 = arith.constant 32 : i32
        %mul3A_362 = arith.muli %add3A_360, %mul3A_361 : i32
        %add3A_363 = arith.addi %add3A, %mul3A_362 : i32
        %mul3A_364 = arith.constant 128 : i32
        %mul3A_365 = arith.muli %add3A_363, %mul3A_364 : i32
        %jit3A_366 = arith.constant 3 : i32
        %eq3A_367 = arith.constant 0 : i32
        %eq3A_368 = arith.cmpi eq, %jit3A_366, %eq3A_367 : i32
        %jit3A_369 = arith.constant 1 : i32
        %select_n3A_370 = arith.select %eq3A_368, %jit3A_369, %jit3A_366 : i32
        %rem3A_371 = arith.remsi %add3A_360, %select_n3A_370 : i32
        %ne3A_372 = arith.constant 0 : i32
        %ne3A_373 = arith.cmpi ne, %rem3A_371, %ne3A_372 : i32
        %lt3A_374 = arith.constant 0 : i32
        %lt3A_375 = arith.cmpi slt, %rem3A_371, %lt3A_374 : i32
        %lt3A_376 = arith.constant 0 : i32
        %lt3A_377 = arith.cmpi slt, %select_n3A_370, %lt3A_376 : i32
        %ne3A_378 = arith.xori %lt3A_375, %lt3A_377 : i1
        %and3A_379 = arith.andi %ne3A_378, %ne3A_373 : i1
        %add3A_380 = arith.addi %rem3A_371, %select_n3A_370 : i32
        %select_n3A_381 = arith.select %and3A_379, %add3A_380, %rem3A_371 : i32
        %dma_wait3A_382 = arith.constant 0 : i32
        %dma_wait3A_383 = arith.constant 0 : i32
        %dma_wait3A_384 = tpu.memref_slice %arg5[%select_n3A_381, %dma_wait3A_382, %dma_wait3A_383] : memref<3x2x128xi32, #tpu.memory_space<vmem>> -> memref<1x2x128xi32, #tpu.memory_space<vmem>>
        %dma_wait3A_385 = tpu.memref_squeeze %dma_wait3A_384 : memref<1x2x128xi32, #tpu.memory_space<vmem>> -> memref<2x128xi32, #tpu.memory_space<vmem>>
        %dma_wait3A_386 = arith.constant 0 : i32
        %dma_wait3A_387 = tpu.memref_slice %arg3[%dma_wait3A_386, %mul3A_365] : memref<2x320000xi32, #tpu.memory_space<hbm>> -> memref<2x128xi32, #tpu.memory_space<hbm>>
        %dma_wait3A_388 = arith.constant 0 : i32
        %dma_wait3A_389 = arith.constant 0 : i32
        %dma_wait3A_390 = tpu.memref_slice %arg5[%select_n3A_381, %dma_wait3A_388, %dma_wait3A_389] : memref<3x2x128xi32, #tpu.memory_space<vmem>> -> memref<1x2x128xi32, #tpu.memory_space<vmem>>
        %dma_wait3A_391 = tpu.memref_squeeze %dma_wait3A_390 : memref<1x2x128xi32, #tpu.memory_space<vmem>> -> memref<2x128xi32, #tpu.memory_space<vmem>>
        %dma_wait3A_392 = arith.constant 0 : i32
        %dma_wait3A_393 = tpu.memref_slice %arg3[%dma_wait3A_392, %mul3A_365] : memref<2x320000xi32, #tpu.memory_space<hbm>> -> memref<2x128xi32, #tpu.memory_space<hbm>>
        tpu.wait_dma2 semaphore(%arg9 : memref<!tpu.dma_semaphore, #tpu.memory_space<semaphore_mem>>) src(%dma_wait3A_393 : memref<2x128xi32, #tpu.memory_space<hbm>>) dst(%dma_wait3A_391 : memref<2x128xi32, #tpu.memory_space<vmem>>)
        %add3A_394 = arith.constant 1 : i32
        %add3A_395 = arith.addi %while3A_255, %add3A_394 : i32
        %jit3A_396 = arith.constant 3 : i32
        %eq3A_397 = arith.constant 0 : i32
        %eq3A_398 = arith.cmpi eq, %jit3A_396, %eq3A_397 : i32
        %jit3A_399 = arith.constant 1 : i32
        %select_n3A_400 = arith.select %eq3A_398, %jit3A_399, %jit3A_396 : i32
        %rem3A_401 = arith.remsi %add3A_395, %select_n3A_400 : i32
        %ne3A_402 = arith.constant 0 : i32
        %ne3A_403 = arith.cmpi ne, %rem3A_401, %ne3A_402 : i32
        %lt3A_404 = arith.constant 0 : i32
        %lt3A_405 = arith.cmpi slt, %rem3A_401, %lt3A_404 : i32
        %lt3A_406 = arith.constant 0 : i32
        %lt3A_407 = arith.cmpi slt, %select_n3A_400, %lt3A_406 : i32
        %ne3A_408 = arith.xori %lt3A_405, %lt3A_407 : i1
        %and3A_409 = arith.andi %ne3A_408, %ne3A_403 : i1
        %add3A_410 = arith.addi %rem3A_401, %select_n3A_400 : i32
        %select_n3A_411 = arith.select %and3A_409, %add3A_410, %rem3A_401 : i32
        %jit3A_412 = arith.constant 2 : i32
        %eq3A_413 = arith.constant 0 : i32
        %eq3A_414 = arith.cmpi eq, %jit3A_412, %eq3A_413 : i32
        %jit3A_415 = arith.constant 1 : i32
        %select_n3A_416 = arith.select %eq3A_414, %jit3A_415, %jit3A_412 : i32
        %rem3A_417 = arith.remsi %add3A_395, %select_n3A_416 : i32
        %ne3A_418 = arith.constant 0 : i32
        %ne3A_419 = arith.cmpi ne, %rem3A_417, %ne3A_418 : i32
        %lt3A_420 = arith.constant 0 : i32
        %lt3A_421 = arith.cmpi slt, %rem3A_417, %lt3A_420 : i32
        %lt3A_422 = arith.constant 0 : i32
        %lt3A_423 = arith.cmpi slt, %select_n3A_416, %lt3A_422 : i32
        %ne3A_424 = arith.xori %lt3A_421, %lt3A_423 : i1
        %and3A_425 = arith.andi %ne3A_424, %ne3A_419 : i1
        %add3A_426 = arith.addi %rem3A_417, %select_n3A_416 : i32
        %select_n3A_427 = arith.select %and3A_425, %add3A_426, %rem3A_417 : i32
        %dma_start3A_428 = arith.constant 0 : i32
        %dma_start3A_429 = arith.constant 0 : i32
        %dma_start3A_430 = arith.constant 0 : i32
        %dma_start3A_431 = tpu.memref_slice %arg6[%select_n3A_427, %dma_start3A_429, %dma_start3A_430] : memref<2x128x128xf32, #tpu.memory_space<vmem>> -> memref<1x128x128xf32, #tpu.memory_space<vmem>>
        %dma_start3A_432 = tpu.memref_squeeze %dma_start3A_431 : memref<1x128x128xf32, #tpu.memory_space<vmem>> -> memref<128x128xf32, #tpu.memory_space<vmem>>
        %dma_start3A_433 = arith.constant 0 : i32
        %dma_start3A_434 = tpu.memref_slice %arg5[%select_n3A_411, %dma_start3A_428, %dma_start3A_433] : memref<3x2x128xi32, #tpu.memory_space<vmem>> -> memref<1x1x128xi32, #tpu.memory_space<vmem>>
        %dma_start3A_435 = tpu.memref_squeeze %dma_start3A_434 : memref<1x1x128xi32, #tpu.memory_space<vmem>> -> memref<128xi32, #tpu.memory_space<vmem>>
        %dma_start3A_436 = arith.constant 0 : i32
        %dma_start3A_437 = arith.constant 0 : i32
        %dma_start3A_438 = tpu.memref_slice %arg2[%dma_start3A_436, %dma_start3A_437] : memref<10000x128xf32, #tpu.memory_space<hbm>> -> memref<10000x128xf32, #tpu.memory_space<hbm>>
        tpu.enqueue_indirect_dma source(%dma_start3A_438 : memref<10000x128xf32, #tpu.memory_space<hbm>>) target(%dma_start3A_432 : memref<128x128xf32, #tpu.memory_space<vmem>>) offsets(%dma_start3A_435 : memref<128xi32, #tpu.memory_space<vmem>>) semaphore(%arg10 : memref<!tpu.dma_semaphore, #tpu.memory_space<semaphore_mem>>)
      } else {
      }
      %jit3A_273 = arith.constant 3 : i32
      %eq3A_274 = arith.constant 0 : i32
      %eq3A_275 = arith.cmpi eq, %jit3A_273, %eq3A_274 : i32
      %jit3A_276 = arith.constant 1 : i32
      %select_n3A_277 = arith.select %eq3A_275, %jit3A_276, %jit3A_273 : i32
      %rem3A_278 = arith.remsi %while3A_255, %select_n3A_277 : i32
      %ne3A_279 = arith.constant 0 : i32
      %ne3A_280 = arith.cmpi ne, %rem3A_278, %ne3A_279 : i32
      %lt3A_281 = arith.constant 0 : i32
      %lt3A_282 = arith.cmpi slt, %rem3A_278, %lt3A_281 : i32
      %lt3A_283 = arith.constant 0 : i32
      %lt3A_284 = arith.cmpi slt, %select_n3A_277, %lt3A_283 : i32
      %ne3A_285 = arith.xori %lt3A_282, %lt3A_284 : i1
      %and3A_286 = arith.andi %ne3A_285, %ne3A_280 : i1
      %add3A_287 = arith.addi %rem3A_278, %select_n3A_277 : i32
      %select_n3A_288 = arith.select %and3A_286, %add3A_287, %rem3A_278 : i32
      %jit3A_289 = arith.constant 2 : i32
      %eq3A_290 = arith.constant 0 : i32
      %eq3A_291 = arith.cmpi eq, %jit3A_289, %eq3A_290 : i32
      %jit3A_292 = arith.constant 1 : i32
      %select_n3A_293 = arith.select %eq3A_291, %jit3A_292, %jit3A_289 : i32
      %rem3A_294 = arith.remsi %while3A_255, %select_n3A_293 : i32
      %ne3A_295 = arith.constant 0 : i32
      %ne3A_296 = arith.cmpi ne, %rem3A_294, %ne3A_295 : i32
      %lt3A_297 = arith.constant 0 : i32
      %lt3A_298 = arith.cmpi slt, %rem3A_294, %lt3A_297 : i32
      %lt3A_299 = arith.constant 0 : i32
      %lt3A_300 = arith.cmpi slt, %select_n3A_293, %lt3A_299 : i32
      %ne3A_301 = arith.xori %lt3A_298, %lt3A_300 : i1
      %and3A_302 = arith.andi %ne3A_301, %ne3A_296 : i1
      %add3A_303 = arith.addi %rem3A_294, %select_n3A_293 : i32
      %select_n3A_304 = arith.select %and3A_302, %add3A_303, %rem3A_294 : i32
      %dma_wait3A_305 = arith.constant 0 : i32
      %dma_wait3A_306 = arith.constant 0 : i32
      %dma_wait3A_307 = arith.constant 0 : i32
      %dma_wait3A_308 = tpu.memref_slice %arg6[%select_n3A_304, %dma_wait3A_306, %dma_wait3A_307] : memref<2x128x128xf32, #tpu.memory_space<vmem>> -> memref<1x128x128xf32, #tpu.memory_space<vmem>>
      %dma_wait3A_309 = tpu.memref_squeeze %dma_wait3A_308 : memref<1x128x128xf32, #tpu.memory_space<vmem>> -> memref<128x128xf32, #tpu.memory_space<vmem>>
      %dma_wait3A_310 = arith.constant 0 : i32
      %dma_wait3A_311 = tpu.memref_slice %arg5[%select_n3A_288, %dma_wait3A_305, %dma_wait3A_310] : memref<3x2x128xi32, #tpu.memory_space<vmem>> -> memref<1x1x128xi32, #tpu.memory_space<vmem>>
      %dma_wait3A_312 = tpu.memref_squeeze %dma_wait3A_311 : memref<1x1x128xi32, #tpu.memory_space<vmem>> -> memref<128xi32, #tpu.memory_space<vmem>>
      %dma_wait3A_313 = arith.constant 0 : i32
      %dma_wait3A_314 = arith.constant 0 : i32
      %dma_wait3A_315 = tpu.memref_slice %arg2[%dma_wait3A_313, %dma_wait3A_314] : memref<10000x128xf32, #tpu.memory_space<hbm>> -> memref<10000x128xf32, #tpu.memory_space<hbm>>
      tpu.wait_indirect_dma semaphore(%arg10 : memref<!tpu.dma_semaphore, #tpu.memory_space<semaphore_mem>>) src(%dma_wait3A_315 : memref<10000x128xf32, #tpu.memory_space<hbm>>) dst(%dma_wait3A_309 : memref<128x128xf32, #tpu.memory_space<vmem>>)
      %jit3A_316 = arith.constant 3 : i32
      %eq3A_317 = arith.constant 0 : i32
      %eq3A_318 = arith.cmpi eq, %jit3A_316, %eq3A_317 : i32
      %jit3A_319 = arith.constant 1 : i32
      %select_n3A_320 = arith.select %eq3A_318, %jit3A_319, %jit3A_316 : i32
      %rem3A_321 = arith.remsi %while3A_255, %select_n3A_320 : i32
      %ne3A_322 = arith.constant 0 : i32
      %ne3A_323 = arith.cmpi ne, %rem3A_321, %ne3A_322 : i32
      %lt3A_324 = arith.constant 0 : i32
      %lt3A_325 = arith.cmpi slt, %rem3A_321, %lt3A_324 : i32
      %lt3A_326 = arith.constant 0 : i32
      %lt3A_327 = arith.cmpi slt, %select_n3A_320, %lt3A_326 : i32
      %ne3A_328 = arith.xori %lt3A_325, %lt3A_327 : i1
      %and3A_329 = arith.andi %ne3A_328, %ne3A_323 : i1
      %add3A_330 = arith.addi %rem3A_321, %select_n3A_320 : i32
      %select_n3A_331 = arith.select %and3A_329, %add3A_330, %rem3A_321 : i32
      %jit3A_332 = arith.constant 2 : i32
      %eq3A_333 = arith.constant 0 : i32
      %eq3A_334 = arith.cmpi eq, %jit3A_332, %eq3A_333 : i32
      %jit3A_335 = arith.constant 1 : i32
      %select_n3A_336 = arith.select %eq3A_334, %jit3A_335, %jit3A_332 : i32
      %rem3A_337 = arith.remsi %while3A_255, %select_n3A_336 : i32
      %ne3A_338 = arith.constant 0 : i32
      %ne3A_339 = arith.cmpi ne, %rem3A_337, %ne3A_338 : i32
      %lt3A_340 = arith.constant 0 : i32
      %lt3A_341 = arith.cmpi slt, %rem3A_337, %lt3A_340 : i32
      %lt3A_342 = arith.constant 0 : i32
      %lt3A_343 = arith.cmpi slt, %select_n3A_336, %lt3A_342 : i32
      %ne3A_344 = arith.xori %lt3A_341, %lt3A_343 : i1
      %and3A_345 = arith.andi %ne3A_344, %ne3A_339 : i1
      %add3A_346 = arith.addi %rem3A_337, %select_n3A_336 : i32
      %select_n3A_347 = arith.select %and3A_345, %add3A_346, %rem3A_337 : i32
      %dma_start3A_348 = arith.constant 1 : i32
      %dma_start3A_349 = arith.constant 0 : i32
      %dma_start3A_350 = arith.constant 0 : i32
      %dma_start3A_351 = tpu.memref_slice %arg6[%select_n3A_347, %dma_start3A_349, %dma_start3A_350] : memref<2x128x128xf32, #tpu.memory_space<vmem>> -> memref<1x128x128xf32, #tpu.memory_space<vmem>>
      %dma_start3A_352 = tpu.memref_squeeze %dma_start3A_351 : memref<1x128x128xf32, #tpu.memory_space<vmem>> -> memref<128x128xf32, #tpu.memory_space<vmem>>
      %dma_start3A_353 = arith.constant 0 : i32
      %dma_start3A_354 = tpu.memref_slice %arg5[%select_n3A_331, %dma_start3A_348, %dma_start3A_353] : memref<3x2x128xi32, #tpu.memory_space<vmem>> -> memref<1x1x128xi32, #tpu.memory_space<vmem>>
      %dma_start3A_355 = tpu.memref_squeeze %dma_start3A_354 : memref<1x1x128xi32, #tpu.memory_space<vmem>> -> memref<128xi32, #tpu.memory_space<vmem>>
      %dma_start3A_356 = arith.constant 0 : i32
      %dma_start3A_357 = arith.constant 0 : i32
      %dma_start3A_358 = tpu.memref_slice %arg8[%dma_start3A_356, %dma_start3A_357] : memref<10240x128xf32, #tpu.memory_space<vmem_shared>> -> memref<10240x128xf32, #tpu.memory_space<vmem_shared>>
      tpu.enqueue_indirect_dma source(%dma_start3A_352 : memref<128x128xf32, #tpu.memory_space<vmem>>) target(%dma_start3A_358 : memref<10240x128xf32, #tpu.memory_space<vmem_shared>>) offsets(%dma_start3A_355 : memref<128xi32, #tpu.memory_space<vmem>>) semaphore(%arg11 : memref<!tpu.dma_semaphore, #tpu.memory_space<semaphore_mem>>) {add = true}
    }
    %sub3A = arith.constant 1 : i32
    %sub3A_210 = arith.subi %add3A_4, %sub3A : i32
    %jit3A_211 = arith.constant 3 : i32
    %eq3A = arith.constant 0 : i32
    %eq3A_212 = arith.cmpi eq, %jit3A_211, %eq3A : i32
    %jit3A_213 = arith.constant 1 : i32
    %select_n3A_214 = arith.select %eq3A_212, %jit3A_213, %jit3A_211 : i32
    %rem3A = arith.remsi %sub3A_210, %select_n3A_214 : i32
    %ne3A = arith.constant 0 : i32
    %ne3A_215 = arith.cmpi ne, %rem3A, %ne3A : i32
    %lt3A_216 = arith.constant 0 : i32
    %lt3A_217 = arith.cmpi slt, %rem3A, %lt3A_216 : i32
    %lt3A_218 = arith.constant 0 : i32
    %lt3A_219 = arith.cmpi slt, %select_n3A_214, %lt3A_218 : i32
    %ne3A_220 = arith.xori %lt3A_217, %lt3A_219 : i1
    %and3A = arith.andi %ne3A_220, %ne3A_215 : i1
    %add3A_221 = arith.addi %rem3A, %select_n3A_214 : i32
    %select_n3A_222 = arith.select %and3A, %add3A_221, %rem3A : i32
    %jit3A_223 = arith.constant 2 : i32
    %eq3A_224 = arith.constant 0 : i32
    %eq3A_225 = arith.cmpi eq, %jit3A_223, %eq3A_224 : i32
    %jit3A_226 = arith.constant 1 : i32
    %select_n3A_227 = arith.select %eq3A_225, %jit3A_226, %jit3A_223 : i32
    %rem3A_228 = arith.remsi %sub3A_210, %select_n3A_227 : i32
    %ne3A_229 = arith.constant 0 : i32
    %ne3A_230 = arith.cmpi ne, %rem3A_228, %ne3A_229 : i32
    %lt3A_231 = arith.constant 0 : i32
    %lt3A_232 = arith.cmpi slt, %rem3A_228, %lt3A_231 : i32
    %lt3A_233 = arith.constant 0 : i32
    %lt3A_234 = arith.cmpi slt, %select_n3A_227, %lt3A_233 : i32
    %ne3A_235 = arith.xori %lt3A_232, %lt3A_234 : i1
    %and3A_236 = arith.andi %ne3A_235, %ne3A_230 : i1
    %add3A_237 = arith.addi %rem3A_228, %select_n3A_227 : i32
    %select_n3A_238 = arith.select %and3A_236, %add3A_237, %rem3A_228 : i32
    %dma_wait3A_239 = arith.constant 1 : i32
    %dma_wait3A_240 = arith.constant 0 : i32
    %dma_wait3A_241 = arith.constant 0 : i32
    %dma_wait3A_242 = tpu.memref_slice %arg6[%select_n3A_238, %dma_wait3A_240, %dma_wait3A_241] : memref<2x128x128xf32, #tpu.memory_space<vmem>> -> memref<1x128x128xf32, #tpu.memory_space<vmem>>
    %dma_wait3A_243 = tpu.memref_squeeze %dma_wait3A_242 : memref<1x128x128xf32, #tpu.memory_space<vmem>> -> memref<128x128xf32, #tpu.memory_space<vmem>>
    %dma_wait3A_244 = arith.constant 0 : i32
    %dma_wait3A_245 = tpu.memref_slice %arg5[%select_n3A_222, %dma_wait3A_239, %dma_wait3A_244] : memref<3x2x128xi32, #tpu.memory_space<vmem>> -> memref<1x1x128xi32, #tpu.memory_space<vmem>>
    %dma_wait3A_246 = tpu.memref_squeeze %dma_wait3A_245 : memref<1x1x128xi32, #tpu.memory_space<vmem>> -> memref<128xi32, #tpu.memory_space<vmem>>
    %dma_wait3A_247 = arith.constant 0 : i32
    %dma_wait3A_248 = arith.constant 0 : i32
    %dma_wait3A_249 = tpu.memref_slice %arg8[%dma_wait3A_247, %dma_wait3A_248] : memref<10240x128xf32, #tpu.memory_space<vmem_shared>> -> memref<10240x128xf32, #tpu.memory_space<vmem_shared>>
    tpu.wait_indirect_dma semaphore(%arg11 : memref<!tpu.dma_semaphore, #tpu.memory_space<semaphore_mem>>) src(%dma_wait3A_243 : memref<128x128xf32, #tpu.memory_space<vmem>>) dst(%dma_wait3A_249 : memref<10240x128xf32, #tpu.memory_space<vmem_shared>>)
    %barrier3A_250 = arith.constant 0 : index
    tpu.barrier barrier_id(%barrier3A_250)
    %mul3A_251 = arith.constant 640 : i32
    %mul3A_252 = arith.muli %arg1, %mul3A_251 : i32
    %mul3A_253 = arith.constant 640 : i32
    %mul3A_254 = arith.muli %arg1, %mul3A_253 : i32
    "tpu.region"() ({
      %run_scoped3A = tpu.sem_alloc : memref<!tpu.dma_semaphore, #tpu.memory_space<semaphore_mem>>
      %dma_start3A_255 = arith.constant 0 : i32
      %dma_start3A_256 = tpu.memref_slice %arg4[%arg0, %mul3A_254, %dma_start3A_255] : memref<2x10240x128xf32, #tpu.memory_space<hbm>> -> memref<1x640x128xf32, #tpu.memory_space<hbm>>
      %dma_start3A_257 = tpu.memref_squeeze %dma_start3A_256 : memref<1x640x128xf32, #tpu.memory_space<hbm>> -> memref<640x128xf32, #tpu.memory_space<hbm>>
      %dma_start3A_258 = arith.constant 0 : i32
      %dma_start3A_259 = tpu.memref_slice %arg8[%mul3A_252, %dma_start3A_258] : memref<10240x128xf32, #tpu.memory_space<vmem_shared>> -> memref<640x128xf32, #tpu.memory_space<vmem_shared>>
      tpu.enqueue_dma source(%dma_start3A_259 : memref<640x128xf32, #tpu.memory_space<vmem_shared>>) target(%dma_start3A_257 : memref<640x128xf32, #tpu.memory_space<hbm>>) target_semaphore(%run_scoped3A : memref<!tpu.dma_semaphore, #tpu.memory_space<semaphore_mem>>)
      %dma_wait3A_260 = arith.constant 0 : i32
      %dma_wait3A_261 = tpu.memref_slice %arg4[%arg0, %mul3A_254, %dma_wait3A_260] : memref<2x10240x128xf32, #tpu.memory_space<hbm>> -> memref<1x640x128xf32, #tpu.memory_space<hbm>>
      %dma_wait3A_262 = tpu.memref_squeeze %dma_wait3A_261 : memref<1x640x128xf32, #tpu.memory_space<hbm>> -> memref<640x128xf32, #tpu.memory_space<hbm>>
      %dma_wait3A_263 = arith.constant 0 : i32
      %dma_wait3A_264 = tpu.memref_slice %arg8[%mul3A_252, %dma_wait3A_263] : memref<10240x128xf32, #tpu.memory_space<vmem_shared>> -> memref<640x128xf32, #tpu.memory_space<vmem_shared>>
      tpu.wait_dma2 semaphore(%run_scoped3A : memref<!tpu.dma_semaphore, #tpu.memory_space<semaphore_mem>>) src(%dma_wait3A_264 : memref<640x128xf32, #tpu.memory_space<vmem_shared>>) dst(%dma_wait3A_262 : memref<640x128xf32, #tpu.memory_space<hbm>>)
      tpu.yield
    }) : () -> ()
    return
  }
}

module attributes {stable_mosaic.version = 14 : i64} {
  func.func @_mlp_body(%arg0: i32, %arg1: memref<2000x128xf32, #tpu.memory_space<vmem>>, %arg2: memref<1x2000x128xf32, #tpu.memory_space<vmem>>, %arg3: memref<1x2000x128xf32, #tpu.memory_space<vmem>>, %arg4: memref<128x128xf32, #tpu.memory_space<vmem>>, %arg5: memref<1x128xf32, #tpu.memory_space<vmem>>, %arg6: memref<128x128xf32, #tpu.memory_space<vmem>>, %arg7: memref<1x128xf32, #tpu.memory_space<vmem>>, %arg8: memref<2000x128xf32, #tpu.memory_space<vmem>>) attributes {dimension_semantics = [#tpu.dimension_semantics<arbitrary>], iteration_bounds = array<i64: 5>, scalar_prefetch = 0 : i64, scratch_operands = 0 : i64, tpu.core_type = #tpu.core_type<tc>, window_params = [{transform_indices = @transform_0, window_bounds = array<i64: 2000, 128>}, {transform_indices = @transform_1, window_bounds = array<i64: 1, 2000, 128>}, {transform_indices = @transform_2, window_bounds = array<i64: 1, 2000, 128>}, {pipeline_mode = #tpu.pipeline_mode<synchronous>, transform_indices = @transform_3, window_bounds = array<i64: 128, 128>}, {pipeline_mode = #tpu.pipeline_mode<synchronous>, transform_indices = @transform_4, window_bounds = array<i64: 1, 128>}, {pipeline_mode = #tpu.pipeline_mode<synchronous>, transform_indices = @transform_5, window_bounds = array<i64: 128, 128>}, {pipeline_mode = #tpu.pipeline_mode<synchronous>, transform_indices = @transform_6, window_bounds = array<i64: 1, 128>}, {transform_indices = @transform_7, window_bounds = array<i64: 2000, 128>}]} {
    %get3A = arith.constant 0 : index
    %get3A_0 = arith.constant 0 : index
    %get3A_1 = vector.load %arg1[%get3A, %get3A_0] : memref<2000x128xf32, #tpu.memory_space<vmem>>, vector<2000x128xf32>
    %get3A_2 = arith.constant 0 : index
    %get3A_3 = arith.constant 0 : index
    %get3A_4 = arith.constant 0 : index
    %get3A_5 = vector.load %arg2[%get3A_2, %get3A_3, %get3A_4] : memref<1x2000x128xf32, #tpu.memory_space<vmem>>, vector<1x2000x128xf32>
    %get3A_6 = vector.shape_cast %get3A_5 : vector<1x2000x128xf32> to vector<2000x128xf32>
    %add3A = arith.addf %get3A_1, %get3A_6 : vector<2000x128xf32>
    %get3A_7 = arith.constant 0 : index
    %get3A_8 = arith.constant 0 : index
    %get3A_9 = arith.constant 0 : index
    %get3A_10 = vector.load %arg3[%get3A_7, %get3A_8, %get3A_9] : memref<1x2000x128xf32, #tpu.memory_space<vmem>>, vector<1x2000x128xf32>
    %get3A_11 = vector.shape_cast %get3A_10 : vector<1x2000x128xf32> to vector<2000x128xf32>
    %add3A_12 = arith.addf %add3A, %get3A_11 : vector<2000x128xf32>
    %get3A_13 = arith.constant 0 : index
    %get3A_14 = arith.constant 0 : index
    %get3A_15 = vector.load %arg4[%get3A_13, %get3A_14] : memref<128x128xf32, #tpu.memory_space<vmem>>, vector<128x128xf32>
    %dot_general3A = arith.constant dense<0.000000e+00> : vector<2000x128xf32>
    %dot_general3A_16 = tpu.matmul %add3A_12, %get3A_15, %dot_general3A {dimension_numbers = #tpu.dot_dimension_numbers<[1], [0], [0], [1], [0, 0, 1, 1], [], []>, transpose_lhs_hint = false} : vector<2000x128xf32>, vector<128x128xf32>, vector<2000x128xf32> -> vector<2000x128xf32>
    %get3A_17 = arith.constant 0 : index
    %get3A_18 = arith.constant 0 : index
    %get3A_19 = vector.load %arg5[%get3A_17, %get3A_18] : memref<1x128xf32, #tpu.memory_space<vmem>>, vector<1x128xf32>
    %add3A_20 = vector.broadcast %get3A_19 : vector<1x128xf32> to vector<2000x128xf32>
    %add3A_21 = arith.addf %dot_general3A_16, %add3A_20 : vector<2000x128xf32>
    %max3A = arith.constant 0.000000e+00 : f32
    %max3A_22 = vector.broadcast %max3A : f32 to vector<2000x128xf32>
    %max3A_23 = arith.maximumf %add3A_21, %max3A_22 : vector<2000x128xf32>
    %get3A_24 = arith.constant 0 : index
    %get3A_25 = arith.constant 0 : index
    %get3A_26 = vector.load %arg6[%get3A_24, %get3A_25] : memref<128x128xf32, #tpu.memory_space<vmem>>, vector<128x128xf32>
    %dot_general3A_27 = arith.constant dense<0.000000e+00> : vector<2000x128xf32>
    %dot_general3A_28 = tpu.matmul %max3A_23, %get3A_26, %dot_general3A_27 {dimension_numbers = #tpu.dot_dimension_numbers<[1], [0], [0], [1], [0, 0, 1, 1], [], []>, transpose_lhs_hint = false} : vector<2000x128xf32>, vector<128x128xf32>, vector<2000x128xf32> -> vector<2000x128xf32>
    %get3A_29 = arith.constant 0 : index
    %get3A_30 = arith.constant 0 : index
    %get3A_31 = vector.load %arg7[%get3A_29, %get3A_30] : memref<1x128xf32, #tpu.memory_space<vmem>>, vector<1x128xf32>
    %add3A_32 = vector.broadcast %get3A_31 : vector<1x128xf32> to vector<2000x128xf32>
    %add3A_33 = arith.addf %dot_general3A_28, %add3A_32 : vector<2000x128xf32>
    %max3A_34 = arith.constant 0.000000e+00 : f32
    %max3A_35 = vector.broadcast %max3A_34 : f32 to vector<2000x128xf32>
    %max3A_36 = arith.maximumf %add3A_33, %max3A_35 : vector<2000x128xf32>
    %swap3A = arith.constant 0 : index
    %swap3A_37 = arith.constant 0 : index
    %swap3A_38 = vector.load %arg8[%swap3A, %swap3A_37] : memref<2000x128xf32, #tpu.memory_space<vmem>>, vector<2000x128xf32>
    tpu.vector_store %arg8[%swap3A, %swap3A_37], %max3A_36 {strides = array<i32>} : memref<2000x128xf32, #tpu.memory_space<vmem>>, vector<2000x128xf32>,
    return
  }
  func.func @transform_0(%arg0: i32) -> (i32, i32) {
    %c0_i32 = arith.constant 0 : i32
    %c0_i32_0 = arith.constant 0 : i32
    return %arg0, %c0_i32 : i32, i32
  }
  func.func @transform_1(%arg0: i32) -> (i32, i32, i32) {
    %c0_i32 = arith.constant 0 : i32
    %c0_i32_0 = arith.constant 0 : i32
    %c0_i32_1 = arith.constant 0 : i32
    return %c0_i32, %arg0, %c0_i32_0 : i32, i32, i32
  }
  func.func @transform_2(%arg0: i32) -> (i32, i32, i32) {
    %c1_i32 = arith.constant 1 : i32
    %c0_i32 = arith.constant 0 : i32
    %c0_i32_0 = arith.constant 0 : i32
    return %c1_i32, %arg0, %c0_i32 : i32, i32, i32
  }
  func.func @transform_3(%arg0: i32) -> (i32, i32) {
    %c0_i32 = arith.constant 0 : i32
    %c0_i32_0 = arith.constant 0 : i32
    %c0_i32_1 = arith.constant 0 : i32
    return %c0_i32, %c0_i32_0 : i32, i32
  }
  func.func @transform_4(%arg0: i32) -> (i32, i32) {
    %c0_i32 = arith.constant 0 : i32
    %c0_i32_0 = arith.constant 0 : i32
    %c0_i32_1 = arith.constant 0 : i32
    return %c0_i32, %c0_i32_0 : i32, i32
  }
  func.func @transform_5(%arg0: i32) -> (i32, i32) {
    %c0_i32 = arith.constant 0 : i32
    %c0_i32_0 = arith.constant 0 : i32
    %c0_i32_1 = arith.constant 0 : i32
    return %c0_i32, %c0_i32_0 : i32, i32
  }
  func.func @transform_6(%arg0: i32) -> (i32, i32) {
    %c0_i32 = arith.constant 0 : i32
    %c0_i32_0 = arith.constant 0 : i32
    %c0_i32_1 = arith.constant 0 : i32
    return %c0_i32, %c0_i32_0 : i32, i32
  }
  func.func @transform_7(%arg0: i32) -> (i32, i32) {
    %c0_i32 = arith.constant 0 : i32
    %c0_i32_0 = arith.constant 0 : i32
    return %arg0, %c0_i32 : i32, i32
  }
}

module attributes {stable_mosaic.version = 14 : i64} {
  func.func @_final_body(%arg0: i32, %arg1: memref<2000x128xf32, #tpu.memory_space<vmem>>, %arg2: memref<1x2000x128xf32, #tpu.memory_space<vmem>>, %arg3: memref<1x2000x128xf32, #tpu.memory_space<vmem>>, %arg4: memref<128x128xf32, #tpu.memory_space<vmem>>, %arg5: memref<1x128xf32, #tpu.memory_space<vmem>>, %arg6: memref<128x128xf32, #tpu.memory_space<vmem>>, %arg7: memref<1x128xf32, #tpu.memory_space<vmem>>, %arg8: memref<2000x128xf32, #tpu.memory_space<vmem>>, %arg9: memref<2000x128xf32, #tpu.memory_space<vmem>>, %arg10: memref<2000x128xf32, #tpu.memory_space<vmem>>, %arg11: memref<2000x128xf32, #tpu.memory_space<vmem>>, %arg12: memref<1x1x2000xi32, #tpu.memory_space<vmem>>, %arg13: memref<5x128x128xf32, #tpu.memory_space<vmem>>, %arg14: memref<1x128xf32, #tpu.memory_space<vmem>>, %arg15: memref<128x128xf32, #tpu.memory_space<vmem>>, %arg16: memref<1x128xf32, #tpu.memory_space<vmem>>, %arg17: memref<128x16xf32, #tpu.memory_space<vmem>>, %arg18: memref<1x16xf32, #tpu.memory_space<vmem>>, %arg19: memref<128x16xf32, #tpu.memory_space<vmem>>, %arg20: memref<128x128xf32, #tpu.memory_space<vmem>>) attributes {dimension_semantics = [#tpu.dimension_semantics<arbitrary>], iteration_bounds = array<i64: 5>, scalar_prefetch = 0 : i64, scratch_operands = 1 : i64, tpu.core_type = #tpu.core_type<tc>, window_params = [{transform_indices = @transform_0, window_bounds = array<i64: 2000, 128>}, {transform_indices = @transform_1, window_bounds = array<i64: 1, 2000, 128>}, {transform_indices = @transform_2, window_bounds = array<i64: 1, 2000, 128>}, {pipeline_mode = #tpu.pipeline_mode<synchronous>, transform_indices = @transform_3, window_bounds = array<i64: 128, 128>}, {pipeline_mode = #tpu.pipeline_mode<synchronous>, transform_indices = @transform_4, window_bounds = array<i64: 1, 128>}, {pipeline_mode = #tpu.pipeline_mode<synchronous>, transform_indices = @transform_5, window_bounds = array<i64: 128, 128>}, {pipeline_mode = #tpu.pipeline_mode<synchronous>, transform_indices = @transform_6, window_bounds = array<i64: 1, 128>}, {transform_indices = @transform_7, window_bounds = array<i64: 2000, 128>}, {transform_indices = @transform_8, window_bounds = array<i64: 2000, 128>}, {transform_indices = @transform_9, window_bounds = array<i64: 2000, 128>}, {transform_indices = @transform_10, window_bounds = array<i64: 2000, 128>}, {transform_indices = @transform_11, window_bounds = array<i64: 1, 1, 2000>}, {pipeline_mode = #tpu.pipeline_mode<synchronous>, transform_indices = @transform_12, window_bounds = array<i64: 5, 128, 128>}, {pipeline_mode = #tpu.pipeline_mode<synchronous>, transform_indices = @transform_13, window_bounds = array<i64: 1, 128>}, {pipeline_mode = #tpu.pipeline_mode<synchronous>, transform_indices = @transform_14, window_bounds = array<i64: 128, 128>}, {pipeline_mode = #tpu.pipeline_mode<synchronous>, transform_indices = @transform_15, window_bounds = array<i64: 1, 128>}, {pipeline_mode = #tpu.pipeline_mode<synchronous>, transform_indices = @transform_16, window_bounds = array<i64: 128, 16>}, {pipeline_mode = #tpu.pipeline_mode<synchronous>, transform_indices = @transform_17, window_bounds = array<i64: 1, 16>}, {pipeline_mode = #tpu.pipeline_mode<synchronous>, transform_indices = @transform_18, window_bounds = array<i64: 128, 16>}]} {
    %eq3A = arith.constant 0 : i32
    %eq3A_0 = arith.cmpi eq, %arg0, %eq3A : i32
    %convert_element_type3A = arith.extui %eq3A_0 : i1 to i32
    %cond3A = arith.constant 0 : i32
    %cond3A_1 = arith.cmpi ne, %convert_element_type3A, %cond3A : i32
    scf.if %cond3A_1 {
      %broadcast_in_dim3A_143 = arith.constant 0.000000e+00 : f32
      %broadcast_in_dim3A_144 = vector.broadcast %broadcast_in_dim3A_143 : f32 to vector<128x128xf32>
      %swap3A_145 = arith.constant 0 : index
      %swap3A_146 = arith.constant 0 : index
      %swap3A_147 = vector.load %arg20[%swap3A_145, %swap3A_146] : memref<128x128xf32, #tpu.memory_space<vmem>>, vector<128x128xf32>
      tpu.vector_store %arg20[%swap3A_145, %swap3A_146], %broadcast_in_dim3A_144 {strides = array<i32>} : memref<128x128xf32, #tpu.memory_space<vmem>>, vector<128x128xf32>,
    } else {
    }
    %get3A = arith.constant 0 : index
    %get3A_2 = arith.constant 0 : index
    %get3A_3 = vector.load %arg1[%get3A, %get3A_2] : memref<2000x128xf32, #tpu.memory_space<vmem>>, vector<2000x128xf32>
    %get3A_4 = arith.constant 0 : index
    %get3A_5 = arith.constant 0 : index
    %get3A_6 = arith.constant 0 : index
    %get3A_7 = vector.load %arg2[%get3A_4, %get3A_5, %get3A_6] : memref<1x2000x128xf32, #tpu.memory_space<vmem>>, vector<1x2000x128xf32>
    %get3A_8 = vector.shape_cast %get3A_7 : vector<1x2000x128xf32> to vector<2000x128xf32>
    %add3A = arith.addf %get3A_3, %get3A_8 : vector<2000x128xf32>
    %get3A_9 = arith.constant 0 : index
    %get3A_10 = arith.constant 0 : index
    %get3A_11 = arith.constant 0 : index
    %get3A_12 = vector.load %arg3[%get3A_9, %get3A_10, %get3A_11] : memref<1x2000x128xf32, #tpu.memory_space<vmem>>, vector<1x2000x128xf32>
    %get3A_13 = vector.shape_cast %get3A_12 : vector<1x2000x128xf32> to vector<2000x128xf32>
    %add3A_14 = arith.addf %add3A, %get3A_13 : vector<2000x128xf32>
    %get3A_15 = arith.constant 0 : index
    %get3A_16 = arith.constant 0 : index
    %get3A_17 = vector.load %arg4[%get3A_15, %get3A_16] : memref<128x128xf32, #tpu.memory_space<vmem>>, vector<128x128xf32>
    %dot_general3A = arith.constant dense<0.000000e+00> : vector<2000x128xf32>
    %dot_general3A_18 = tpu.matmul %add3A_14, %get3A_17, %dot_general3A {dimension_numbers = #tpu.dot_dimension_numbers<[1], [0], [0], [1], [0, 0, 1, 1], [], []>, transpose_lhs_hint = false} : vector<2000x128xf32>, vector<128x128xf32>, vector<2000x128xf32> -> vector<2000x128xf32>
    %get3A_19 = arith.constant 0 : index
    %get3A_20 = arith.constant 0 : index
    %get3A_21 = vector.load %arg5[%get3A_19, %get3A_20] : memref<1x128xf32, #tpu.memory_space<vmem>>, vector<1x128xf32>
    %add3A_22 = vector.broadcast %get3A_21 : vector<1x128xf32> to vector<2000x128xf32>
    %add3A_23 = arith.addf %dot_general3A_18, %add3A_22 : vector<2000x128xf32>
    %max3A = arith.constant 0.000000e+00 : f32
    %max3A_24 = vector.broadcast %max3A : f32 to vector<2000x128xf32>
    %max3A_25 = arith.maximumf %add3A_23, %max3A_24 : vector<2000x128xf32>
    %get3A_26 = arith.constant 0 : index
    %get3A_27 = arith.constant 0 : index
    %get3A_28 = vector.load %arg6[%get3A_26, %get3A_27] : memref<128x128xf32, #tpu.memory_space<vmem>>, vector<128x128xf32>
    %dot_general3A_29 = arith.constant dense<0.000000e+00> : vector<2000x128xf32>
    %dot_general3A_30 = tpu.matmul %max3A_25, %get3A_28, %dot_general3A_29 {dimension_numbers = #tpu.dot_dimension_numbers<[1], [0], [0], [1], [0, 0, 1, 1], [], []>, transpose_lhs_hint = false} : vector<2000x128xf32>, vector<128x128xf32>, vector<2000x128xf32> -> vector<2000x128xf32>
    %get3A_31 = arith.constant 0 : index
    %get3A_32 = arith.constant 0 : index
    %get3A_33 = vector.load %arg7[%get3A_31, %get3A_32] : memref<1x128xf32, #tpu.memory_space<vmem>>, vector<1x128xf32>
    %add3A_34 = vector.broadcast %get3A_33 : vector<1x128xf32> to vector<2000x128xf32>
    %add3A_35 = arith.addf %dot_general3A_30, %add3A_34 : vector<2000x128xf32>
    %max3A_36 = arith.constant 0.000000e+00 : f32
    %max3A_37 = vector.broadcast %max3A_36 : f32 to vector<2000x128xf32>
    %max3A_38 = arith.maximumf %add3A_35, %max3A_37 : vector<2000x128xf32>
    %get3A_39 = arith.constant 4 : index
    %get3A_40 = arith.constant 0 : index
    %get3A_41 = arith.constant 0 : index
    %get3A_42 = vector.load %arg13[%get3A_39, %get3A_40, %get3A_41] : memref<5x128x128xf32, #tpu.memory_space<vmem>>, vector<1x128x128xf32>
    %get3A_43 = vector.shape_cast %get3A_42 : vector<1x128x128xf32> to vector<128x128xf32>
    %dot_general3A_44 = arith.constant dense<0.000000e+00> : vector<2000x128xf32>
    %dot_general3A_45 = tpu.matmul %max3A_38, %get3A_43, %dot_general3A_44 {dimension_numbers = #tpu.dot_dimension_numbers<[1], [0], [0], [1], [0, 0, 1, 1], [], []>, transpose_lhs_hint = false} : vector<2000x128xf32>, vector<128x128xf32>, vector<2000x128xf32> -> vector<2000x128xf32>
    %get3A_46 = arith.constant 0 : index
    %get3A_47 = arith.constant 0 : index
    %get3A_48 = vector.load %arg8[%get3A_46, %get3A_47] : memref<2000x128xf32, #tpu.memory_space<vmem>>, vector<2000x128xf32>
    %get3A_49 = arith.constant 0 : index
    %get3A_50 = arith.constant 0 : index
    %get3A_51 = arith.constant 0 : index
    %get3A_52 = vector.load %arg13[%get3A_49, %get3A_50, %get3A_51] : memref<5x128x128xf32, #tpu.memory_space<vmem>>, vector<1x128x128xf32>
    %get3A_53 = vector.shape_cast %get3A_52 : vector<1x128x128xf32> to vector<128x128xf32>
    %dot_general3A_54 = arith.constant dense<0.000000e+00> : vector<2000x128xf32>
    %dot_general3A_55 = tpu.matmul %get3A_48, %get3A_53, %dot_general3A_54 {dimension_numbers = #tpu.dot_dimension_numbers<[1], [0], [0], [1], [0, 0, 1, 1], [], []>, transpose_lhs_hint = false} : vector<2000x128xf32>, vector<128x128xf32>, vector<2000x128xf32> -> vector<2000x128xf32>
    %add3A_56 = arith.addf %dot_general3A_45, %dot_general3A_55 : vector<2000x128xf32>
    %get3A_57 = arith.constant 0 : index
    %get3A_58 = arith.constant 0 : index
    %get3A_59 = vector.load %arg9[%get3A_57, %get3A_58] : memref<2000x128xf32, #tpu.memory_space<vmem>>, vector<2000x128xf32>
    %get3A_60 = arith.constant 1 : index
    %get3A_61 = arith.constant 0 : index
    %get3A_62 = arith.constant 0 : index
    %get3A_63 = vector.load %arg13[%get3A_60, %get3A_61, %get3A_62] : memref<5x128x128xf32, #tpu.memory_space<vmem>>, vector<1x128x128xf32>
    %get3A_64 = vector.shape_cast %get3A_63 : vector<1x128x128xf32> to vector<128x128xf32>
    %dot_general3A_65 = arith.constant dense<0.000000e+00> : vector<2000x128xf32>
    %dot_general3A_66 = tpu.matmul %get3A_59, %get3A_64, %dot_general3A_65 {dimension_numbers = #tpu.dot_dimension_numbers<[1], [0], [0], [1], [0, 0, 1, 1], [], []>, transpose_lhs_hint = false} : vector<2000x128xf32>, vector<128x128xf32>, vector<2000x128xf32> -> vector<2000x128xf32>
    %add3A_67 = arith.addf %add3A_56, %dot_general3A_66 : vector<2000x128xf32>
    %get3A_68 = arith.constant 0 : index
    %get3A_69 = arith.constant 0 : index
    %get3A_70 = vector.load %arg10[%get3A_68, %get3A_69] : memref<2000x128xf32, #tpu.memory_space<vmem>>, vector<2000x128xf32>
    %get3A_71 = arith.constant 2 : index
    %get3A_72 = arith.constant 0 : index
    %get3A_73 = arith.constant 0 : index
    %get3A_74 = vector.load %arg13[%get3A_71, %get3A_72, %get3A_73] : memref<5x128x128xf32, #tpu.memory_space<vmem>>, vector<1x128x128xf32>
    %get3A_75 = vector.shape_cast %get3A_74 : vector<1x128x128xf32> to vector<128x128xf32>
    %dot_general3A_76 = arith.constant dense<0.000000e+00> : vector<2000x128xf32>
    %dot_general3A_77 = tpu.matmul %get3A_70, %get3A_75, %dot_general3A_76 {dimension_numbers = #tpu.dot_dimension_numbers<[1], [0], [0], [1], [0, 0, 1, 1], [], []>, transpose_lhs_hint = false} : vector<2000x128xf32>, vector<128x128xf32>, vector<2000x128xf32> -> vector<2000x128xf32>
    %add3A_78 = arith.addf %add3A_67, %dot_general3A_77 : vector<2000x128xf32>
    %get3A_79 = arith.constant 0 : index
    %get3A_80 = arith.constant 0 : index
    %get3A_81 = vector.load %arg11[%get3A_79, %get3A_80] : memref<2000x128xf32, #tpu.memory_space<vmem>>, vector<2000x128xf32>
    %get3A_82 = arith.constant 3 : index
    %get3A_83 = arith.constant 0 : index
    %get3A_84 = arith.constant 0 : index
    %get3A_85 = vector.load %arg13[%get3A_82, %get3A_83, %get3A_84] : memref<5x128x128xf32, #tpu.memory_space<vmem>>, vector<1x128x128xf32>
    %get3A_86 = vector.shape_cast %get3A_85 : vector<1x128x128xf32> to vector<128x128xf32>
    %dot_general3A_87 = arith.constant dense<0.000000e+00> : vector<2000x128xf32>
    %dot_general3A_88 = tpu.matmul %get3A_81, %get3A_86, %dot_general3A_87 {dimension_numbers = #tpu.dot_dimension_numbers<[1], [0], [0], [1], [0, 0, 1, 1], [], []>, transpose_lhs_hint = false} : vector<2000x128xf32>, vector<128x128xf32>, vector<2000x128xf32> -> vector<2000x128xf32>
    %add3A_89 = arith.addf %add3A_78, %dot_general3A_88 : vector<2000x128xf32>
    %get3A_90 = arith.constant 0 : index
    %get3A_91 = arith.constant 0 : index
    %get3A_92 = vector.load %arg14[%get3A_90, %get3A_91] : memref<1x128xf32, #tpu.memory_space<vmem>>, vector<1x128xf32>
    %add3A_93 = vector.broadcast %get3A_92 : vector<1x128xf32> to vector<2000x128xf32>
    %add3A_94 = arith.addf %add3A_89, %add3A_93 : vector<2000x128xf32>
    %get3A_95 = arith.constant 0 : index
    %get3A_96 = arith.constant 0 : index
    %get3A_97 = arith.constant 0 : index
    %get3A_98 = vector.load %arg12[%get3A_95, %get3A_96, %get3A_97] : memref<1x1x2000xi32, #tpu.memory_space<vmem>>, vector<1x1x2000xi32>
    %get3A_99 = vector.shape_cast %get3A_98 : vector<1x1x2000xi32> to vector<2000xi32>
    %broadcast_in_dim3A = vector.shape_cast %get3A_99 : vector<2000xi32> to vector<1x2000xi32>
    %iota3A = tpu.iota {dimensions = array<i32: 0>} : vector<128x2000xi32>
    %eq3A_100 = vector.broadcast %broadcast_in_dim3A : vector<1x2000xi32> to vector<128x2000xi32>
    %eq3A_101 = arith.cmpi eq, %eq3A_100, %iota3A : vector<128x2000xi32>
    %get3A_102 = arith.constant 0 : index
    %get3A_103 = arith.constant 0 : index
    %get3A_104 = vector.load %arg20[%get3A_102, %get3A_103] : memref<128x128xf32, #tpu.memory_space<vmem>>, vector<128x128xf32>
    %convert_element_type3A_105 = arith.extui %eq3A_101 : vector<128x2000xi1> to vector<128x2000xi32>
    %convert_element_type3A_106 = arith.sitofp %convert_element_type3A_105 : vector<128x2000xi32> to vector<128x2000xf32>
    %dot_general3A_107 = arith.constant dense<0.000000e+00> : vector<128x128xf32>
    %dot_general3A_108 = tpu.matmul %convert_element_type3A_106, %add3A_94, %dot_general3A_107 {dimension_numbers = #tpu.dot_dimension_numbers<[1], [0], [0], [1], [0, 0, 1, 1], [], []>, transpose_lhs_hint = false} : vector<128x2000xf32>, vector<2000x128xf32>, vector<128x128xf32> -> vector<128x128xf32>
    %add3A_109 = arith.addf %get3A_104, %dot_general3A_108 : vector<128x128xf32>
    %swap3A = arith.constant 0 : index
    %swap3A_110 = arith.constant 0 : index
    %swap3A_111 = vector.load %arg20[%swap3A, %swap3A_110] : memref<128x128xf32, #tpu.memory_space<vmem>>, vector<128x128xf32>
    tpu.vector_store %arg20[%swap3A, %swap3A_110], %add3A_109 {strides = array<i32>} : memref<128x128xf32, #tpu.memory_space<vmem>>, vector<128x128xf32>,
    %get3A_112 = arith.constant 0 : index
    %get3A_113 = arith.constant 0 : index
    %get3A_114 = vector.load %arg20[%get3A_112, %get3A_113] : memref<128x128xf32, #tpu.memory_space<vmem>>, vector<128x128xf32>
    %get3A_115 = arith.constant 0 : index
    %get3A_116 = arith.constant 0 : index
    %get3A_117 = vector.load %arg15[%get3A_115, %get3A_116] : memref<128x128xf32, #tpu.memory_space<vmem>>, vector<128x128xf32>
    %dot_general3A_118 = arith.constant dense<0.000000e+00> : vector<128x128xf32>
    %dot_general3A_119 = tpu.matmul %get3A_114, %get3A_117, %dot_general3A_118 {dimension_numbers = #tpu.dot_dimension_numbers<[1], [0], [0], [1], [0, 0, 1, 1], [], []>, transpose_lhs_hint = false} : vector<128x128xf32>, vector<128x128xf32>, vector<128x128xf32> -> vector<128x128xf32>
    %get3A_120 = arith.constant 0 : index
    %get3A_121 = arith.constant 0 : index
    %get3A_122 = vector.load %arg16[%get3A_120, %get3A_121] : memref<1x128xf32, #tpu.memory_space<vmem>>, vector<1x128xf32>
    %add3A_123 = vector.broadcast %get3A_122 : vector<1x128xf32> to vector<128x128xf32>
    %add3A_124 = arith.addf %dot_general3A_119, %add3A_123 : vector<128x128xf32>
    %mul3A = arith.constant 0.999994993 : f32
    %mul3A_125 = vector.broadcast %mul3A : f32 to vector<128x128xf32>
    %mul3A_126 = arith.mulf %add3A_124, %mul3A_125 : vector<128x128xf32>
    %max3A_127 = arith.constant 0.000000e+00 : f32
    %max3A_128 = vector.broadcast %max3A_127 : f32 to vector<128x128xf32>
    %max3A_129 = arith.maximumf %mul3A_126, %max3A_128 : vector<128x128xf32>
    %get3A_130 = arith.constant 0 : index
    %get3A_131 = arith.constant 0 : index
    %get3A_132 = vector.load %arg17[%get3A_130, %get3A_131] : memref<128x16xf32, #tpu.memory_space<vmem>>, vector<128x16xf32>
    %dot_general3A_133 = arith.constant dense<0.000000e+00> : vector<128x16xf32>
    %dot_general3A_134 = tpu.matmul %max3A_129, %get3A_132, %dot_general3A_133 {dimension_numbers = #tpu.dot_dimension_numbers<[1], [0], [0], [1], [0, 0, 1, 1], [], []>, transpose_lhs_hint = false} : vector<128x128xf32>, vector<128x16xf32>, vector<128x16xf32> -> vector<128x16xf32>
    %get3A_135 = arith.constant 0 : index
    %get3A_136 = arith.constant 0 : index
    %get3A_137 = vector.load %arg18[%get3A_135, %get3A_136] : memref<1x16xf32, #tpu.memory_space<vmem>>, vector<1x16xf32>
    %add3A_138 = vector.broadcast %get3A_137 : vector<1x16xf32> to vector<128x16xf32>
    %add3A_139 = arith.addf %dot_general3A_134, %add3A_138 : vector<128x16xf32>
    %swap3A_140 = arith.constant 0 : index
    %swap3A_141 = arith.constant 0 : index
    %swap3A_142 = vector.load %arg19[%swap3A_140, %swap3A_141] : memref<128x16xf32, #tpu.memory_space<vmem>>, vector<128x16xf32>
    tpu.vector_store %arg19[%swap3A_140, %swap3A_141], %add3A_139 {strides = array<i32>} : memref<128x16xf32, #tpu.memory_space<vmem>>, vector<128x16xf32>,
    return
  }
  func.func @transform_0(%arg0: i32) -> (i32, i32) {
    %c0_i32 = arith.constant 0 : i32
    %c0_i32_0 = arith.constant 0 : i32
    return %arg0, %c0_i32 : i32, i32
  }
  func.func @transform_1(%arg0: i32) -> (i32, i32, i32) {
    %c0_i32 = arith.constant 0 : i32
    %c0_i32_0 = arith.constant 0 : i32
    %c0_i32_1 = arith.constant 0 : i32
    return %c0_i32, %arg0, %c0_i32_0 : i32, i32, i32
  }
  func.func @transform_2(%arg0: i32) -> (i32, i32, i32) {
    %c1_i32 = arith.constant 1 : i32
    %c0_i32 = arith.constant 0 : i32
    %c0_i32_0 = arith.constant 0 : i32
    return %c1_i32, %arg0, %c0_i32 : i32, i32, i32
  }
  func.func @transform_3(%arg0: i32) -> (i32, i32) {
    %c0_i32 = arith.constant 0 : i32
    %c0_i32_0 = arith.constant 0 : i32
    %c0_i32_1 = arith.constant 0 : i32
    return %c0_i32, %c0_i32_0 : i32, i32
  }
  func.func @transform_4(%arg0: i32) -> (i32, i32) {
    %c0_i32 = arith.constant 0 : i32
    %c0_i32_0 = arith.constant 0 : i32
    %c0_i32_1 = arith.constant 0 : i32
    return %c0_i32, %c0_i32_0 : i32, i32
  }
  func.func @transform_5(%arg0: i32) -> (i32, i32) {
    %c0_i32 = arith.constant 0 : i32
    %c0_i32_0 = arith.constant 0 : i32
    %c0_i32_1 = arith.constant 0 : i32
    return %c0_i32, %c0_i32_0 : i32, i32
  }
  func.func @transform_6(%arg0: i32) -> (i32, i32) {
    %c0_i32 = arith.constant 0 : i32
    %c0_i32_0 = arith.constant 0 : i32
    %c0_i32_1 = arith.constant 0 : i32
    return %c0_i32, %c0_i32_0 : i32, i32
  }
  func.func @transform_7(%arg0: i32) -> (i32, i32) {
    %c0_i32 = arith.constant 0 : i32
    %c0_i32_0 = arith.constant 0 : i32
    return %arg0, %c0_i32 : i32, i32
  }
  func.func @transform_8(%arg0: i32) -> (i32, i32) {
    %c0_i32 = arith.constant 0 : i32
    %c0_i32_0 = arith.constant 0 : i32
    return %arg0, %c0_i32 : i32, i32
  }
  func.func @transform_9(%arg0: i32) -> (i32, i32) {
    %c0_i32 = arith.constant 0 : i32
    %c0_i32_0 = arith.constant 0 : i32
    return %arg0, %c0_i32 : i32, i32
  }
  func.func @transform_10(%arg0: i32) -> (i32, i32) {
    %c0_i32 = arith.constant 0 : i32
    %c0_i32_0 = arith.constant 0 : i32
    return %arg0, %c0_i32 : i32, i32
  }
  func.func @transform_11(%arg0: i32) -> (i32, i32, i32) {
    %c0_i32 = arith.constant 0 : i32
    %c0_i32_0 = arith.constant 0 : i32
    %c0_i32_1 = arith.constant 0 : i32
    return %arg0, %c0_i32, %c0_i32_0 : i32, i32, i32
  }
  func.func @transform_12(%arg0: i32) -> (i32, i32, i32) {
    %c0_i32 = arith.constant 0 : i32
    %c0_i32_0 = arith.constant 0 : i32
    %c0_i32_1 = arith.constant 0 : i32
    %c0_i32_2 = arith.constant 0 : i32
    return %c0_i32, %c0_i32_0, %c0_i32_1 : i32, i32, i32
  }
  func.func @transform_13(%arg0: i32) -> (i32, i32) {
    %c0_i32 = arith.constant 0 : i32
    %c0_i32_0 = arith.constant 0 : i32
    %c0_i32_1 = arith.constant 0 : i32
    return %c0_i32, %c0_i32_0 : i32, i32
  }
  func.func @transform_14(%arg0: i32) -> (i32, i32) {
    %c0_i32 = arith.constant 0 : i32
    %c0_i32_0 = arith.constant 0 : i32
    %c0_i32_1 = arith.constant 0 : i32
    return %c0_i32, %c0_i32_0 : i32, i32
  }
  func.func @transform_15(%arg0: i32) -> (i32, i32) {
    %c0_i32 = arith.constant 0 : i32
    %c0_i32_0 = arith.constant 0 : i32
    %c0_i32_1 = arith.constant 0 : i32
    return %c0_i32, %c0_i32_0 : i32, i32
  }
  func.func @transform_16(%arg0: i32) -> (i32, i32) {
    %c0_i32 = arith.constant 0 : i32
    %c0_i32_0 = arith.constant 0 : i32
    %c0_i32_1 = arith.constant 0 : i32
    return %c0_i32, %c0_i32_0 : i32, i32
  }
  func.func @transform_17(%arg0: i32) -> (i32, i32) {
    %c0_i32 = arith.constant 0 : i32
    %c0_i32_0 = arith.constant 0 : i32
    %c0_i32_1 = arith.constant 0 : i32
    return %c0_i32, %c0_i32_0 : i32, i32
  }
  func.func @transform_18(%arg0: i32) -> (i32, i32) {
    %c0_i32 = arith.constant 0 : i32
    %c0_i32_0 = arith.constant 0 : i32
    %c0_i32_1 = arith.constant 0 : i32
    return %c0_i32, %c0_i32_0 : i32, i32
  }
}

</mosaic_0001>

<sc_bundles>
// kernel: kernel.12.cloned.1.call-start
scs
__scs_entry_jumppad:
0x0: {  	(pc) =	sbr.rel $0x88, $3  }
0x1: {  	(tag) =	ssettag $0x0;
	lr =	simm.s32 $0x1  }
0x2: {  	[smem:$0x3F94] =	sst lr;
	_ =	strace $0xD0000000  }
0x3: {  	_ = 	snop  }
0x4: {  	_ = 	snop  }
0x5: {  	_ = 	snop  }
0x6: {  	_ = 	snop  }
0x7: {  	_ = 	snop  }
__scs_overlays_trampoline_lowered:
0x8: {  	[smem:$0x3FA3] =	sst s0  }
0x9: {  	[smem:$0x3FA4] =	sst s1  }
0xa: {  	[smem:$0x3FA5] =	sst s2  }
0xb: {  	[smem:$0x3FA6] =	sst s3  }
0xc: {  	[smem:$0x3FA7] =	sst s4  }
0xd: {  	[smem:$0x3FA8] =	sst s5  }
0xe: {  	[smem:$0x3FA9] =	sst s6  }
0xf: {  	[smem:$0x3FAA] =	sst s7  }
0x10: {  	[smem:$0x3FAB] =	sst s8  }
0x11: {  	[smem:$0x3FAC] =	sst s9;
	s0 =	simm.s32 @!p0 $0x0  }
0x12: {  	s1 =	sld [smem:$0x3F92];
	s0 =	simm.s32 @p0 $0x1  }
0x13: {  	[smem:$0x3FAD] =	sst s0;
	s0 =	simm.s32 @!p1 $0x0  }
0x14: {  	s2 =	sld [smem:$0x3F91];
	s0 =	simm.s32 @p1 $0x1  }
0x15: {  	[smem:$0x3FAE] =	sst s0;
	s0 =	simm.s32 @!p2 $0x0  }
0x16: {  	s3 =	sld [smem:$0x3FDB];
	s0 =	simm.s32 @p2 $0x1  }
0x17: {  	s4 =	simm.s32 $0x1BF5;
	[smem:$0x3FB0] =	sst s0  }
0x18: {  	s0 =	sld [smem:$0x3F93];
	_ =	swait.ge [sflag:s4], $0x0  }
0x19: {  	s7 =	sld [smem:$0x3F94]  }
0x1a: {  	s8 =	sadd.s32 $0xFFFFE003, lr  }
0x1b: {  	s9 =	sadd.s32 $0xFFFFFEF7, lr;
	s5 =	simm.s32 $0xFFFFFFFF;
	p2 =	slt.u32 s8, $0xFFFFF086  }
0x1c: {  	p1 =	slt.u32 s9, $0xF7A;
	s5 =	simm.s32 @!p2 $0x0  }
0x1d: {  	s5 =	simm.s32 @p1 $0x1;
	p0 =	seq.s32 s7, s2  }
0x1e: {  	s7 =	smul.u32 @!p0 $0xF7A, s2;
	p2 =	seq.s32 @!p0 s5, $0x0  }
0x1f: {  	s9 =	smul.u32 $0xF7A, s1;
	s8 =	simm.s32 @!p0 $0x1BF5;
	p2 =	por !p2, p0  }
0x20: {  	[sflag:s8] =	ssyncset.s32 @!p0 $0xFFFFF086;
	s6 =	sadd.s32 @!p0 s3, s7;
	s7 =	simm.s32 @!p0 $0x108  }
0x21: {  	s3 =	sadd.s32 s3, s9;
	s6 =	sadd.s32 @!p0 $0x88, s6;
	s7 =	simm.s32 @p2 $0x1082  }
0x22: {  	[simem:s7], [sflag:s8] =	dma.local @!p0 [hbm:s6], $0xF7A  }
0x23: {  	s9 =	sor.u32 $0xD0000000, s2;
	s6 =	simm.s32 $0x108;
	_ =	swait.ge @!p0 [sflag:s8], $0x0  }
0x24: {  	s3 =	sadd.s32 $0x88, s3;
	s6 =	simm.s32 @!p1 $0x1082;
	[sflag:s4] =	ssyncset.s32 $0xFFFFF086  }
0x25: {  	[simem:s6], [sflag:s4] =	dma.local [hbm:s3], $0xF7A  }
0x26: {  	[smem:$0x3F94] =	sst s1;
	(tag) =	ssettag s2;
	_ =	strace s9  }
0x27: {  	s1 =	sld [smem:$0x3FA4]  }
0x28: {  	s2 =	sld [smem:$0x3FA5]  }
0x29: {  	s4 =	sld [smem:$0x3FA7]  }
0x2a: {  	p0 =	seq.s32 s5, $0x0;
	s5 =	sld [smem:$0x3FA8]  }
0x2b: {  	s6 =	sld [smem:$0x3FA9]  }
0x2c: {  	s7 =	sld [smem:$0x3FAA]  }
0x2d: {  	s3 =	simm.s32 $0x108;
	s8 =	sld [smem:$0x3FAB]  }
0x2e: {  	s3 =	simm.s32 @!p0 $0x1082;
	s9 =	sld [smem:$0x3FAC]  }
0x2f: {  	lr =	sadd.s32 s0, s3;
	s0 =	sld [smem:$0x3FA3]  }
0x30: {  	s3 =	sld [smem:$0x3FA6]  }
0x31: {  	[smem:$0x3FAF] =	sst s10  }
0x32: {  	s10 =	sld [smem:$0x3FAD];
	_ =	sdelay $0x3  }
0x33: {  	p0 =	seq.s32 s10, $0x1;
	s10 =	sld [smem:$0x3FAF];
	_ =	sdelay $0x3  }
0x34: {  	[smem:$0x3FAF] =	sst s10  }
0x35: {  	s10 =	sld [smem:$0x3FAE];
	_ =	sdelay $0x3  }
0x36: {  	p1 =	seq.s32 s10, $0x1;
	s10 =	sld [smem:$0x3FAF];
	_ =	sdelay $0x3  }
0x37: {  	[smem:$0x3FAF] =	sst s10  }
0x38: {  	s10 =	sld [smem:$0x3FB0]  }
0x39: {  	_ = 	snop;
	(pc) =	sbr.ind lr, $3  }
0x3a: {  	_ = 	snop  }
0x3b: {  	_ = 	snop  }
0x3c: {  	p2 =	seq.s32 s10, $0x1;
	s10 =	sld [smem:$0x3FAF]  }
0x3d: {  	_ =	shalt  }
0x3e: {  	_ =	shalt  }
0x3f: {  	_ =	shalt  }
0x40: {  	_ =	shalt  }
0x41: {  	_ =	shalt  }
0x42: {  	_ =	shalt  }
0x43: {  	_ =	shalt  }
0x44: {  	_ =	shalt  }
0x45: {  	_ =	shalt  }
0x46: {  	_ =	shalt  }
0x47: {  	_ =	shalt  }
0x48: {  	_ =	shalt  }
0x49: {  	_ =	shalt  }
0x4a: {  	_ =	shalt  }
0x4b: {  	_ =	shalt  }
0x4c: {  	_ =	shalt  }
0x4d: {  	_ =	shalt  }
0x4e: {  	_ =	shalt  }
0x4f: {  	_ =	shalt  }
0x50: {  	_ =	shalt  }
0x51: {  	_ =	shalt  }
0x52: {  	_ =	shalt  }
0x53: {  	_ =	shalt  }
0x54: {  	_ =	shalt  }
0x55: {  	_ =	shalt  }
0x56: {  	_ =	shalt  }
0x57: {  	_ =	shalt  }
0x58: {  	_ =	shalt  }
0x59: {  	_ =	shalt  }
0x5a: {  	_ =	shalt  }
0x5b: {  	_ =	shalt  }
0x5c: {  	_ =	shalt  }
0x5d: {  	_ =	shalt  }
0x5e: {  	_ =	shalt  }
0x5f: {  	_ =	shalt  }
0x60: {  	_ =	shalt  }
0x61: {  	_ =	shalt  }
0x62: {  	_ =	shalt  }
0x63: {  	_ =	shalt  }
0x64: {  	_ =	shalt  }
0x65: {  	_ =	shalt  }
0x66: {  	_ =	shalt  }
0x67: {  	_ =	shalt  }
0x68: {  	_ =	shalt  }
0x69: {  	_ =	shalt  }
0x6a: {  	_ =	shalt  }
0x6b: {  	_ =	shalt  }
0x6c: {  	_ =	shalt  }
0x6d: {  	_ =	shalt  }
0x6e: {  	_ =	shalt  }
0x6f: {  	_ =	shalt  }
0x70: {  	_ =	shalt  }
0x71: {  	_ =	shalt  }
0x72: {  	_ =	shalt  }
0x73: {  	_ =	shalt  }
0x74: {  	_ =	shalt  }
0x75: {  	_ =	shalt  }
0x76: {  	_ =	shalt  }
0x77: {  	_ =	shalt  }
0x78: {  	_ =	shalt  }
0x79: {  	_ =	shalt  }
0x7a: {  	_ =	shalt  }
0x7b: {  	_ =	shalt  }
0x7c: {  	_ =	shalt  }
0x7d: {  	_ =	shalt  }
0x7e: {  	_ =	shalt  }
0x7f: {  	_ =	shalt  }
0x80: {  	_ =	shalt  }
0x81: {  	_ =	shalt  }
0x82: {  	_ =	shalt  }
0x83: {  	_ =	shalt  }
0x84: {  	_ =	shalt  }
0x85: {  	_ =	shalt  }
0x86: {  	_ =	shalt  }
0x87: {  	_ =	shalt  }
.Lfunc_end0:
.L_simem_size_0:
called_computation_lowered:
.L_overlay_start_0:
0x88: {  	s2 =	sld [smem:$0x3FD9]  }
0x89: {  	s3 =	sld [smem:$0x3FFE];
	_ =	sdelay $0x1  }
0x8a: {  	s1 =	srdreg.scid  }
0x8b: {  	s0 =	sand.u32 $0x1, s1  }
0x8c: {  	s17 =	sshll.u32 s0, $0xA;
	s2 =	sadd.s32 s3, s2  }
0x8d: {  	s2 =	sadd.s32 s2, s17  }
0x8e: {  	[smem:$0x3FBB] =	sst s2  }
0x8f: {  	_ = 	snop  }
0x90: {  	s2 =	sld [smem:$0x3FC9]  }
0x91: {  	s18 =	sld [smem:$0x3FC8];
	(tm) =	ssettm $0x1  }
0x92: {  	s4 =	sld [smem:$0x3FFB];
	_ =	sdelay $0x3  }
0x93: {  	_ =	strace s4  }
0x94: {  	s4 =	sld [smem:$0x3FFC];
	_ =	sdelay $0x3  }
0x95: {  	_ =	strace s4  }
0x96: {  	s4 =	sld [smem:$0x3FFD];
	_ =	sdelay $0x3  }
0x97: {  	_ =	strace s4  }
0x98: {  	_ =	strace $0x8FFFFFFF  }
0x99: {  	s19 =	sld [smem:$0x3FDB];
	_ =	sdelay $0x1  }
0x9a: {  	s5 =	simm.s32 $_scs_section_size  }
0x9b: {  	s6 =	simm.s32 $_size__tile_overlayer_lowered;
	s7 =	simm.s32 $_tile_overlayer_lowered  }
0x9c: {  	s22 =	simm.s32 $0x1BFF;
	s21 =	sshll.u32 s7, $0x1;
	s4 =	sadd.s32 s5, s19  }
0x9d: {  	s8 =	simm.s32 $0x0;
	s20 =	sshll.u32 s6, $0x1;
	s6 =	sadd.s32 s21, s4  }
0x9e: {  	[timem:s8], [sflag:s22] =	dma.local [hbm:s6], s20  }
0x9f: {  	_ =	swait.ge [sflag:s22], s20  }
0xa0: {  	s5 =	ssub.s32 $0x0, s20;
	[sflag:s22] =	ssyncset.done $0x0  }
0xa1: {  	[sflag:s22] =	ssyncadd.s32 s5;
	_ =	sdelay $0x1  }
0xa2: {  	s23 =	simm.s32 $0x1B8B  }
0xa3: {  	_ =	swait.ge [sflag:s23], $0x1  }
0xa4: {  	[sflag:s23] =	ssyncset.done $0x0  }
0xa5: {  	s25 =	simm.s32 $0x1B8E;
	s24 =	sld [smem:$0x3FFE];
	[sflag:s23] =	ssyncadd.s32 $0xFFFFFFFF  }
0xa6: {  	s26 =	simm.s32 $execute0_lowered;
	[smem:$0x3FD2] =	sst s25  }
0xa7: {  	s6 =	sshll.u32 s26, $0x1;
	_ =	strace $0x80000046;
	[dreg:$0x1] =	wrdreg $0xFFFFFFFF  }
0xa8: {  	s28 =	simm.s32 $_size_execute0_lowered;
	s4 =	sadd.s32 s4, s6;
	[dreg:$0x0] =	wrdreg $0x0  }
0xa9: {  	s6 =	sshll.u32 s28, $0x1;
	[dreg:$0x2] =	wrdreg s4  }
0xaa: {  	[dreg:$0x3] =	wrdreg s6  }
0xab: {  	[dreg:$0x4] =	wrdreg $0xC0  }
0xac: {  	_ =	task [dreg:s8], $0x5FFFF  }
0xad: {  	[dreg:$0x1] =	wrdreg $0xFFFFFFFF  }
0xae: {  	[dreg:$0x0] =	wrdreg $0x60  }
0xaf: {  	[dreg:$0x2] =	wrdreg s2  }
0xb0: {  	[dreg:$0x3] =	wrdreg s18  }
0xb1: {  	[dreg:$0x4] =	wrdreg s24  }
0xb2: {  	[dreg:$0x5] =	wrdreg $0xAB000  }
0xb3: {  	[dreg:$0x6] =	wrdreg $0x9  }
0xb4: {  	_ =	task.clear_ibuf [dreg:s8], $0x7FFFF;
	_ =	strace $0x90000046  }
0xb5: {  	s29 =	simm.s32 $0x9;
	_ =	strace $0x80000048  }
0xb6: {  	_ =	swait.ge [sflag:s29], $0x1  }
0xb7: {  	[sflag:s29] =	ssyncadd.s32 $0xFFFFFFFF  }
0xb8: {  	_ =	strace $0x90000048  }
0xb9: {  	_ =	sfence  }
0xba: {  	s30 =	sld [smem:$0x0];
	_ =	sdelay $0x2  }
0xbb: {  	s31 =	sshll.u32 s1, $0xD;
	s1 =	sshrl.u32 s1, $0x2  }
0xbc: {  	s3 =	sand.u32 $0x4000, s31;
	s1 =	sadd.s32 s1, s30  }
0xbd: {  	s0 =	sor.u32 s3, s0;
	s1 =	sshll.u32 s1, $0x11  }
0xbe: {  	s0 =	sor.u32 s1, s0  }
0xbf: {  	s0 =	sadd.s32 $0x8F2B, s0  }
0xc0: {  	[sflag:s0] =	ssyncadd.remote.s32 $0x1  }
0xc1: {  	_ =	sfence.sel $0xFFFF  }
0xc2: {  	[dreg:$0x0] =	wrdreg $0xFFFFFFFF;
	(pc) =	sbr.abs _section_cstart, $3  }
0xc3: {  	[dreg:$0x1] =	wrdreg $0xFFFFFFFF  }
0xc4: {  	_ =	task.clear_ibuf [dreg:s8], $0x2FFFF;
	_ =	strace $0x9FFFFFFF  }
0xc5: {  	(tm) =	ssettm $0x7FFFFFFF  }
tec
execute0_lowered:
.L_overlay_start_1:
0x0: {  	(tag) =	ssettag $0x1  }
0x1: {  	s1 =	rddreg [dreg:$0x0]  }
0x2: {  	s2 =	rddreg [dreg:$0x1]  }
0x3: {  	s0 =	srdreg.scid;
	s6 =	rddreg [dreg:$0x2]  }
0x4: {  	s26 =	stileid.u32;
	s3 =	rddreg [dreg:$0x3]  }
0x5: {  	s4 =	simm.s32 $0x0;
	s21 =	simm.s32 $0x8300;
	s23 =	simm.s32 $0x3  }
0x6: {  	s24 =	simm.s32 $0x2;
	s31 =	simm.s32 $0x80;
	s25 =	simm.s32 $0x4  }
0x7: {  	s12 =	sand.u32 $0x1, s0;
	s7 =	smul.u32 $0x14000, s26;
	[smem:$0x7FF] =	sst s4  }
0x8: {  	p0 =	slt.u32 s26, $0x2;
	s30 =	smul.u32 $0x50000, s26;
	s14 =	sshll.u32 s26, $0x9  }
0x9: {  	s5 =	smul.u32 $0x140000, s12;
	s28 =	ssub.s32 $0x2, s12;
	_ =	strace $0x80000047  }
0xa: {  	s8 =	sshll.u32 s12, $0x5;
	s15 =	sshll.u32 s12, $0x8;
	[dreg:$0x5] =	wrdreg s31  }
0xb: {  	s29 =	sshrl.u32 s28, $0x1;
	s9 =	sshrl.u32 s30, $0x2;
	s16 =	sor.u32 s15, s14  }
0xc: {  	s15 =	simm.s32 $0x4E;
	s5 =	sadd.s32 s7, s5;
	s18 =	ssub.s32 s28, s29  }
0xd: {  	s7 =	simm.s32 $0x4F;
	s19 =	sor.u32 $0x4000, s16;
	s15 =	simm.s32 @!p0 $0x4D  }
0xe: {  	s5 =	sshrl.u32 s5, $0x3;
	s7 =	simm.s32 @!p0 $0x4E;
	s19 =	sshrl.u32 s19, $0x3  }
0xf: {  	s18 =	smax.u32 s18, $0x1;
	s17 =	sadd.s32 s5, s6;
	s5 =	sshll.u32 s26, $0x6  }
0x10: {  	[dreg:$0x6] =	wrdreg s7;
	s7 =	sadd.s32 s9, s3;
	s19 =	sadd.s32 s19, s2  }
0x11: {  	s26 =	simm.s32 $0x0;
	s8 =	sor.u32 s8, s5;
	s9 =	sadd.s32 $0x2800, s7  }
0x12: {  	s10 =	sadd.s32 $0x5000, s7;
	s11 =	sadd.s32 $0x7800, s7;
	s12 =	sadd.s32 $0xA000, s7  }
0x13: {  	s13 =	sadd.s32 $0xC800, s7;
	s14 =	sadd.s32 $0xF000, s7;
	s6 =	sadd.s32 s2, s8  }
0x14: {  	v0 =	vimm.f32 $0.0e+00;
	s16 =	sadd.s32 $0x11800, s7;
	s17 =	sadd.s32 $0x4800, s17;
	s8 =	sadd.s32 $0x400, s6  }
.LBB2_1:
0x15: {  	s0 =	simm.s32 $0x0  }
0x16: {  	[tilespmem:s0], [sflag:$0x1] =	stream.linear.gather [hbm4b:s6+s0], $0x100, $0x38;
	[tilespmem:$0x1EB00] =	vst v63  }
0x17: {  	s2 =	simm.s32 $0x100  }
0x18: {  	[tilespmem:s2], [sflag:$0x1] =	stream.linear.gather [hbm4b:s8+s0], $0x100, $0x38;
	[tilespmem:$0x1EB00] =	vst v63  }
0x19: {  	s28 =	simm.s32 $0x200;
	s2 =	simm.s32 $0x0  }
.LBB2_2:
0x1a: {  	p0 =	sne.s32 s28, $0x9E00;
	[tilespmem:s2+$0x8370] =	vst v0  }
0x1b: {  	[tilespmem:s2+$0x8300] =	vst v0  }
0x1c: {  	[tilespmem:s2+$0x8310] =	vst v0  }
.Ltmp0:
0x1d: {  	[tilespmem:s2+$0x8320] =	vst v0;
	(pc) =	sbr.rel @p0 .LBB2_2-.Ltmp0, $4  }
0x1e: {  	[tilespmem:s2+$0x8330] =	vst v0  }
0x1f: {  	[tilespmem:s2+$0x8340] =	vst v0  }
0x20: {  	[tilespmem:s2+$0x8350] =	vst v0  }
0x21: {  	[tilespmem:s2+$0x8360] =	vst v0;
	s2 =	sshra.s32 s28, $0x2;
	s28 =	sadd.s32 $0x200, s28  }
0x22: {  	[tilespmem:s2+$0x8370] =	vst v0  }
0x23: {  	[tilespmem:s2+$0x8300] =	vst v0  }
0x24: {  	[tilespmem:s2+$0x8310] =	vst v0  }
0x25: {  	[tilespmem:s2+$0x8320] =	vst v0  }
0x26: {  	[tilespmem:s2+$0x8330] =	vst v0  }
0x27: {  	[tilespmem:s2+$0x8340] =	vst v0  }
0x28: {  	[tilespmem:s2+$0x8350] =	vst v0  }
0x29: {  	[tilespmem:s2+$0x8360] =	vst v0  }
0x2a: {  	[spmem:s7] =	stream.linear.scatter [tilespmem:s21], [sflag:$0x3], $0x2800, $0x38;
	[tilespmem:$0x1EB00] =	vst v63  }
0x2b: {  	_ = 	snop  }
0x2c: {  	[spmem:s9] =	stream.linear.scatter [tilespmem:s21], [sflag:$0x3], $0x2800, $0x38;
	[tilespmem:$0x1EB00] =	vst v63  }
0x2d: {  	_ = 	snop  }
0x2e: {  	[spmem:s10] =	stream.linear.scatter [tilespmem:s21], [sflag:$0x3], $0x2800, $0x38;
	[tilespmem:$0x1EB00] =	vst v63  }
0x2f: {  	_ = 	snop  }
0x30: {  	[spmem:s11] =	stream.linear.scatter [tilespmem:s21], [sflag:$0x3], $0x2800, $0x38;
	[tilespmem:$0x1EB00] =	vst v63  }
0x31: {  	_ = 	snop  }
0x32: {  	[spmem:s12] =	stream.linear.scatter [tilespmem:s21], [sflag:$0x3], $0x2800, $0x38;
	[tilespmem:$0x1EB00] =	vst v63  }
0x33: {  	_ = 	snop  }
0x34: {  	[spmem:s13] =	stream.linear.scatter [tilespmem:s21], [sflag:$0x3], $0x2800, $0x38;
	[tilespmem:$0x1EB00] =	vst v63  }
0x35: {  	_ = 	snop  }
0x36: {  	[spmem:s14] =	stream.linear.scatter [tilespmem:s21], [sflag:$0x3], $0x2800, $0x38;
	[tilespmem:$0x1EB00] =	vst v63  }
0x37: {  	s30 =	simm.s32 $0x1  }
0x38: {  	[spmem:s16] =	stream.linear.scatter [tilespmem:s21], [sflag:$0x3], $0x2800, $0x38;
	[tilespmem:$0x1EB00] =	vst v63  }
0x39: {  	_ =	swait.ge [sflag:s30], $0x100  }
0x3a: {  	s28 =	simm.s32 $0x80;
	[sflag:s30] =	ssyncset.done $0x0  }
0x3b: {  	s29 =	simm.s32 $0x0;
	s0 =	simm.s32 $0x300;
	[sflag:s30] =	ssyncadd.s32 $0xFFFFFF00  }
0x3c: {  	[tilespmem:s0], [sflag:$0x2] =	stream.indirect.gather [hbm4b:s1+s28], $0x80, s29, s28, $0xb8;
	[tilespmem:$0x1EB00] =	vst v63  }
0x3d: {  	_ =	swait.ge [sflag:s23], $0x2800  }
0x3e: {  	[sflag:s23] =	ssyncset.done $0x0  }
0x3f: {  	[sflag:s23] =	ssyncadd.s32 $0xFFFFD800  }
0x40: {  	_ =	swait.ge [sflag:s23], $0x2800  }
0x41: {  	[sflag:s23] =	ssyncset.done $0x0  }
0x42: {  	[sflag:s23] =	ssyncadd.s32 $0xFFFFD800  }
0x43: {  	_ =	swait.ge [sflag:s23], $0x2800  }
0x44: {  	[sflag:s23] =	ssyncset.done $0x0  }
0x45: {  	[sflag:s23] =	ssyncadd.s32 $0xFFFFD800  }
0x46: {  	_ =	swait.ge [sflag:s23], $0x2800  }
0x47: {  	[sflag:s23] =	ssyncset.done $0x0  }
0x48: {  	[sflag:s23] =	ssyncadd.s32 $0xFFFFD800  }
0x49: {  	_ =	swait.ge [sflag:s23], $0x2800  }
0x4a: {  	[sflag:s23] =	ssyncset.done $0x0  }
0x4b: {  	[sflag:s23] =	ssyncadd.s32 $0xFFFFD800  }
0x4c: {  	_ =	swait.ge [sflag:s23], $0x2800  }
0x4d: {  	[sflag:s23] =	ssyncset.done $0x0  }
0x4e: {  	[sflag:s23] =	ssyncadd.s32 $0xFFFFD800  }
0x4f: {  	_ =	swait.ge [sflag:s23], $0x2800  }
0x50: {  	[sflag:s23] =	ssyncset.done $0x0  }
0x51: {  	[sflag:s23] =	ssyncadd.s32 $0xFFFFD800  }
0x52: {  	_ =	swait.ge [sflag:s23], $0x2800  }
0x53: {  	[sflag:s23] =	ssyncset.done $0x0  }
0x54: {  	[sflag:s23] =	ssyncadd.s32 $0xFFFFD800  }
0x55: {  	s31 =	smov.u32 s19;
	s2 =	simm.s32 $0x0;
	[bflag:$0x0] =	sbarrier.arrive $0xFFFF  }
.LBB2_4:
0x56: {  	s0 =	sadd.s32 $0x2, s29  }
0x57: {  	s20 =	sadd.s32 $0x1, s30;
	p0 =	sgt.u32 s0, s15  }
0x58: {  	s0 =	smul.u32 @!p0 $0xAB, s20;
	_ =	sdelay $0x1  }
0x59: {  	s0 =	sshrl.u32 @!p0 s0, $0x9  }
0x5a: {  	s0 =	sand.u32 @!p0 $0x7F, s0  }
0x5b: {  	p1 =	seq.s32 s2, $0x0;
	s0 =	smul.u32 @!p0 $0x3, s0  }
0x5c: {  	s22 =	simm.s32 @!p1 $0x3  }
0x5d: {  	_ =	swait.ge @!p1 [sflag:s22], $0x4000;
	s0 =	ssub.s32 @!p0 s20, s0  }
0x5e: {  	[sflag:s22] =	ssyncset.done @!p1 $0x0;
	s0 =	sand.u32 @!p0 $0xFF, s0  }
0x5f: {  	[sflag:s22] =	ssyncadd.s32 @!p1 $0xFFFFC000;
	s22 =	simm.s32 @!p0 $0x0;
	s0 =	sshll.u32 @!p0 s0, $0x8  }
0x60: {  	[tilespmem:s0], [sflag:$0x1] =	stream.linear.gather @!p0 [hbm4b:s31+s22], $0x100, $0x38;
	[tilespmem:$0x1EB00] =	vst v63  }
0x61: {  	p0 =	sge.u32 s29, s15  }
0x62: {  	s0 =	sand.u32 @!p0 $0xFF, s30  }
0x63: {  	s0 =	smul.u32 @!p0 $0xAB, s0  }
0x64: {  	s4 =	smulhi.u32 $0xAAAAAAAB, s29  }
0x65: {  	s0 =	sshrl.u32 @!p0 s0, $0x9  }
0x66: {  	s22 =	sshrl.u32 s4, $0x1;
	s4 =	simm.s32 @!p0 $0x1;
	s0 =	smul.u32 @!p0 $0x3, s0  }
0x67: {  	_ =	swait.ge @!p0 [sflag:s4], $0x100  }
0x68: {  	[sflag:s4] =	ssyncset.done @!p0 $0x0;
	s0 =	ssub.s32 @!p0 s30, s0;
	s30 =	sxor.u32 @!p0 $0xFFFFFFFF, s2  }
0x69: {  	[sflag:s4] =	ssyncadd.s32 @!p0 $0xFFFFFF00;
	s0 =	sand.u32 @!p0 $0xFF, s0;
	s4 =	sand.u32 @!p0 $0x4000, s30  }
0x6a: {  	s30 =	simm.s32 @!p0 $0x80;
	s4 =	sor.u32 @!p0 $0x300, s4;
	s0 =	sshll.u32 @!p0 s0, $0x8  }
0x6b: {  	[tilespmem:s4], [sflag:$0x2] =	stream.indirect.gather @!p0 [hbm4b:s1+s30], $0x80, s0, s30, $0xb8;
	[tilespmem:$0x1EB00] =	vst v63  }
0x6c: {  	_ =	swait.ge [sflag:s24], $0x4000  }
0x6d: {  	s29 =	sadd.s32 $0x1, s29;
	s22 =	smul.u32 $0xFFFFF400, s22;
	s30 =	rddreg [dreg:$0x6]  }
0x6e: {  	p0 =	sne.s32 s29, s30  }
.Ltmp1:
0x6f: {  	s31 =	sadd.s32 $0x400, s31;
	s22 =	sshra.s32 s22, $0x2;
	(pc) =	sbr.rel @p0 .LBB2_4-.Ltmp1, $4  }
0x70: {  	s0 =	sadd.s32 s22, s28;
	s22 =	sand.u32 $0x4000, s2;
	s2 =	sadd.s32 $0x4000, s2  }
0x71: {  	s28 =	sadd.s32 $0x100, s28;
	s22 =	sor.u32 $0x300, s22;
	[sflag:s24] =	ssyncset.done $0x0  }
0x72: {  	s4 =	rddreg [dreg:$0x5];
	[sflag:s24] =	ssyncadd.s32 $0xFFFFC000;
	s30 =	smov.u32 s20  }
0x73: {  	[spmem:s3] =	stream.indirect.scatter.add.f32 [tilespmem:s22], [sflag:$0x3], $0x80, s0, s4, $0xb8;
	[tilespmem:$0x1EB00] =	vst v63  }
0x74: {  	_ =	swait.ge [sflag:s23], $0x4000  }
0x75: {  	s26 =	sadd.s32 $0x1, s26;
	[sflag:s23] =	ssyncset.done $0x0  }
0x76: {  	s0 =	sor.u32 $0x1C04, s5;
	p0 =	sne.s32 s26, s18;
	[sflag:s23] =	ssyncadd.s32 $0xFFFFC000  }
.Ltmp2:
0x77: {  	s2 =	sshrl.u32 s7, $0x3;
	[bflag:$0x0] =	sbarrier.arrive $0xFFFF;
	(pc) =	sbr.rel @p0 .LBB2_1-.Ltmp2, $4  }
0x78: {  	[hbm:s17], [sflag:s0] =	dma.local [spmem:s2], $0x2800  }
0x79: {  	_ =	swait.ge [sflag:s25], $0x2800  }
0x7a: {  	[sflag:s25] =	ssyncset.done $0x0  }
0x7b: {  	[sflag:s25] =	ssyncadd.s32 $0xFFFFD800  }
0x7c: {  	_ =	sfence.sel $0x180000  }
0x7d: {  	[bflag:$0x0] =	sbarrier.arrive $0xFFFF  }
0x7e: {  	_ =	strace $0x90000047  }
0x7f: {  	s0 =	stileid.u32;
	[bflag:$0x2] =	sbarrier.arrive $0xFFFF  }
0x80: {  	p0 =	sne.s32 s0, $0x0;
	s0 =	rddreg [dreg:$0x4]  }
0x81: {  	s0 =	sadd.s32 @!p0 $0x100000, s0  }
0x82: {  	[sflag:s0] =	ssyncadd.tile.s32 @!p0 $0x1;
	_ =	shalt  }
.Lfunc_end2:
_tile_overlayer_lowered:
.L_overlay_start_2:
0x83: {  	(tag) =	ssettag $0x2  }
0x84: {  	s0 =	rddreg [dreg:$0x0];
	s2 =	stileid.u32  }
0x85: {  	s1 =	rddreg [dreg:$0x1];
	p0 =	sne.s32 s2, $0x0  }
0x86: {  	s3 =	rddreg [dreg:$0x2];
	[bflag:$0x3] =	sbarrier.arrive $0xFFFF;
	s2 =	simm.s32 @!p0 $0x1C04  }
0x87: {  	[timem:s3], [sflag:s2] =	dma.local @!p0 [hbm:s0], s1  }
0x88: {  	s0 =	simm.s32 @!p0 $0x4  }
0x89: {  	_ =	swait.ge @!p0 [sflag:s0], s1  }
0x8a: {  	s1 =	ssub.s32 @!p0 $0x0, s1;
	[sflag:s0] =	ssyncset.done @!p0 $0x0  }
0x8b: {  	[sflag:s0] =	ssyncadd.s32 @!p0 s1  }
0x8c: {  	[bflag:$0x3] =	sbarrier.arrive $0xFFFF  }
0x8d: {  	_ =	shalt  }

// kernel: kernel.15.cloned.1.call-start
scs
__scs_entry_jumppad:
0x0: {  	(pc) =	sbr.rel $0x88, $3  }
0x1: {  	(tag) =	ssettag $0x0;
	lr =	simm.s32 $0x1  }
0x2: {  	[smem:$0x3F94] =	sst lr;
	_ =	strace $0xD0000000  }
0x3: {  	_ = 	snop  }
0x4: {  	_ = 	snop  }
0x5: {  	_ = 	snop  }
0x6: {  	_ = 	snop  }
0x7: {  	_ = 	snop  }
__scs_overlays_trampoline_lowered:
0x8: {  	[smem:$0x3FA3] =	sst s0  }
0x9: {  	[smem:$0x3FA4] =	sst s1  }
0xa: {  	[smem:$0x3FA5] =	sst s2  }
0xb: {  	[smem:$0x3FA6] =	sst s3  }
0xc: {  	[smem:$0x3FA7] =	sst s4  }
0xd: {  	[smem:$0x3FA8] =	sst s5  }
0xe: {  	[smem:$0x3FA9] =	sst s6  }
0xf: {  	[smem:$0x3FAA] =	sst s7  }
0x10: {  	[smem:$0x3FAB] =	sst s8  }
0x11: {  	[smem:$0x3FAC] =	sst s9;
	s0 =	simm.s32 @!p0 $0x0  }
0x12: {  	s1 =	sld [smem:$0x3F92];
	s0 =	simm.s32 @p0 $0x1  }
0x13: {  	[smem:$0x3FAD] =	sst s0;
	s0 =	simm.s32 @!p1 $0x0  }
0x14: {  	s2 =	sld [smem:$0x3F91];
	s0 =	simm.s32 @p1 $0x1  }
0x15: {  	[smem:$0x3FAE] =	sst s0;
	s0 =	simm.s32 @!p2 $0x0  }
0x16: {  	s3 =	sld [smem:$0x3FDB];
	s0 =	simm.s32 @p2 $0x1  }
0x17: {  	s4 =	simm.s32 $0x1BF5;
	[smem:$0x3FB0] =	sst s0  }
0x18: {  	s0 =	sld [smem:$0x3F93];
	_ =	swait.ge [sflag:s4], $0x0  }
0x19: {  	s7 =	sld [smem:$0x3F94]  }
0x1a: {  	s8 =	sadd.s32 $0xFFFFE003, lr  }
0x1b: {  	s9 =	sadd.s32 $0xFFFFFEF7, lr;
	s5 =	simm.s32 $0xFFFFFFFF;
	p2 =	slt.u32 s8, $0xFFFFF086  }
0x1c: {  	p1 =	slt.u32 s9, $0xF7A;
	s5 =	simm.s32 @!p2 $0x0  }
0x1d: {  	s5 =	simm.s32 @p1 $0x1;
	p0 =	seq.s32 s7, s2  }
0x1e: {  	s7 =	smul.u32 @!p0 $0xF7A, s2;
	p2 =	seq.s32 @!p0 s5, $0x0  }
0x1f: {  	s9 =	smul.u32 $0xF7A, s1;
	s8 =	simm.s32 @!p0 $0x1BF5;
	p2 =	por !p2, p0  }
0x20: {  	[sflag:s8] =	ssyncset.s32 @!p0 $0xFFFFF086;
	s6 =	sadd.s32 @!p0 s3, s7;
	s7 =	simm.s32 @!p0 $0x108  }
0x21: {  	s3 =	sadd.s32 s3, s9;
	s6 =	sadd.s32 @!p0 $0x88, s6;
	s7 =	simm.s32 @p2 $0x1082  }
0x22: {  	[simem:s7], [sflag:s8] =	dma.local @!p0 [hbm:s6], $0xF7A  }
0x23: {  	s9 =	sor.u32 $0xD0000000, s2;
	s6 =	simm.s32 $0x108;
	_ =	swait.ge @!p0 [sflag:s8], $0x0  }
0x24: {  	s3 =	sadd.s32 $0x88, s3;
	s6 =	simm.s32 @!p1 $0x1082;
	[sflag:s4] =	ssyncset.s32 $0xFFFFF086  }
0x25: {  	[simem:s6], [sflag:s4] =	dma.local [hbm:s3], $0xF7A  }
0x26: {  	[smem:$0x3F94] =	sst s1;
	(tag) =	ssettag s2;
	_ =	strace s9  }
0x27: {  	s1 =	sld [smem:$0x3FA4]  }
0x28: {  	s2 =	sld [smem:$0x3FA5]  }
0x29: {  	s4 =	sld [smem:$0x3FA7]  }
0x2a: {  	p0 =	seq.s32 s5, $0x0;
	s5 =	sld [smem:$0x3FA8]  }
0x2b: {  	s6 =	sld [smem:$0x3FA9]  }
0x2c: {  	s7 =	sld [smem:$0x3FAA]  }
0x2d: {  	s3 =	simm.s32 $0x108;
	s8 =	sld [smem:$0x3FAB]  }
0x2e: {  	s3 =	simm.s32 @!p0 $0x1082;
	s9 =	sld [smem:$0x3FAC]  }
0x2f: {  	lr =	sadd.s32 s0, s3;
	s0 =	sld [smem:$0x3FA3]  }
0x30: {  	s3 =	sld [smem:$0x3FA6]  }
0x31: {  	[smem:$0x3FAF] =	sst s10  }
0x32: {  	s10 =	sld [smem:$0x3FAD];
	_ =	sdelay $0x3  }
0x33: {  	p0 =	seq.s32 s10, $0x1;
	s10 =	sld [smem:$0x3FAF];
	_ =	sdelay $0x3  }
0x34: {  	[smem:$0x3FAF] =	sst s10  }
0x35: {  	s10 =	sld [smem:$0x3FAE];
	_ =	sdelay $0x3  }
0x36: {  	p1 =	seq.s32 s10, $0x1;
	s10 =	sld [smem:$0x3FAF];
	_ =	sdelay $0x3  }
0x37: {  	[smem:$0x3FAF] =	sst s10  }
0x38: {  	s10 =	sld [smem:$0x3FB0]  }
0x39: {  	_ = 	snop;
	(pc) =	sbr.ind lr, $3  }
0x3a: {  	_ = 	snop  }
0x3b: {  	_ = 	snop  }
0x3c: {  	p2 =	seq.s32 s10, $0x1;
	s10 =	sld [smem:$0x3FAF]  }
0x3d: {  	_ =	shalt  }
0x3e: {  	_ =	shalt  }
0x3f: {  	_ =	shalt  }
0x40: {  	_ =	shalt  }
0x41: {  	_ =	shalt  }
0x42: {  	_ =	shalt  }
0x43: {  	_ =	shalt  }
0x44: {  	_ =	shalt  }
0x45: {  	_ =	shalt  }
0x46: {  	_ =	shalt  }
0x47: {  	_ =	shalt  }
0x48: {  	_ =	shalt  }
0x49: {  	_ =	shalt  }
0x4a: {  	_ =	shalt  }
0x4b: {  	_ =	shalt  }
0x4c: {  	_ =	shalt  }
0x4d: {  	_ =	shalt  }
0x4e: {  	_ =	shalt  }
0x4f: {  	_ =	shalt  }
0x50: {  	_ =	shalt  }
0x51: {  	_ =	shalt  }
0x52: {  	_ =	shalt  }
0x53: {  	_ =	shalt  }
0x54: {  	_ =	shalt  }
0x55: {  	_ =	shalt  }
0x56: {  	_ =	shalt  }
0x57: {  	_ =	shalt  }
0x58: {  	_ =	shalt  }
0x59: {  	_ =	shalt  }
0x5a: {  	_ =	shalt  }
0x5b: {  	_ =	shalt  }
0x5c: {  	_ =	shalt  }
0x5d: {  	_ =	shalt  }
0x5e: {  	_ =	shalt  }
0x5f: {  	_ =	shalt  }
0x60: {  	_ =	shalt  }
0x61: {  	_ =	shalt  }
0x62: {  	_ =	shalt  }
0x63: {  	_ =	shalt  }
0x64: {  	_ =	shalt  }
0x65: {  	_ =	shalt  }
0x66: {  	_ =	shalt  }
0x67: {  	_ =	shalt  }
0x68: {  	_ =	shalt  }
0x69: {  	_ =	shalt  }
0x6a: {  	_ =	shalt  }
0x6b: {  	_ =	shalt  }
0x6c: {  	_ =	shalt  }
0x6d: {  	_ =	shalt  }
0x6e: {  	_ =	shalt  }
0x6f: {  	_ =	shalt  }
0x70: {  	_ =	shalt  }
0x71: {  	_ =	shalt  }
0x72: {  	_ =	shalt  }
0x73: {  	_ =	shalt  }
0x74: {  	_ =	shalt  }
0x75: {  	_ =	shalt  }
0x76: {  	_ =	shalt  }
0x77: {  	_ =	shalt  }
0x78: {  	_ =	shalt  }
0x79: {  	_ =	shalt  }
0x7a: {  	_ =	shalt  }
0x7b: {  	_ =	shalt  }
0x7c: {  	_ =	shalt  }
0x7d: {  	_ =	shalt  }
0x7e: {  	_ =	shalt  }
0x7f: {  	_ =	shalt  }
0x80: {  	_ =	shalt  }
0x81: {  	_ =	shalt  }
0x82: {  	_ =	shalt  }
0x83: {  	_ =	shalt  }
0x84: {  	_ =	shalt  }
0x85: {  	_ =	shalt  }
0x86: {  	_ =	shalt  }
0x87: {  	_ =	shalt  }
.Lfunc_end0:
.L_simem_size_0:
called_computation.1_lowered:
.L_overlay_start_0:
0x88: {  	s2 =	sld [smem:$0x3FD9]  }
0x89: {  	s3 =	sld [smem:$0x3FFE];
	_ =	sdelay $0x1  }
0x8a: {  	s1 =	srdreg.scid  }
0x8b: {  	s0 =	sand.u32 $0x1, s1  }
0x8c: {  	s17 =	sshll.u32 s0, $0xA;
	s2 =	sadd.s32 s3, s2  }
0x8d: {  	s2 =	sadd.s32 s2, s17  }
0x8e: {  	[smem:$0x3FBB] =	sst s2  }
0x8f: {  	_ = 	snop  }
0x90: {  	s2 =	sld [smem:$0x3FC8];
	(tm) =	ssettm $0x1  }
0x91: {  	s18 =	sld [smem:$0x3FFB];
	_ =	sdelay $0x3  }
0x92: {  	_ =	strace s18  }
0x93: {  	s3 =	sld [smem:$0x3FFC];
	_ =	sdelay $0x3  }
0x94: {  	_ =	strace s3  }
0x95: {  	s3 =	sld [smem:$0x3FFD];
	_ =	sdelay $0x3  }
0x96: {  	_ =	strace s3  }
0x97: {  	_ =	strace $0x8FFFFFFF  }
0x98: {  	s19 =	sld [smem:$0x3FDB];
	_ =	sdelay $0x1  }
0x99: {  	s4 =	simm.s32 $_scs_section_size  }
0x9a: {  	s5 =	simm.s32 $_size__tile_overlayer_lowered;
	s6 =	simm.s32 $_tile_overlayer_lowered  }
0x9b: {  	s22 =	simm.s32 $0x1BFF;
	s21 =	sshll.u32 s6, $0x1;
	s3 =	sadd.s32 s4, s19  }
0x9c: {  	s7 =	simm.s32 $0x0;
	s20 =	sshll.u32 s5, $0x1;
	s5 =	sadd.s32 s21, s3  }
0x9d: {  	[timem:s7], [sflag:s22] =	dma.local [hbm:s5], s20  }
0x9e: {  	_ =	swait.ge [sflag:s22], s20  }
0x9f: {  	s4 =	ssub.s32 $0x0, s20;
	[sflag:s22] =	ssyncset.done $0x0  }
0xa0: {  	[sflag:s22] =	ssyncadd.s32 s4;
	_ =	sdelay $0x1  }
0xa1: {  	s23 =	simm.s32 $0x1B8B  }
0xa2: {  	_ =	swait.ge [sflag:s23], $0x1  }
0xa3: {  	[sflag:s23] =	ssyncset.done $0x0  }
0xa4: {  	s25 =	simm.s32 $0x1B8E;
	s24 =	sld [smem:$0x3FFE];
	[sflag:s23] =	ssyncadd.s32 $0xFFFFFFFF  }
0xa5: {  	s26 =	simm.s32 $execute0_lowered;
	[smem:$0x3FD2] =	sst s25  }
0xa6: {  	s5 =	sshll.u32 s26, $0x1;
	_ =	strace $0x80000049;
	[dreg:$0x1] =	wrdreg $0xFFFFFFFF  }
0xa7: {  	s28 =	simm.s32 $_size_execute0_lowered;
	s3 =	sadd.s32 s3, s5;
	[dreg:$0x0] =	wrdreg $0x0  }
0xa8: {  	s5 =	sshll.u32 s28, $0x1;
	[dreg:$0x2] =	wrdreg s3  }
0xa9: {  	[dreg:$0x3] =	wrdreg s5  }
0xaa: {  	[dreg:$0x4] =	wrdreg $0xC0  }
0xab: {  	_ =	task [dreg:s7], $0x5FFFF  }
0xac: {  	[dreg:$0x1] =	wrdreg $0xFFFFFFFF  }
0xad: {  	[dreg:$0x0] =	wrdreg $0x60  }
0xae: {  	[dreg:$0x2] =	wrdreg s24  }
0xaf: {  	[dreg:$0x3] =	wrdreg s2  }
0xb0: {  	[dreg:$0x4] =	wrdreg $0xAB000  }
0xb1: {  	[dreg:$0x5] =	wrdreg $0x9  }
0xb2: {  	_ =	task.clear_ibuf [dreg:s7], $0x6FFFF;
	_ =	strace $0x90000049  }
0xb3: {  	s29 =	simm.s32 $0x9;
	_ =	strace $0x8000004B  }
0xb4: {  	_ =	swait.ge [sflag:s29], $0x1  }
0xb5: {  	[sflag:s29] =	ssyncadd.s32 $0xFFFFFFFF  }
0xb6: {  	_ =	strace $0x9000004B  }
0xb7: {  	_ =	sfence  }
0xb8: {  	s30 =	sld [smem:$0x0];
	_ =	sdelay $0x2  }
0xb9: {  	s31 =	sshll.u32 s1, $0xD;
	s1 =	sshrl.u32 s1, $0x2  }
0xba: {  	s3 =	sand.u32 $0x4000, s31;
	s1 =	sadd.s32 s1, s30  }
0xbb: {  	s0 =	sor.u32 s3, s0;
	s1 =	sshll.u32 s1, $0x11  }
0xbc: {  	s0 =	sor.u32 s1, s0  }
0xbd: {  	s0 =	sadd.s32 $0x8F2B, s0  }
0xbe: {  	[sflag:s0] =	ssyncadd.remote.s32 $0x1  }
0xbf: {  	_ =	sfence.sel $0xFFFF  }
0xc0: {  	[dreg:$0x0] =	wrdreg $0xFFFFFFFF;
	(pc) =	sbr.abs _section_cstart, $3  }
0xc1: {  	[dreg:$0x1] =	wrdreg $0xFFFFFFFF  }
0xc2: {  	_ =	task.clear_ibuf [dreg:s7], $0x2FFFF;
	_ =	strace $0x9FFFFFFF  }
0xc3: {  	(tm) =	ssettm $0x7FFFFFFF  }
tec
execute0_lowered:
.L_overlay_start_1:
0x0: {  	(tag) =	ssettag $0x1  }
0x1: {  	s1 =	rddreg [dreg:$0x0]  }
0x2: {  	s0 =	srdreg.scid;
	s19 =	rddreg [dreg:$0x1]  }
0x3: {  	s28 =	stileid.u32;
	s2 =	rddreg [dreg:$0x2];
	s3 =	simm.s32 $0x0  }
0x4: {  	s7 =	simm.s32 $0x4F;
	s21 =	simm.s32 $0x8300;
	s23 =	simm.s32 $0x3  }
0x5: {  	s24 =	simm.s32 $0x2;
	s31 =	simm.s32 $0x80;
	s25 =	simm.s32 $0x4  }
0x6: {  	s26 =	simm.s32 $0x0;
	s12 =	sand.u32 $0x1, s0;
	s5 =	smul.u32 $0x14000, s28  }
0x7: {  	[smem:$0x7FF] =	sst s3;
	p0 =	slt.u32 s28, $0x2;
	s30 =	smul.u32 $0x50000, s28  }
0x8: {  	s14 =	sshll.u32 s28, $0x9;
	s4 =	smul.u32 $0x140000, s12;
	_ =	strace $0x8000004A  }
0x9: {  	s6 =	ssub.s32 $0x2, s12;
	s8 =	sshll.u32 s12, $0x5;
	s7 =	simm.s32 @!p0 $0x4E  }
0xa: {  	s15 =	sshll.u32 s12, $0x8;
	[dreg:$0x4] =	wrdreg s31;
	s29 =	sshrl.u32 s6, $0x1  }
0xb: {  	s9 =	sshrl.u32 s30, $0x2;
	[dreg:$0x5] =	wrdreg s7;
	s16 =	sor.u32 s15, s14  }
0xc: {  	s15 =	simm.s32 $0x4E;
	s4 =	sadd.s32 s5, s4;
	s18 =	ssub.s32 s6, s29  }
0xd: {  	s7 =	sadd.s32 s9, s2;
	s17 =	sor.u32 $0x4000, s16;
	s15 =	simm.s32 @!p0 $0x4D  }
0xe: {  	s5 =	sshrl.u32 s4, $0x3;
	s4 =	sadd.s32 $0x4800, s1;
	s9 =	sadd.s32 $0x2800, s7  }
0xf: {  	s10 =	sadd.s32 $0x5000, s7;
	s11 =	sadd.s32 $0x7800, s7;
	s12 =	sadd.s32 $0xA000, s7  }
0x10: {  	s13 =	sadd.s32 $0xC800, s7;
	s1 =	sadd.s32 s5, s1;
	s5 =	sshll.u32 s28, $0x6  }
0x11: {  	s14 =	sadd.s32 $0xF000, s7;
	s16 =	sadd.s32 $0x11800, s7;
	s8 =	sor.u32 s8, s5  }
0x12: {  	s20 =	sshrl.u32 s17, $0x3;
	s18 =	smax.u32 s18, $0x1;
	s6 =	sadd.s32 s19, s8  }
0x13: {  	v0 =	vimm.f32 $0.0e+00;
	s17 =	sadd.s32 $0x2BA00, s1;
	s19 =	sadd.s32 s20, s19;
	s8 =	sadd.s32 $0x400, s6  }
.LBB2_1:
0x14: {  	s0 =	simm.s32 $0x0  }
0x15: {  	[tilespmem:s0], [sflag:$0x1] =	stream.linear.gather [hbm4b:s6+s0], $0x100, $0x38;
	[tilespmem:$0x1EB00] =	vst v63  }
0x16: {  	s1 =	simm.s32 $0x100  }
0x17: {  	[tilespmem:s1], [sflag:$0x1] =	stream.linear.gather [hbm4b:s8+s0], $0x100, $0x38;
	[tilespmem:$0x1EB00] =	vst v63  }
0x18: {  	s28 =	simm.s32 $0x200;
	s1 =	simm.s32 $0x0  }
.LBB2_2:
0x19: {  	p0 =	sne.s32 s28, $0x9E00;
	[tilespmem:s1+$0x8370] =	vst v0  }
0x1a: {  	[tilespmem:s1+$0x8300] =	vst v0  }
0x1b: {  	[tilespmem:s1+$0x8310] =	vst v0  }
.Ltmp0:
0x1c: {  	[tilespmem:s1+$0x8320] =	vst v0;
	(pc) =	sbr.rel @p0 .LBB2_2-.Ltmp0, $4  }
0x1d: {  	[tilespmem:s1+$0x8330] =	vst v0  }
0x1e: {  	[tilespmem:s1+$0x8340] =	vst v0  }
0x1f: {  	[tilespmem:s1+$0x8350] =	vst v0  }
0x20: {  	[tilespmem:s1+$0x8360] =	vst v0;
	s1 =	sshra.s32 s28, $0x2;
	s28 =	sadd.s32 $0x200, s28  }
0x21: {  	[tilespmem:s1+$0x8370] =	vst v0  }
0x22: {  	[tilespmem:s1+$0x8300] =	vst v0  }
0x23: {  	[tilespmem:s1+$0x8310] =	vst v0  }
0x24: {  	[tilespmem:s1+$0x8320] =	vst v0  }
0x25: {  	[tilespmem:s1+$0x8330] =	vst v0  }
0x26: {  	[tilespmem:s1+$0x8340] =	vst v0  }
0x27: {  	[tilespmem:s1+$0x8350] =	vst v0  }
0x28: {  	[tilespmem:s1+$0x8360] =	vst v0  }
0x29: {  	[spmem:s7] =	stream.linear.scatter [tilespmem:s21], [sflag:$0x3], $0x2800, $0x38;
	[tilespmem:$0x1EB00] =	vst v63  }
0x2a: {  	_ = 	snop  }
0x2b: {  	[spmem:s9] =	stream.linear.scatter [tilespmem:s21], [sflag:$0x3], $0x2800, $0x38;
	[tilespmem:$0x1EB00] =	vst v63  }
0x2c: {  	_ = 	snop  }
0x2d: {  	[spmem:s10] =	stream.linear.scatter [tilespmem:s21], [sflag:$0x3], $0x2800, $0x38;
	[tilespmem:$0x1EB00] =	vst v63  }
0x2e: {  	_ = 	snop  }
0x2f: {  	[spmem:s11] =	stream.linear.scatter [tilespmem:s21], [sflag:$0x3], $0x2800, $0x38;
	[tilespmem:$0x1EB00] =	vst v63  }
0x30: {  	_ = 	snop  }
0x31: {  	[spmem:s12] =	stream.linear.scatter [tilespmem:s21], [sflag:$0x3], $0x2800, $0x38;
	[tilespmem:$0x1EB00] =	vst v63  }
0x32: {  	_ = 	snop  }
0x33: {  	[spmem:s13] =	stream.linear.scatter [tilespmem:s21], [sflag:$0x3], $0x2800, $0x38;
	[tilespmem:$0x1EB00] =	vst v63  }
0x34: {  	_ = 	snop  }
0x35: {  	[spmem:s14] =	stream.linear.scatter [tilespmem:s21], [sflag:$0x3], $0x2800, $0x38;
	[tilespmem:$0x1EB00] =	vst v63  }
0x36: {  	s30 =	simm.s32 $0x1  }
0x37: {  	[spmem:s16] =	stream.linear.scatter [tilespmem:s21], [sflag:$0x3], $0x2800, $0x38;
	[tilespmem:$0x1EB00] =	vst v63  }
0x38: {  	_ =	swait.ge [sflag:s30], $0x100  }
0x39: {  	s28 =	simm.s32 $0x80;
	[sflag:s30] =	ssyncset.done $0x0  }
0x3a: {  	s29 =	simm.s32 $0x0;
	s0 =	simm.s32 $0x300;
	[sflag:s30] =	ssyncadd.s32 $0xFFFFFF00  }
0x3b: {  	[tilespmem:s0], [sflag:$0x2] =	stream.indirect.gather [hbm4b:s4+s28], $0x80, s29, s28, $0xb8;
	[tilespmem:$0x1EB00] =	vst v63  }
0x3c: {  	_ =	swait.ge [sflag:s23], $0x2800  }
0x3d: {  	[sflag:s23] =	ssyncset.done $0x0  }
0x3e: {  	[sflag:s23] =	ssyncadd.s32 $0xFFFFD800  }
0x3f: {  	_ =	swait.ge [sflag:s23], $0x2800  }
0x40: {  	[sflag:s23] =	ssyncset.done $0x0  }
0x41: {  	[sflag:s23] =	ssyncadd.s32 $0xFFFFD800  }
0x42: {  	_ =	swait.ge [sflag:s23], $0x2800  }
0x43: {  	[sflag:s23] =	ssyncset.done $0x0  }
0x44: {  	[sflag:s23] =	ssyncadd.s32 $0xFFFFD800  }
0x45: {  	_ =	swait.ge [sflag:s23], $0x2800  }
0x46: {  	[sflag:s23] =	ssyncset.done $0x0  }
0x47: {  	[sflag:s23] =	ssyncadd.s32 $0xFFFFD800  }
0x48: {  	_ =	swait.ge [sflag:s23], $0x2800  }
0x49: {  	[sflag:s23] =	ssyncset.done $0x0  }
0x4a: {  	[sflag:s23] =	ssyncadd.s32 $0xFFFFD800  }
0x4b: {  	_ =	swait.ge [sflag:s23], $0x2800  }
0x4c: {  	[sflag:s23] =	ssyncset.done $0x0  }
0x4d: {  	[sflag:s23] =	ssyncadd.s32 $0xFFFFD800  }
0x4e: {  	_ =	swait.ge [sflag:s23], $0x2800  }
0x4f: {  	[sflag:s23] =	ssyncset.done $0x0  }
0x50: {  	[sflag:s23] =	ssyncadd.s32 $0xFFFFD800  }
0x51: {  	_ =	swait.ge [sflag:s23], $0x2800  }
0x52: {  	[sflag:s23] =	ssyncset.done $0x0  }
0x53: {  	[sflag:s23] =	ssyncadd.s32 $0xFFFFD800  }
0x54: {  	s31 =	smov.u32 s19;
	s1 =	simm.s32 $0x0;
	[bflag:$0x0] =	sbarrier.arrive $0xFFFF  }
.LBB2_4:
0x55: {  	s0 =	sadd.s32 $0x2, s29  }
0x56: {  	s20 =	sadd.s32 $0x1, s30;
	p0 =	sgt.u32 s0, s15  }
0x57: {  	s0 =	smul.u32 @!p0 $0xAB, s20;
	_ =	sdelay $0x1  }
0x58: {  	s0 =	sshrl.u32 @!p0 s0, $0x9  }
0x59: {  	s0 =	sand.u32 @!p0 $0x7F, s0  }
0x5a: {  	p1 =	seq.s32 s1, $0x0;
	s0 =	smul.u32 @!p0 $0x3, s0  }
0x5b: {  	s22 =	simm.s32 @!p1 $0x3  }
0x5c: {  	_ =	swait.ge @!p1 [sflag:s22], $0x4000;
	s0 =	ssub.s32 @!p0 s20, s0  }
0x5d: {  	[sflag:s22] =	ssyncset.done @!p1 $0x0;
	s0 =	sand.u32 @!p0 $0xFF, s0  }
0x5e: {  	[sflag:s22] =	ssyncadd.s32 @!p1 $0xFFFFC000;
	s22 =	simm.s32 @!p0 $0x0;
	s0 =	sshll.u32 @!p0 s0, $0x8  }
0x5f: {  	[tilespmem:s0], [sflag:$0x1] =	stream.linear.gather @!p0 [hbm4b:s31+s22], $0x100, $0x38;
	[tilespmem:$0x1EB00] =	vst v63  }
0x60: {  	p0 =	sge.u32 s29, s15  }
0x61: {  	s0 =	sand.u32 @!p0 $0xFF, s30  }
0x62: {  	s0 =	smul.u32 @!p0 $0xAB, s0  }
0x63: {  	s3 =	smulhi.u32 $0xAAAAAAAB, s29  }
0x64: {  	s0 =	sshrl.u32 @!p0 s0, $0x9  }
0x65: {  	s22 =	sshrl.u32 s3, $0x1;
	s3 =	simm.s32 @!p0 $0x1;
	s0 =	smul.u32 @!p0 $0x3, s0  }
0x66: {  	_ =	swait.ge @!p0 [sflag:s3], $0x100  }
0x67: {  	[sflag:s3] =	ssyncset.done @!p0 $0x0;
	s0 =	ssub.s32 @!p0 s30, s0;
	s30 =	sxor.u32 @!p0 $0xFFFFFFFF, s1  }
0x68: {  	[sflag:s3] =	ssyncadd.s32 @!p0 $0xFFFFFF00;
	s0 =	sand.u32 @!p0 $0xFF, s0;
	s3 =	sand.u32 @!p0 $0x4000, s30  }
0x69: {  	s30 =	simm.s32 @!p0 $0x80;
	s3 =	sor.u32 @!p0 $0x300, s3;
	s0 =	sshll.u32 @!p0 s0, $0x8  }
0x6a: {  	[tilespmem:s3], [sflag:$0x2] =	stream.indirect.gather @!p0 [hbm4b:s4+s30], $0x80, s0, s30, $0xb8;
	[tilespmem:$0x1EB00] =	vst v63  }
0x6b: {  	_ =	swait.ge [sflag:s24], $0x4000  }
0x6c: {  	s29 =	sadd.s32 $0x1, s29;
	s22 =	smul.u32 $0xFFFFF400, s22;
	s30 =	rddreg [dreg:$0x5]  }
0x6d: {  	p0 =	sne.s32 s29, s30  }
.Ltmp1:
0x6e: {  	s31 =	sadd.s32 $0x400, s31;
	s22 =	sshra.s32 s22, $0x2;
	(pc) =	sbr.rel @p0 .LBB2_4-.Ltmp1, $4  }
0x6f: {  	s0 =	sadd.s32 s22, s28;
	s22 =	sand.u32 $0x4000, s1;
	s1 =	sadd.s32 $0x4000, s1  }
0x70: {  	s28 =	sadd.s32 $0x100, s28;
	s22 =	sor.u32 $0x300, s22;
	[sflag:s24] =	ssyncset.done $0x0  }
0x71: {  	s3 =	rddreg [dreg:$0x4];
	[sflag:s24] =	ssyncadd.s32 $0xFFFFC000;
	s30 =	smov.u32 s20  }
0x72: {  	[spmem:s2] =	stream.indirect.scatter.add.f32 [tilespmem:s22], [sflag:$0x3], $0x80, s0, s3, $0xb8;
	[tilespmem:$0x1EB00] =	vst v63  }
0x73: {  	_ =	swait.ge [sflag:s23], $0x4000  }
0x74: {  	s26 =	sadd.s32 $0x1, s26;
	[sflag:s23] =	ssyncset.done $0x0  }
0x75: {  	s0 =	sor.u32 $0x1C04, s5;
	p0 =	sne.s32 s26, s18;
	[sflag:s23] =	ssyncadd.s32 $0xFFFFC000  }
.Ltmp2:
0x76: {  	s1 =	sshrl.u32 s7, $0x3;
	[bflag:$0x0] =	sbarrier.arrive $0xFFFF;
	(pc) =	sbr.rel @p0 .LBB2_1-.Ltmp2, $4  }
0x77: {  	[hbm:s17], [sflag:s0] =	dma.local [spmem:s1], $0x2800  }
0x78: {  	_ =	swait.ge [sflag:s25], $0x2800  }
0x79: {  	[sflag:s25] =	ssyncset.done $0x0  }
0x7a: {  	[sflag:s25] =	ssyncadd.s32 $0xFFFFD800  }
0x7b: {  	_ =	sfence.sel $0x180000  }
0x7c: {  	[bflag:$0x0] =	sbarrier.arrive $0xFFFF  }
0x7d: {  	_ =	strace $0x9000004A  }
0x7e: {  	s0 =	stileid.u32;
	[bflag:$0x2] =	sbarrier.arrive $0xFFFF  }
0x7f: {  	p0 =	sne.s32 s0, $0x0;
	s0 =	rddreg [dreg:$0x3]  }
0x80: {  	s0 =	sadd.s32 @!p0 $0x100000, s0  }
0x81: {  	[sflag:s0] =	ssyncadd.tile.s32 @!p0 $0x1;
	_ =	shalt  }
.Lfunc_end2:
_tile_overlayer_lowered:
.L_overlay_start_2:
0x82: {  	(tag) =	ssettag $0x2  }
0x83: {  	s0 =	rddreg [dreg:$0x0];
	s2 =	stileid.u32  }
0x84: {  	s1 =	rddreg [dreg:$0x1];
	p0 =	sne.s32 s2, $0x0  }
0x85: {  	s3 =	rddreg [dreg:$0x2];
	[bflag:$0x3] =	sbarrier.arrive $0xFFFF;
	s2 =	simm.s32 @!p0 $0x1C04  }
0x86: {  	[timem:s3], [sflag:s2] =	dma.local @!p0 [hbm:s0], s1  }
0x87: {  	s0 =	simm.s32 @!p0 $0x4  }
0x88: {  	_ =	swait.ge @!p0 [sflag:s0], s1  }
0x89: {  	s1 =	ssub.s32 @!p0 $0x0, s1;
	[sflag:s0] =	ssyncset.done @!p0 $0x0  }
0x8a: {  	[sflag:s0] =	ssyncadd.s32 @!p0 s1  }
0x8b: {  	[bflag:$0x3] =	sbarrier.arrive $0xFFFF  }
0x8c: {  	_ =	shalt  }

// kernel: kernel.18.cloned.1.call-start
scs
__scs_entry_jumppad:
0x0: {  	(pc) =	sbr.rel $0x88, $3  }
0x1: {  	(tag) =	ssettag $0x0;
	lr =	simm.s32 $0x1  }
0x2: {  	[smem:$0x3F94] =	sst lr;
	_ =	strace $0xD0000000  }
0x3: {  	_ = 	snop  }
0x4: {  	_ = 	snop  }
0x5: {  	_ = 	snop  }
0x6: {  	_ = 	snop  }
0x7: {  	_ = 	snop  }
__scs_overlays_trampoline_lowered:
0x8: {  	[smem:$0x3FA3] =	sst s0  }
0x9: {  	[smem:$0x3FA4] =	sst s1  }
0xa: {  	[smem:$0x3FA5] =	sst s2  }
0xb: {  	[smem:$0x3FA6] =	sst s3  }
0xc: {  	[smem:$0x3FA7] =	sst s4  }
0xd: {  	[smem:$0x3FA8] =	sst s5  }
0xe: {  	[smem:$0x3FA9] =	sst s6  }
0xf: {  	[smem:$0x3FAA] =	sst s7  }
0x10: {  	[smem:$0x3FAB] =	sst s8  }
0x11: {  	[smem:$0x3FAC] =	sst s9;
	s0 =	simm.s32 @!p0 $0x0  }
0x12: {  	s1 =	sld [smem:$0x3F92];
	s0 =	simm.s32 @p0 $0x1  }
0x13: {  	[smem:$0x3FAD] =	sst s0;
	s0 =	simm.s32 @!p1 $0x0  }
0x14: {  	s2 =	sld [smem:$0x3F91];
	s0 =	simm.s32 @p1 $0x1  }
0x15: {  	[smem:$0x3FAE] =	sst s0;
	s0 =	simm.s32 @!p2 $0x0  }
0x16: {  	s3 =	sld [smem:$0x3FDB];
	s0 =	simm.s32 @p2 $0x1  }
0x17: {  	s4 =	simm.s32 $0x1BF5;
	[smem:$0x3FB0] =	sst s0  }
0x18: {  	s0 =	sld [smem:$0x3F93];
	_ =	swait.ge [sflag:s4], $0x0  }
0x19: {  	s7 =	sld [smem:$0x3F94]  }
0x1a: {  	s8 =	sadd.s32 $0xFFFFE003, lr  }
0x1b: {  	s9 =	sadd.s32 $0xFFFFFEF7, lr;
	s5 =	simm.s32 $0xFFFFFFFF;
	p2 =	slt.u32 s8, $0xFFFFF086  }
0x1c: {  	p1 =	slt.u32 s9, $0xF7A;
	s5 =	simm.s32 @!p2 $0x0  }
0x1d: {  	s5 =	simm.s32 @p1 $0x1;
	p0 =	seq.s32 s7, s2  }
0x1e: {  	s7 =	smul.u32 @!p0 $0xF7A, s2;
	p2 =	seq.s32 @!p0 s5, $0x0  }
0x1f: {  	s9 =	smul.u32 $0xF7A, s1;
	s8 =	simm.s32 @!p0 $0x1BF5;
	p2 =	por !p2, p0  }
0x20: {  	[sflag:s8] =	ssyncset.s32 @!p0 $0xFFFFF086;
	s6 =	sadd.s32 @!p0 s3, s7;
	s7 =	simm.s32 @!p0 $0x108  }
0x21: {  	s3 =	sadd.s32 s3, s9;
	s6 =	sadd.s32 @!p0 $0x88, s6;
	s7 =	simm.s32 @p2 $0x1082  }
0x22: {  	[simem:s7], [sflag:s8] =	dma.local @!p0 [hbm:s6], $0xF7A  }
0x23: {  	s9 =	sor.u32 $0xD0000000, s2;
	s6 =	simm.s32 $0x108;
	_ =	swait.ge @!p0 [sflag:s8], $0x0  }
0x24: {  	s3 =	sadd.s32 $0x88, s3;
	s6 =	simm.s32 @!p1 $0x1082;
	[sflag:s4] =	ssyncset.s32 $0xFFFFF086  }
0x25: {  	[simem:s6], [sflag:s4] =	dma.local [hbm:s3], $0xF7A  }
0x26: {  	[smem:$0x3F94] =	sst s1;
	(tag) =	ssettag s2;
	_ =	strace s9  }
0x27: {  	s1 =	sld [smem:$0x3FA4]  }
0x28: {  	s2 =	sld [smem:$0x3FA5]  }
0x29: {  	s4 =	sld [smem:$0x3FA7]  }
0x2a: {  	p0 =	seq.s32 s5, $0x0;
	s5 =	sld [smem:$0x3FA8]  }
0x2b: {  	s6 =	sld [smem:$0x3FA9]  }
0x2c: {  	s7 =	sld [smem:$0x3FAA]  }
0x2d: {  	s3 =	simm.s32 $0x108;
	s8 =	sld [smem:$0x3FAB]  }
0x2e: {  	s3 =	simm.s32 @!p0 $0x1082;
	s9 =	sld [smem:$0x3FAC]  }
0x2f: {  	lr =	sadd.s32 s0, s3;
	s0 =	sld [smem:$0x3FA3]  }
0x30: {  	s3 =	sld [smem:$0x3FA6]  }
0x31: {  	[smem:$0x3FAF] =	sst s10  }
0x32: {  	s10 =	sld [smem:$0x3FAD];
	_ =	sdelay $0x3  }
0x33: {  	p0 =	seq.s32 s10, $0x1;
	s10 =	sld [smem:$0x3FAF];
	_ =	sdelay $0x3  }
0x34: {  	[smem:$0x3FAF] =	sst s10  }
0x35: {  	s10 =	sld [smem:$0x3FAE];
	_ =	sdelay $0x3  }
0x36: {  	p1 =	seq.s32 s10, $0x1;
	s10 =	sld [smem:$0x3FAF];
	_ =	sdelay $0x3  }
0x37: {  	[smem:$0x3FAF] =	sst s10  }
0x38: {  	s10 =	sld [smem:$0x3FB0]  }
0x39: {  	_ = 	snop;
	(pc) =	sbr.ind lr, $3  }
0x3a: {  	_ = 	snop  }
0x3b: {  	_ = 	snop  }
0x3c: {  	p2 =	seq.s32 s10, $0x1;
	s10 =	sld [smem:$0x3FAF]  }
0x3d: {  	_ =	shalt  }
0x3e: {  	_ =	shalt  }
0x3f: {  	_ =	shalt  }
0x40: {  	_ =	shalt  }
0x41: {  	_ =	shalt  }
0x42: {  	_ =	shalt  }
0x43: {  	_ =	shalt  }
0x44: {  	_ =	shalt  }
0x45: {  	_ =	shalt  }
0x46: {  	_ =	shalt  }
0x47: {  	_ =	shalt  }
0x48: {  	_ =	shalt  }
0x49: {  	_ =	shalt  }
0x4a: {  	_ =	shalt  }
0x4b: {  	_ =	shalt  }
0x4c: {  	_ =	shalt  }
0x4d: {  	_ =	shalt  }
0x4e: {  	_ =	shalt  }
0x4f: {  	_ =	shalt  }
0x50: {  	_ =	shalt  }
0x51: {  	_ =	shalt  }
0x52: {  	_ =	shalt  }
0x53: {  	_ =	shalt  }
0x54: {  	_ =	shalt  }
0x55: {  	_ =	shalt  }
0x56: {  	_ =	shalt  }
0x57: {  	_ =	shalt  }
0x58: {  	_ =	shalt  }
0x59: {  	_ =	shalt  }
0x5a: {  	_ =	shalt  }
0x5b: {  	_ =	shalt  }
0x5c: {  	_ =	shalt  }
0x5d: {  	_ =	shalt  }
0x5e: {  	_ =	shalt  }
0x5f: {  	_ =	shalt  }
0x60: {  	_ =	shalt  }
0x61: {  	_ =	shalt  }
0x62: {  	_ =	shalt  }
0x63: {  	_ =	shalt  }
0x64: {  	_ =	shalt  }
0x65: {  	_ =	shalt  }
0x66: {  	_ =	shalt  }
0x67: {  	_ =	shalt  }
0x68: {  	_ =	shalt  }
0x69: {  	_ =	shalt  }
0x6a: {  	_ =	shalt  }
0x6b: {  	_ =	shalt  }
0x6c: {  	_ =	shalt  }
0x6d: {  	_ =	shalt  }
0x6e: {  	_ =	shalt  }
0x6f: {  	_ =	shalt  }
0x70: {  	_ =	shalt  }
0x71: {  	_ =	shalt  }
0x72: {  	_ =	shalt  }
0x73: {  	_ =	shalt  }
0x74: {  	_ =	shalt  }
0x75: {  	_ =	shalt  }
0x76: {  	_ =	shalt  }
0x77: {  	_ =	shalt  }
0x78: {  	_ =	shalt  }
0x79: {  	_ =	shalt  }
0x7a: {  	_ =	shalt  }
0x7b: {  	_ =	shalt  }
0x7c: {  	_ =	shalt  }
0x7d: {  	_ =	shalt  }
0x7e: {  	_ =	shalt  }
0x7f: {  	_ =	shalt  }
0x80: {  	_ =	shalt  }
0x81: {  	_ =	shalt  }
0x82: {  	_ =	shalt  }
0x83: {  	_ =	shalt  }
0x84: {  	_ =	shalt  }
0x85: {  	_ =	shalt  }
0x86: {  	_ =	shalt  }
0x87: {  	_ =	shalt  }
.Lfunc_end0:
.L_simem_size_0:
called_computation.2_lowered:
.L_overlay_start_0:
0x88: {  	s2 =	sld [smem:$0x3FD9]  }
0x89: {  	s3 =	sld [smem:$0x3FFE];
	_ =	sdelay $0x1  }
0x8a: {  	s1 =	srdreg.scid  }
0x8b: {  	s0 =	sand.u32 $0x1, s1  }
0x8c: {  	s17 =	sshll.u32 s0, $0xA;
	s2 =	sadd.s32 s3, s2  }
0x8d: {  	s2 =	sadd.s32 s2, s17  }
0x8e: {  	[smem:$0x3FBB] =	sst s2  }
0x8f: {  	_ = 	snop  }
0x90: {  	s2 =	sld [smem:$0x3FC8];
	(tm) =	ssettm $0x1  }
0x91: {  	s18 =	sld [smem:$0x3FFB];
	_ =	sdelay $0x3  }
0x92: {  	_ =	strace s18  }
0x93: {  	s3 =	sld [smem:$0x3FFC];
	_ =	sdelay $0x3  }
0x94: {  	_ =	strace s3  }
0x95: {  	s3 =	sld [smem:$0x3FFD];
	_ =	sdelay $0x3  }
0x96: {  	_ =	strace s3  }
0x97: {  	_ =	strace $0x8FFFFFFF  }
0x98: {  	s19 =	sld [smem:$0x3FDB];
	_ =	sdelay $0x1  }
0x99: {  	s4 =	simm.s32 $_scs_section_size  }
0x9a: {  	s5 =	simm.s32 $_size__tile_overlayer_lowered;
	s6 =	simm.s32 $_tile_overlayer_lowered  }
0x9b: {  	s22 =	simm.s32 $0x1BFF;
	s21 =	sshll.u32 s6, $0x1;
	s3 =	sadd.s32 s4, s19  }
0x9c: {  	s7 =	simm.s32 $0x0;
	s20 =	sshll.u32 s5, $0x1;
	s5 =	sadd.s32 s21, s3  }
0x9d: {  	[timem:s7], [sflag:s22] =	dma.local [hbm:s5], s20  }
0x9e: {  	_ =	swait.ge [sflag:s22], s20  }
0x9f: {  	s4 =	ssub.s32 $0x0, s20;
	[sflag:s22] =	ssyncset.done $0x0  }
0xa0: {  	[sflag:s22] =	ssyncadd.s32 s4;
	_ =	sdelay $0x1  }
0xa1: {  	s23 =	simm.s32 $0x1B8B  }
0xa2: {  	_ =	swait.ge [sflag:s23], $0x1  }
0xa3: {  	[sflag:s23] =	ssyncset.done $0x0  }
0xa4: {  	s25 =	simm.s32 $0x1B8E;
	s24 =	sld [smem:$0x3FFE];
	[sflag:s23] =	ssyncadd.s32 $0xFFFFFFFF  }
0xa5: {  	s26 =	simm.s32 $execute0_lowered;
	[smem:$0x3FD2] =	sst s25  }
0xa6: {  	s5 =	sshll.u32 s26, $0x1;
	_ =	strace $0x8000004C;
	[dreg:$0x1] =	wrdreg $0xFFFFFFFF  }
0xa7: {  	s28 =	simm.s32 $_size_execute0_lowered;
	s3 =	sadd.s32 s3, s5;
	[dreg:$0x0] =	wrdreg $0x0  }
0xa8: {  	s5 =	sshll.u32 s28, $0x1;
	[dreg:$0x2] =	wrdreg s3  }
0xa9: {  	[dreg:$0x3] =	wrdreg s5  }
0xaa: {  	[dreg:$0x4] =	wrdreg $0xC0  }
0xab: {  	_ =	task [dreg:s7], $0x5FFFF  }
0xac: {  	[dreg:$0x1] =	wrdreg $0xFFFFFFFF  }
0xad: {  	[dreg:$0x0] =	wrdreg $0x60  }
0xae: {  	[dreg:$0x2] =	wrdreg s24  }
0xaf: {  	[dreg:$0x3] =	wrdreg s2  }
0xb0: {  	[dreg:$0x4] =	wrdreg $0xAB000  }
0xb1: {  	[dreg:$0x5] =	wrdreg $0x9  }
0xb2: {  	_ =	task.clear_ibuf [dreg:s7], $0x6FFFF;
	_ =	strace $0x9000004C  }
0xb3: {  	s29 =	simm.s32 $0x9;
	_ =	strace $0x8000004E  }
0xb4: {  	_ =	swait.ge [sflag:s29], $0x1  }
0xb5: {  	[sflag:s29] =	ssyncadd.s32 $0xFFFFFFFF  }
0xb6: {  	_ =	strace $0x9000004E  }
0xb7: {  	_ =	sfence  }
0xb8: {  	s30 =	sld [smem:$0x0];
	_ =	sdelay $0x2  }
0xb9: {  	s31 =	sshll.u32 s1, $0xD;
	s1 =	sshrl.u32 s1, $0x2  }
0xba: {  	s3 =	sand.u32 $0x4000, s31;
	s1 =	sadd.s32 s1, s30  }
0xbb: {  	s0 =	sor.u32 s3, s0;
	s1 =	sshll.u32 s1, $0x11  }
0xbc: {  	s0 =	sor.u32 s1, s0  }
0xbd: {  	s0 =	sadd.s32 $0x8F2B, s0  }
0xbe: {  	[sflag:s0] =	ssyncadd.remote.s32 $0x1  }
0xbf: {  	_ =	sfence.sel $0xFFFF  }
0xc0: {  	[dreg:$0x0] =	wrdreg $0xFFFFFFFF;
	(pc) =	sbr.abs _section_cstart, $3  }
0xc1: {  	[dreg:$0x1] =	wrdreg $0xFFFFFFFF  }
0xc2: {  	_ =	task.clear_ibuf [dreg:s7], $0x2FFFF;
	_ =	strace $0x9FFFFFFF  }
0xc3: {  	(tm) =	ssettm $0x7FFFFFFF  }
tec
execute0_lowered:
.L_overlay_start_1:
0x0: {  	(tag) =	ssettag $0x1  }
0x1: {  	s1 =	rddreg [dreg:$0x0]  }
0x2: {  	s0 =	srdreg.scid;
	s19 =	rddreg [dreg:$0x1]  }
0x3: {  	s28 =	stileid.u32;
	s2 =	rddreg [dreg:$0x2];
	s3 =	simm.s32 $0x0  }
0x4: {  	s7 =	simm.s32 $0x4F;
	s21 =	simm.s32 $0x8300;
	s23 =	simm.s32 $0x3  }
0x5: {  	s24 =	simm.s32 $0x2;
	s31 =	simm.s32 $0x80;
	s25 =	simm.s32 $0x4  }
0x6: {  	s26 =	simm.s32 $0x0;
	s12 =	sand.u32 $0x1, s0;
	s5 =	smul.u32 $0x14000, s28  }
0x7: {  	[smem:$0x7FF] =	sst s3;
	p0 =	slt.u32 s28, $0x2;
	s30 =	smul.u32 $0x50000, s28  }
0x8: {  	s14 =	sshll.u32 s28, $0x9;
	s4 =	smul.u32 $0x140000, s12;
	_ =	strace $0x8000004D  }
0x9: {  	s6 =	ssub.s32 $0x2, s12;
	s8 =	sshll.u32 s12, $0x5;
	s7 =	simm.s32 @!p0 $0x4E  }
0xa: {  	s15 =	sshll.u32 s12, $0x8;
	[dreg:$0x4] =	wrdreg s31;
	s29 =	sshrl.u32 s6, $0x1  }
0xb: {  	s9 =	sshrl.u32 s30, $0x2;
	[dreg:$0x5] =	wrdreg s7;
	s16 =	sor.u32 s15, s14  }
0xc: {  	s15 =	simm.s32 $0x4E;
	s4 =	sadd.s32 s5, s4;
	s18 =	ssub.s32 s6, s29  }
0xd: {  	s7 =	sadd.s32 s9, s2;
	s17 =	sor.u32 $0x4000, s16;
	s15 =	simm.s32 @!p0 $0x4D  }
0xe: {  	s5 =	sshrl.u32 s4, $0x3;
	s4 =	sadd.s32 $0x4800, s1;
	s9 =	sadd.s32 $0x2800, s7  }
0xf: {  	s10 =	sadd.s32 $0x5000, s7;
	s11 =	sadd.s32 $0x7800, s7;
	s12 =	sadd.s32 $0xA000, s7  }
0x10: {  	s13 =	sadd.s32 $0xC800, s7;
	s1 =	sadd.s32 s5, s1;
	s5 =	sshll.u32 s28, $0x6  }
0x11: {  	s14 =	sadd.s32 $0xF000, s7;
	s16 =	sadd.s32 $0x11800, s7;
	s8 =	sor.u32 s8, s5  }
0x12: {  	s20 =	sshrl.u32 s17, $0x3;
	s18 =	smax.u32 s18, $0x1;
	s6 =	sadd.s32 s19, s8  }
0x13: {  	v0 =	vimm.f32 $0.0e+00;
	s17 =	sadd.s32 $0x2BA00, s1;
	s19 =	sadd.s32 s20, s19;
	s8 =	sadd.s32 $0x400, s6  }
.LBB2_1:
0x14: {  	s0 =	simm.s32 $0x0  }
0x15: {  	[tilespmem:s0], [sflag:$0x1] =	stream.linear.gather [hbm4b:s6+s0], $0x100, $0x38;
	[tilespmem:$0x1EB00] =	vst v63  }
0x16: {  	s1 =	simm.s32 $0x100  }
0x17: {  	[tilespmem:s1], [sflag:$0x1] =	stream.linear.gather [hbm4b:s8+s0], $0x100, $0x38;
	[tilespmem:$0x1EB00] =	vst v63  }
0x18: {  	s28 =	simm.s32 $0x200;
	s1 =	simm.s32 $0x0  }
.LBB2_2:
0x19: {  	p0 =	sne.s32 s28, $0x9E00;
	[tilespmem:s1+$0x8370] =	vst v0  }
0x1a: {  	[tilespmem:s1+$0x8300] =	vst v0  }
0x1b: {  	[tilespmem:s1+$0x8310] =	vst v0  }
.Ltmp0:
0x1c: {  	[tilespmem:s1+$0x8320] =	vst v0;
	(pc) =	sbr.rel @p0 .LBB2_2-.Ltmp0, $4  }
0x1d: {  	[tilespmem:s1+$0x8330] =	vst v0  }
0x1e: {  	[tilespmem:s1+$0x8340] =	vst v0  }
0x1f: {  	[tilespmem:s1+$0x8350] =	vst v0  }
0x20: {  	[tilespmem:s1+$0x8360] =	vst v0;
	s1 =	sshra.s32 s28, $0x2;
	s28 =	sadd.s32 $0x200, s28  }
0x21: {  	[tilespmem:s1+$0x8370] =	vst v0  }
0x22: {  	[tilespmem:s1+$0x8300] =	vst v0  }
0x23: {  	[tilespmem:s1+$0x8310] =	vst v0  }
0x24: {  	[tilespmem:s1+$0x8320] =	vst v0  }
0x25: {  	[tilespmem:s1+$0x8330] =	vst v0  }
0x26: {  	[tilespmem:s1+$0x8340] =	vst v0  }
0x27: {  	[tilespmem:s1+$0x8350] =	vst v0  }
0x28: {  	[tilespmem:s1+$0x8360] =	vst v0  }
0x29: {  	[spmem:s7] =	stream.linear.scatter [tilespmem:s21], [sflag:$0x3], $0x2800, $0x38;
	[tilespmem:$0x1EB00] =	vst v63  }
0x2a: {  	_ = 	snop  }
0x2b: {  	[spmem:s9] =	stream.linear.scatter [tilespmem:s21], [sflag:$0x3], $0x2800, $0x38;
	[tilespmem:$0x1EB00] =	vst v63  }
0x2c: {  	_ = 	snop  }
0x2d: {  	[spmem:s10] =	stream.linear.scatter [tilespmem:s21], [sflag:$0x3], $0x2800, $0x38;
	[tilespmem:$0x1EB00] =	vst v63  }
0x2e: {  	_ = 	snop  }
0x2f: {  	[spmem:s11] =	stream.linear.scatter [tilespmem:s21], [sflag:$0x3], $0x2800, $0x38;
	[tilespmem:$0x1EB00] =	vst v63  }
0x30: {  	_ = 	snop  }
0x31: {  	[spmem:s12] =	stream.linear.scatter [tilespmem:s21], [sflag:$0x3], $0x2800, $0x38;
	[tilespmem:$0x1EB00] =	vst v63  }
0x32: {  	_ = 	snop  }
0x33: {  	[spmem:s13] =	stream.linear.scatter [tilespmem:s21], [sflag:$0x3], $0x2800, $0x38;
	[tilespmem:$0x1EB00] =	vst v63  }
0x34: {  	_ = 	snop  }
0x35: {  	[spmem:s14] =	stream.linear.scatter [tilespmem:s21], [sflag:$0x3], $0x2800, $0x38;
	[tilespmem:$0x1EB00] =	vst v63  }
0x36: {  	s30 =	simm.s32 $0x1  }
0x37: {  	[spmem:s16] =	stream.linear.scatter [tilespmem:s21], [sflag:$0x3], $0x2800, $0x38;
	[tilespmem:$0x1EB00] =	vst v63  }
0x38: {  	_ =	swait.ge [sflag:s30], $0x100  }
0x39: {  	s28 =	simm.s32 $0x80;
	[sflag:s30] =	ssyncset.done $0x0  }
0x3a: {  	s29 =	simm.s32 $0x0;
	s0 =	simm.s32 $0x300;
	[sflag:s30] =	ssyncadd.s32 $0xFFFFFF00  }
0x3b: {  	[tilespmem:s0], [sflag:$0x2] =	stream.indirect.gather [hbm4b:s4+s28], $0x80, s29, s28, $0xb8;
	[tilespmem:$0x1EB00] =	vst v63  }
0x3c: {  	_ =	swait.ge [sflag:s23], $0x2800  }
0x3d: {  	[sflag:s23] =	ssyncset.done $0x0  }
0x3e: {  	[sflag:s23] =	ssyncadd.s32 $0xFFFFD800  }
0x3f: {  	_ =	swait.ge [sflag:s23], $0x2800  }
0x40: {  	[sflag:s23] =	ssyncset.done $0x0  }
0x41: {  	[sflag:s23] =	ssyncadd.s32 $0xFFFFD800  }
0x42: {  	_ =	swait.ge [sflag:s23], $0x2800  }
0x43: {  	[sflag:s23] =	ssyncset.done $0x0  }
0x44: {  	[sflag:s23] =	ssyncadd.s32 $0xFFFFD800  }
0x45: {  	_ =	swait.ge [sflag:s23], $0x2800  }
0x46: {  	[sflag:s23] =	ssyncset.done $0x0  }
0x47: {  	[sflag:s23] =	ssyncadd.s32 $0xFFFFD800  }
0x48: {  	_ =	swait.ge [sflag:s23], $0x2800  }
0x49: {  	[sflag:s23] =	ssyncset.done $0x0  }
0x4a: {  	[sflag:s23] =	ssyncadd.s32 $0xFFFFD800  }
0x4b: {  	_ =	swait.ge [sflag:s23], $0x2800  }
0x4c: {  	[sflag:s23] =	ssyncset.done $0x0  }
0x4d: {  	[sflag:s23] =	ssyncadd.s32 $0xFFFFD800  }
0x4e: {  	_ =	swait.ge [sflag:s23], $0x2800  }
0x4f: {  	[sflag:s23] =	ssyncset.done $0x0  }
0x50: {  	[sflag:s23] =	ssyncadd.s32 $0xFFFFD800  }
0x51: {  	_ =	swait.ge [sflag:s23], $0x2800  }
0x52: {  	[sflag:s23] =	ssyncset.done $0x0  }
0x53: {  	[sflag:s23] =	ssyncadd.s32 $0xFFFFD800  }
0x54: {  	s31 =	smov.u32 s19;
	s1 =	simm.s32 $0x0;
	[bflag:$0x0] =	sbarrier.arrive $0xFFFF  }
.LBB2_4:
0x55: {  	s0 =	sadd.s32 $0x2, s29  }
0x56: {  	s20 =	sadd.s32 $0x1, s30;
	p0 =	sgt.u32 s0, s15  }
0x57: {  	s0 =	smul.u32 @!p0 $0xAB, s20;
	_ =	sdelay $0x1  }
0x58: {  	s0 =	sshrl.u32 @!p0 s0, $0x9  }
0x59: {  	s0 =	sand.u32 @!p0 $0x7F, s0  }
0x5a: {  	p1 =	seq.s32 s1, $0x0;
	s0 =	smul.u32 @!p0 $0x3, s0  }
0x5b: {  	s22 =	simm.s32 @!p1 $0x3  }
0x5c: {  	_ =	swait.ge @!p1 [sflag:s22], $0x4000;
	s0 =	ssub.s32 @!p0 s20, s0  }
0x5d: {  	[sflag:s22] =	ssyncset.done @!p1 $0x0;
	s0 =	sand.u32 @!p0 $0xFF, s0  }
0x5e: {  	[sflag:s22] =	ssyncadd.s32 @!p1 $0xFFFFC000;
	s22 =	simm.s32 @!p0 $0x0;
	s0 =	sshll.u32 @!p0 s0, $0x8  }
0x5f: {  	[tilespmem:s0], [sflag:$0x1] =	stream.linear.gather @!p0 [hbm4b:s31+s22], $0x100, $0x38;
	[tilespmem:$0x1EB00] =	vst v63  }
0x60: {  	p0 =	sge.u32 s29, s15  }
0x61: {  	s0 =	sand.u32 @!p0 $0xFF, s30  }
0x62: {  	s0 =	smul.u32 @!p0 $0xAB, s0  }
0x63: {  	s3 =	smulhi.u32 $0xAAAAAAAB, s29  }
0x64: {  	s0 =	sshrl.u32 @!p0 s0, $0x9  }
0x65: {  	s22 =	sshrl.u32 s3, $0x1;
	s3 =	simm.s32 @!p0 $0x1;
	s0 =	smul.u32 @!p0 $0x3, s0  }
0x66: {  	_ =	swait.ge @!p0 [sflag:s3], $0x100  }
0x67: {  	[sflag:s3] =	ssyncset.done @!p0 $0x0;
	s0 =	ssub.s32 @!p0 s30, s0;
	s30 =	sxor.u32 @!p0 $0xFFFFFFFF, s1  }
0x68: {  	[sflag:s3] =	ssyncadd.s32 @!p0 $0xFFFFFF00;
	s0 =	sand.u32 @!p0 $0xFF, s0;
	s3 =	sand.u32 @!p0 $0x4000, s30  }
0x69: {  	s30 =	simm.s32 @!p0 $0x80;
	s3 =	sor.u32 @!p0 $0x300, s3;
	s0 =	sshll.u32 @!p0 s0, $0x8  }
0x6a: {  	[tilespmem:s3], [sflag:$0x2] =	stream.indirect.gather @!p0 [hbm4b:s4+s30], $0x80, s0, s30, $0xb8;
	[tilespmem:$0x1EB00] =	vst v63  }
0x6b: {  	_ =	swait.ge [sflag:s24], $0x4000  }
0x6c: {  	s29 =	sadd.s32 $0x1, s29;
	s22 =	smul.u32 $0xFFFFF400, s22;
	s30 =	rddreg [dreg:$0x5]  }
0x6d: {  	p0 =	sne.s32 s29, s30  }
.Ltmp1:
0x6e: {  	s31 =	sadd.s32 $0x400, s31;
	s22 =	sshra.s32 s22, $0x2;
	(pc) =	sbr.rel @p0 .LBB2_4-.Ltmp1, $4  }
0x6f: {  	s0 =	sadd.s32 s22, s28;
	s22 =	sand.u32 $0x4000, s1;
	s1 =	sadd.s32 $0x4000, s1  }
0x70: {  	s28 =	sadd.s32 $0x100, s28;
	s22 =	sor.u32 $0x300, s22;
	[sflag:s24] =	ssyncset.done $0x0  }
0x71: {  	s3 =	rddreg [dreg:$0x4];
	[sflag:s24] =	ssyncadd.s32 $0xFFFFC000;
	s30 =	smov.u32 s20  }
0x72: {  	[spmem:s2] =	stream.indirect.scatter.add.f32 [tilespmem:s22], [sflag:$0x3], $0x80, s0, s3, $0xb8;
	[tilespmem:$0x1EB00] =	vst v63  }
0x73: {  	_ =	swait.ge [sflag:s23], $0x4000  }
0x74: {  	s26 =	sadd.s32 $0x1, s26;
	[sflag:s23] =	ssyncset.done $0x0  }
0x75: {  	s0 =	sor.u32 $0x1C04, s5;
	p0 =	sne.s32 s26, s18;
	[sflag:s23] =	ssyncadd.s32 $0xFFFFC000  }
.Ltmp2:
0x76: {  	s1 =	sshrl.u32 s7, $0x3;
	[bflag:$0x0] =	sbarrier.arrive $0xFFFF;
	(pc) =	sbr.rel @p0 .LBB2_1-.Ltmp2, $4  }
0x77: {  	[hbm:s17], [sflag:s0] =	dma.local [spmem:s1], $0x2800  }
0x78: {  	_ =	swait.ge [sflag:s25], $0x2800  }
0x79: {  	[sflag:s25] =	ssyncset.done $0x0  }
0x7a: {  	[sflag:s25] =	ssyncadd.s32 $0xFFFFD800  }
0x7b: {  	_ =	sfence.sel $0x180000  }
0x7c: {  	[bflag:$0x0] =	sbarrier.arrive $0xFFFF  }
0x7d: {  	_ =	strace $0x9000004D  }
0x7e: {  	s0 =	stileid.u32;
	[bflag:$0x2] =	sbarrier.arrive $0xFFFF  }
0x7f: {  	p0 =	sne.s32 s0, $0x0;
	s0 =	rddreg [dreg:$0x3]  }
0x80: {  	s0 =	sadd.s32 @!p0 $0x100000, s0  }
0x81: {  	[sflag:s0] =	ssyncadd.tile.s32 @!p0 $0x1;
	_ =	shalt  }
.Lfunc_end2:
_tile_overlayer_lowered:
.L_overlay_start_2:
0x82: {  	(tag) =	ssettag $0x2  }
0x83: {  	s0 =	rddreg [dreg:$0x0];
	s2 =	stileid.u32  }
0x84: {  	s1 =	rddreg [dreg:$0x1];
	p0 =	sne.s32 s2, $0x0  }
0x85: {  	s3 =	rddreg [dreg:$0x2];
	[bflag:$0x3] =	sbarrier.arrive $0xFFFF;
	s2 =	simm.s32 @!p0 $0x1C04  }
0x86: {  	[timem:s3], [sflag:s2] =	dma.local @!p0 [hbm:s0], s1  }
0x87: {  	s0 =	simm.s32 @!p0 $0x4  }
0x88: {  	_ =	swait.ge @!p0 [sflag:s0], s1  }
0x89: {  	s1 =	ssub.s32 @!p0 $0x0, s1;
	[sflag:s0] =	ssyncset.done @!p0 $0x0  }
0x8a: {  	[sflag:s0] =	ssyncadd.s32 @!p0 s1  }
0x8b: {  	[bflag:$0x3] =	sbarrier.arrive $0xFFFF  }
0x8c: {  	_ =	shalt  }

// kernel: kernel.21.cloned.1.call-start
scs
__scs_entry_jumppad:
0x0: {  	(pc) =	sbr.rel $0x88, $3  }
0x1: {  	(tag) =	ssettag $0x0;
	lr =	simm.s32 $0x1  }
0x2: {  	[smem:$0x3F94] =	sst lr;
	_ =	strace $0xD0000000  }
0x3: {  	_ = 	snop  }
0x4: {  	_ = 	snop  }
0x5: {  	_ = 	snop  }
0x6: {  	_ = 	snop  }
0x7: {  	_ = 	snop  }
__scs_overlays_trampoline_lowered:
0x8: {  	[smem:$0x3FA3] =	sst s0  }
0x9: {  	[smem:$0x3FA4] =	sst s1  }
0xa: {  	[smem:$0x3FA5] =	sst s2  }
0xb: {  	[smem:$0x3FA6] =	sst s3  }
0xc: {  	[smem:$0x3FA7] =	sst s4  }
0xd: {  	[smem:$0x3FA8] =	sst s5  }
0xe: {  	[smem:$0x3FA9] =	sst s6  }
0xf: {  	[smem:$0x3FAA] =	sst s7  }
0x10: {  	[smem:$0x3FAB] =	sst s8  }
0x11: {  	[smem:$0x3FAC] =	sst s9;
	s0 =	simm.s32 @!p0 $0x0  }
0x12: {  	s1 =	sld [smem:$0x3F92];
	s0 =	simm.s32 @p0 $0x1  }
0x13: {  	[smem:$0x3FAD] =	sst s0;
	s0 =	simm.s32 @!p1 $0x0  }
0x14: {  	s2 =	sld [smem:$0x3F91];
	s0 =	simm.s32 @p1 $0x1  }
0x15: {  	[smem:$0x3FAE] =	sst s0;
	s0 =	simm.s32 @!p2 $0x0  }
0x16: {  	s3 =	sld [smem:$0x3FDB];
	s0 =	simm.s32 @p2 $0x1  }
0x17: {  	s4 =	simm.s32 $0x1BF5;
	[smem:$0x3FB0] =	sst s0  }
0x18: {  	s0 =	sld [smem:$0x3F93];
	_ =	swait.ge [sflag:s4], $0x0  }
0x19: {  	s7 =	sld [smem:$0x3F94]  }
0x1a: {  	s8 =	sadd.s32 $0xFFFFE003, lr  }
0x1b: {  	s9 =	sadd.s32 $0xFFFFFEF7, lr;
	s5 =	simm.s32 $0xFFFFFFFF;
	p2 =	slt.u32 s8, $0xFFFFF086  }
0x1c: {  	p1 =	slt.u32 s9, $0xF7A;
	s5 =	simm.s32 @!p2 $0x0  }
0x1d: {  	s5 =	simm.s32 @p1 $0x1;
	p0 =	seq.s32 s7, s2  }
0x1e: {  	s7 =	smul.u32 @!p0 $0xF7A, s2;
	p2 =	seq.s32 @!p0 s5, $0x0  }
0x1f: {  	s9 =	smul.u32 $0xF7A, s1;
	s8 =	simm.s32 @!p0 $0x1BF5;
	p2 =	por !p2, p0  }
0x20: {  	[sflag:s8] =	ssyncset.s32 @!p0 $0xFFFFF086;
	s6 =	sadd.s32 @!p0 s3, s7;
	s7 =	simm.s32 @!p0 $0x108  }
0x21: {  	s3 =	sadd.s32 s3, s9;
	s6 =	sadd.s32 @!p0 $0x88, s6;
	s7 =	simm.s32 @p2 $0x1082  }
0x22: {  	[simem:s7], [sflag:s8] =	dma.local @!p0 [hbm:s6], $0xF7A  }
0x23: {  	s9 =	sor.u32 $0xD0000000, s2;
	s6 =	simm.s32 $0x108;
	_ =	swait.ge @!p0 [sflag:s8], $0x0  }
0x24: {  	s3 =	sadd.s32 $0x88, s3;
	s6 =	simm.s32 @!p1 $0x1082;
	[sflag:s4] =	ssyncset.s32 $0xFFFFF086  }
0x25: {  	[simem:s6], [sflag:s4] =	dma.local [hbm:s3], $0xF7A  }
0x26: {  	[smem:$0x3F94] =	sst s1;
	(tag) =	ssettag s2;
	_ =	strace s9  }
0x27: {  	s1 =	sld [smem:$0x3FA4]  }
0x28: {  	s2 =	sld [smem:$0x3FA5]  }
0x29: {  	s4 =	sld [smem:$0x3FA7]  }
0x2a: {  	p0 =	seq.s32 s5, $0x0;
	s5 =	sld [smem:$0x3FA8]  }
0x2b: {  	s6 =	sld [smem:$0x3FA9]  }
0x2c: {  	s7 =	sld [smem:$0x3FAA]  }
0x2d: {  	s3 =	simm.s32 $0x108;
	s8 =	sld [smem:$0x3FAB]  }
0x2e: {  	s3 =	simm.s32 @!p0 $0x1082;
	s9 =	sld [smem:$0x3FAC]  }
0x2f: {  	lr =	sadd.s32 s0, s3;
	s0 =	sld [smem:$0x3FA3]  }
0x30: {  	s3 =	sld [smem:$0x3FA6]  }
0x31: {  	[smem:$0x3FAF] =	sst s10  }
0x32: {  	s10 =	sld [smem:$0x3FAD];
	_ =	sdelay $0x3  }
0x33: {  	p0 =	seq.s32 s10, $0x1;
	s10 =	sld [smem:$0x3FAF];
	_ =	sdelay $0x3  }
0x34: {  	[smem:$0x3FAF] =	sst s10  }
0x35: {  	s10 =	sld [smem:$0x3FAE];
	_ =	sdelay $0x3  }
0x36: {  	p1 =	seq.s32 s10, $0x1;
	s10 =	sld [smem:$0x3FAF];
	_ =	sdelay $0x3  }
0x37: {  	[smem:$0x3FAF] =	sst s10  }
0x38: {  	s10 =	sld [smem:$0x3FB0]  }
0x39: {  	_ = 	snop;
	(pc) =	sbr.ind lr, $3  }
0x3a: {  	_ = 	snop  }
0x3b: {  	_ = 	snop  }
0x3c: {  	p2 =	seq.s32 s10, $0x1;
	s10 =	sld [smem:$0x3FAF]  }
0x3d: {  	_ =	shalt  }
0x3e: {  	_ =	shalt  }
0x3f: {  	_ =	shalt  }
0x40: {  	_ =	shalt  }
0x41: {  	_ =	shalt  }
0x42: {  	_ =	shalt  }
0x43: {  	_ =	shalt  }
0x44: {  	_ =	shalt  }
0x45: {  	_ =	shalt  }
0x46: {  	_ =	shalt  }
0x47: {  	_ =	shalt  }
0x48: {  	_ =	shalt  }
0x49: {  	_ =	shalt  }
0x4a: {  	_ =	shalt  }
0x4b: {  	_ =	shalt  }
0x4c: {  	_ =	shalt  }
0x4d: {  	_ =	shalt  }
0x4e: {  	_ =	shalt  }
0x4f: {  	_ =	shalt  }
0x50: {  	_ =	shalt  }
0x51: {  	_ =	shalt  }
0x52: {  	_ =	shalt  }
0x53: {  	_ =	shalt  }
0x54: {  	_ =	shalt  }
0x55: {  	_ =	shalt  }
0x56: {  	_ =	shalt  }
0x57: {  	_ =	shalt  }
0x58: {  	_ =	shalt  }
0x59: {  	_ =	shalt  }
0x5a: {  	_ =	shalt  }
0x5b: {  	_ =	shalt  }
0x5c: {  	_ =	shalt  }
0x5d: {  	_ =	shalt  }
0x5e: {  	_ =	shalt  }
0x5f: {  	_ =	shalt  }
0x60: {  	_ =	shalt  }
0x61: {  	_ =	shalt  }
0x62: {  	_ =	shalt  }
0x63: {  	_ =	shalt  }
0x64: {  	_ =	shalt  }
0x65: {  	_ =	shalt  }
0x66: {  	_ =	shalt  }
0x67: {  	_ =	shalt  }
0x68: {  	_ =	shalt  }
0x69: {  	_ =	shalt  }
0x6a: {  	_ =	shalt  }
0x6b: {  	_ =	shalt  }
0x6c: {  	_ =	shalt  }
0x6d: {  	_ =	shalt  }
0x6e: {  	_ =	shalt  }
0x6f: {  	_ =	shalt  }
0x70: {  	_ =	shalt  }
0x71: {  	_ =	shalt  }
0x72: {  	_ =	shalt  }
0x73: {  	_ =	shalt  }
0x74: {  	_ =	shalt  }
0x75: {  	_ =	shalt  }
0x76: {  	_ =	shalt  }
0x77: {  	_ =	shalt  }
0x78: {  	_ =	shalt  }
0x79: {  	_ =	shalt  }
0x7a: {  	_ =	shalt  }
0x7b: {  	_ =	shalt  }
0x7c: {  	_ =	shalt  }
0x7d: {  	_ =	shalt  }
0x7e: {  	_ =	shalt  }
0x7f: {  	_ =	shalt  }
0x80: {  	_ =	shalt  }
0x81: {  	_ =	shalt  }
0x82: {  	_ =	shalt  }
0x83: {  	_ =	shalt  }
0x84: {  	_ =	shalt  }
0x85: {  	_ =	shalt  }
0x86: {  	_ =	shalt  }
0x87: {  	_ =	shalt  }
.Lfunc_end0:
.L_simem_size_0:
called_computation.3_lowered:
.L_overlay_start_0:
0x88: {  	s2 =	sld [smem:$0x3FD9]  }
0x89: {  	s3 =	sld [smem:$0x3FFE];
	_ =	sdelay $0x1  }
0x8a: {  	s1 =	srdreg.scid  }
0x8b: {  	s0 =	sand.u32 $0x1, s1  }
0x8c: {  	s17 =	sshll.u32 s0, $0xA;
	s2 =	sadd.s32 s3, s2  }
0x8d: {  	s2 =	sadd.s32 s2, s17  }
0x8e: {  	[smem:$0x3FBB] =	sst s2  }
0x8f: {  	_ = 	snop  }
0x90: {  	s2 =	sld [smem:$0x3FC8];
	(tm) =	ssettm $0x1  }
0x91: {  	s18 =	sld [smem:$0x3FFB];
	_ =	sdelay $0x3  }
0x92: {  	_ =	strace s18  }
0x93: {  	s3 =	sld [smem:$0x3FFC];
	_ =	sdelay $0x3  }
0x94: {  	_ =	strace s3  }
0x95: {  	s3 =	sld [smem:$0x3FFD];
	_ =	sdelay $0x3  }
0x96: {  	_ =	strace s3  }
0x97: {  	_ =	strace $0x8FFFFFFF  }
0x98: {  	s19 =	sld [smem:$0x3FDB];
	_ =	sdelay $0x1  }
0x99: {  	s4 =	simm.s32 $_scs_section_size  }
0x9a: {  	s5 =	simm.s32 $_size__tile_overlayer_lowered;
	s6 =	simm.s32 $_tile_overlayer_lowered  }
0x9b: {  	s22 =	simm.s32 $0x1BFF;
	s21 =	sshll.u32 s6, $0x1;
	s3 =	sadd.s32 s4, s19  }
0x9c: {  	s7 =	simm.s32 $0x0;
	s20 =	sshll.u32 s5, $0x1;
	s5 =	sadd.s32 s21, s3  }
0x9d: {  	[timem:s7], [sflag:s22] =	dma.local [hbm:s5], s20  }
0x9e: {  	_ =	swait.ge [sflag:s22], s20  }
0x9f: {  	s4 =	ssub.s32 $0x0, s20;
	[sflag:s22] =	ssyncset.done $0x0  }
0xa0: {  	[sflag:s22] =	ssyncadd.s32 s4;
	_ =	sdelay $0x1  }
0xa1: {  	s23 =	simm.s32 $0x1B8B  }
0xa2: {  	_ =	swait.ge [sflag:s23], $0x1  }
0xa3: {  	[sflag:s23] =	ssyncset.done $0x0  }
0xa4: {  	s25 =	simm.s32 $0x1B8E;
	s24 =	sld [smem:$0x3FFE];
	[sflag:s23] =	ssyncadd.s32 $0xFFFFFFFF  }
0xa5: {  	s26 =	simm.s32 $execute0_lowered;
	[smem:$0x3FD2] =	sst s25  }
0xa6: {  	s5 =	sshll.u32 s26, $0x1;
	_ =	strace $0x8000004F;
	[dreg:$0x1] =	wrdreg $0xFFFFFFFF  }
0xa7: {  	s28 =	simm.s32 $_size_execute0_lowered;
	s3 =	sadd.s32 s3, s5;
	[dreg:$0x0] =	wrdreg $0x0  }
0xa8: {  	s5 =	sshll.u32 s28, $0x1;
	[dreg:$0x2] =	wrdreg s3  }
0xa9: {  	[dreg:$0x3] =	wrdreg s5  }
0xaa: {  	[dreg:$0x4] =	wrdreg $0xC0  }
0xab: {  	_ =	task [dreg:s7], $0x5FFFF  }
0xac: {  	[dreg:$0x1] =	wrdreg $0xFFFFFFFF  }
0xad: {  	[dreg:$0x0] =	wrdreg $0x60  }
0xae: {  	[dreg:$0x2] =	wrdreg s24  }
0xaf: {  	[dreg:$0x3] =	wrdreg s2  }
0xb0: {  	[dreg:$0x4] =	wrdreg $0xAB000  }
0xb1: {  	[dreg:$0x5] =	wrdreg $0x9  }
0xb2: {  	_ =	task.clear_ibuf [dreg:s7], $0x6FFFF;
	_ =	strace $0x9000004F  }
0xb3: {  	s29 =	simm.s32 $0x9;
	_ =	strace $0x80000051  }
0xb4: {  	_ =	swait.ge [sflag:s29], $0x1  }
0xb5: {  	[sflag:s29] =	ssyncadd.s32 $0xFFFFFFFF  }
0xb6: {  	_ =	strace $0x90000051  }
0xb7: {  	_ =	sfence  }
0xb8: {  	s30 =	sld [smem:$0x0];
	_ =	sdelay $0x2  }
0xb9: {  	s31 =	sshll.u32 s1, $0xD;
	s1 =	sshrl.u32 s1, $0x2  }
0xba: {  	s3 =	sand.u32 $0x4000, s31;
	s1 =	sadd.s32 s1, s30  }
0xbb: {  	s0 =	sor.u32 s3, s0;
	s1 =	sshll.u32 s1, $0x11  }
0xbc: {  	s0 =	sor.u32 s1, s0  }
0xbd: {  	s0 =	sadd.s32 $0x8F2B, s0  }
0xbe: {  	[sflag:s0] =	ssyncadd.remote.s32 $0x1  }
0xbf: {  	_ =	sfence.sel $0xFFFF  }
0xc0: {  	[dreg:$0x0] =	wrdreg $0xFFFFFFFF;
	(pc) =	sbr.abs _section_cstart, $3  }
0xc1: {  	[dreg:$0x1] =	wrdreg $0xFFFFFFFF  }
0xc2: {  	_ =	task.clear_ibuf [dreg:s7], $0x2FFFF;
	_ =	strace $0x9FFFFFFF  }
0xc3: {  	(tm) =	ssettm $0x7FFFFFFF  }
tec
execute0_lowered:
.L_overlay_start_1:
0x0: {  	(tag) =	ssettag $0x1  }
0x1: {  	s1 =	rddreg [dreg:$0x0]  }
0x2: {  	s0 =	srdreg.scid;
	s19 =	rddreg [dreg:$0x1]  }
0x3: {  	s28 =	stileid.u32;
	s2 =	rddreg [dreg:$0x2];
	s3 =	simm.s32 $0x0  }
0x4: {  	s7 =	simm.s32 $0x4F;
	s21 =	simm.s32 $0x8300;
	s23 =	simm.s32 $0x3  }
0x5: {  	s24 =	simm.s32 $0x2;
	s31 =	simm.s32 $0x80;
	s25 =	simm.s32 $0x4  }
0x6: {  	s26 =	simm.s32 $0x0;
	s12 =	sand.u32 $0x1, s0;
	s5 =	smul.u32 $0x14000, s28  }
0x7: {  	[smem:$0x7FF] =	sst s3;
	p0 =	slt.u32 s28, $0x2;
	s30 =	smul.u32 $0x50000, s28  }
0x8: {  	s14 =	sshll.u32 s28, $0x9;
	s4 =	smul.u32 $0x140000, s12;
	_ =	strace $0x80000050  }
0x9: {  	s6 =	ssub.s32 $0x2, s12;
	s8 =	sshll.u32 s12, $0x5;
	s7 =	simm.s32 @!p0 $0x4E  }
0xa: {  	s15 =	sshll.u32 s12, $0x8;
	[dreg:$0x4] =	wrdreg s31;
	s29 =	sshrl.u32 s6, $0x1  }
0xb: {  	s9 =	sshrl.u32 s30, $0x2;
	[dreg:$0x5] =	wrdreg s7;
	s16 =	sor.u32 s15, s14  }
0xc: {  	s15 =	simm.s32 $0x4E;
	s4 =	sadd.s32 s5, s4;
	s18 =	ssub.s32 s6, s29  }
0xd: {  	s7 =	sadd.s32 s9, s2;
	s17 =	sor.u32 $0x4000, s16;
	s15 =	simm.s32 @!p0 $0x4D  }
0xe: {  	s5 =	sshrl.u32 s4, $0x3;
	s4 =	sadd.s32 $0x4800, s1;
	s9 =	sadd.s32 $0x2800, s7  }
0xf: {  	s10 =	sadd.s32 $0x5000, s7;
	s11 =	sadd.s32 $0x7800, s7;
	s12 =	sadd.s32 $0xA000, s7  }
0x10: {  	s13 =	sadd.s32 $0xC800, s7;
	s1 =	sadd.s32 s5, s1;
	s5 =	sshll.u32 s28, $0x6  }
0x11: {  	s14 =	sadd.s32 $0xF000, s7;
	s16 =	sadd.s32 $0x11800, s7;
	s8 =	sor.u32 s8, s5  }
0x12: {  	s20 =	sshrl.u32 s17, $0x3;
	s18 =	smax.u32 s18, $0x1;
	s6 =	sadd.s32 s19, s8  }
0x13: {  	v0 =	vimm.f32 $0.0e+00;
	s17 =	sadd.s32 $0x2BA00, s1;
	s19 =	sadd.s32 s20, s19;
	s8 =	sadd.s32 $0x400, s6  }
.LBB2_1:
0x14: {  	s0 =	simm.s32 $0x0  }
0x15: {  	[tilespmem:s0], [sflag:$0x1] =	stream.linear.gather [hbm4b:s6+s0], $0x100, $0x38;
	[tilespmem:$0x1EB00] =	vst v63  }
0x16: {  	s1 =	simm.s32 $0x100  }
0x17: {  	[tilespmem:s1], [sflag:$0x1] =	stream.linear.gather [hbm4b:s8+s0], $0x100, $0x38;
	[tilespmem:$0x1EB00] =	vst v63  }
0x18: {  	s28 =	simm.s32 $0x200;
	s1 =	simm.s32 $0x0  }
.LBB2_2:
0x19: {  	p0 =	sne.s32 s28, $0x9E00;
	[tilespmem:s1+$0x8370] =	vst v0  }
0x1a: {  	[tilespmem:s1+$0x8300] =	vst v0  }
0x1b: {  	[tilespmem:s1+$0x8310] =	vst v0  }
.Ltmp0:
0x1c: {  	[tilespmem:s1+$0x8320] =	vst v0;
	(pc) =	sbr.rel @p0 .LBB2_2-.Ltmp0, $4  }
0x1d: {  	[tilespmem:s1+$0x8330] =	vst v0  }
0x1e: {  	[tilespmem:s1+$0x8340] =	vst v0  }
0x1f: {  	[tilespmem:s1+$0x8350] =	vst v0  }
0x20: {  	[tilespmem:s1+$0x8360] =	vst v0;
	s1 =	sshra.s32 s28, $0x2;
	s28 =	sadd.s32 $0x200, s28  }
0x21: {  	[tilespmem:s1+$0x8370] =	vst v0  }
0x22: {  	[tilespmem:s1+$0x8300] =	vst v0  }
0x23: {  	[tilespmem:s1+$0x8310] =	vst v0  }
0x24: {  	[tilespmem:s1+$0x8320] =	vst v0  }
0x25: {  	[tilespmem:s1+$0x8330] =	vst v0  }
0x26: {  	[tilespmem:s1+$0x8340] =	vst v0  }
0x27: {  	[tilespmem:s1+$0x8350] =	vst v0  }
0x28: {  	[tilespmem:s1+$0x8360] =	vst v0  }
0x29: {  	[spmem:s7] =	stream.linear.scatter [tilespmem:s21], [sflag:$0x3], $0x2800, $0x38;
	[tilespmem:$0x1EB00] =	vst v63  }
0x2a: {  	_ = 	snop  }
0x2b: {  	[spmem:s9] =	stream.linear.scatter [tilespmem:s21], [sflag:$0x3], $0x2800, $0x38;
	[tilespmem:$0x1EB00] =	vst v63  }
0x2c: {  	_ = 	snop  }
0x2d: {  	[spmem:s10] =	stream.linear.scatter [tilespmem:s21], [sflag:$0x3], $0x2800, $0x38;
	[tilespmem:$0x1EB00] =	vst v63  }
0x2e: {  	_ = 	snop  }
0x2f: {  	[spmem:s11] =	stream.linear.scatter [tilespmem:s21], [sflag:$0x3], $0x2800, $0x38;
	[tilespmem:$0x1EB00] =	vst v63  }
0x30: {  	_ = 	snop  }
0x31: {  	[spmem:s12] =	stream.linear.scatter [tilespmem:s21], [sflag:$0x3], $0x2800, $0x38;
	[tilespmem:$0x1EB00] =	vst v63  }
0x32: {  	_ = 	snop  }
0x33: {  	[spmem:s13] =	stream.linear.scatter [tilespmem:s21], [sflag:$0x3], $0x2800, $0x38;
	[tilespmem:$0x1EB00] =	vst v63  }
0x34: {  	_ = 	snop  }
0x35: {  	[spmem:s14] =	stream.linear.scatter [tilespmem:s21], [sflag:$0x3], $0x2800, $0x38;
	[tilespmem:$0x1EB00] =	vst v63  }
0x36: {  	s30 =	simm.s32 $0x1  }
0x37: {  	[spmem:s16] =	stream.linear.scatter [tilespmem:s21], [sflag:$0x3], $0x2800, $0x38;
	[tilespmem:$0x1EB00] =	vst v63  }
0x38: {  	_ =	swait.ge [sflag:s30], $0x100  }
0x39: {  	s28 =	simm.s32 $0x80;
	[sflag:s30] =	ssyncset.done $0x0  }
0x3a: {  	s29 =	simm.s32 $0x0;
	s0 =	simm.s32 $0x300;
	[sflag:s30] =	ssyncadd.s32 $0xFFFFFF00  }
0x3b: {  	[tilespmem:s0], [sflag:$0x2] =	stream.indirect.gather [hbm4b:s4+s28], $0x80, s29, s28, $0xb8;
	[tilespmem:$0x1EB00] =	vst v63  }
0x3c: {  	_ =	swait.ge [sflag:s23], $0x2800  }
0x3d: {  	[sflag:s23] =	ssyncset.done $0x0  }
0x3e: {  	[sflag:s23] =	ssyncadd.s32 $0xFFFFD800  }
0x3f: {  	_ =	swait.ge [sflag:s23], $0x2800  }
0x40: {  	[sflag:s23] =	ssyncset.done $0x0  }
0x41: {  	[sflag:s23] =	ssyncadd.s32 $0xFFFFD800  }
0x42: {  	_ =	swait.ge [sflag:s23], $0x2800  }
0x43: {  	[sflag:s23] =	ssyncset.done $0x0  }
0x44: {  	[sflag:s23] =	ssyncadd.s32 $0xFFFFD800  }
0x45: {  	_ =	swait.ge [sflag:s23], $0x2800  }
0x46: {  	[sflag:s23] =	ssyncset.done $0x0  }
0x47: {  	[sflag:s23] =	ssyncadd.s32 $0xFFFFD800  }
0x48: {  	_ =	swait.ge [sflag:s23], $0x2800  }
0x49: {  	[sflag:s23] =	ssyncset.done $0x0  }
0x4a: {  	[sflag:s23] =	ssyncadd.s32 $0xFFFFD800  }
0x4b: {  	_ =	swait.ge [sflag:s23], $0x2800  }
0x4c: {  	[sflag:s23] =	ssyncset.done $0x0  }
0x4d: {  	[sflag:s23] =	ssyncadd.s32 $0xFFFFD800  }
0x4e: {  	_ =	swait.ge [sflag:s23], $0x2800  }
0x4f: {  	[sflag:s23] =	ssyncset.done $0x0  }
0x50: {  	[sflag:s23] =	ssyncadd.s32 $0xFFFFD800  }
0x51: {  	_ =	swait.ge [sflag:s23], $0x2800  }
0x52: {  	[sflag:s23] =	ssyncset.done $0x0  }
0x53: {  	[sflag:s23] =	ssyncadd.s32 $0xFFFFD800  }
0x54: {  	s31 =	smov.u32 s19;
	s1 =	simm.s32 $0x0;
	[bflag:$0x0] =	sbarrier.arrive $0xFFFF  }
.LBB2_4:
0x55: {  	s0 =	sadd.s32 $0x2, s29  }
0x56: {  	s20 =	sadd.s32 $0x1, s30;
	p0 =	sgt.u32 s0, s15  }
0x57: {  	s0 =	smul.u32 @!p0 $0xAB, s20;
	_ =	sdelay $0x1  }
0x58: {  	s0 =	sshrl.u32 @!p0 s0, $0x9  }
0x59: {  	s0 =	sand.u32 @!p0 $0x7F, s0  }
0x5a: {  	p1 =	seq.s32 s1, $0x0;
	s0 =	smul.u32 @!p0 $0x3, s0  }
0x5b: {  	s22 =	simm.s32 @!p1 $0x3  }
0x5c: {  	_ =	swait.ge @!p1 [sflag:s22], $0x4000;
	s0 =	ssub.s32 @!p0 s20, s0  }
0x5d: {  	[sflag:s22] =	ssyncset.done @!p1 $0x0;
	s0 =	sand.u32 @!p0 $0xFF, s0  }
0x5e: {  	[sflag:s22] =	ssyncadd.s32 @!p1 $0xFFFFC000;
	s22 =	simm.s32 @!p0 $0x0;
	s0 =	sshll.u32 @!p0 s0, $0x8  }
0x5f: {  	[tilespmem:s0], [sflag:$0x1] =	stream.linear.gather @!p0 [hbm4b:s31+s22], $0x100, $0x38;
	[tilespmem:$0x1EB00] =	vst v63  }
0x60: {  	p0 =	sge.u32 s29, s15  }
0x61: {  	s0 =	sand.u32 @!p0 $0xFF, s30  }
0x62: {  	s0 =	smul.u32 @!p0 $0xAB, s0  }
0x63: {  	s3 =	smulhi.u32 $0xAAAAAAAB, s29  }
0x64: {  	s0 =	sshrl.u32 @!p0 s0, $0x9  }
0x65: {  	s22 =	sshrl.u32 s3, $0x1;
	s3 =	simm.s32 @!p0 $0x1;
	s0 =	smul.u32 @!p0 $0x3, s0  }
0x66: {  	_ =	swait.ge @!p0 [sflag:s3], $0x100  }
0x67: {  	[sflag:s3] =	ssyncset.done @!p0 $0x0;
	s0 =	ssub.s32 @!p0 s30, s0;
	s30 =	sxor.u32 @!p0 $0xFFFFFFFF, s1  }
0x68: {  	[sflag:s3] =	ssyncadd.s32 @!p0 $0xFFFFFF00;
	s0 =	sand.u32 @!p0 $0xFF, s0;
	s3 =	sand.u32 @!p0 $0x4000, s30  }
0x69: {  	s30 =	simm.s32 @!p0 $0x80;
	s3 =	sor.u32 @!p0 $0x300, s3;
	s0 =	sshll.u32 @!p0 s0, $0x8  }
0x6a: {  	[tilespmem:s3], [sflag:$0x2] =	stream.indirect.gather @!p0 [hbm4b:s4+s30], $0x80, s0, s30, $0xb8;
	[tilespmem:$0x1EB00] =	vst v63  }
0x6b: {  	_ =	swait.ge [sflag:s24], $0x4000  }
0x6c: {  	s29 =	sadd.s32 $0x1, s29;
	s22 =	smul.u32 $0xFFFFF400, s22;
	s30 =	rddreg [dreg:$0x5]  }
0x6d: {  	p0 =	sne.s32 s29, s30  }
.Ltmp1:
0x6e: {  	s31 =	sadd.s32 $0x400, s31;
	s22 =	sshra.s32 s22, $0x2;
	(pc) =	sbr.rel @p0 .LBB2_4-.Ltmp1, $4  }
0x6f: {  	s0 =	sadd.s32 s22, s28;
	s22 =	sand.u32 $0x4000, s1;
	s1 =	sadd.s32 $0x4000, s1  }
0x70: {  	s28 =	sadd.s32 $0x100, s28;
	s22 =	sor.u32 $0x300, s22;
	[sflag:s24] =	ssyncset.done $0x0  }
0x71: {  	s3 =	rddreg [dreg:$0x4];
	[sflag:s24] =	ssyncadd.s32 $0xFFFFC000;
	s30 =	smov.u32 s20  }
0x72: {  	[spmem:s2] =	stream.indirect.scatter.add.f32 [tilespmem:s22], [sflag:$0x3], $0x80, s0, s3, $0xb8;
	[tilespmem:$0x1EB00] =	vst v63  }
0x73: {  	_ =	swait.ge [sflag:s23], $0x4000  }
0x74: {  	s26 =	sadd.s32 $0x1, s26;
	[sflag:s23] =	ssyncset.done $0x0  }
0x75: {  	s0 =	sor.u32 $0x1C04, s5;
	p0 =	sne.s32 s26, s18;
	[sflag:s23] =	ssyncadd.s32 $0xFFFFC000  }
.Ltmp2:
0x76: {  	s1 =	sshrl.u32 s7, $0x3;
	[bflag:$0x0] =	sbarrier.arrive $0xFFFF;
	(pc) =	sbr.rel @p0 .LBB2_1-.Ltmp2, $4  }
0x77: {  	[hbm:s17], [sflag:s0] =	dma.local [spmem:s1], $0x2800  }
0x78: {  	_ =	swait.ge [sflag:s25], $0x2800  }
0x79: {  	[sflag:s25] =	ssyncset.done $0x0  }
0x7a: {  	[sflag:s25] =	ssyncadd.s32 $0xFFFFD800  }
0x7b: {  	_ =	sfence.sel $0x180000  }
0x7c: {  	[bflag:$0x0] =	sbarrier.arrive $0xFFFF  }
0x7d: {  	_ =	strace $0x90000050  }
0x7e: {  	s0 =	stileid.u32;
	[bflag:$0x2] =	sbarrier.arrive $0xFFFF  }
0x7f: {  	p0 =	sne.s32 s0, $0x0;
	s0 =	rddreg [dreg:$0x3]  }
0x80: {  	s0 =	sadd.s32 @!p0 $0x100000, s0  }
0x81: {  	[sflag:s0] =	ssyncadd.tile.s32 @!p0 $0x1;
	_ =	shalt  }
.Lfunc_end2:
_tile_overlayer_lowered:
.L_overlay_start_2:
0x82: {  	(tag) =	ssettag $0x2  }
0x83: {  	s0 =	rddreg [dreg:$0x0];
	s2 =	stileid.u32  }
0x84: {  	s1 =	rddreg [dreg:$0x1];
	p0 =	sne.s32 s2, $0x0  }
0x85: {  	s3 =	rddreg [dreg:$0x2];
	[bflag:$0x3] =	sbarrier.arrive $0xFFFF;
	s2 =	simm.s32 @!p0 $0x1C04  }
0x86: {  	[timem:s3], [sflag:s2] =	dma.local @!p0 [hbm:s0], s1  }
0x87: {  	s0 =	simm.s32 @!p0 $0x4  }
0x88: {  	_ =	swait.ge @!p0 [sflag:s0], s1  }
0x89: {  	s1 =	ssub.s32 @!p0 $0x0, s1;
	[sflag:s0] =	ssyncset.done @!p0 $0x0  }
0x8a: {  	[sflag:s0] =	ssyncadd.s32 @!p0 s1  }
0x8b: {  	[bflag:$0x3] =	sbarrier.arrive $0xFFFF  }
0x8c: {  	_ =	shalt  }

// kernel: kernel.24.cloned.1.call-start
scs
__scs_entry_jumppad:
0x0: {  	(pc) =	sbr.rel $0x88, $3  }
0x1: {  	(tag) =	ssettag $0x0;
	lr =	simm.s32 $0x1  }
0x2: {  	[smem:$0x3F94] =	sst lr;
	_ =	strace $0xD0000000  }
0x3: {  	_ = 	snop  }
0x4: {  	_ = 	snop  }
0x5: {  	_ = 	snop  }
0x6: {  	_ = 	snop  }
0x7: {  	_ = 	snop  }
__scs_overlays_trampoline_lowered:
0x8: {  	[smem:$0x3FA3] =	sst s0  }
0x9: {  	[smem:$0x3FA4] =	sst s1  }
0xa: {  	[smem:$0x3FA5] =	sst s2  }
0xb: {  	[smem:$0x3FA6] =	sst s3  }
0xc: {  	[smem:$0x3FA7] =	sst s4  }
0xd: {  	[smem:$0x3FA8] =	sst s5  }
0xe: {  	[smem:$0x3FA9] =	sst s6  }
0xf: {  	[smem:$0x3FAA] =	sst s7  }
0x10: {  	[smem:$0x3FAB] =	sst s8  }
0x11: {  	[smem:$0x3FAC] =	sst s9;
	s0 =	simm.s32 @!p0 $0x0  }
0x12: {  	s1 =	sld [smem:$0x3F92];
	s0 =	simm.s32 @p0 $0x1  }
0x13: {  	[smem:$0x3FAD] =	sst s0;
	s0 =	simm.s32 @!p1 $0x0  }
0x14: {  	s2 =	sld [smem:$0x3F91];
	s0 =	simm.s32 @p1 $0x1  }
0x15: {  	[smem:$0x3FAE] =	sst s0;
	s0 =	simm.s32 @!p2 $0x0  }
0x16: {  	s3 =	sld [smem:$0x3FDB];
	s0 =	simm.s32 @p2 $0x1  }
0x17: {  	s4 =	simm.s32 $0x1BF5;
	[smem:$0x3FB0] =	sst s0  }
0x18: {  	s0 =	sld [smem:$0x3F93];
	_ =	swait.ge [sflag:s4], $0x0  }
0x19: {  	s7 =	sld [smem:$0x3F94]  }
0x1a: {  	s8 =	sadd.s32 $0xFFFFE003, lr  }
0x1b: {  	s9 =	sadd.s32 $0xFFFFFEF7, lr;
	s5 =	simm.s32 $0xFFFFFFFF;
	p2 =	slt.u32 s8, $0xFFFFF086  }
0x1c: {  	p1 =	slt.u32 s9, $0xF7A;
	s5 =	simm.s32 @!p2 $0x0  }
0x1d: {  	s5 =	simm.s32 @p1 $0x1;
	p0 =	seq.s32 s7, s2  }
0x1e: {  	s7 =	smul.u32 @!p0 $0xF7A, s2;
	p2 =	seq.s32 @!p0 s5, $0x0  }
0x1f: {  	s9 =	smul.u32 $0xF7A, s1;
	s8 =	simm.s32 @!p0 $0x1BF5;
	p2 =	por !p2, p0  }
0x20: {  	[sflag:s8] =	ssyncset.s32 @!p0 $0xFFFFF086;
	s6 =	sadd.s32 @!p0 s3, s7;
	s7 =	simm.s32 @!p0 $0x108  }
0x21: {  	s3 =	sadd.s32 s3, s9;
	s6 =	sadd.s32 @!p0 $0x88, s6;
	s7 =	simm.s32 @p2 $0x1082  }
0x22: {  	[simem:s7], [sflag:s8] =	dma.local @!p0 [hbm:s6], $0xF7A  }
0x23: {  	s9 =	sor.u32 $0xD0000000, s2;
	s6 =	simm.s32 $0x108;
	_ =	swait.ge @!p0 [sflag:s8], $0x0  }
0x24: {  	s3 =	sadd.s32 $0x88, s3;
	s6 =	simm.s32 @!p1 $0x1082;
	[sflag:s4] =	ssyncset.s32 $0xFFFFF086  }
0x25: {  	[simem:s6], [sflag:s4] =	dma.local [hbm:s3], $0xF7A  }
0x26: {  	[smem:$0x3F94] =	sst s1;
	(tag) =	ssettag s2;
	_ =	strace s9  }
0x27: {  	s1 =	sld [smem:$0x3FA4]  }
0x28: {  	s2 =	sld [smem:$0x3FA5]  }
0x29: {  	s4 =	sld [smem:$0x3FA7]  }
0x2a: {  	p0 =	seq.s32 s5, $0x0;
	s5 =	sld [smem:$0x3FA8]  }
0x2b: {  	s6 =	sld [smem:$0x3FA9]  }
0x2c: {  	s7 =	sld [smem:$0x3FAA]  }
0x2d: {  	s3 =	simm.s32 $0x108;
	s8 =	sld [smem:$0x3FAB]  }
0x2e: {  	s3 =	simm.s32 @!p0 $0x1082;
	s9 =	sld [smem:$0x3FAC]  }
0x2f: {  	lr =	sadd.s32 s0, s3;
	s0 =	sld [smem:$0x3FA3]  }
0x30: {  	s3 =	sld [smem:$0x3FA6]  }
0x31: {  	[smem:$0x3FAF] =	sst s10  }
0x32: {  	s10 =	sld [smem:$0x3FAD];
	_ =	sdelay $0x3  }
0x33: {  	p0 =	seq.s32 s10, $0x1;
	s10 =	sld [smem:$0x3FAF];
	_ =	sdelay $0x3  }
0x34: {  	[smem:$0x3FAF] =	sst s10  }
0x35: {  	s10 =	sld [smem:$0x3FAE];
	_ =	sdelay $0x3  }
0x36: {  	p1 =	seq.s32 s10, $0x1;
	s10 =	sld [smem:$0x3FAF];
	_ =	sdelay $0x3  }
0x37: {  	[smem:$0x3FAF] =	sst s10  }
0x38: {  	s10 =	sld [smem:$0x3FB0]  }
0x39: {  	_ = 	snop;
	(pc) =	sbr.ind lr, $3  }
0x3a: {  	_ = 	snop  }
0x3b: {  	_ = 	snop  }
0x3c: {  	p2 =	seq.s32 s10, $0x1;
	s10 =	sld [smem:$0x3FAF]  }
0x3d: {  	_ =	shalt  }
0x3e: {  	_ =	shalt  }
0x3f: {  	_ =	shalt  }
0x40: {  	_ =	shalt  }
0x41: {  	_ =	shalt  }
0x42: {  	_ =	shalt  }
0x43: {  	_ =	shalt  }
0x44: {  	_ =	shalt  }
0x45: {  	_ =	shalt  }
0x46: {  	_ =	shalt  }
0x47: {  	_ =	shalt  }
0x48: {  	_ =	shalt  }
0x49: {  	_ =	shalt  }
0x4a: {  	_ =	shalt  }
0x4b: {  	_ =	shalt  }
0x4c: {  	_ =	shalt  }
0x4d: {  	_ =	shalt  }
0x4e: {  	_ =	shalt  }
0x4f: {  	_ =	shalt  }
0x50: {  	_ =	shalt  }
0x51: {  	_ =	shalt  }
0x52: {  	_ =	shalt  }
0x53: {  	_ =	shalt  }
0x54: {  	_ =	shalt  }
0x55: {  	_ =	shalt  }
0x56: {  	_ =	shalt  }
0x57: {  	_ =	shalt  }
0x58: {  	_ =	shalt  }
0x59: {  	_ =	shalt  }
0x5a: {  	_ =	shalt  }
0x5b: {  	_ =	shalt  }
0x5c: {  	_ =	shalt  }
0x5d: {  	_ =	shalt  }
0x5e: {  	_ =	shalt  }
0x5f: {  	_ =	shalt  }
0x60: {  	_ =	shalt  }
0x61: {  	_ =	shalt  }
0x62: {  	_ =	shalt  }
0x63: {  	_ =	shalt  }
0x64: {  	_ =	shalt  }
0x65: {  	_ =	shalt  }
0x66: {  	_ =	shalt  }
0x67: {  	_ =	shalt  }
0x68: {  	_ =	shalt  }
0x69: {  	_ =	shalt  }
0x6a: {  	_ =	shalt  }
0x6b: {  	_ =	shalt  }
0x6c: {  	_ =	shalt  }
0x6d: {  	_ =	shalt  }
0x6e: {  	_ =	shalt  }
0x6f: {  	_ =	shalt  }
0x70: {  	_ =	shalt  }
0x71: {  	_ =	shalt  }
0x72: {  	_ =	shalt  }
0x73: {  	_ =	shalt  }
0x74: {  	_ =	shalt  }
0x75: {  	_ =	shalt  }
0x76: {  	_ =	shalt  }
0x77: {  	_ =	shalt  }
0x78: {  	_ =	shalt  }
0x79: {  	_ =	shalt  }
0x7a: {  	_ =	shalt  }
0x7b: {  	_ =	shalt  }
0x7c: {  	_ =	shalt  }
0x7d: {  	_ =	shalt  }
0x7e: {  	_ =	shalt  }
0x7f: {  	_ =	shalt  }
0x80: {  	_ =	shalt  }
0x81: {  	_ =	shalt  }
0x82: {  	_ =	shalt  }
0x83: {  	_ =	shalt  }
0x84: {  	_ =	shalt  }
0x85: {  	_ =	shalt  }
0x86: {  	_ =	shalt  }
0x87: {  	_ =	shalt  }
.Lfunc_end0:
.L_simem_size_0:
called_computation.4_lowered:
.L_overlay_start_0:
0x88: {  	s2 =	sld [smem:$0x3FD9]  }
0x89: {  	s3 =	sld [smem:$0x3FFE];
	_ =	sdelay $0x1  }
0x8a: {  	s1 =	srdreg.scid  }
0x8b: {  	s0 =	sand.u32 $0x1, s1  }
0x8c: {  	s17 =	sshll.u32 s0, $0xA;
	s2 =	sadd.s32 s3, s2  }
0x8d: {  	s2 =	sadd.s32 s2, s17  }
0x8e: {  	[smem:$0x3FBB] =	sst s2  }
0x8f: {  	_ = 	snop  }
0x90: {  	s2 =	sld [smem:$0x3FC8];
	(tm) =	ssettm $0x1  }
0x91: {  	s18 =	sld [smem:$0x3FFB];
	_ =	sdelay $0x3  }
0x92: {  	_ =	strace s18  }
0x93: {  	s3 =	sld [smem:$0x3FFC];
	_ =	sdelay $0x3  }
0x94: {  	_ =	strace s3  }
0x95: {  	s3 =	sld [smem:$0x3FFD];
	_ =	sdelay $0x3  }
0x96: {  	_ =	strace s3  }
0x97: {  	_ =	strace $0x8FFFFFFF  }
0x98: {  	s19 =	sld [smem:$0x3FDB];
	_ =	sdelay $0x1  }
0x99: {  	s4 =	simm.s32 $_scs_section_size  }
0x9a: {  	s5 =	simm.s32 $_size__tile_overlayer_lowered;
	s6 =	simm.s32 $_tile_overlayer_lowered  }
0x9b: {  	s22 =	simm.s32 $0x1BFF;
	s21 =	sshll.u32 s6, $0x1;
	s3 =	sadd.s32 s4, s19  }
0x9c: {  	s7 =	simm.s32 $0x0;
	s20 =	sshll.u32 s5, $0x1;
	s5 =	sadd.s32 s21, s3  }
0x9d: {  	[timem:s7], [sflag:s22] =	dma.local [hbm:s5], s20  }
0x9e: {  	_ =	swait.ge [sflag:s22], s20  }
0x9f: {  	s4 =	ssub.s32 $0x0, s20;
	[sflag:s22] =	ssyncset.done $0x0  }
0xa0: {  	[sflag:s22] =	ssyncadd.s32 s4;
	_ =	sdelay $0x1  }
0xa1: {  	s23 =	simm.s32 $0x1B8B  }
0xa2: {  	_ =	swait.ge [sflag:s23], $0x1  }
0xa3: {  	[sflag:s23] =	ssyncset.done $0x0  }
0xa4: {  	s25 =	simm.s32 $0x1B8E;
	s24 =	sld [smem:$0x3FFE];
	[sflag:s23] =	ssyncadd.s32 $0xFFFFFFFF  }
0xa5: {  	s26 =	simm.s32 $execute0_lowered;
	[smem:$0x3FD2] =	sst s25  }
0xa6: {  	s5 =	sshll.u32 s26, $0x1;
	_ =	strace $0x80000052;
	[dreg:$0x1] =	wrdreg $0xFFFFFFFF  }
0xa7: {  	s28 =	simm.s32 $_size_execute0_lowered;
	s3 =	sadd.s32 s3, s5;
	[dreg:$0x0] =	wrdreg $0x0  }
0xa8: {  	s5 =	sshll.u32 s28, $0x1;
	[dreg:$0x2] =	wrdreg s3  }
0xa9: {  	[dreg:$0x3] =	wrdreg s5  }
0xaa: {  	[dreg:$0x4] =	wrdreg $0xC0  }
0xab: {  	_ =	task [dreg:s7], $0x5FFFF  }
0xac: {  	[dreg:$0x1] =	wrdreg $0xFFFFFFFF  }
0xad: {  	[dreg:$0x0] =	wrdreg $0x60  }
0xae: {  	[dreg:$0x2] =	wrdreg s24  }
0xaf: {  	[dreg:$0x3] =	wrdreg s2  }
0xb0: {  	[dreg:$0x4] =	wrdreg $0xAB000  }
0xb1: {  	[dreg:$0x5] =	wrdreg $0x9  }
0xb2: {  	_ =	task.clear_ibuf [dreg:s7], $0x6FFFF;
	_ =	strace $0x90000052  }
0xb3: {  	s29 =	simm.s32 $0x9;
	_ =	strace $0x80000054  }
0xb4: {  	_ =	swait.ge [sflag:s29], $0x1  }
0xb5: {  	[sflag:s29] =	ssyncadd.s32 $0xFFFFFFFF  }
0xb6: {  	_ =	strace $0x90000054  }
0xb7: {  	_ =	sfence  }
0xb8: {  	s30 =	sld [smem:$0x0];
	_ =	sdelay $0x2  }
0xb9: {  	s31 =	sshll.u32 s1, $0xD;
	s1 =	sshrl.u32 s1, $0x2  }
0xba: {  	s3 =	sand.u32 $0x4000, s31;
	s1 =	sadd.s32 s1, s30  }
0xbb: {  	s0 =	sor.u32 s3, s0;
	s1 =	sshll.u32 s1, $0x11  }
0xbc: {  	s0 =	sor.u32 s1, s0  }
0xbd: {  	s0 =	sadd.s32 $0x8F2B, s0  }
0xbe: {  	[sflag:s0] =	ssyncadd.remote.s32 $0x1  }
0xbf: {  	_ =	sfence.sel $0xFFFF  }
0xc0: {  	[dreg:$0x0] =	wrdreg $0xFFFFFFFF;
	(pc) =	sbr.abs _section_cstart, $3  }
0xc1: {  	[dreg:$0x1] =	wrdreg $0xFFFFFFFF  }
0xc2: {  	_ =	task.clear_ibuf [dreg:s7], $0x2FFFF;
	_ =	strace $0x9FFFFFFF  }
0xc3: {  	(tm) =	ssettm $0x7FFFFFFF  }
tec
execute0_lowered:
.L_overlay_start_1:
0x0: {  	(tag) =	ssettag $0x1  }
0x1: {  	s1 =	rddreg [dreg:$0x0]  }
0x2: {  	s0 =	srdreg.scid;
	s19 =	rddreg [dreg:$0x1]  }
0x3: {  	s28 =	stileid.u32;
	s2 =	rddreg [dreg:$0x2];
	s3 =	simm.s32 $0x0  }
0x4: {  	s7 =	simm.s32 $0x4F;
	s21 =	simm.s32 $0x8300;
	s23 =	simm.s32 $0x3  }
0x5: {  	s24 =	simm.s32 $0x2;
	s31 =	simm.s32 $0x80;
	s25 =	simm.s32 $0x4  }
0x6: {  	s26 =	simm.s32 $0x0;
	s12 =	sand.u32 $0x1, s0;
	s5 =	smul.u32 $0x14000, s28  }
0x7: {  	[smem:$0x7FF] =	sst s3;
	p0 =	slt.u32 s28, $0x2;
	s30 =	smul.u32 $0x50000, s28  }
0x8: {  	s14 =	sshll.u32 s28, $0x9;
	s4 =	smul.u32 $0x140000, s12;
	_ =	strace $0x80000053  }
0x9: {  	s6 =	ssub.s32 $0x2, s12;
	s8 =	sshll.u32 s12, $0x5;
	s7 =	simm.s32 @!p0 $0x4E  }
0xa: {  	s15 =	sshll.u32 s12, $0x8;
	[dreg:$0x4] =	wrdreg s31;
	s29 =	sshrl.u32 s6, $0x1  }
0xb: {  	s9 =	sshrl.u32 s30, $0x2;
	[dreg:$0x5] =	wrdreg s7;
	s16 =	sor.u32 s15, s14  }
0xc: {  	s15 =	simm.s32 $0x4E;
	s4 =	sadd.s32 s5, s4;
	s18 =	ssub.s32 s6, s29  }
0xd: {  	s7 =	sadd.s32 s9, s2;
	s17 =	sor.u32 $0x4000, s16;
	s15 =	simm.s32 @!p0 $0x4D  }
0xe: {  	s5 =	sshrl.u32 s4, $0x3;
	s4 =	sadd.s32 $0x4800, s1;
	s9 =	sadd.s32 $0x2800, s7  }
0xf: {  	s10 =	sadd.s32 $0x5000, s7;
	s11 =	sadd.s32 $0x7800, s7;
	s12 =	sadd.s32 $0xA000, s7  }
0x10: {  	s13 =	sadd.s32 $0xC800, s7;
	s1 =	sadd.s32 s5, s1;
	s5 =	sshll.u32 s28, $0x6  }
0x11: {  	s14 =	sadd.s32 $0xF000, s7;
	s16 =	sadd.s32 $0x11800, s7;
	s8 =	sor.u32 s8, s5  }
0x12: {  	s20 =	sshrl.u32 s17, $0x3;
	s18 =	smax.u32 s18, $0x1;
	s6 =	sadd.s32 s19, s8  }
0x13: {  	v0 =	vimm.f32 $0.0e+00;
	s17 =	sadd.s32 $0x2BA00, s1;
	s19 =	sadd.s32 s20, s19;
	s8 =	sadd.s32 $0x400, s6  }
.LBB2_1:
0x14: {  	s0 =	simm.s32 $0x0  }
0x15: {  	[tilespmem:s0], [sflag:$0x1] =	stream.linear.gather [hbm4b:s6+s0], $0x100, $0x38;
	[tilespmem:$0x1EB00] =	vst v63  }
0x16: {  	s1 =	simm.s32 $0x100  }
0x17: {  	[tilespmem:s1], [sflag:$0x1] =	stream.linear.gather [hbm4b:s8+s0], $0x100, $0x38;
	[tilespmem:$0x1EB00] =	vst v63  }
0x18: {  	s28 =	simm.s32 $0x200;
	s1 =	simm.s32 $0x0  }
.LBB2_2:
0x19: {  	p0 =	sne.s32 s28, $0x9E00;
	[tilespmem:s1+$0x8370] =	vst v0  }
0x1a: {  	[tilespmem:s1+$0x8300] =	vst v0  }
0x1b: {  	[tilespmem:s1+$0x8310] =	vst v0  }
.Ltmp0:
0x1c: {  	[tilespmem:s1+$0x8320] =	vst v0;
	(pc) =	sbr.rel @p0 .LBB2_2-.Ltmp0, $4  }
0x1d: {  	[tilespmem:s1+$0x8330] =	vst v0  }
0x1e: {  	[tilespmem:s1+$0x8340] =	vst v0  }
0x1f: {  	[tilespmem:s1+$0x8350] =	vst v0  }
0x20: {  	[tilespmem:s1+$0x8360] =	vst v0;
	s1 =	sshra.s32 s28, $0x2;
	s28 =	sadd.s32 $0x200, s28  }
0x21: {  	[tilespmem:s1+$0x8370] =	vst v0  }
0x22: {  	[tilespmem:s1+$0x8300] =	vst v0  }
0x23: {  	[tilespmem:s1+$0x8310] =	vst v0  }
0x24: {  	[tilespmem:s1+$0x8320] =	vst v0  }
0x25: {  	[tilespmem:s1+$0x8330] =	vst v0  }
0x26: {  	[tilespmem:s1+$0x8340] =	vst v0  }
0x27: {  	[tilespmem:s1+$0x8350] =	vst v0  }
0x28: {  	[tilespmem:s1+$0x8360] =	vst v0  }
0x29: {  	[spmem:s7] =	stream.linear.scatter [tilespmem:s21], [sflag:$0x3], $0x2800, $0x38;
	[tilespmem:$0x1EB00] =	vst v63  }
0x2a: {  	_ = 	snop  }
0x2b: {  	[spmem:s9] =	stream.linear.scatter [tilespmem:s21], [sflag:$0x3], $0x2800, $0x38;
	[tilespmem:$0x1EB00] =	vst v63  }
0x2c: {  	_ = 	snop  }
0x2d: {  	[spmem:s10] =	stream.linear.scatter [tilespmem:s21], [sflag:$0x3], $0x2800, $0x38;
	[tilespmem:$0x1EB00] =	vst v63  }
0x2e: {  	_ = 	snop  }
0x2f: {  	[spmem:s11] =	stream.linear.scatter [tilespmem:s21], [sflag:$0x3], $0x2800, $0x38;
	[tilespmem:$0x1EB00] =	vst v63  }
0x30: {  	_ = 	snop  }
0x31: {  	[spmem:s12] =	stream.linear.scatter [tilespmem:s21], [sflag:$0x3], $0x2800, $0x38;
	[tilespmem:$0x1EB00] =	vst v63  }
0x32: {  	_ = 	snop  }
0x33: {  	[spmem:s13] =	stream.linear.scatter [tilespmem:s21], [sflag:$0x3], $0x2800, $0x38;
	[tilespmem:$0x1EB00] =	vst v63  }
0x34: {  	_ = 	snop  }
0x35: {  	[spmem:s14] =	stream.linear.scatter [tilespmem:s21], [sflag:$0x3], $0x2800, $0x38;
	[tilespmem:$0x1EB00] =	vst v63  }
0x36: {  	s30 =	simm.s32 $0x1  }
0x37: {  	[spmem:s16] =	stream.linear.scatter [tilespmem:s21], [sflag:$0x3], $0x2800, $0x38;
	[tilespmem:$0x1EB00] =	vst v63  }
0x38: {  	_ =	swait.ge [sflag:s30], $0x100  }
0x39: {  	s28 =	simm.s32 $0x80;
	[sflag:s30] =	ssyncset.done $0x0  }
0x3a: {  	s29 =	simm.s32 $0x0;
	s0 =	simm.s32 $0x300;
	[sflag:s30] =	ssyncadd.s32 $0xFFFFFF00  }
0x3b: {  	[tilespmem:s0], [sflag:$0x2] =	stream.indirect.gather [hbm4b:s4+s28], $0x80, s29, s28, $0xb8;
	[tilespmem:$0x1EB00] =	vst v63  }
0x3c: {  	_ =	swait.ge [sflag:s23], $0x2800  }
0x3d: {  	[sflag:s23] =	ssyncset.done $0x0  }
0x3e: {  	[sflag:s23] =	ssyncadd.s32 $0xFFFFD800  }
0x3f: {  	_ =	swait.ge [sflag:s23], $0x2800  }
0x40: {  	[sflag:s23] =	ssyncset.done $0x0  }
0x41: {  	[sflag:s23] =	ssyncadd.s32 $0xFFFFD800  }
0x42: {  	_ =	swait.ge [sflag:s23], $0x2800  }
0x43: {  	[sflag:s23] =	ssyncset.done $0x0  }
0x44: {  	[sflag:s23] =	ssyncadd.s32 $0xFFFFD800  }
0x45: {  	_ =	swait.ge [sflag:s23], $0x2800  }
0x46: {  	[sflag:s23] =	ssyncset.done $0x0  }
0x47: {  	[sflag:s23] =	ssyncadd.s32 $0xFFFFD800  }
0x48: {  	_ =	swait.ge [sflag:s23], $0x2800  }
0x49: {  	[sflag:s23] =	ssyncset.done $0x0  }
0x4a: {  	[sflag:s23] =	ssyncadd.s32 $0xFFFFD800  }
0x4b: {  	_ =	swait.ge [sflag:s23], $0x2800  }
0x4c: {  	[sflag:s23] =	ssyncset.done $0x0  }
0x4d: {  	[sflag:s23] =	ssyncadd.s32 $0xFFFFD800  }
0x4e: {  	_ =	swait.ge [sflag:s23], $0x2800  }
0x4f: {  	[sflag:s23] =	ssyncset.done $0x0  }
0x50: {  	[sflag:s23] =	ssyncadd.s32 $0xFFFFD800  }
0x51: {  	_ =	swait.ge [sflag:s23], $0x2800  }
0x52: {  	[sflag:s23] =	ssyncset.done $0x0  }
0x53: {  	[sflag:s23] =	ssyncadd.s32 $0xFFFFD800  }
0x54: {  	s31 =	smov.u32 s19;
	s1 =	simm.s32 $0x0;
	[bflag:$0x0] =	sbarrier.arrive $0xFFFF  }
.LBB2_4:
0x55: {  	s0 =	sadd.s32 $0x2, s29  }
0x56: {  	s20 =	sadd.s32 $0x1, s30;
	p0 =	sgt.u32 s0, s15  }
0x57: {  	s0 =	smul.u32 @!p0 $0xAB, s20;
	_ =	sdelay $0x1  }
0x58: {  	s0 =	sshrl.u32 @!p0 s0, $0x9  }
0x59: {  	s0 =	sand.u32 @!p0 $0x7F, s0  }
0x5a: {  	p1 =	seq.s32 s1, $0x0;
	s0 =	smul.u32 @!p0 $0x3, s0  }
0x5b: {  	s22 =	simm.s32 @!p1 $0x3  }
0x5c: {  	_ =	swait.ge @!p1 [sflag:s22], $0x4000;
	s0 =	ssub.s32 @!p0 s20, s0  }
0x5d: {  	[sflag:s22] =	ssyncset.done @!p1 $0x0;
	s0 =	sand.u32 @!p0 $0xFF, s0  }
0x5e: {  	[sflag:s22] =	ssyncadd.s32 @!p1 $0xFFFFC000;
	s22 =	simm.s32 @!p0 $0x0;
	s0 =	sshll.u32 @!p0 s0, $0x8  }
0x5f: {  	[tilespmem:s0], [sflag:$0x1] =	stream.linear.gather @!p0 [hbm4b:s31+s22], $0x100, $0x38;
	[tilespmem:$0x1EB00] =	vst v63  }
0x60: {  	p0 =	sge.u32 s29, s15  }
0x61: {  	s0 =	sand.u32 @!p0 $0xFF, s30  }
0x62: {  	s0 =	smul.u32 @!p0 $0xAB, s0  }
0x63: {  	s3 =	smulhi.u32 $0xAAAAAAAB, s29  }
0x64: {  	s0 =	sshrl.u32 @!p0 s0, $0x9  }
0x65: {  	s22 =	sshrl.u32 s3, $0x1;
	s3 =	simm.s32 @!p0 $0x1;
	s0 =	smul.u32 @!p0 $0x3, s0  }
0x66: {  	_ =	swait.ge @!p0 [sflag:s3], $0x100  }
0x67: {  	[sflag:s3] =	ssyncset.done @!p0 $0x0;
	s0 =	ssub.s32 @!p0 s30, s0;
	s30 =	sxor.u32 @!p0 $0xFFFFFFFF, s1  }
0x68: {  	[sflag:s3] =	ssyncadd.s32 @!p0 $0xFFFFFF00;
	s0 =	sand.u32 @!p0 $0xFF, s0;
	s3 =	sand.u32 @!p0 $0x4000, s30  }
0x69: {  	s30 =	simm.s32 @!p0 $0x80;
	s3 =	sor.u32 @!p0 $0x300, s3;
	s0 =	sshll.u32 @!p0 s0, $0x8  }
0x6a: {  	[tilespmem:s3], [sflag:$0x2] =	stream.indirect.gather @!p0 [hbm4b:s4+s30], $0x80, s0, s30, $0xb8;
	[tilespmem:$0x1EB00] =	vst v63  }
0x6b: {  	_ =	swait.ge [sflag:s24], $0x4000  }
0x6c: {  	s29 =	sadd.s32 $0x1, s29;
	s22 =	smul.u32 $0xFFFFF400, s22;
	s30 =	rddreg [dreg:$0x5]  }
0x6d: {  	p0 =	sne.s32 s29, s30  }
.Ltmp1:
0x6e: {  	s31 =	sadd.s32 $0x400, s31;
	s22 =	sshra.s32 s22, $0x2;
	(pc) =	sbr.rel @p0 .LBB2_4-.Ltmp1, $4  }
0x6f: {  	s0 =	sadd.s32 s22, s28;
	s22 =	sand.u32 $0x4000, s1;
	s1 =	sadd.s32 $0x4000, s1  }
0x70: {  	s28 =	sadd.s32 $0x100, s28;
	s22 =	sor.u32 $0x300, s22;
	[sflag:s24] =	ssyncset.done $0x0  }
0x71: {  	s3 =	rddreg [dreg:$0x4];
	[sflag:s24] =	ssyncadd.s32 $0xFFFFC000;
	s30 =	smov.u32 s20  }
0x72: {  	[spmem:s2] =	stream.indirect.scatter.add.f32 [tilespmem:s22], [sflag:$0x3], $0x80, s0, s3, $0xb8;
	[tilespmem:$0x1EB00] =	vst v63  }
0x73: {  	_ =	swait.ge [sflag:s23], $0x4000  }
0x74: {  	s26 =	sadd.s32 $0x1, s26;
	[sflag:s23] =	ssyncset.done $0x0  }
0x75: {  	s0 =	sor.u32 $0x1C04, s5;
	p0 =	sne.s32 s26, s18;
	[sflag:s23] =	ssyncadd.s32 $0xFFFFC000  }
.Ltmp2:
0x76: {  	s1 =	sshrl.u32 s7, $0x3;
	[bflag:$0x0] =	sbarrier.arrive $0xFFFF;
	(pc) =	sbr.rel @p0 .LBB2_1-.Ltmp2, $4  }
0x77: {  	[hbm:s17], [sflag:s0] =	dma.local [spmem:s1], $0x2800  }
0x78: {  	_ =	swait.ge [sflag:s25], $0x2800  }
0x79: {  	[sflag:s25] =	ssyncset.done $0x0  }
0x7a: {  	[sflag:s25] =	ssyncadd.s32 $0xFFFFD800  }
0x7b: {  	_ =	sfence.sel $0x180000  }
0x7c: {  	[bflag:$0x0] =	sbarrier.arrive $0xFFFF  }
0x7d: {  	_ =	strace $0x90000053  }
0x7e: {  	s0 =	stileid.u32;
	[bflag:$0x2] =	sbarrier.arrive $0xFFFF  }
0x7f: {  	p0 =	sne.s32 s0, $0x0;
	s0 =	rddreg [dreg:$0x3]  }
0x80: {  	s0 =	sadd.s32 @!p0 $0x100000, s0  }
0x81: {  	[sflag:s0] =	ssyncadd.tile.s32 @!p0 $0x1;
	_ =	shalt  }
.Lfunc_end2:
_tile_overlayer_lowered:
.L_overlay_start_2:
0x82: {  	(tag) =	ssettag $0x2  }
0x83: {  	s0 =	rddreg [dreg:$0x0];
	s2 =	stileid.u32  }
0x84: {  	s1 =	rddreg [dreg:$0x1];
	p0 =	sne.s32 s2, $0x0  }
0x85: {  	s3 =	rddreg [dreg:$0x2];
	[bflag:$0x3] =	sbarrier.arrive $0xFFFF;
	s2 =	simm.s32 @!p0 $0x1C04  }
0x86: {  	[timem:s3], [sflag:s2] =	dma.local @!p0 [hbm:s0], s1  }
0x87: {  	s0 =	simm.s32 @!p0 $0x4  }
0x88: {  	_ =	swait.ge @!p0 [sflag:s0], s1  }
0x89: {  	s1 =	ssub.s32 @!p0 $0x0, s1;
	[sflag:s0] =	ssyncset.done @!p0 $0x0  }
0x8a: {  	[sflag:s0] =	ssyncadd.s32 @!p0 s1  }
0x8b: {  	[bflag:$0x3] =	sbarrier.arrive $0xFFFF  }
0x8c: {  	_ =	shalt  }

</sc_bundles>
